<compile_context>
chip_gen: v7x
topology: tpu7x:2x2x1
jax: 0.10.2.dev20260603
libtpu: 0.0.44.dev20260713+nightly
codegen_flags: <defaults>
</compile_context>

<pallas_src>
import functools

import jax
import jax.numpy as jnp
from jax import lax
from jax.experimental import pallas as pl
from jax.experimental.pallas import tpu as pltpu
from jax.experimental.pallas import tpu_sc as plsc

N = 10000
H = 128
E = 320000
NC = 2
NS = 16
NW = NC * NS
CH = 128
GPT = 80
EPT = GPT * CH
EPAD = NW * EPT
NPAD = EPAD - E
NP = 10240
RPT = NP // NS
ZR = 32
SGC = 40
NSTG = GPT // SGC
NCHUNK = EPAD // CH
CA = 80
CB = NCHUNK // NS - CA
HH = H // 2
EPS = 1e-5


def _deg_body(dst_hbm, out_hbm, dst_v, ones_v, zb_v, acc):
    cid = lax.axis_index("c")
    sid = lax.axis_index("s")
    wid = sid * NC + cid
    one16 = jnp.ones((16,), jnp.float32)
    zero16 = jnp.zeros((16,), jnp.float32)
    for i in range(CH // 16):
        ones_v[pl.ds(i * 16, 16)] = one16
    for i in range(640 // 16):
        zb_v[pl.ds(i * 16, 16)] = zero16

    pltpu.sync_copy(zb_v, acc.at[pl.ds(sid * 640, 640)])
    plsc.subcore_barrier()

    pltpu.sync_copy(dst_hbm.at[wid], dst_v)

    def body(g, carry):
        pltpu.sync_copy(ones_v, acc.at[dst_v.at[g]], add=True)
        return carry

    lax.fori_loop(0, GPT, body, 0)
    plsc.subcore_barrier()

    pltpu.sync_copy(acc.at[pl.ds(sid * 640, 640)], zb_v)
    pltpu.sync_copy(zb_v, out_hbm.at[cid, pl.ds(sid * 640, 640)])


def _seg_body(y_hbm, src_hbm, dst_hbm, out_hbm,
              src_v, dst_v, rows_v, acc, sem_a, sem_b):
    cid = lax.axis_index("c")
    sid = lax.axis_index("s")
    zero16 = jnp.zeros((16,), jnp.float32)

    def zfill(r, carry):
        for c in range(H // 16):
            rows_v[0, r, pl.ds(c * 16, 16)] = zero16
        return carry

    lax.fori_loop(0, CH, zfill, 0)

    for k in range(RPT // CH):
        pltpu.async_copy(rows_v.at[0],
                         acc.at[pl.ds(sid * RPT + k * CH, CH)], sem_a)
    for k in range(RPT // CH):
        pltpu.make_async_copy(rows_v.at[0],
                              acc.at[pl.ds(sid * RPT + k * CH, CH)],
                              sem_a).wait()
    plsc.subcore_barrier()

    wid = sid * NC + cid

    def run_chunks(base, nstages):
        def stage_body(st, carry):
            pltpu.sync_copy(src_hbm.at[wid, pl.ds(st * SGC, SGC)], src_v)
            pltpu.sync_copy(dst_hbm.at[wid, pl.ds(st * SGC, SGC)], dst_v)
            pltpu.async_copy(y_hbm.at[src_v.at[0]], rows_v.at[0], sem_a)

            def body(j, c2):
                g0 = 2 * j
                pltpu.async_copy(y_hbm.at[src_v.at[g0 + 1]], rows_v.at[1],
                                 sem_b)
                pltpu.make_async_copy(y_hbm.at[src_v.at[g0]], rows_v.at[0],
                                      sem_a).wait()
                pltpu.sync_copy(rows_v.at[0], acc.at[dst_v.at[g0]], add=True)

                @pl.when(j < SGC // 2 - 1)
                def _():
                    pltpu.async_copy(y_hbm.at[src_v.at[g0 + 2]],
                                     rows_v.at[0], sem_a)

                pltpu.make_async_copy(y_hbm.at[src_v.at[g0 + 1]],
                                      rows_v.at[1], sem_b).wait()
                pltpu.sync_copy(rows_v.at[1], acc.at[dst_v.at[g0 + 1]],
                                add=True)
                return c2

            lax.fori_loop(0, SGC // 2, body, 0)
            return carry

        lax.fori_loop(0, nstages, stage_body, 0)

    run_chunks(0, NSTG)
    plsc.subcore_barrier()

    sems = (sem_a, sem_b)
    for k in range(RPT // CH):
        b = k % 2
        base = sid * RPT + k * CH
        if k >= 2:
            pbase = sid * RPT + (k - 2) * CH
            pltpu.make_async_copy(rows_v.at[b],
                                  out_hbm.at[cid, pl.ds(pbase, CH)],
                                  sems[b]).wait()
        pltpu.sync_copy(acc.at[pl.ds(base, CH)], rows_v.at[b])
        pltpu.async_copy(rows_v.at[b], out_hbm.at[cid, pl.ds(base, CH)],
                         sems[b])
    for k in range(RPT // CH - 2, RPT // CH):
        b = k % 2
        base = sid * RPT + k * CH
        pltpu.make_async_copy(rows_v.at[b],
                              out_hbm.at[cid, pl.ds(base, CH)],
                              sems[b]).wait()


@functools.lru_cache(maxsize=None)
def _sc_kernels():
    mesh = plsc.VectorSubcoreMesh(core_axis_name="c", subcore_axis_name="s",
                                  num_cores=NC, num_subcores=NS)
    deg_kernel = pl.kernel(
        _deg_body,
        out_type=jax.ShapeDtypeStruct((NC, NP), jnp.float32),
        mesh=mesh,
        scratch_types=[
            pltpu.VMEM((GPT, CH), jnp.int32),
            pltpu.VMEM((CH,), jnp.float32),
            pltpu.VMEM((640,), jnp.float32),
            pltpu.VMEM_SHARED((NP,), jnp.float32),
        ],
    )
    seg_kernel = pl.kernel(
        _seg_body,
        out_type=jax.ShapeDtypeStruct((NC, NP, H), jnp.float32),
        mesh=mesh,
        scratch_types=[
            pltpu.VMEM((SGC, CH), jnp.int32),
            pltpu.VMEM((SGC, CH), jnp.int32),
            pltpu.VMEM((2, CH, H), jnp.float32),
            pltpu.VMEM_SHARED((NP, H), jnp.float32),
            pltpu.SemaphoreType.DMA,
            pltpu.SemaphoreType.DMA,
        ],
    )
    return deg_kernel, seg_kernel


def _pre_body(degT_ref, x_ref, w_ref, y_ref, dinv_ref):
    dp = degT_ref[...]
    deg = dp[:, 0:1] + dp[:, 1:2] + 1.0
    dinv = lax.rsqrt(deg)
    dinv_ref[...] = dinv
    y_ref[...] = dinv * jnp.dot(x_ref[...], w_ref[...],
                                preferred_element_type=jnp.float32)


_pre_call = pl.pallas_call(
    _pre_body,
    out_shape=(jax.ShapeDtypeStruct((N, H), jnp.float32),
               jax.ShapeDtypeStruct((N, 1), jnp.float32)),
)


def _mid_body(has_res, has_next, *refs):
    if has_res:
        sp_ref, y_ref, dinv_ref, xprev_ref = refs[:4]
        rest = refs[4:]
    else:
        sp_ref, y_ref, dinv_ref = refs[:3]
        rest = refs[3:]
    if has_next:
        b_ref, g_ref, be_ref, wn_ref, outx_ref, outy_ref = rest
    else:
        b_ref, g_ref, be_ref, outx_ref = rest

    y = y_ref[...]
    s = sp_ref[0, :N, :] + sp_ref[1, :N, :]
    dinv = dinv_ref[...]
    t = dinv * (s + y) + b_ref[...]
    mu = jnp.mean(t, axis=0, keepdims=True)
    d = t - mu
    var = jnp.mean(d * d, axis=0, keepdims=True)
    x = g_ref[...] * d * lax.rsqrt(var + EPS) + be_ref[...]
    x = jnp.maximum(x, 0.0)
    if has_res:
        x = x + xprev_ref[...]
    outx_ref[...] = x
    if has_next:
        outy_ref[...] = dinv * jnp.dot(x, wn_ref[...],
                                       preferred_element_type=jnp.float32)


_mid_first = pl.pallas_call(
    functools.partial(_mid_body, False, True),
    out_shape=(jax.ShapeDtypeStruct((N, H), jnp.float32),
               jax.ShapeDtypeStruct((N, H), jnp.float32)),
)
_mid_res = pl.pallas_call(
    functools.partial(_mid_body, True, True),
    out_shape=(jax.ShapeDtypeStruct((N, H), jnp.float32),
               jax.ShapeDtypeStruct((N, H), jnp.float32)),
)
_mid_last = pl.pallas_call(
    functools.partial(_mid_body, True, False),
    out_shape=jax.ShapeDtypeStruct((N, H), jnp.float32),
)


def kernel(edge_index, emb, W1, b1, g1, be1, W2, b2, g2, be2, W3, b3, g3, be3):
    pad_dst = (jnp.arange(NPAD, dtype=jnp.int32) % (NP - N)) + N
    src_p = jnp.pad(edge_index[0], (0, NPAD)).reshape(NW, GPT, CH)
    dst_p = jnp.concatenate([edge_index[1], pad_dst]).reshape(NW, GPT, CH)
    b1r, g1r, be1r = b1.reshape(1, H), g1.reshape(1, H), be1.reshape(1, H)
    b2r, g2r, be2r = b2.reshape(1, H), g2.reshape(1, H), be2.reshape(1, H)
    b3r, g3r, be3r = b3.reshape(1, H), g3.reshape(1, H), be3.reshape(1, H)

    deg_kernel, seg_kernel = _sc_kernels()
    degp = deg_kernel(dst_p)[:, :N]
    y1, dinv = _pre_call(degp.T, emb, W1)
    s1 = seg_kernel(y1, src_p, dst_p)
    x2, y2 = _mid_first(s1, y1, dinv, b1r, g1r, be1r, W2)
    s2 = seg_kernel(y2, src_p, dst_p)
    x3, y3 = _mid_res(s2, y2, dinv, x2, b2r, g2r, be2r, W3)
    s3 = seg_kernel(y3, src_p, dst_p)
    return _mid_last(s3, y3, dinv, x3, b3r, g3r, be3r)

# --- scband reference (transcript-rebuilt; emitter-appended) ---
"""Pipeline reference for scband-gcn-62122406969972 (READ-ONLY COPY).

The authoritative reference and input builder live on the scoring server;
editing this copy changes nothing except your own understanding.
"""

import jax, jax.numpy as jnp
import numpy as np

N_NODES = 10000
HIDDEN = 128
N_EDGES = 320000


def _glorot(key, shape):
    s = (6.0 / (shape[0] + shape[1])) ** 0.5
    return jax.random.uniform(key, shape, minval=-s, maxval=s, dtype=jnp.float32)


def setup_inputs(seed: int = 0):
    key = jax.random.key(seed)
    ks = jax.random.split(key, 8)
    edge_index = jax.random.randint(ks[0], (2, N_EDGES), 0, N_NODES, dtype=jnp.int32)
    emb = _glorot(ks[1], (N_NODES, HIDDEN))
    inp = {"edge_index": edge_index, "emb": emb}
    for i in range(3):
        inp["W%d" % (i + 1)] = _glorot(ks[2 + i], (HIDDEN, HIDDEN))
        inp["b%d" % (i + 1)] = jnp.zeros((HIDDEN,), jnp.float32)
        inp["g%d" % (i + 1)] = jnp.ones((HIDDEN,), jnp.float32)
        inp["be%d" % (i + 1)] = jnp.zeros((HIDDEN,), jnp.float32)
    return inp


def _forward(edge_index, emb, params):
    # GCN.encode: x = emb.weight; 3x (GCNConv -> BatchNorm1d -> ReLU -> Dropout(eval no-op)) with residual for i>0
    N = emb.shape[0]
    src = edge_index[0]
    dst = edge_index[1]
    # gcn_norm: add self-loops, symmetric normalization D^-1/2 (A+I) D^-1/2
    loop = jnp.arange(N, dtype=src.dtype)
    src_f = jnp.concatenate([src, loop])
    dst_f = jnp.concatenate([dst, loop])
    deg = jax.ops.segment_sum(jnp.ones(src_f.shape[0], jnp.float32), dst_f, num_segments=N)
    dinv = jnp.where(deg > 0, 1.0 / jnp.sqrt(deg), 0.0)
    norm = dinv[src_f] * dinv[dst_f]
    x = emb
    for i, (W, b, g, be) in enumerate(params):
        x_prev = x
        xw = x @ W                       # GCNConv linear first
        msg = xw[src_f] * norm[:, None]  # gather + scale (SparseCore gather)
        x = jax.ops.segment_sum(msg, dst_f, num_segments=N) + b  # scatter-add aggregate
        mu = x.mean(axis=0)
        var = x.var(axis=0)
        x = g * (x - mu) / jnp.sqrt(var + 1e-5) + be  # BatchNorm1d (batch stats)
        x = jax.nn.relu(x)
        # dropout is identity in eval mode
        if i > 0:
            x = x + x_prev
    return x


def reference(edge_index, emb, W1, b1, g1, be1, W2, b2, g2, be2, W3, b3, g3, be3):
    params = [(W1, b1, g1, be1), (W2, b2, g2, be2), (W3, b3, g3, be3)]
    return _forward(edge_index, emb, params)

if __name__ == "__main__":
    import jax
    _d = setup_inputs()
    print(jax.jit(kernel)(*tuple(_d.values())))

</pallas_src>

<mosaic_0001>
#map = affine_map<(d0, d1) -> (0, 0, 0)>
#map1 = affine_map<(d0, d1) -> (0, 0)>
module attributes {stable_mosaic.version = 14 : i64} {
  func.func @_deg_body(%arg0: i32, %arg1: i32, %arg2: memref<32x80x128xi32, #tpu.memory_space<hbm>>, %arg3: memref<2x10240xf32, #tpu.memory_space<hbm>>, %arg4: memref<80x128xi32, #tpu.memory_space<vmem>>, %arg5: memref<128xf32, #tpu.memory_space<vmem>>, %arg6: memref<640xf32, #tpu.memory_space<vmem>>, %arg7: memref<10240xf32, #tpu.memory_space<vmem_shared>>) attributes {dimension_semantics = [#tpu.dimension_semantics<core_parallel>, #tpu.dimension_semantics<subcore_parallel>], iteration_bounds = array<i64: 2, 16>, scalar_prefetch = 0 : i64, scratch_operands = 4 : i64, tpu.core_type = #tpu.core_type<sc_vector_subcore>, window_params = [{transform_indices = #map}, {transform_indices = #map1}]} {
    %mul3A = arith.constant 2 : i32
    %mul3A_0 = arith.muli %arg1, %mul3A : i32
    %add3A = arith.addi %mul3A_0, %arg0 : i32
    %broadcast_in_dim3A = arith.constant 1.000000e+00 : f32
    %broadcast_in_dim3A_1 = vector.broadcast %broadcast_in_dim3A : f32 to vector<16xf32>
    %broadcast_in_dim3A_2 = arith.constant 0.000000e+00 : f32
    %broadcast_in_dim3A_3 = vector.broadcast %broadcast_in_dim3A_2 : f32 to vector<16xf32>
    %swap3A = arith.constant 0 : index
    %swap3A_4 = tpu.vector_load %arg5[%swap3A] {strides = array<i32>} : memref<128xf32, #tpu.memory_space<vmem>>, vector<16xf32>,
    %swap3A_5 = vector.shape_cast %swap3A_4 : vector<16xf32> to vector<16xf32>
    %swap3A_6 = vector.shape_cast %broadcast_in_dim3A_1 : vector<16xf32> to vector<16xf32>
    tpu.vector_store %arg5[%swap3A], %swap3A_6 {strides = array<i32>} : memref<128xf32, #tpu.memory_space<vmem>>, vector<16xf32>,
    %swap3A_7 = arith.constant 16 : index
    %swap3A_8 = tpu.vector_load %arg5[%swap3A_7] {strides = array<i32>} : memref<128xf32, #tpu.memory_space<vmem>>, vector<16xf32>,
    %swap3A_9 = vector.shape_cast %swap3A_8 : vector<16xf32> to vector<16xf32>
    %swap3A_10 = vector.shape_cast %broadcast_in_dim3A_1 : vector<16xf32> to vector<16xf32>
    tpu.vector_store %arg5[%swap3A_7], %swap3A_10 {strides = array<i32>} : memref<128xf32, #tpu.memory_space<vmem>>, vector<16xf32>,
    %swap3A_11 = arith.constant 32 : index
    %swap3A_12 = tpu.vector_load %arg5[%swap3A_11] {strides = array<i32>} : memref<128xf32, #tpu.memory_space<vmem>>, vector<16xf32>,
    %swap3A_13 = vector.shape_cast %swap3A_12 : vector<16xf32> to vector<16xf32>
    %swap3A_14 = vector.shape_cast %broadcast_in_dim3A_1 : vector<16xf32> to vector<16xf32>
    tpu.vector_store %arg5[%swap3A_11], %swap3A_14 {strides = array<i32>} : memref<128xf32, #tpu.memory_space<vmem>>, vector<16xf32>,
    %swap3A_15 = arith.constant 48 : index
    %swap3A_16 = tpu.vector_load %arg5[%swap3A_15] {strides = array<i32>} : memref<128xf32, #tpu.memory_space<vmem>>, vector<16xf32>,
    %swap3A_17 = vector.shape_cast %swap3A_16 : vector<16xf32> to vector<16xf32>
    %swap3A_18 = vector.shape_cast %broadcast_in_dim3A_1 : vector<16xf32> to vector<16xf32>
    tpu.vector_store %arg5[%swap3A_15], %swap3A_18 {strides = array<i32>} : memref<128xf32, #tpu.memory_space<vmem>>, vector<16xf32>,
    %swap3A_19 = arith.constant 64 : index
    %swap3A_20 = tpu.vector_load %arg5[%swap3A_19] {strides = array<i32>} : memref<128xf32, #tpu.memory_space<vmem>>, vector<16xf32>,
    %swap3A_21 = vector.shape_cast %swap3A_20 : vector<16xf32> to vector<16xf32>
    %swap3A_22 = vector.shape_cast %broadcast_in_dim3A_1 : vector<16xf32> to vector<16xf32>
    tpu.vector_store %arg5[%swap3A_19], %swap3A_22 {strides = array<i32>} : memref<128xf32, #tpu.memory_space<vmem>>, vector<16xf32>,
    %swap3A_23 = arith.constant 80 : index
    %swap3A_24 = tpu.vector_load %arg5[%swap3A_23] {strides = array<i32>} : memref<128xf32, #tpu.memory_space<vmem>>, vector<16xf32>,
    %swap3A_25 = vector.shape_cast %swap3A_24 : vector<16xf32> to vector<16xf32>
    %swap3A_26 = vector.shape_cast %broadcast_in_dim3A_1 : vector<16xf32> to vector<16xf32>
    tpu.vector_store %arg5[%swap3A_23], %swap3A_26 {strides = array<i32>} : memref<128xf32, #tpu.memory_space<vmem>>, vector<16xf32>,
    %swap3A_27 = arith.constant 96 : index
    %swap3A_28 = tpu.vector_load %arg5[%swap3A_27] {strides = array<i32>} : memref<128xf32, #tpu.memory_space<vmem>>, vector<16xf32>,
    %swap3A_29 = vector.shape_cast %swap3A_28 : vector<16xf32> to vector<16xf32>
    %swap3A_30 = vector.shape_cast %broadcast_in_dim3A_1 : vector<16xf32> to vector<16xf32>
    tpu.vector_store %arg5[%swap3A_27], %swap3A_30 {strides = array<i32>} : memref<128xf32, #tpu.memory_space<vmem>>, vector<16xf32>,
    %swap3A_31 = arith.constant 112 : index
    %swap3A_32 = tpu.vector_load %arg5[%swap3A_31] {strides = array<i32>} : memref<128xf32, #tpu.memory_space<vmem>>, vector<16xf32>,
    %swap3A_33 = vector.shape_cast %swap3A_32 : vector<16xf32> to vector<16xf32>
    %swap3A_34 = vector.shape_cast %broadcast_in_dim3A_1 : vector<16xf32> to vector<16xf32>
    tpu.vector_store %arg5[%swap3A_31], %swap3A_34 {strides = array<i32>} : memref<128xf32, #tpu.memory_space<vmem>>, vector<16xf32>,
    %swap3A_35 = arith.constant 0 : index
    %swap3A_36 = tpu.vector_load %arg6[%swap3A_35] {strides = array<i32>} : memref<640xf32, #tpu.memory_space<vmem>>, vector<16xf32>,
    %swap3A_37 = vector.shape_cast %swap3A_36 : vector<16xf32> to vector<16xf32>
    %swap3A_38 = vector.shape_cast %broadcast_in_dim3A_3 : vector<16xf32> to vector<16xf32>
    tpu.vector_store %arg6[%swap3A_35], %swap3A_38 {strides = array<i32>} : memref<640xf32, #tpu.memory_space<vmem>>, vector<16xf32>,
    %swap3A_39 = arith.constant 16 : index
    %swap3A_40 = tpu.vector_load %arg6[%swap3A_39] {strides = array<i32>} : memref<640xf32, #tpu.memory_space<vmem>>, vector<16xf32>,
    %swap3A_41 = vector.shape_cast %swap3A_40 : vector<16xf32> to vector<16xf32>
    %swap3A_42 = vector.shape_cast %broadcast_in_dim3A_3 : vector<16xf32> to vector<16xf32>
    tpu.vector_store %arg6[%swap3A_39], %swap3A_42 {strides = array<i32>} : memref<640xf32, #tpu.memory_space<vmem>>, vector<16xf32>,
    %swap3A_43 = arith.constant 32 : index
    %swap3A_44 = tpu.vector_load %arg6[%swap3A_43] {strides = array<i32>} : memref<640xf32, #tpu.memory_space<vmem>>, vector<16xf32>,
    %swap3A_45 = vector.shape_cast %swap3A_44 : vector<16xf32> to vector<16xf32>
    %swap3A_46 = vector.shape_cast %broadcast_in_dim3A_3 : vector<16xf32> to vector<16xf32>
    tpu.vector_store %arg6[%swap3A_43], %swap3A_46 {strides = array<i32>} : memref<640xf32, #tpu.memory_space<vmem>>, vector<16xf32>,
    %swap3A_47 = arith.constant 48 : index
    %swap3A_48 = tpu.vector_load %arg6[%swap3A_47] {strides = array<i32>} : memref<640xf32, #tpu.memory_space<vmem>>, vector<16xf32>,
    %swap3A_49 = vector.shape_cast %swap3A_48 : vector<16xf32> to vector<16xf32>
    %swap3A_50 = vector.shape_cast %broadcast_in_dim3A_3 : vector<16xf32> to vector<16xf32>
    tpu.vector_store %arg6[%swap3A_47], %swap3A_50 {strides = array<i32>} : memref<640xf32, #tpu.memory_space<vmem>>, vector<16xf32>,
    %swap3A_51 = arith.constant 64 : index
    %swap3A_52 = tpu.vector_load %arg6[%swap3A_51] {strides = array<i32>} : memref<640xf32, #tpu.memory_space<vmem>>, vector<16xf32>,
    %swap3A_53 = vector.shape_cast %swap3A_52 : vector<16xf32> to vector<16xf32>
    %swap3A_54 = vector.shape_cast %broadcast_in_dim3A_3 : vector<16xf32> to vector<16xf32>
    tpu.vector_store %arg6[%swap3A_51], %swap3A_54 {strides = array<i32>} : memref<640xf32, #tpu.memory_space<vmem>>, vector<16xf32>,
    %swap3A_55 = arith.constant 80 : index
    %swap3A_56 = tpu.vector_load %arg6[%swap3A_55] {strides = array<i32>} : memref<640xf32, #tpu.memory_space<vmem>>, vector<16xf32>,
    %swap3A_57 = vector.shape_cast %swap3A_56 : vector<16xf32> to vector<16xf32>
    %swap3A_58 = vector.shape_cast %broadcast_in_dim3A_3 : vector<16xf32> to vector<16xf32>
    tpu.vector_store %arg6[%swap3A_55], %swap3A_58 {strides = array<i32>} : memref<640xf32, #tpu.memory_space<vmem>>, vector<16xf32>,
    %swap3A_59 = arith.constant 96 : index
    %swap3A_60 = tpu.vector_load %arg6[%swap3A_59] {strides = array<i32>} : memref<640xf32, #tpu.memory_space<vmem>>, vector<16xf32>,
    %swap3A_61 = vector.shape_cast %swap3A_60 : vector<16xf32> to vector<16xf32>
    %swap3A_62 = vector.shape_cast %broadcast_in_dim3A_3 : vector<16xf32> to vector<16xf32>
    tpu.vector_store %arg6[%swap3A_59], %swap3A_62 {strides = array<i32>} : memref<640xf32, #tpu.memory_space<vmem>>, vector<16xf32>,
    %swap3A_63 = arith.constant 112 : index
    %swap3A_64 = tpu.vector_load %arg6[%swap3A_63] {strides = array<i32>} : memref<640xf32, #tpu.memory_space<vmem>>, vector<16xf32>,
    %swap3A_65 = vector.shape_cast %swap3A_64 : vector<16xf32> to vector<16xf32>
    %swap3A_66 = vector.shape_cast %broadcast_in_dim3A_3 : vector<16xf32> to vector<16xf32>
    tpu.vector_store %arg6[%swap3A_63], %swap3A_66 {strides = array<i32>} : memref<640xf32, #tpu.memory_space<vmem>>, vector<16xf32>,
    %swap3A_67 = arith.constant 128 : index
    %swap3A_68 = tpu.vector_load %arg6[%swap3A_67] {strides = array<i32>} : memref<640xf32, #tpu.memory_space<vmem>>, vector<16xf32>,
    %swap3A_69 = vector.shape_cast %swap3A_68 : vector<16xf32> to vector<16xf32>
    %swap3A_70 = vector.shape_cast %broadcast_in_dim3A_3 : vector<16xf32> to vector<16xf32>
    tpu.vector_store %arg6[%swap3A_67], %swap3A_70 {strides = array<i32>} : memref<640xf32, #tpu.memory_space<vmem>>, vector<16xf32>,
    %swap3A_71 = arith.constant 144 : index
    %swap3A_72 = tpu.vector_load %arg6[%swap3A_71] {strides = array<i32>} : memref<640xf32, #tpu.memory_space<vmem>>, vector<16xf32>,
    %swap3A_73 = vector.shape_cast %swap3A_72 : vector<16xf32> to vector<16xf32>
    %swap3A_74 = vector.shape_cast %broadcast_in_dim3A_3 : vector<16xf32> to vector<16xf32>
    tpu.vector_store %arg6[%swap3A_71], %swap3A_74 {strides = array<i32>} : memref<640xf32, #tpu.memory_space<vmem>>, vector<16xf32>,
    %swap3A_75 = arith.constant 160 : index
    %swap3A_76 = tpu.vector_load %arg6[%swap3A_75] {strides = array<i32>} : memref<640xf32, #tpu.memory_space<vmem>>, vector<16xf32>,
    %swap3A_77 = vector.shape_cast %swap3A_76 : vector<16xf32> to vector<16xf32>
    %swap3A_78 = vector.shape_cast %broadcast_in_dim3A_3 : vector<16xf32> to vector<16xf32>
    tpu.vector_store %arg6[%swap3A_75], %swap3A_78 {strides = array<i32>} : memref<640xf32, #tpu.memory_space<vmem>>, vector<16xf32>,
    %swap3A_79 = arith.constant 176 : index
    %swap3A_80 = tpu.vector_load %arg6[%swap3A_79] {strides = array<i32>} : memref<640xf32, #tpu.memory_space<vmem>>, vector<16xf32>,
    %swap3A_81 = vector.shape_cast %swap3A_80 : vector<16xf32> to vector<16xf32>
    %swap3A_82 = vector.shape_cast %broadcast_in_dim3A_3 : vector<16xf32> to vector<16xf32>
    tpu.vector_store %arg6[%swap3A_79], %swap3A_82 {strides = array<i32>} : memref<640xf32, #tpu.memory_space<vmem>>, vector<16xf32>,
    %swap3A_83 = arith.constant 192 : index
    %swap3A_84 = tpu.vector_load %arg6[%swap3A_83] {strides = array<i32>} : memref<640xf32, #tpu.memory_space<vmem>>, vector<16xf32>,
    %swap3A_85 = vector.shape_cast %swap3A_84 : vector<16xf32> to vector<16xf32>
    %swap3A_86 = vector.shape_cast %broadcast_in_dim3A_3 : vector<16xf32> to vector<16xf32>
    tpu.vector_store %arg6[%swap3A_83], %swap3A_86 {strides = array<i32>} : memref<640xf32, #tpu.memory_space<vmem>>, vector<16xf32>,
    %swap3A_87 = arith.constant 208 : index
    %swap3A_88 = tpu.vector_load %arg6[%swap3A_87] {strides = array<i32>} : memref<640xf32, #tpu.memory_space<vmem>>, vector<16xf32>,
    %swap3A_89 = vector.shape_cast %swap3A_88 : vector<16xf32> to vector<16xf32>
    %swap3A_90 = vector.shape_cast %broadcast_in_dim3A_3 : vector<16xf32> to vector<16xf32>
    tpu.vector_store %arg6[%swap3A_87], %swap3A_90 {strides = array<i32>} : memref<640xf32, #tpu.memory_space<vmem>>, vector<16xf32>,
    %swap3A_91 = arith.constant 224 : index
    %swap3A_92 = tpu.vector_load %arg6[%swap3A_91] {strides = array<i32>} : memref<640xf32, #tpu.memory_space<vmem>>, vector<16xf32>,
    %swap3A_93 = vector.shape_cast %swap3A_92 : vector<16xf32> to vector<16xf32>
    %swap3A_94 = vector.shape_cast %broadcast_in_dim3A_3 : vector<16xf32> to vector<16xf32>
    tpu.vector_store %arg6[%swap3A_91], %swap3A_94 {strides = array<i32>} : memref<640xf32, #tpu.memory_space<vmem>>, vector<16xf32>,
    %swap3A_95 = arith.constant 240 : index
    %swap3A_96 = tpu.vector_load %arg6[%swap3A_95] {strides = array<i32>} : memref<640xf32, #tpu.memory_space<vmem>>, vector<16xf32>,
    %swap3A_97 = vector.shape_cast %swap3A_96 : vector<16xf32> to vector<16xf32>
    %swap3A_98 = vector.shape_cast %broadcast_in_dim3A_3 : vector<16xf32> to vector<16xf32>
    tpu.vector_store %arg6[%swap3A_95], %swap3A_98 {strides = array<i32>} : memref<640xf32, #tpu.memory_space<vmem>>, vector<16xf32>,
    %swap3A_99 = arith.constant 256 : index
    %swap3A_100 = tpu.vector_load %arg6[%swap3A_99] {strides = array<i32>} : memref<640xf32, #tpu.memory_space<vmem>>, vector<16xf32>,
    %swap3A_101 = vector.shape_cast %swap3A_100 : vector<16xf32> to vector<16xf32>
    %swap3A_102 = vector.shape_cast %broadcast_in_dim3A_3 : vector<16xf32> to vector<16xf32>
    tpu.vector_store %arg6[%swap3A_99], %swap3A_102 {strides = array<i32>} : memref<640xf32, #tpu.memory_space<vmem>>, vector<16xf32>,
    %swap3A_103 = arith.constant 272 : index
    %swap3A_104 = tpu.vector_load %arg6[%swap3A_103] {strides = array<i32>} : memref<640xf32, #tpu.memory_space<vmem>>, vector<16xf32>,
    %swap3A_105 = vector.shape_cast %swap3A_104 : vector<16xf32> to vector<16xf32>
    %swap3A_106 = vector.shape_cast %broadcast_in_dim3A_3 : vector<16xf32> to vector<16xf32>
    tpu.vector_store %arg6[%swap3A_103], %swap3A_106 {strides = array<i32>} : memref<640xf32, #tpu.memory_space<vmem>>, vector<16xf32>,
    %swap3A_107 = arith.constant 288 : index
    %swap3A_108 = tpu.vector_load %arg6[%swap3A_107] {strides = array<i32>} : memref<640xf32, #tpu.memory_space<vmem>>, vector<16xf32>,
    %swap3A_109 = vector.shape_cast %swap3A_108 : vector<16xf32> to vector<16xf32>
    %swap3A_110 = vector.shape_cast %broadcast_in_dim3A_3 : vector<16xf32> to vector<16xf32>
    tpu.vector_store %arg6[%swap3A_107], %swap3A_110 {strides = array<i32>} : memref<640xf32, #tpu.memory_space<vmem>>, vector<16xf32>,
    %swap3A_111 = arith.constant 304 : index
    %swap3A_112 = tpu.vector_load %arg6[%swap3A_111] {strides = array<i32>} : memref<640xf32, #tpu.memory_space<vmem>>, vector<16xf32>,
    %swap3A_113 = vector.shape_cast %swap3A_112 : vector<16xf32> to vector<16xf32>
    %swap3A_114 = vector.shape_cast %broadcast_in_dim3A_3 : vector<16xf32> to vector<16xf32>
    tpu.vector_store %arg6[%swap3A_111], %swap3A_114 {strides = array<i32>} : memref<640xf32, #tpu.memory_space<vmem>>, vector<16xf32>,
    %swap3A_115 = arith.constant 320 : index
    %swap3A_116 = tpu.vector_load %arg6[%swap3A_115] {strides = array<i32>} : memref<640xf32, #tpu.memory_space<vmem>>, vector<16xf32>,
    %swap3A_117 = vector.shape_cast %swap3A_116 : vector<16xf32> to vector<16xf32>
    %swap3A_118 = vector.shape_cast %broadcast_in_dim3A_3 : vector<16xf32> to vector<16xf32>
    tpu.vector_store %arg6[%swap3A_115], %swap3A_118 {strides = array<i32>} : memref<640xf32, #tpu.memory_space<vmem>>, vector<16xf32>,
    %swap3A_119 = arith.constant 336 : index
    %swap3A_120 = tpu.vector_load %arg6[%swap3A_119] {strides = array<i32>} : memref<640xf32, #tpu.memory_space<vmem>>, vector<16xf32>,
    %swap3A_121 = vector.shape_cast %swap3A_120 : vector<16xf32> to vector<16xf32>
    %swap3A_122 = vector.shape_cast %broadcast_in_dim3A_3 : vector<16xf32> to vector<16xf32>
    tpu.vector_store %arg6[%swap3A_119], %swap3A_122 {strides = array<i32>} : memref<640xf32, #tpu.memory_space<vmem>>, vector<16xf32>,
    %swap3A_123 = arith.constant 352 : index
    %swap3A_124 = tpu.vector_load %arg6[%swap3A_123] {strides = array<i32>} : memref<640xf32, #tpu.memory_space<vmem>>, vector<16xf32>,
    %swap3A_125 = vector.shape_cast %swap3A_124 : vector<16xf32> to vector<16xf32>
    %swap3A_126 = vector.shape_cast %broadcast_in_dim3A_3 : vector<16xf32> to vector<16xf32>
    tpu.vector_store %arg6[%swap3A_123], %swap3A_126 {strides = array<i32>} : memref<640xf32, #tpu.memory_space<vmem>>, vector<16xf32>,
    %swap3A_127 = arith.constant 368 : index
    %swap3A_128 = tpu.vector_load %arg6[%swap3A_127] {strides = array<i32>} : memref<640xf32, #tpu.memory_space<vmem>>, vector<16xf32>,
    %swap3A_129 = vector.shape_cast %swap3A_128 : vector<16xf32> to vector<16xf32>
    %swap3A_130 = vector.shape_cast %broadcast_in_dim3A_3 : vector<16xf32> to vector<16xf32>
    tpu.vector_store %arg6[%swap3A_127], %swap3A_130 {strides = array<i32>} : memref<640xf32, #tpu.memory_space<vmem>>, vector<16xf32>,
    %swap3A_131 = arith.constant 384 : index
    %swap3A_132 = tpu.vector_load %arg6[%swap3A_131] {strides = array<i32>} : memref<640xf32, #tpu.memory_space<vmem>>, vector<16xf32>,
    %swap3A_133 = vector.shape_cast %swap3A_132 : vector<16xf32> to vector<16xf32>
    %swap3A_134 = vector.shape_cast %broadcast_in_dim3A_3 : vector<16xf32> to vector<16xf32>
    tpu.vector_store %arg6[%swap3A_131], %swap3A_134 {strides = array<i32>} : memref<640xf32, #tpu.memory_space<vmem>>, vector<16xf32>,
    %swap3A_135 = arith.constant 400 : index
    %swap3A_136 = tpu.vector_load %arg6[%swap3A_135] {strides = array<i32>} : memref<640xf32, #tpu.memory_space<vmem>>, vector<16xf32>,
    %swap3A_137 = vector.shape_cast %swap3A_136 : vector<16xf32> to vector<16xf32>
    %swap3A_138 = vector.shape_cast %broadcast_in_dim3A_3 : vector<16xf32> to vector<16xf32>
    tpu.vector_store %arg6[%swap3A_135], %swap3A_138 {strides = array<i32>} : memref<640xf32, #tpu.memory_space<vmem>>, vector<16xf32>,
    %swap3A_139 = arith.constant 416 : index
    %swap3A_140 = tpu.vector_load %arg6[%swap3A_139] {strides = array<i32>} : memref<640xf32, #tpu.memory_space<vmem>>, vector<16xf32>,
    %swap3A_141 = vector.shape_cast %swap3A_140 : vector<16xf32> to vector<16xf32>
    %swap3A_142 = vector.shape_cast %broadcast_in_dim3A_3 : vector<16xf32> to vector<16xf32>
    tpu.vector_store %arg6[%swap3A_139], %swap3A_142 {strides = array<i32>} : memref<640xf32, #tpu.memory_space<vmem>>, vector<16xf32>,
    %swap3A_143 = arith.constant 432 : index
    %swap3A_144 = tpu.vector_load %arg6[%swap3A_143] {strides = array<i32>} : memref<640xf32, #tpu.memory_space<vmem>>, vector<16xf32>,
    %swap3A_145 = vector.shape_cast %swap3A_144 : vector<16xf32> to vector<16xf32>
    %swap3A_146 = vector.shape_cast %broadcast_in_dim3A_3 : vector<16xf32> to vector<16xf32>
    tpu.vector_store %arg6[%swap3A_143], %swap3A_146 {strides = array<i32>} : memref<640xf32, #tpu.memory_space<vmem>>, vector<16xf32>,
    %swap3A_147 = arith.constant 448 : index
    %swap3A_148 = tpu.vector_load %arg6[%swap3A_147] {strides = array<i32>} : memref<640xf32, #tpu.memory_space<vmem>>, vector<16xf32>,
    %swap3A_149 = vector.shape_cast %swap3A_148 : vector<16xf32> to vector<16xf32>
    %swap3A_150 = vector.shape_cast %broadcast_in_dim3A_3 : vector<16xf32> to vector<16xf32>
    tpu.vector_store %arg6[%swap3A_147], %swap3A_150 {strides = array<i32>} : memref<640xf32, #tpu.memory_space<vmem>>, vector<16xf32>,
    %swap3A_151 = arith.constant 464 : index
    %swap3A_152 = tpu.vector_load %arg6[%swap3A_151] {strides = array<i32>} : memref<640xf32, #tpu.memory_space<vmem>>, vector<16xf32>,
    %swap3A_153 = vector.shape_cast %swap3A_152 : vector<16xf32> to vector<16xf32>
    %swap3A_154 = vector.shape_cast %broadcast_in_dim3A_3 : vector<16xf32> to vector<16xf32>
    tpu.vector_store %arg6[%swap3A_151], %swap3A_154 {strides = array<i32>} : memref<640xf32, #tpu.memory_space<vmem>>, vector<16xf32>,
    %swap3A_155 = arith.constant 480 : index
    %swap3A_156 = tpu.vector_load %arg6[%swap3A_155] {strides = array<i32>} : memref<640xf32, #tpu.memory_space<vmem>>, vector<16xf32>,
    %swap3A_157 = vector.shape_cast %swap3A_156 : vector<16xf32> to vector<16xf32>
    %swap3A_158 = vector.shape_cast %broadcast_in_dim3A_3 : vector<16xf32> to vector<16xf32>
    tpu.vector_store %arg6[%swap3A_155], %swap3A_158 {strides = array<i32>} : memref<640xf32, #tpu.memory_space<vmem>>, vector<16xf32>,
    %swap3A_159 = arith.constant 496 : index
    %swap3A_160 = tpu.vector_load %arg6[%swap3A_159] {strides = array<i32>} : memref<640xf32, #tpu.memory_space<vmem>>, vector<16xf32>,
    %swap3A_161 = vector.shape_cast %swap3A_160 : vector<16xf32> to vector<16xf32>
    %swap3A_162 = vector.shape_cast %broadcast_in_dim3A_3 : vector<16xf32> to vector<16xf32>
    tpu.vector_store %arg6[%swap3A_159], %swap3A_162 {strides = array<i32>} : memref<640xf32, #tpu.memory_space<vmem>>, vector<16xf32>,
    %swap3A_163 = arith.constant 512 : index
    %swap3A_164 = tpu.vector_load %arg6[%swap3A_163] {strides = array<i32>} : memref<640xf32, #tpu.memory_space<vmem>>, vector<16xf32>,
    %swap3A_165 = vector.shape_cast %swap3A_164 : vector<16xf32> to vector<16xf32>
    %swap3A_166 = vector.shape_cast %broadcast_in_dim3A_3 : vector<16xf32> to vector<16xf32>
    tpu.vector_store %arg6[%swap3A_163], %swap3A_166 {strides = array<i32>} : memref<640xf32, #tpu.memory_space<vmem>>, vector<16xf32>,
    %swap3A_167 = arith.constant 528 : index
    %swap3A_168 = tpu.vector_load %arg6[%swap3A_167] {strides = array<i32>} : memref<640xf32, #tpu.memory_space<vmem>>, vector<16xf32>,
    %swap3A_169 = vector.shape_cast %swap3A_168 : vector<16xf32> to vector<16xf32>
    %swap3A_170 = vector.shape_cast %broadcast_in_dim3A_3 : vector<16xf32> to vector<16xf32>
    tpu.vector_store %arg6[%swap3A_167], %swap3A_170 {strides = array<i32>} : memref<640xf32, #tpu.memory_space<vmem>>, vector<16xf32>,
    %swap3A_171 = arith.constant 544 : index
    %swap3A_172 = tpu.vector_load %arg6[%swap3A_171] {strides = array<i32>} : memref<640xf32, #tpu.memory_space<vmem>>, vector<16xf32>,
    %swap3A_173 = vector.shape_cast %swap3A_172 : vector<16xf32> to vector<16xf32>
    %swap3A_174 = vector.shape_cast %broadcast_in_dim3A_3 : vector<16xf32> to vector<16xf32>
    tpu.vector_store %arg6[%swap3A_171], %swap3A_174 {strides = array<i32>} : memref<640xf32, #tpu.memory_space<vmem>>, vector<16xf32>,
    %swap3A_175 = arith.constant 560 : index
    %swap3A_176 = tpu.vector_load %arg6[%swap3A_175] {strides = array<i32>} : memref<640xf32, #tpu.memory_space<vmem>>, vector<16xf32>,
    %swap3A_177 = vector.shape_cast %swap3A_176 : vector<16xf32> to vector<16xf32>
    %swap3A_178 = vector.shape_cast %broadcast_in_dim3A_3 : vector<16xf32> to vector<16xf32>
    tpu.vector_store %arg6[%swap3A_175], %swap3A_178 {strides = array<i32>} : memref<640xf32, #tpu.memory_space<vmem>>, vector<16xf32>,
    %swap3A_179 = arith.constant 576 : index
    %swap3A_180 = tpu.vector_load %arg6[%swap3A_179] {strides = array<i32>} : memref<640xf32, #tpu.memory_space<vmem>>, vector<16xf32>,
    %swap3A_181 = vector.shape_cast %swap3A_180 : vector<16xf32> to vector<16xf32>
    %swap3A_182 = vector.shape_cast %broadcast_in_dim3A_3 : vector<16xf32> to vector<16xf32>
    tpu.vector_store %arg6[%swap3A_179], %swap3A_182 {strides = array<i32>} : memref<640xf32, #tpu.memory_space<vmem>>, vector<16xf32>,
    %swap3A_183 = arith.constant 592 : index
    %swap3A_184 = tpu.vector_load %arg6[%swap3A_183] {strides = array<i32>} : memref<640xf32, #tpu.memory_space<vmem>>, vector<16xf32>,
    %swap3A_185 = vector.shape_cast %swap3A_184 : vector<16xf32> to vector<16xf32>
    %swap3A_186 = vector.shape_cast %broadcast_in_dim3A_3 : vector<16xf32> to vector<16xf32>
    tpu.vector_store %arg6[%swap3A_183], %swap3A_186 {strides = array<i32>} : memref<640xf32, #tpu.memory_space<vmem>>, vector<16xf32>,
    %swap3A_187 = arith.constant 608 : index
    %swap3A_188 = tpu.vector_load %arg6[%swap3A_187] {strides = array<i32>} : memref<640xf32, #tpu.memory_space<vmem>>, vector<16xf32>,
    %swap3A_189 = vector.shape_cast %swap3A_188 : vector<16xf32> to vector<16xf32>
    %swap3A_190 = vector.shape_cast %broadcast_in_dim3A_3 : vector<16xf32> to vector<16xf32>
    tpu.vector_store %arg6[%swap3A_187], %swap3A_190 {strides = array<i32>} : memref<640xf32, #tpu.memory_space<vmem>>, vector<16xf32>,
    %swap3A_191 = arith.constant 624 : index
    %swap3A_192 = tpu.vector_load %arg6[%swap3A_191] {strides = array<i32>} : memref<640xf32, #tpu.memory_space<vmem>>, vector<16xf32>,
    %swap3A_193 = vector.shape_cast %swap3A_192 : vector<16xf32> to vector<16xf32>
    %swap3A_194 = vector.shape_cast %broadcast_in_dim3A_3 : vector<16xf32> to vector<16xf32>
    tpu.vector_store %arg6[%swap3A_191], %swap3A_194 {strides = array<i32>} : memref<640xf32, #tpu.memory_space<vmem>>, vector<16xf32>,
    %mul3A_195 = arith.constant 640 : i32
    %mul3A_196 = arith.muli %arg1, %mul3A_195 : i32
    "tpu.region"() ({
      %run_scoped3A = tpu.sem_alloc : memref<!tpu.dma_semaphore, #tpu.memory_space<semaphore_mem>>
      %dma_start3A = tpu.memref_slice %arg7[%mul3A_196] : memref<10240xf32, #tpu.memory_space<vmem_shared>> -> memref<640xf32, #tpu.memory_space<vmem_shared>>
      %dma_start3A_207 = tpu.memref_slice %arg7[%mul3A_196] : memref<10240xf32, #tpu.memory_space<vmem_shared>> -> memref<640xf32, #tpu.memory_space<vmem_shared>>
      tpu.enqueue_dma source(%arg6 : memref<640xf32, #tpu.memory_space<vmem>>) target(%dma_start3A_207 : memref<640xf32, #tpu.memory_space<vmem_shared>>) target_semaphore(%run_scoped3A : memref<!tpu.dma_semaphore, #tpu.memory_space<semaphore_mem>>)
      %dma_wait3A = tpu.memref_slice %arg7[%mul3A_196] : memref<10240xf32, #tpu.memory_space<vmem_shared>> -> memref<640xf32, #tpu.memory_space<vmem_shared>>
      %dma_wait3A_208 = tpu.memref_slice %arg7[%mul3A_196] : memref<10240xf32, #tpu.memory_space<vmem_shared>> -> memref<640xf32, #tpu.memory_space<vmem_shared>>
      tpu.wait_dma2 semaphore(%run_scoped3A : memref<!tpu.dma_semaphore, #tpu.memory_space<semaphore_mem>>) src(%arg6 : memref<640xf32, #tpu.memory_space<vmem>>) dst(%dma_wait3A_208 : memref<640xf32, #tpu.memory_space<vmem_shared>>)
      tpu.yield
    }) : () -> ()
    %barrier3A = arith.constant 0 : index
    tpu.barrier barrier_id(%barrier3A)
    "tpu.region"() ({
      %run_scoped3A = tpu.sem_alloc : memref<!tpu.dma_semaphore, #tpu.memory_space<semaphore_mem>>
      %dma_start3A = arith.constant 0 : i32
      %dma_start3A_207 = arith.constant 0 : i32
      %dma_start3A_208 = tpu.memref_slice %arg2[%add3A, %dma_start3A, %dma_start3A_207] : memref<32x80x128xi32, #tpu.memory_space<hbm>> -> memref<1x80x128xi32, #tpu.memory_space<hbm>>
      %dma_start3A_209 = tpu.memref_squeeze %dma_start3A_208 : memref<1x80x128xi32, #tpu.memory_space<hbm>> -> memref<80x128xi32, #tpu.memory_space<hbm>>
      %dma_start3A_210 = arith.constant 0 : i32
      %dma_start3A_211 = arith.constant 0 : i32
      %dma_start3A_212 = tpu.memref_slice %arg2[%add3A, %dma_start3A_210, %dma_start3A_211] : memref<32x80x128xi32, #tpu.memory_space<hbm>> -> memref<1x80x128xi32, #tpu.memory_space<hbm>>
      %dma_start3A_213 = tpu.memref_squeeze %dma_start3A_212 : memref<1x80x128xi32, #tpu.memory_space<hbm>> -> memref<80x128xi32, #tpu.memory_space<hbm>>
      tpu.enqueue_dma source(%dma_start3A_213 : memref<80x128xi32, #tpu.memory_space<hbm>>) target(%arg4 : memref<80x128xi32, #tpu.memory_space<vmem>>) target_semaphore(%run_scoped3A : memref<!tpu.dma_semaphore, #tpu.memory_space<semaphore_mem>>)
      %dma_wait3A = arith.constant 0 : i32
      %dma_wait3A_214 = arith.constant 0 : i32
      %dma_wait3A_215 = tpu.memref_slice %arg2[%add3A, %dma_wait3A, %dma_wait3A_214] : memref<32x80x128xi32, #tpu.memory_space<hbm>> -> memref<1x80x128xi32, #tpu.memory_space<hbm>>
      %dma_wait3A_216 = tpu.memref_squeeze %dma_wait3A_215 : memref<1x80x128xi32, #tpu.memory_space<hbm>> -> memref<80x128xi32, #tpu.memory_space<hbm>>
      %dma_wait3A_217 = arith.constant 0 : i32
      %dma_wait3A_218 = arith.constant 0 : i32
      %dma_wait3A_219 = tpu.memref_slice %arg2[%add3A, %dma_wait3A_217, %dma_wait3A_218] : memref<32x80x128xi32, #tpu.memory_space<hbm>> -> memref<1x80x128xi32, #tpu.memory_space<hbm>>
      %dma_wait3A_220 = tpu.memref_squeeze %dma_wait3A_219 : memref<1x80x128xi32, #tpu.memory_space<hbm>> -> memref<80x128xi32, #tpu.memory_space<hbm>>
      tpu.wait_dma2 semaphore(%run_scoped3A : memref<!tpu.dma_semaphore, #tpu.memory_space<semaphore_mem>>) src(%dma_wait3A_220 : memref<80x128xi32, #tpu.memory_space<hbm>>) dst(%arg4 : memref<80x128xi32, #tpu.memory_space<vmem>>)
      tpu.yield
    }) : () -> ()
    %scan3A = arith.constant 0 : i32
    %scan3A_197 = arith.constant 0 : i32
    %scan3A_198 = arith.constant 80 : i32
    %scan3A_199 = arith.addi %scan3A_197, %scan3A_198 : i32
    %scan3A_200 = arith.constant 1 : i32
    scf.for %scan3A_207 = %scan3A_197 to %scan3A_199 step %scan3A_200  : i32 {
      "tpu.region"() ({
        %run_scoped3A = tpu.sem_alloc : memref<!tpu.dma_semaphore, #tpu.memory_space<semaphore_mem>>
        %dma_start3A = arith.constant 0 : i32
        %dma_start3A_208 = tpu.memref_slice %arg4[%scan3A_207, %dma_start3A] : memref<80x128xi32, #tpu.memory_space<vmem>> -> memref<1x128xi32, #tpu.memory_space<vmem>>
        %dma_start3A_209 = tpu.memref_squeeze %dma_start3A_208 : memref<1x128xi32, #tpu.memory_space<vmem>> -> memref<128xi32, #tpu.memory_space<vmem>>
        %dma_start3A_210 = arith.constant 0 : i32
        %dma_start3A_211 = tpu.memref_slice %arg7[%dma_start3A_210] : memref<10240xf32, #tpu.memory_space<vmem_shared>> -> memref<10240xf32, #tpu.memory_space<vmem_shared>>
        tpu.enqueue_indirect_dma source(%arg5 : memref<128xf32, #tpu.memory_space<vmem>>) target(%dma_start3A_211 : memref<10240xf32, #tpu.memory_space<vmem_shared>>) offsets(%dma_start3A_209 : memref<128xi32, #tpu.memory_space<vmem>>) semaphore(%run_scoped3A : memref<!tpu.dma_semaphore, #tpu.memory_space<semaphore_mem>>) {add = true}
        %dma_wait3A = arith.constant 0 : i32
        %dma_wait3A_212 = tpu.memref_slice %arg4[%scan3A_207, %dma_wait3A] : memref<80x128xi32, #tpu.memory_space<vmem>> -> memref<1x128xi32, #tpu.memory_space<vmem>>
        %dma_wait3A_213 = tpu.memref_squeeze %dma_wait3A_212 : memref<1x128xi32, #tpu.memory_space<vmem>> -> memref<128xi32, #tpu.memory_space<vmem>>
        %dma_wait3A_214 = arith.constant 0 : i32
        %dma_wait3A_215 = tpu.memref_slice %arg7[%dma_wait3A_214] : memref<10240xf32, #tpu.memory_space<vmem_shared>> -> memref<10240xf32, #tpu.memory_space<vmem_shared>>
        tpu.wait_indirect_dma semaphore(%run_scoped3A : memref<!tpu.dma_semaphore, #tpu.memory_space<semaphore_mem>>) src(%arg5 : memref<128xf32, #tpu.memory_space<vmem>>) dst(%dma_wait3A_215 : memref<10240xf32, #tpu.memory_space<vmem_shared>>)
        tpu.yield
      }) : () -> ()
    }
    %scan3A_201 = arith.constant 80 : i32
    %barrier3A_202 = arith.constant 0 : index
    tpu.barrier barrier_id(%barrier3A_202)
    %mul3A_203 = arith.constant 640 : i32
    %mul3A_204 = arith.muli %arg1, %mul3A_203 : i32
    "tpu.region"() ({
      %run_scoped3A = tpu.sem_alloc : memref<!tpu.dma_semaphore, #tpu.memory_space<semaphore_mem>>
      %dma_start3A = tpu.memref_slice %arg7[%mul3A_204] : memref<10240xf32, #tpu.memory_space<vmem_shared>> -> memref<640xf32, #tpu.memory_space<vmem_shared>>
      %dma_start3A_207 = tpu.memref_slice %arg7[%mul3A_204] : memref<10240xf32, #tpu.memory_space<vmem_shared>> -> memref<640xf32, #tpu.memory_space<vmem_shared>>
      tpu.enqueue_dma source(%dma_start3A_207 : memref<640xf32, #tpu.memory_space<vmem_shared>>) target(%arg6 : memref<640xf32, #tpu.memory_space<vmem>>) target_semaphore(%run_scoped3A : memref<!tpu.dma_semaphore, #tpu.memory_space<semaphore_mem>>)
      %dma_wait3A = tpu.memref_slice %arg7[%mul3A_204] : memref<10240xf32, #tpu.memory_space<vmem_shared>> -> memref<640xf32, #tpu.memory_space<vmem_shared>>
      %dma_wait3A_208 = tpu.memref_slice %arg7[%mul3A_204] : memref<10240xf32, #tpu.memory_space<vmem_shared>> -> memref<640xf32, #tpu.memory_space<vmem_shared>>
      tpu.wait_dma2 semaphore(%run_scoped3A : memref<!tpu.dma_semaphore, #tpu.memory_space<semaphore_mem>>) src(%dma_wait3A_208 : memref<640xf32, #tpu.memory_space<vmem_shared>>) dst(%arg6 : memref<640xf32, #tpu.memory_space<vmem>>)
      tpu.yield
    }) : () -> ()
    %mul3A_205 = arith.constant 640 : i32
    %mul3A_206 = arith.muli %arg1, %mul3A_205 : i32
    "tpu.region"() ({
      %run_scoped3A = tpu.sem_alloc : memref<!tpu.dma_semaphore, #tpu.memory_space<semaphore_mem>>
      %dma_start3A = tpu.memref_slice %arg3[%arg0, %mul3A_206] : memref<2x10240xf32, #tpu.memory_space<hbm>> -> memref<1x640xf32, #tpu.memory_space<hbm>>
      %dma_start3A_207 = tpu.memref_squeeze %dma_start3A : memref<1x640xf32, #tpu.memory_space<hbm>> -> memref<640xf32, #tpu.memory_space<hbm>>
      %dma_start3A_208 = tpu.memref_slice %arg3[%arg0, %mul3A_206] : memref<2x10240xf32, #tpu.memory_space<hbm>> -> memref<1x640xf32, #tpu.memory_space<hbm>>
      %dma_start3A_209 = tpu.memref_squeeze %dma_start3A_208 : memref<1x640xf32, #tpu.memory_space<hbm>> -> memref<640xf32, #tpu.memory_space<hbm>>
      tpu.enqueue_dma source(%arg6 : memref<640xf32, #tpu.memory_space<vmem>>) target(%dma_start3A_209 : memref<640xf32, #tpu.memory_space<hbm>>) target_semaphore(%run_scoped3A : memref<!tpu.dma_semaphore, #tpu.memory_space<semaphore_mem>>)
      %dma_wait3A = tpu.memref_slice %arg3[%arg0, %mul3A_206] : memref<2x10240xf32, #tpu.memory_space<hbm>> -> memref<1x640xf32, #tpu.memory_space<hbm>>
      %dma_wait3A_210 = tpu.memref_squeeze %dma_wait3A : memref<1x640xf32, #tpu.memory_space<hbm>> -> memref<640xf32, #tpu.memory_space<hbm>>
      %dma_wait3A_211 = tpu.memref_slice %arg3[%arg0, %mul3A_206] : memref<2x10240xf32, #tpu.memory_space<hbm>> -> memref<1x640xf32, #tpu.memory_space<hbm>>
      %dma_wait3A_212 = tpu.memref_squeeze %dma_wait3A_211 : memref<1x640xf32, #tpu.memory_space<hbm>> -> memref<640xf32, #tpu.memory_space<hbm>>
      tpu.wait_dma2 semaphore(%run_scoped3A : memref<!tpu.dma_semaphore, #tpu.memory_space<semaphore_mem>>) src(%arg6 : memref<640xf32, #tpu.memory_space<vmem>>) dst(%dma_wait3A_212 : memref<640xf32, #tpu.memory_space<hbm>>)
      tpu.yield
    }) : () -> ()
    return
  }
}

#map = affine_map<(d0, d1) -> (0, 0)>
#map1 = affine_map<(d0, d1) -> (0, 0, 0)>
module attributes {stable_mosaic.version = 14 : i64} {
  func.func @_seg_body(%arg0: i32, %arg1: i32, %arg2: memref<10000x128xf32, #tpu.memory_space<hbm>>, %arg3: memref<32x80x128xi32, #tpu.memory_space<hbm>>, %arg4: memref<32x80x128xi32, #tpu.memory_space<hbm>>, %arg5: memref<2x10240x128xf32, #tpu.memory_space<hbm>>, %arg6: memref<40x128xi32, #tpu.memory_space<vmem>>, %arg7: memref<40x128xi32, #tpu.memory_space<vmem>>, %arg8: memref<2x128x128xf32, #tpu.memory_space<vmem>>, %arg9: memref<10240x128xf32, #tpu.memory_space<vmem_shared>>, %arg10: memref<!tpu.dma_semaphore, #tpu.memory_space<semaphore_mem>>, %arg11: memref<!tpu.dma_semaphore, #tpu.memory_space<semaphore_mem>>) attributes {dimension_semantics = [#tpu.dimension_semantics<core_parallel>, #tpu.dimension_semantics<subcore_parallel>], iteration_bounds = array<i64: 2, 16>, scalar_prefetch = 0 : i64, scratch_operands = 6 : i64, tpu.core_type = #tpu.core_type<sc_vector_subcore>, window_params = [{transform_indices = #map}, {transform_indices = #map1}, {transform_indices = #map1}, {transform_indices = #map1}]} {
    %broadcast_in_dim3A = arith.constant 0.000000e+00 : f32
    %broadcast_in_dim3A_0 = vector.broadcast %broadcast_in_dim3A : f32 to vector<16xf32>
    %scan3A = arith.constant 0 : i32
    %scan3A_1 = arith.constant 0 : i32
    %scan3A_2 = arith.constant 128 : i32
    %scan3A_3 = arith.addi %scan3A_1, %scan3A_2 : i32
    %scan3A_4 = arith.constant 1 : i32
    scf.for %scan3A_376 = %scan3A_1 to %scan3A_3 step %scan3A_4  : i32 {
      %swap3A = arith.constant 0 : i32
      %swap3A_377 = arith.index_cast %swap3A : i32 to index
      %swap3A_378 = arith.index_cast %scan3A_376 : i32 to index
      %swap3A_379 = arith.constant 0 : index
      %swap3A_380 = tpu.vector_load %arg8[%swap3A_377, %swap3A_378, %swap3A_379] {strides = array<i32>} : memref<2x128x128xf32, #tpu.memory_space<vmem>>, vector<1x1x16xf32>,
      %swap3A_381 = vector.shape_cast %swap3A_380 : vector<1x1x16xf32> to vector<16xf32>
      %swap3A_382 = vector.shape_cast %broadcast_in_dim3A_0 : vector<16xf32> to vector<1x1x16xf32>
      tpu.vector_store %arg8[%swap3A_377, %swap3A_378, %swap3A_379], %swap3A_382 {strides = array<i32>} : memref<2x128x128xf32, #tpu.memory_space<vmem>>, vector<1x1x16xf32>,
      %swap3A_383 = arith.constant 0 : i32
      %swap3A_384 = arith.index_cast %swap3A_383 : i32 to index
      %swap3A_385 = arith.index_cast %scan3A_376 : i32 to index
      %swap3A_386 = arith.constant 16 : index
      %swap3A_387 = tpu.vector_load %arg8[%swap3A_384, %swap3A_385, %swap3A_386] {strides = array<i32>} : memref<2x128x128xf32, #tpu.memory_space<vmem>>, vector<1x1x16xf32>,
      %swap3A_388 = vector.shape_cast %swap3A_387 : vector<1x1x16xf32> to vector<16xf32>
      %swap3A_389 = vector.shape_cast %broadcast_in_dim3A_0 : vector<16xf32> to vector<1x1x16xf32>
      tpu.vector_store %arg8[%swap3A_384, %swap3A_385, %swap3A_386], %swap3A_389 {strides = array<i32>} : memref<2x128x128xf32, #tpu.memory_space<vmem>>, vector<1x1x16xf32>,
      %swap3A_390 = arith.constant 0 : i32
      %swap3A_391 = arith.index_cast %swap3A_390 : i32 to index
      %swap3A_392 = arith.index_cast %scan3A_376 : i32 to index
      %swap3A_393 = arith.constant 32 : index
      %swap3A_394 = tpu.vector_load %arg8[%swap3A_391, %swap3A_392, %swap3A_393] {strides = array<i32>} : memref<2x128x128xf32, #tpu.memory_space<vmem>>, vector<1x1x16xf32>,
      %swap3A_395 = vector.shape_cast %swap3A_394 : vector<1x1x16xf32> to vector<16xf32>
      %swap3A_396 = vector.shape_cast %broadcast_in_dim3A_0 : vector<16xf32> to vector<1x1x16xf32>
      tpu.vector_store %arg8[%swap3A_391, %swap3A_392, %swap3A_393], %swap3A_396 {strides = array<i32>} : memref<2x128x128xf32, #tpu.memory_space<vmem>>, vector<1x1x16xf32>,
      %swap3A_397 = arith.constant 0 : i32
      %swap3A_398 = arith.index_cast %swap3A_397 : i32 to index
      %swap3A_399 = arith.index_cast %scan3A_376 : i32 to index
      %swap3A_400 = arith.constant 48 : index
      %swap3A_401 = tpu.vector_load %arg8[%swap3A_398, %swap3A_399, %swap3A_400] {strides = array<i32>} : memref<2x128x128xf32, #tpu.memory_space<vmem>>, vector<1x1x16xf32>,
      %swap3A_402 = vector.shape_cast %swap3A_401 : vector<1x1x16xf32> to vector<16xf32>
      %swap3A_403 = vector.shape_cast %broadcast_in_dim3A_0 : vector<16xf32> to vector<1x1x16xf32>
      tpu.vector_store %arg8[%swap3A_398, %swap3A_399, %swap3A_400], %swap3A_403 {strides = array<i32>} : memref<2x128x128xf32, #tpu.memory_space<vmem>>, vector<1x1x16xf32>,
      %swap3A_404 = arith.constant 0 : i32
      %swap3A_405 = arith.index_cast %swap3A_404 : i32 to index
      %swap3A_406 = arith.index_cast %scan3A_376 : i32 to index
      %swap3A_407 = arith.constant 64 : index
      %swap3A_408 = tpu.vector_load %arg8[%swap3A_405, %swap3A_406, %swap3A_407] {strides = array<i32>} : memref<2x128x128xf32, #tpu.memory_space<vmem>>, vector<1x1x16xf32>,
      %swap3A_409 = vector.shape_cast %swap3A_408 : vector<1x1x16xf32> to vector<16xf32>
      %swap3A_410 = vector.shape_cast %broadcast_in_dim3A_0 : vector<16xf32> to vector<1x1x16xf32>
      tpu.vector_store %arg8[%swap3A_405, %swap3A_406, %swap3A_407], %swap3A_410 {strides = array<i32>} : memref<2x128x128xf32, #tpu.memory_space<vmem>>, vector<1x1x16xf32>,
      %swap3A_411 = arith.constant 0 : i32
      %swap3A_412 = arith.index_cast %swap3A_411 : i32 to index
      %swap3A_413 = arith.index_cast %scan3A_376 : i32 to index
      %swap3A_414 = arith.constant 80 : index
      %swap3A_415 = tpu.vector_load %arg8[%swap3A_412, %swap3A_413, %swap3A_414] {strides = array<i32>} : memref<2x128x128xf32, #tpu.memory_space<vmem>>, vector<1x1x16xf32>,
      %swap3A_416 = vector.shape_cast %swap3A_415 : vector<1x1x16xf32> to vector<16xf32>
      %swap3A_417 = vector.shape_cast %broadcast_in_dim3A_0 : vector<16xf32> to vector<1x1x16xf32>
      tpu.vector_store %arg8[%swap3A_412, %swap3A_413, %swap3A_414], %swap3A_417 {strides = array<i32>} : memref<2x128x128xf32, #tpu.memory_space<vmem>>, vector<1x1x16xf32>,
      %swap3A_418 = arith.constant 0 : i32
      %swap3A_419 = arith.index_cast %swap3A_418 : i32 to index
      %swap3A_420 = arith.index_cast %scan3A_376 : i32 to index
      %swap3A_421 = arith.constant 96 : index
      %swap3A_422 = tpu.vector_load %arg8[%swap3A_419, %swap3A_420, %swap3A_421] {strides = array<i32>} : memref<2x128x128xf32, #tpu.memory_space<vmem>>, vector<1x1x16xf32>,
      %swap3A_423 = vector.shape_cast %swap3A_422 : vector<1x1x16xf32> to vector<16xf32>
      %swap3A_424 = vector.shape_cast %broadcast_in_dim3A_0 : vector<16xf32> to vector<1x1x16xf32>
      tpu.vector_store %arg8[%swap3A_419, %swap3A_420, %swap3A_421], %swap3A_424 {strides = array<i32>} : memref<2x128x128xf32, #tpu.memory_space<vmem>>, vector<1x1x16xf32>,
      %swap3A_425 = arith.constant 0 : i32
      %swap3A_426 = arith.index_cast %swap3A_425 : i32 to index
      %swap3A_427 = arith.index_cast %scan3A_376 : i32 to index
      %swap3A_428 = arith.constant 112 : index
      %swap3A_429 = tpu.vector_load %arg8[%swap3A_426, %swap3A_427, %swap3A_428] {strides = array<i32>} : memref<2x128x128xf32, #tpu.memory_space<vmem>>, vector<1x1x16xf32>,
      %swap3A_430 = vector.shape_cast %swap3A_429 : vector<1x1x16xf32> to vector<16xf32>
      %swap3A_431 = vector.shape_cast %broadcast_in_dim3A_0 : vector<16xf32> to vector<1x1x16xf32>
      tpu.vector_store %arg8[%swap3A_426, %swap3A_427, %swap3A_428], %swap3A_431 {strides = array<i32>} : memref<2x128x128xf32, #tpu.memory_space<vmem>>, vector<1x1x16xf32>,
    }
    %scan3A_5 = arith.constant 128 : i32
    %mul3A = arith.constant 640 : i32
    %mul3A_6 = arith.muli %arg1, %mul3A : i32
    %add3A = arith.constant 0 : i32
    %add3A_7 = arith.addi %mul3A_6, %add3A : i32
    %dma_start3A = arith.constant 0 : i32
    %dma_start3A_8 = arith.constant 0 : i32
    %dma_start3A_9 = arith.constant 0 : i32
    %dma_start3A_10 = tpu.memref_slice %arg8[%dma_start3A, %dma_start3A_8, %dma_start3A_9] : memref<2x128x128xf32, #tpu.memory_space<vmem>> -> memref<1x128x128xf32, #tpu.memory_space<vmem>>
    %dma_start3A_11 = tpu.memref_squeeze %dma_start3A_10 : memref<1x128x128xf32, #tpu.memory_space<vmem>> -> memref<128x128xf32, #tpu.memory_space<vmem>>
    %dma_start3A_12 = arith.constant 0 : i32
    %dma_start3A_13 = tpu.memref_slice %arg9[%add3A_7, %dma_start3A_12] : memref<10240x128xf32, #tpu.memory_space<vmem_shared>> -> memref<128x128xf32, #tpu.memory_space<vmem_shared>>
    %dma_start3A_14 = arith.constant 0 : i32
    %dma_start3A_15 = tpu.memref_slice %arg9[%add3A_7, %dma_start3A_14] : memref<10240x128xf32, #tpu.memory_space<vmem_shared>> -> memref<128x128xf32, #tpu.memory_space<vmem_shared>>
    %dma_start3A_16 = arith.constant 0 : i32
    %dma_start3A_17 = arith.constant 0 : i32
    %dma_start3A_18 = tpu.memref_slice %arg8[%dma_start3A, %dma_start3A_16, %dma_start3A_17] : memref<2x128x128xf32, #tpu.memory_space<vmem>> -> memref<1x128x128xf32, #tpu.memory_space<vmem>>
    %dma_start3A_19 = tpu.memref_squeeze %dma_start3A_18 : memref<1x128x128xf32, #tpu.memory_space<vmem>> -> memref<128x128xf32, #tpu.memory_space<vmem>>
    tpu.enqueue_dma source(%dma_start3A_19 : memref<128x128xf32, #tpu.memory_space<vmem>>) target(%dma_start3A_15 : memref<128x128xf32, #tpu.memory_space<vmem_shared>>) target_semaphore(%arg10 : memref<!tpu.dma_semaphore, #tpu.memory_space<semaphore_mem>>)
    %mul3A_20 = arith.constant 640 : i32
    %mul3A_21 = arith.muli %arg1, %mul3A_20 : i32
    %add3A_22 = arith.constant 128 : i32
    %add3A_23 = arith.addi %mul3A_21, %add3A_22 : i32
    %dma_start3A_24 = arith.constant 0 : i32
    %dma_start3A_25 = arith.constant 0 : i32
    %dma_start3A_26 = arith.constant 0 : i32
    %dma_start3A_27 = tpu.memref_slice %arg8[%dma_start3A_24, %dma_start3A_25, %dma_start3A_26] : memref<2x128x128xf32, #tpu.memory_space<vmem>> -> memref<1x128x128xf32, #tpu.memory_space<vmem>>
    %dma_start3A_28 = tpu.memref_squeeze %dma_start3A_27 : memref<1x128x128xf32, #tpu.memory_space<vmem>> -> memref<128x128xf32, #tpu.memory_space<vmem>>
    %dma_start3A_29 = arith.constant 0 : i32
    %dma_start3A_30 = tpu.memref_slice %arg9[%add3A_23, %dma_start3A_29] : memref<10240x128xf32, #tpu.memory_space<vmem_shared>> -> memref<128x128xf32, #tpu.memory_space<vmem_shared>>
    %dma_start3A_31 = arith.constant 0 : i32
    %dma_start3A_32 = tpu.memref_slice %arg9[%add3A_23, %dma_start3A_31] : memref<10240x128xf32, #tpu.memory_space<vmem_shared>> -> memref<128x128xf32, #tpu.memory_space<vmem_shared>>
    %dma_start3A_33 = arith.constant 0 : i32
    %dma_start3A_34 = arith.constant 0 : i32
    %dma_start3A_35 = tpu.memref_slice %arg8[%dma_start3A_24, %dma_start3A_33, %dma_start3A_34] : memref<2x128x128xf32, #tpu.memory_space<vmem>> -> memref<1x128x128xf32, #tpu.memory_space<vmem>>
    %dma_start3A_36 = tpu.memref_squeeze %dma_start3A_35 : memref<1x128x128xf32, #tpu.memory_space<vmem>> -> memref<128x128xf32, #tpu.memory_space<vmem>>
    tpu.enqueue_dma source(%dma_start3A_36 : memref<128x128xf32, #tpu.memory_space<vmem>>) target(%dma_start3A_32 : memref<128x128xf32, #tpu.memory_space<vmem_shared>>) target_semaphore(%arg10 : memref<!tpu.dma_semaphore, #tpu.memory_space<semaphore_mem>>)
    %mul3A_37 = arith.constant 640 : i32
    %mul3A_38 = arith.muli %arg1, %mul3A_37 : i32
    %add3A_39 = arith.constant 256 : i32
    %add3A_40 = arith.addi %mul3A_38, %add3A_39 : i32
    %dma_start3A_41 = arith.constant 0 : i32
    %dma_start3A_42 = arith.constant 0 : i32
    %dma_start3A_43 = arith.constant 0 : i32
    %dma_start3A_44 = tpu.memref_slice %arg8[%dma_start3A_41, %dma_start3A_42, %dma_start3A_43] : memref<2x128x128xf32, #tpu.memory_space<vmem>> -> memref<1x128x128xf32, #tpu.memory_space<vmem>>
    %dma_start3A_45 = tpu.memref_squeeze %dma_start3A_44 : memref<1x128x128xf32, #tpu.memory_space<vmem>> -> memref<128x128xf32, #tpu.memory_space<vmem>>
    %dma_start3A_46 = arith.constant 0 : i32
    %dma_start3A_47 = tpu.memref_slice %arg9[%add3A_40, %dma_start3A_46] : memref<10240x128xf32, #tpu.memory_space<vmem_shared>> -> memref<128x128xf32, #tpu.memory_space<vmem_shared>>
    %dma_start3A_48 = arith.constant 0 : i32
    %dma_start3A_49 = tpu.memref_slice %arg9[%add3A_40, %dma_start3A_48] : memref<10240x128xf32, #tpu.memory_space<vmem_shared>> -> memref<128x128xf32, #tpu.memory_space<vmem_shared>>
    %dma_start3A_50 = arith.constant 0 : i32
    %dma_start3A_51 = arith.constant 0 : i32
    %dma_start3A_52 = tpu.memref_slice %arg8[%dma_start3A_41, %dma_start3A_50, %dma_start3A_51] : memref<2x128x128xf32, #tpu.memory_space<vmem>> -> memref<1x128x128xf32, #tpu.memory_space<vmem>>
    %dma_start3A_53 = tpu.memref_squeeze %dma_start3A_52 : memref<1x128x128xf32, #tpu.memory_space<vmem>> -> memref<128x128xf32, #tpu.memory_space<vmem>>
    tpu.enqueue_dma source(%dma_start3A_53 : memref<128x128xf32, #tpu.memory_space<vmem>>) target(%dma_start3A_49 : memref<128x128xf32, #tpu.memory_space<vmem_shared>>) target_semaphore(%arg10 : memref<!tpu.dma_semaphore, #tpu.memory_space<semaphore_mem>>)
    %mul3A_54 = arith.constant 640 : i32
    %mul3A_55 = arith.muli %arg1, %mul3A_54 : i32
    %add3A_56 = arith.constant 384 : i32
    %add3A_57 = arith.addi %mul3A_55, %add3A_56 : i32
    %dma_start3A_58 = arith.constant 0 : i32
    %dma_start3A_59 = arith.constant 0 : i32
    %dma_start3A_60 = arith.constant 0 : i32
    %dma_start3A_61 = tpu.memref_slice %arg8[%dma_start3A_58, %dma_start3A_59, %dma_start3A_60] : memref<2x128x128xf32, #tpu.memory_space<vmem>> -> memref<1x128x128xf32, #tpu.memory_space<vmem>>
    %dma_start3A_62 = tpu.memref_squeeze %dma_start3A_61 : memref<1x128x128xf32, #tpu.memory_space<vmem>> -> memref<128x128xf32, #tpu.memory_space<vmem>>
    %dma_start3A_63 = arith.constant 0 : i32
    %dma_start3A_64 = tpu.memref_slice %arg9[%add3A_57, %dma_start3A_63] : memref<10240x128xf32, #tpu.memory_space<vmem_shared>> -> memref<128x128xf32, #tpu.memory_space<vmem_shared>>
    %dma_start3A_65 = arith.constant 0 : i32
    %dma_start3A_66 = tpu.memref_slice %arg9[%add3A_57, %dma_start3A_65] : memref<10240x128xf32, #tpu.memory_space<vmem_shared>> -> memref<128x128xf32, #tpu.memory_space<vmem_shared>>
    %dma_start3A_67 = arith.constant 0 : i32
    %dma_start3A_68 = arith.constant 0 : i32
    %dma_start3A_69 = tpu.memref_slice %arg8[%dma_start3A_58, %dma_start3A_67, %dma_start3A_68] : memref<2x128x128xf32, #tpu.memory_space<vmem>> -> memref<1x128x128xf32, #tpu.memory_space<vmem>>
    %dma_start3A_70 = tpu.memref_squeeze %dma_start3A_69 : memref<1x128x128xf32, #tpu.memory_space<vmem>> -> memref<128x128xf32, #tpu.memory_space<vmem>>
    tpu.enqueue_dma source(%dma_start3A_70 : memref<128x128xf32, #tpu.memory_space<vmem>>) target(%dma_start3A_66 : memref<128x128xf32, #tpu.memory_space<vmem_shared>>) target_semaphore(%arg10 : memref<!tpu.dma_semaphore, #tpu.memory_space<semaphore_mem>>)
    %mul3A_71 = arith.constant 640 : i32
    %mul3A_72 = arith.muli %arg1, %mul3A_71 : i32
    %add3A_73 = arith.constant 512 : i32
    %add3A_74 = arith.addi %mul3A_72, %add3A_73 : i32
    %dma_start3A_75 = arith.constant 0 : i32
    %dma_start3A_76 = arith.constant 0 : i32
    %dma_start3A_77 = arith.constant 0 : i32
    %dma_start3A_78 = tpu.memref_slice %arg8[%dma_start3A_75, %dma_start3A_76, %dma_start3A_77] : memref<2x128x128xf32, #tpu.memory_space<vmem>> -> memref<1x128x128xf32, #tpu.memory_space<vmem>>
    %dma_start3A_79 = tpu.memref_squeeze %dma_start3A_78 : memref<1x128x128xf32, #tpu.memory_space<vmem>> -> memref<128x128xf32, #tpu.memory_space<vmem>>
    %dma_start3A_80 = arith.constant 0 : i32
    %dma_start3A_81 = tpu.memref_slice %arg9[%add3A_74, %dma_start3A_80] : memref<10240x128xf32, #tpu.memory_space<vmem_shared>> -> memref<128x128xf32, #tpu.memory_space<vmem_shared>>
    %dma_start3A_82 = arith.constant 0 : i32
    %dma_start3A_83 = tpu.memref_slice %arg9[%add3A_74, %dma_start3A_82] : memref<10240x128xf32, #tpu.memory_space<vmem_shared>> -> memref<128x128xf32, #tpu.memory_space<vmem_shared>>
    %dma_start3A_84 = arith.constant 0 : i32
    %dma_start3A_85 = arith.constant 0 : i32
    %dma_start3A_86 = tpu.memref_slice %arg8[%dma_start3A_75, %dma_start3A_84, %dma_start3A_85] : memref<2x128x128xf32, #tpu.memory_space<vmem>> -> memref<1x128x128xf32, #tpu.memory_space<vmem>>
    %dma_start3A_87 = tpu.memref_squeeze %dma_start3A_86 : memref<1x128x128xf32, #tpu.memory_space<vmem>> -> memref<128x128xf32, #tpu.memory_space<vmem>>
    tpu.enqueue_dma source(%dma_start3A_87 : memref<128x128xf32, #tpu.memory_space<vmem>>) target(%dma_start3A_83 : memref<128x128xf32, #tpu.memory_space<vmem_shared>>) target_semaphore(%arg10 : memref<!tpu.dma_semaphore, #tpu.memory_space<semaphore_mem>>)
    %mul3A_88 = arith.constant 640 : i32
    %mul3A_89 = arith.muli %arg1, %mul3A_88 : i32
    %add3A_90 = arith.constant 0 : i32
    %add3A_91 = arith.addi %mul3A_89, %add3A_90 : i32
    %dma_wait3A = arith.constant 0 : i32
    %dma_wait3A_92 = arith.constant 0 : i32
    %dma_wait3A_93 = arith.constant 0 : i32
    %dma_wait3A_94 = tpu.memref_slice %arg8[%dma_wait3A, %dma_wait3A_92, %dma_wait3A_93] : memref<2x128x128xf32, #tpu.memory_space<vmem>> -> memref<1x128x128xf32, #tpu.memory_space<vmem>>
    %dma_wait3A_95 = tpu.memref_squeeze %dma_wait3A_94 : memref<1x128x128xf32, #tpu.memory_space<vmem>> -> memref<128x128xf32, #tpu.memory_space<vmem>>
    %dma_wait3A_96 = arith.constant 0 : i32
    %dma_wait3A_97 = tpu.memref_slice %arg9[%add3A_91, %dma_wait3A_96] : memref<10240x128xf32, #tpu.memory_space<vmem_shared>> -> memref<128x128xf32, #tpu.memory_space<vmem_shared>>
    %dma_wait3A_98 = arith.constant 0 : i32
    %dma_wait3A_99 = tpu.memref_slice %arg9[%add3A_91, %dma_wait3A_98] : memref<10240x128xf32, #tpu.memory_space<vmem_shared>> -> memref<128x128xf32, #tpu.memory_space<vmem_shared>>
    %dma_wait3A_100 = arith.constant 0 : i32
    %dma_wait3A_101 = arith.constant 0 : i32
    %dma_wait3A_102 = tpu.memref_slice %arg8[%dma_wait3A, %dma_wait3A_100, %dma_wait3A_101] : memref<2x128x128xf32, #tpu.memory_space<vmem>> -> memref<1x128x128xf32, #tpu.memory_space<vmem>>
    %dma_wait3A_103 = tpu.memref_squeeze %dma_wait3A_102 : memref<1x128x128xf32, #tpu.memory_space<vmem>> -> memref<128x128xf32, #tpu.memory_space<vmem>>
    tpu.wait_dma2 semaphore(%arg10 : memref<!tpu.dma_semaphore, #tpu.memory_space<semaphore_mem>>) src(%dma_wait3A_103 : memref<128x128xf32, #tpu.memory_space<vmem>>) dst(%dma_wait3A_99 : memref<128x128xf32, #tpu.memory_space<vmem_shared>>)
    %mul3A_104 = arith.constant 640 : i32
    %mul3A_105 = arith.muli %arg1, %mul3A_104 : i32
    %add3A_106 = arith.constant 128 : i32
    %add3A_107 = arith.addi %mul3A_105, %add3A_106 : i32
    %dma_wait3A_108 = arith.constant 0 : i32
    %dma_wait3A_109 = arith.constant 0 : i32
    %dma_wait3A_110 = arith.constant 0 : i32
    %dma_wait3A_111 = tpu.memref_slice %arg8[%dma_wait3A_108, %dma_wait3A_109, %dma_wait3A_110] : memref<2x128x128xf32, #tpu.memory_space<vmem>> -> memref<1x128x128xf32, #tpu.memory_space<vmem>>
    %dma_wait3A_112 = tpu.memref_squeeze %dma_wait3A_111 : memref<1x128x128xf32, #tpu.memory_space<vmem>> -> memref<128x128xf32, #tpu.memory_space<vmem>>
    %dma_wait3A_113 = arith.constant 0 : i32
    %dma_wait3A_114 = tpu.memref_slice %arg9[%add3A_107, %dma_wait3A_113] : memref<10240x128xf32, #tpu.memory_space<vmem_shared>> -> memref<128x128xf32, #tpu.memory_space<vmem_shared>>
    %dma_wait3A_115 = arith.constant 0 : i32
    %dma_wait3A_116 = tpu.memref_slice %arg9[%add3A_107, %dma_wait3A_115] : memref<10240x128xf32, #tpu.memory_space<vmem_shared>> -> memref<128x128xf32, #tpu.memory_space<vmem_shared>>
    %dma_wait3A_117 = arith.constant 0 : i32
    %dma_wait3A_118 = arith.constant 0 : i32
    %dma_wait3A_119 = tpu.memref_slice %arg8[%dma_wait3A_108, %dma_wait3A_117, %dma_wait3A_118] : memref<2x128x128xf32, #tpu.memory_space<vmem>> -> memref<1x128x128xf32, #tpu.memory_space<vmem>>
    %dma_wait3A_120 = tpu.memref_squeeze %dma_wait3A_119 : memref<1x128x128xf32, #tpu.memory_space<vmem>> -> memref<128x128xf32, #tpu.memory_space<vmem>>
    tpu.wait_dma2 semaphore(%arg10 : memref<!tpu.dma_semaphore, #tpu.memory_space<semaphore_mem>>) src(%dma_wait3A_120 : memref<128x128xf32, #tpu.memory_space<vmem>>) dst(%dma_wait3A_116 : memref<128x128xf32, #tpu.memory_space<vmem_shared>>)
    %mul3A_121 = arith.constant 640 : i32
    %mul3A_122 = arith.muli %arg1, %mul3A_121 : i32
    %add3A_123 = arith.constant 256 : i32
    %add3A_124 = arith.addi %mul3A_122, %add3A_123 : i32
    %dma_wait3A_125 = arith.constant 0 : i32
    %dma_wait3A_126 = arith.constant 0 : i32
    %dma_wait3A_127 = arith.constant 0 : i32
    %dma_wait3A_128 = tpu.memref_slice %arg8[%dma_wait3A_125, %dma_wait3A_126, %dma_wait3A_127] : memref<2x128x128xf32, #tpu.memory_space<vmem>> -> memref<1x128x128xf32, #tpu.memory_space<vmem>>
    %dma_wait3A_129 = tpu.memref_squeeze %dma_wait3A_128 : memref<1x128x128xf32, #tpu.memory_space<vmem>> -> memref<128x128xf32, #tpu.memory_space<vmem>>
    %dma_wait3A_130 = arith.constant 0 : i32
    %dma_wait3A_131 = tpu.memref_slice %arg9[%add3A_124, %dma_wait3A_130] : memref<10240x128xf32, #tpu.memory_space<vmem_shared>> -> memref<128x128xf32, #tpu.memory_space<vmem_shared>>
    %dma_wait3A_132 = arith.constant 0 : i32
    %dma_wait3A_133 = tpu.memref_slice %arg9[%add3A_124, %dma_wait3A_132] : memref<10240x128xf32, #tpu.memory_space<vmem_shared>> -> memref<128x128xf32, #tpu.memory_space<vmem_shared>>
    %dma_wait3A_134 = arith.constant 0 : i32
    %dma_wait3A_135 = arith.constant 0 : i32
    %dma_wait3A_136 = tpu.memref_slice %arg8[%dma_wait3A_125, %dma_wait3A_134, %dma_wait3A_135] : memref<2x128x128xf32, #tpu.memory_space<vmem>> -> memref<1x128x128xf32, #tpu.memory_space<vmem>>
    %dma_wait3A_137 = tpu.memref_squeeze %dma_wait3A_136 : memref<1x128x128xf32, #tpu.memory_space<vmem>> -> memref<128x128xf32, #tpu.memory_space<vmem>>
    tpu.wait_dma2 semaphore(%arg10 : memref<!tpu.dma_semaphore, #tpu.memory_space<semaphore_mem>>) src(%dma_wait3A_137 : memref<128x128xf32, #tpu.memory_space<vmem>>) dst(%dma_wait3A_133 : memref<128x128xf32, #tpu.memory_space<vmem_shared>>)
    %mul3A_138 = arith.constant 640 : i32
    %mul3A_139 = arith.muli %arg1, %mul3A_138 : i32
    %add3A_140 = arith.constant 384 : i32
    %add3A_141 = arith.addi %mul3A_139, %add3A_140 : i32
    %dma_wait3A_142 = arith.constant 0 : i32
    %dma_wait3A_143 = arith.constant 0 : i32
    %dma_wait3A_144 = arith.constant 0 : i32
    %dma_wait3A_145 = tpu.memref_slice %arg8[%dma_wait3A_142, %dma_wait3A_143, %dma_wait3A_144] : memref<2x128x128xf32, #tpu.memory_space<vmem>> -> memref<1x128x128xf32, #tpu.memory_space<vmem>>
    %dma_wait3A_146 = tpu.memref_squeeze %dma_wait3A_145 : memref<1x128x128xf32, #tpu.memory_space<vmem>> -> memref<128x128xf32, #tpu.memory_space<vmem>>
    %dma_wait3A_147 = arith.constant 0 : i32
    %dma_wait3A_148 = tpu.memref_slice %arg9[%add3A_141, %dma_wait3A_147] : memref<10240x128xf32, #tpu.memory_space<vmem_shared>> -> memref<128x128xf32, #tpu.memory_space<vmem_shared>>
    %dma_wait3A_149 = arith.constant 0 : i32
    %dma_wait3A_150 = tpu.memref_slice %arg9[%add3A_141, %dma_wait3A_149] : memref<10240x128xf32, #tpu.memory_space<vmem_shared>> -> memref<128x128xf32, #tpu.memory_space<vmem_shared>>
    %dma_wait3A_151 = arith.constant 0 : i32
    %dma_wait3A_152 = arith.constant 0 : i32
    %dma_wait3A_153 = tpu.memref_slice %arg8[%dma_wait3A_142, %dma_wait3A_151, %dma_wait3A_152] : memref<2x128x128xf32, #tpu.memory_space<vmem>> -> memref<1x128x128xf32, #tpu.memory_space<vmem>>
    %dma_wait3A_154 = tpu.memref_squeeze %dma_wait3A_153 : memref<1x128x128xf32, #tpu.memory_space<vmem>> -> memref<128x128xf32, #tpu.memory_space<vmem>>
    tpu.wait_dma2 semaphore(%arg10 : memref<!tpu.dma_semaphore, #tpu.memory_space<semaphore_mem>>) src(%dma_wait3A_154 : memref<128x128xf32, #tpu.memory_space<vmem>>) dst(%dma_wait3A_150 : memref<128x128xf32, #tpu.memory_space<vmem_shared>>)
    %mul3A_155 = arith.constant 640 : i32
    %mul3A_156 = arith.muli %arg1, %mul3A_155 : i32
    %add3A_157 = arith.constant 512 : i32
    %add3A_158 = arith.addi %mul3A_156, %add3A_157 : i32
    %dma_wait3A_159 = arith.constant 0 : i32
    %dma_wait3A_160 = arith.constant 0 : i32
    %dma_wait3A_161 = arith.constant 0 : i32
    %dma_wait3A_162 = tpu.memref_slice %arg8[%dma_wait3A_159, %dma_wait3A_160, %dma_wait3A_161] : memref<2x128x128xf32, #tpu.memory_space<vmem>> -> memref<1x128x128xf32, #tpu.memory_space<vmem>>
    %dma_wait3A_163 = tpu.memref_squeeze %dma_wait3A_162 : memref<1x128x128xf32, #tpu.memory_space<vmem>> -> memref<128x128xf32, #tpu.memory_space<vmem>>
    %dma_wait3A_164 = arith.constant 0 : i32
    %dma_wait3A_165 = tpu.memref_slice %arg9[%add3A_158, %dma_wait3A_164] : memref<10240x128xf32, #tpu.memory_space<vmem_shared>> -> memref<128x128xf32, #tpu.memory_space<vmem_shared>>
    %dma_wait3A_166 = arith.constant 0 : i32
    %dma_wait3A_167 = tpu.memref_slice %arg9[%add3A_158, %dma_wait3A_166] : memref<10240x128xf32, #tpu.memory_space<vmem_shared>> -> memref<128x128xf32, #tpu.memory_space<vmem_shared>>
    %dma_wait3A_168 = arith.constant 0 : i32
    %dma_wait3A_169 = arith.constant 0 : i32
    %dma_wait3A_170 = tpu.memref_slice %arg8[%dma_wait3A_159, %dma_wait3A_168, %dma_wait3A_169] : memref<2x128x128xf32, #tpu.memory_space<vmem>> -> memref<1x128x128xf32, #tpu.memory_space<vmem>>
    %dma_wait3A_171 = tpu.memref_squeeze %dma_wait3A_170 : memref<1x128x128xf32, #tpu.memory_space<vmem>> -> memref<128x128xf32, #tpu.memory_space<vmem>>
    tpu.wait_dma2 semaphore(%arg10 : memref<!tpu.dma_semaphore, #tpu.memory_space<semaphore_mem>>) src(%dma_wait3A_171 : memref<128x128xf32, #tpu.memory_space<vmem>>) dst(%dma_wait3A_167 : memref<128x128xf32, #tpu.memory_space<vmem_shared>>)
    %barrier3A = arith.constant 0 : index
    tpu.barrier barrier_id(%barrier3A)
    %mul3A_172 = arith.constant 2 : i32
    %mul3A_173 = arith.muli %arg1, %mul3A_172 : i32
    %add3A_174 = arith.addi %mul3A_173, %arg0 : i32
    %scan3A_175 = arith.constant 0 : i32
    %scan3A_176 = arith.constant 0 : i32
    %scan3A_177 = arith.constant 2 : i32
    %scan3A_178 = arith.addi %scan3A_176, %scan3A_177 : i32
    %scan3A_179 = arith.constant 1 : i32
    scf.for %scan3A_376 = %scan3A_176 to %scan3A_178 step %scan3A_179  : i32 {
      %mul3A_377 = arith.constant 40 : i32
      %mul3A_378 = arith.muli %scan3A_376, %mul3A_377 : i32
      "tpu.region"() ({
        %run_scoped3A_399 = tpu.sem_alloc : memref<!tpu.dma_semaphore, #tpu.memory_space<semaphore_mem>>
        %dma_start3A_400 = arith.constant 0 : i32
        %dma_start3A_401 = tpu.memref_slice %arg3[%add3A_174, %mul3A_378, %dma_start3A_400] : memref<32x80x128xi32, #tpu.memory_space<hbm>> -> memref<1x40x128xi32, #tpu.memory_space<hbm>>
        %dma_start3A_402 = tpu.memref_squeeze %dma_start3A_401 : memref<1x40x128xi32, #tpu.memory_space<hbm>> -> memref<40x128xi32, #tpu.memory_space<hbm>>
        %dma_start3A_403 = arith.constant 0 : i32
        %dma_start3A_404 = tpu.memref_slice %arg3[%add3A_174, %mul3A_378, %dma_start3A_403] : memref<32x80x128xi32, #tpu.memory_space<hbm>> -> memref<1x40x128xi32, #tpu.memory_space<hbm>>
        %dma_start3A_405 = tpu.memref_squeeze %dma_start3A_404 : memref<1x40x128xi32, #tpu.memory_space<hbm>> -> memref<40x128xi32, #tpu.memory_space<hbm>>
        tpu.enqueue_dma source(%dma_start3A_405 : memref<40x128xi32, #tpu.memory_space<hbm>>) target(%arg6 : memref<40x128xi32, #tpu.memory_space<vmem>>) target_semaphore(%run_scoped3A_399 : memref<!tpu.dma_semaphore, #tpu.memory_space<semaphore_mem>>)
        %dma_wait3A_406 = arith.constant 0 : i32
        %dma_wait3A_407 = tpu.memref_slice %arg3[%add3A_174, %mul3A_378, %dma_wait3A_406] : memref<32x80x128xi32, #tpu.memory_space<hbm>> -> memref<1x40x128xi32, #tpu.memory_space<hbm>>
        %dma_wait3A_408 = tpu.memref_squeeze %dma_wait3A_407 : memref<1x40x128xi32, #tpu.memory_space<hbm>> -> memref<40x128xi32, #tpu.memory_space<hbm>>
        %dma_wait3A_409 = arith.constant 0 : i32
        %dma_wait3A_410 = tpu.memref_slice %arg3[%add3A_174, %mul3A_378, %dma_wait3A_409] : memref<32x80x128xi32, #tpu.memory_space<hbm>> -> memref<1x40x128xi32, #tpu.memory_space<hbm>>
        %dma_wait3A_411 = tpu.memref_squeeze %dma_wait3A_410 : memref<1x40x128xi32, #tpu.memory_space<hbm>> -> memref<40x128xi32, #tpu.memory_space<hbm>>
        tpu.wait_dma2 semaphore(%run_scoped3A_399 : memref<!tpu.dma_semaphore, #tpu.memory_space<semaphore_mem>>) src(%dma_wait3A_411 : memref<40x128xi32, #tpu.memory_space<hbm>>) dst(%arg6 : memref<40x128xi32, #tpu.memory_space<vmem>>)
        tpu.yield
      }) : () -> ()
      %mul3A_379 = arith.constant 40 : i32
      %mul3A_380 = arith.muli %scan3A_376, %mul3A_379 : i32
      "tpu.region"() ({
        %run_scoped3A_399 = tpu.sem_alloc : memref<!tpu.dma_semaphore, #tpu.memory_space<semaphore_mem>>
        %dma_start3A_400 = arith.constant 0 : i32
        %dma_start3A_401 = tpu.memref_slice %arg4[%add3A_174, %mul3A_380, %dma_start3A_400] : memref<32x80x128xi32, #tpu.memory_space<hbm>> -> memref<1x40x128xi32, #tpu.memory_space<hbm>>
        %dma_start3A_402 = tpu.memref_squeeze %dma_start3A_401 : memref<1x40x128xi32, #tpu.memory_space<hbm>> -> memref<40x128xi32, #tpu.memory_space<hbm>>
        %dma_start3A_403 = arith.constant 0 : i32
        %dma_start3A_404 = tpu.memref_slice %arg4[%add3A_174, %mul3A_380, %dma_start3A_403] : memref<32x80x128xi32, #tpu.memory_space<hbm>> -> memref<1x40x128xi32, #tpu.memory_space<hbm>>
        %dma_start3A_405 = tpu.memref_squeeze %dma_start3A_404 : memref<1x40x128xi32, #tpu.memory_space<hbm>> -> memref<40x128xi32, #tpu.memory_space<hbm>>
        tpu.enqueue_dma source(%dma_start3A_405 : memref<40x128xi32, #tpu.memory_space<hbm>>) target(%arg7 : memref<40x128xi32, #tpu.memory_space<vmem>>) target_semaphore(%run_scoped3A_399 : memref<!tpu.dma_semaphore, #tpu.memory_space<semaphore_mem>>)
        %dma_wait3A_406 = arith.constant 0 : i32
        %dma_wait3A_407 = tpu.memref_slice %arg4[%add3A_174, %mul3A_380, %dma_wait3A_406] : memref<32x80x128xi32, #tpu.memory_space<hbm>> -> memref<1x40x128xi32, #tpu.memory_space<hbm>>
        %dma_wait3A_408 = tpu.memref_squeeze %dma_wait3A_407 : memref<1x40x128xi32, #tpu.memory_space<hbm>> -> memref<40x128xi32, #tpu.memory_space<hbm>>
        %dma_wait3A_409 = arith.constant 0 : i32
        %dma_wait3A_410 = tpu.memref_slice %arg4[%add3A_174, %mul3A_380, %dma_wait3A_409] : memref<32x80x128xi32, #tpu.memory_space<hbm>> -> memref<1x40x128xi32, #tpu.memory_space<hbm>>
        %dma_wait3A_411 = tpu.memref_squeeze %dma_wait3A_410 : memref<1x40x128xi32, #tpu.memory_space<hbm>> -> memref<40x128xi32, #tpu.memory_space<hbm>>
        tpu.wait_dma2 semaphore(%run_scoped3A_399 : memref<!tpu.dma_semaphore, #tpu.memory_space<semaphore_mem>>) src(%dma_wait3A_411 : memref<40x128xi32, #tpu.memory_space<hbm>>) dst(%arg7 : memref<40x128xi32, #tpu.memory_space<vmem>>)
        tpu.yield
      }) : () -> ()
      %dma_start3A_381 = arith.constant 0 : i32
      %dma_start3A_382 = arith.constant 0 : i32
      %dma_start3A_383 = arith.constant 0 : i32
      %dma_start3A_384 = arith.constant 0 : i32
      %dma_start3A_385 = tpu.memref_slice %arg8[%dma_start3A_382, %dma_start3A_383, %dma_start3A_384] : memref<2x128x128xf32, #tpu.memory_space<vmem>> -> memref<1x128x128xf32, #tpu.memory_space<vmem>>
      %dma_start3A_386 = tpu.memref_squeeze %dma_start3A_385 : memref<1x128x128xf32, #tpu.memory_space<vmem>> -> memref<128x128xf32, #tpu.memory_space<vmem>>
      %dma_start3A_387 = arith.constant 0 : i32
      %dma_start3A_388 = tpu.memref_slice %arg6[%dma_start3A_381, %dma_start3A_387] : memref<40x128xi32, #tpu.memory_space<vmem>> -> memref<1x128xi32, #tpu.memory_space<vmem>>
      %dma_start3A_389 = tpu.memref_squeeze %dma_start3A_388 : memref<1x128xi32, #tpu.memory_space<vmem>> -> memref<128xi32, #tpu.memory_space<vmem>>
      %dma_start3A_390 = arith.constant 0 : i32
      %dma_start3A_391 = arith.constant 0 : i32
      %dma_start3A_392 = tpu.memref_slice %arg2[%dma_start3A_390, %dma_start3A_391] : memref<10000x128xf32, #tpu.memory_space<hbm>> -> memref<10000x128xf32, #tpu.memory_space<hbm>>
      tpu.enqueue_indirect_dma source(%dma_start3A_392 : memref<10000x128xf32, #tpu.memory_space<hbm>>) target(%dma_start3A_386 : memref<128x128xf32, #tpu.memory_space<vmem>>) offsets(%dma_start3A_389 : memref<128xi32, #tpu.memory_space<vmem>>) semaphore(%arg10 : memref<!tpu.dma_semaphore, #tpu.memory_space<semaphore_mem>>)
      %scan3A_393 = arith.constant 0 : i32
      %scan3A_394 = arith.constant 0 : i32
      %scan3A_395 = arith.constant 20 : i32
      %scan3A_396 = arith.addi %scan3A_394, %scan3A_395 : i32
      %scan3A_397 = arith.constant 1 : i32
      scf.for %scan3A_399 = %scan3A_394 to %scan3A_396 step %scan3A_397  : i32 {
        %mul3A_400 = arith.constant 2 : i32
        %mul3A_401 = arith.muli %mul3A_400, %scan3A_399 : i32
        %add3A_402 = arith.constant 1 : i32
        %add3A_403 = arith.addi %mul3A_401, %add3A_402 : i32
        %dma_start3A_404 = arith.constant 1 : i32
        %dma_start3A_405 = arith.constant 0 : i32
        %dma_start3A_406 = arith.constant 0 : i32
        %dma_start3A_407 = tpu.memref_slice %arg8[%dma_start3A_404, %dma_start3A_405, %dma_start3A_406] : memref<2x128x128xf32, #tpu.memory_space<vmem>> -> memref<1x128x128xf32, #tpu.memory_space<vmem>>
        %dma_start3A_408 = tpu.memref_squeeze %dma_start3A_407 : memref<1x128x128xf32, #tpu.memory_space<vmem>> -> memref<128x128xf32, #tpu.memory_space<vmem>>
        %dma_start3A_409 = arith.constant 0 : i32
        %dma_start3A_410 = tpu.memref_slice %arg6[%add3A_403, %dma_start3A_409] : memref<40x128xi32, #tpu.memory_space<vmem>> -> memref<1x128xi32, #tpu.memory_space<vmem>>
        %dma_start3A_411 = tpu.memref_squeeze %dma_start3A_410 : memref<1x128xi32, #tpu.memory_space<vmem>> -> memref<128xi32, #tpu.memory_space<vmem>>
        %dma_start3A_412 = arith.constant 0 : i32
        %dma_start3A_413 = arith.constant 0 : i32
        %dma_start3A_414 = tpu.memref_slice %arg2[%dma_start3A_412, %dma_start3A_413] : memref<10000x128xf32, #tpu.memory_space<hbm>> -> memref<10000x128xf32, #tpu.memory_space<hbm>>
        tpu.enqueue_indirect_dma source(%dma_start3A_414 : memref<10000x128xf32, #tpu.memory_space<hbm>>) target(%dma_start3A_408 : memref<128x128xf32, #tpu.memory_space<vmem>>) offsets(%dma_start3A_411 : memref<128xi32, #tpu.memory_space<vmem>>) semaphore(%arg11 : memref<!tpu.dma_semaphore, #tpu.memory_space<semaphore_mem>>)
        %dma_wait3A_415 = arith.constant 0 : i32
        %dma_wait3A_416 = arith.constant 0 : i32
        %dma_wait3A_417 = arith.constant 0 : i32
        %dma_wait3A_418 = tpu.memref_slice %arg8[%dma_wait3A_415, %dma_wait3A_416, %dma_wait3A_417] : memref<2x128x128xf32, #tpu.memory_space<vmem>> -> memref<1x128x128xf32, #tpu.memory_space<vmem>>
        %dma_wait3A_419 = tpu.memref_squeeze %dma_wait3A_418 : memref<1x128x128xf32, #tpu.memory_space<vmem>> -> memref<128x128xf32, #tpu.memory_space<vmem>>
        %dma_wait3A_420 = arith.constant 0 : i32
        %dma_wait3A_421 = tpu.memref_slice %arg6[%mul3A_401, %dma_wait3A_420] : memref<40x128xi32, #tpu.memory_space<vmem>> -> memref<1x128xi32, #tpu.memory_space<vmem>>
        %dma_wait3A_422 = tpu.memref_squeeze %dma_wait3A_421 : memref<1x128xi32, #tpu.memory_space<vmem>> -> memref<128xi32, #tpu.memory_space<vmem>>
        %dma_wait3A_423 = arith.constant 0 : i32
        %dma_wait3A_424 = arith.constant 0 : i32
        %dma_wait3A_425 = tpu.memref_slice %arg2[%dma_wait3A_423, %dma_wait3A_424] : memref<10000x128xf32, #tpu.memory_space<hbm>> -> memref<10000x128xf32, #tpu.memory_space<hbm>>
        tpu.wait_indirect_dma semaphore(%arg10 : memref<!tpu.dma_semaphore, #tpu.memory_space<semaphore_mem>>) src(%dma_wait3A_425 : memref<10000x128xf32, #tpu.memory_space<hbm>>) dst(%dma_wait3A_419 : memref<128x128xf32, #tpu.memory_space<vmem>>)
        %run_scoped3A_426 = arith.constant 0 : i32
        "tpu.region"() ({
          %run_scoped3A_445 = tpu.sem_alloc : memref<!tpu.dma_semaphore, #tpu.memory_space<semaphore_mem>>
          %dma_start3A_446 = arith.constant 0 : i32
          %dma_start3A_447 = arith.constant 0 : i32
          %dma_start3A_448 = tpu.memref_slice %arg8[%run_scoped3A_426, %dma_start3A_446, %dma_start3A_447] : memref<2x128x128xf32, #tpu.memory_space<vmem>> -> memref<1x128x128xf32, #tpu.memory_space<vmem>>
          %dma_start3A_449 = tpu.memref_squeeze %dma_start3A_448 : memref<1x128x128xf32, #tpu.memory_space<vmem>> -> memref<128x128xf32, #tpu.memory_space<vmem>>
          %dma_start3A_450 = arith.constant 0 : i32
          %dma_start3A_451 = tpu.memref_slice %arg7[%mul3A_401, %dma_start3A_450] : memref<40x128xi32, #tpu.memory_space<vmem>> -> memref<1x128xi32, #tpu.memory_space<vmem>>
          %dma_start3A_452 = tpu.memref_squeeze %dma_start3A_451 : memref<1x128xi32, #tpu.memory_space<vmem>> -> memref<128xi32, #tpu.memory_space<vmem>>
          %dma_start3A_453 = arith.constant 0 : i32
          %dma_start3A_454 = arith.constant 0 : i32
          %dma_start3A_455 = tpu.memref_slice %arg9[%dma_start3A_453, %dma_start3A_454] : memref<10240x128xf32, #tpu.memory_space<vmem_shared>> -> memref<10240x128xf32, #tpu.memory_space<vmem_shared>>
          tpu.enqueue_indirect_dma source(%dma_start3A_449 : memref<128x128xf32, #tpu.memory_space<vmem>>) target(%dma_start3A_455 : memref<10240x128xf32, #tpu.memory_space<vmem_shared>>) offsets(%dma_start3A_452 : memref<128xi32, #tpu.memory_space<vmem>>) semaphore(%run_scoped3A_445 : memref<!tpu.dma_semaphore, #tpu.memory_space<semaphore_mem>>) {add = true}
          %dma_wait3A_456 = arith.constant 0 : i32
          %dma_wait3A_457 = arith.constant 0 : i32
          %dma_wait3A_458 = tpu.memref_slice %arg8[%run_scoped3A_426, %dma_wait3A_456, %dma_wait3A_457] : memref<2x128x128xf32, #tpu.memory_space<vmem>> -> memref<1x128x128xf32, #tpu.memory_space<vmem>>
          %dma_wait3A_459 = tpu.memref_squeeze %dma_wait3A_458 : memref<1x128x128xf32, #tpu.memory_space<vmem>> -> memref<128x128xf32, #tpu.memory_space<vmem>>
          %dma_wait3A_460 = arith.constant 0 : i32
          %dma_wait3A_461 = tpu.memref_slice %arg7[%mul3A_401, %dma_wait3A_460] : memref<40x128xi32, #tpu.memory_space<vmem>> -> memref<1x128xi32, #tpu.memory_space<vmem>>
          %dma_wait3A_462 = tpu.memref_squeeze %dma_wait3A_461 : memref<1x128xi32, #tpu.memory_space<vmem>> -> memref<128xi32, #tpu.memory_space<vmem>>
          %dma_wait3A_463 = arith.constant 0 : i32
          %dma_wait3A_464 = arith.constant 0 : i32
          %dma_wait3A_465 = tpu.memref_slice %arg9[%dma_wait3A_463, %dma_wait3A_464] : memref<10240x128xf32, #tpu.memory_space<vmem_shared>> -> memref<10240x128xf32, #tpu.memory_space<vmem_shared>>
          tpu.wait_indirect_dma semaphore(%run_scoped3A_445 : memref<!tpu.dma_semaphore, #tpu.memory_space<semaphore_mem>>) src(%dma_wait3A_459 : memref<128x128xf32, #tpu.memory_space<vmem>>) dst(%dma_wait3A_465 : memref<10240x128xf32, #tpu.memory_space<vmem_shared>>)
          tpu.yield
        }) : () -> ()
        %lt3A = arith.constant 19 : i32
        %lt3A_427 = arith.cmpi slt, %scan3A_399, %lt3A : i32
        %convert_element_type3A = arith.extui %lt3A_427 : i1 to i32
        %cond3A = arith.constant 0 : i32
        %cond3A_428 = arith.cmpi ne, %convert_element_type3A, %cond3A : i32
        scf.if %cond3A_428 {
          %add3A_445 = arith.constant 2 : i32
          %add3A_446 = arith.addi %mul3A_401, %add3A_445 : i32
          %dma_start3A_447 = arith.constant 0 : i32
          %dma_start3A_448 = arith.constant 0 : i32
          %dma_start3A_449 = arith.constant 0 : i32
          %dma_start3A_450 = tpu.memref_slice %arg8[%dma_start3A_447, %dma_start3A_448, %dma_start3A_449] : memref<2x128x128xf32, #tpu.memory_space<vmem>> -> memref<1x128x128xf32, #tpu.memory_space<vmem>>
          %dma_start3A_451 = tpu.memref_squeeze %dma_start3A_450 : memref<1x128x128xf32, #tpu.memory_space<vmem>> -> memref<128x128xf32, #tpu.memory_space<vmem>>
          %dma_start3A_452 = arith.constant 0 : i32
          %dma_start3A_453 = tpu.memref_slice %arg6[%add3A_446, %dma_start3A_452] : memref<40x128xi32, #tpu.memory_space<vmem>> -> memref<1x128xi32, #tpu.memory_space<vmem>>
          %dma_start3A_454 = tpu.memref_squeeze %dma_start3A_453 : memref<1x128xi32, #tpu.memory_space<vmem>> -> memref<128xi32, #tpu.memory_space<vmem>>
          %dma_start3A_455 = arith.constant 0 : i32
          %dma_start3A_456 = arith.constant 0 : i32
          %dma_start3A_457 = tpu.memref_slice %arg2[%dma_start3A_455, %dma_start3A_456] : memref<10000x128xf32, #tpu.memory_space<hbm>> -> memref<10000x128xf32, #tpu.memory_space<hbm>>
          tpu.enqueue_indirect_dma source(%dma_start3A_457 : memref<10000x128xf32, #tpu.memory_space<hbm>>) target(%dma_start3A_451 : memref<128x128xf32, #tpu.memory_space<vmem>>) offsets(%dma_start3A_454 : memref<128xi32, #tpu.memory_space<vmem>>) semaphore(%arg10 : memref<!tpu.dma_semaphore, #tpu.memory_space<semaphore_mem>>)
        } else {
        }
        %add3A_429 = arith.constant 1 : i32
        %add3A_430 = arith.addi %mul3A_401, %add3A_429 : i32
        %dma_wait3A_431 = arith.constant 1 : i32
        %dma_wait3A_432 = arith.constant 0 : i32
        %dma_wait3A_433 = arith.constant 0 : i32
        %dma_wait3A_434 = tpu.memref_slice %arg8[%dma_wait3A_431, %dma_wait3A_432, %dma_wait3A_433] : memref<2x128x128xf32, #tpu.memory_space<vmem>> -> memref<1x128x128xf32, #tpu.memory_space<vmem>>
        %dma_wait3A_435 = tpu.memref_squeeze %dma_wait3A_434 : memref<1x128x128xf32, #tpu.memory_space<vmem>> -> memref<128x128xf32, #tpu.memory_space<vmem>>
        %dma_wait3A_436 = arith.constant 0 : i32
        %dma_wait3A_437 = tpu.memref_slice %arg6[%add3A_430, %dma_wait3A_436] : memref<40x128xi32, #tpu.memory_space<vmem>> -> memref<1x128xi32, #tpu.memory_space<vmem>>
        %dma_wait3A_438 = tpu.memref_squeeze %dma_wait3A_437 : memref<1x128xi32, #tpu.memory_space<vmem>> -> memref<128xi32, #tpu.memory_space<vmem>>
        %dma_wait3A_439 = arith.constant 0 : i32
        %dma_wait3A_440 = arith.constant 0 : i32
        %dma_wait3A_441 = tpu.memref_slice %arg2[%dma_wait3A_439, %dma_wait3A_440] : memref<10000x128xf32, #tpu.memory_space<hbm>> -> memref<10000x128xf32, #tpu.memory_space<hbm>>
        tpu.wait_indirect_dma semaphore(%arg11 : memref<!tpu.dma_semaphore, #tpu.memory_space<semaphore_mem>>) src(%dma_wait3A_441 : memref<10000x128xf32, #tpu.memory_space<hbm>>) dst(%dma_wait3A_435 : memref<128x128xf32, #tpu.memory_space<vmem>>)
        %add3A_442 = arith.constant 1 : i32
        %add3A_443 = arith.addi %mul3A_401, %add3A_442 : i32
        %run_scoped3A_444 = arith.constant 1 : i32
        "tpu.region"() ({
          %run_scoped3A_445 = tpu.sem_alloc : memref<!tpu.dma_semaphore, #tpu.memory_space<semaphore_mem>>
          %dma_start3A_446 = arith.constant 0 : i32
          %dma_start3A_447 = arith.constant 0 : i32
          %dma_start3A_448 = tpu.memref_slice %arg8[%run_scoped3A_444, %dma_start3A_446, %dma_start3A_447] : memref<2x128x128xf32, #tpu.memory_space<vmem>> -> memref<1x128x128xf32, #tpu.memory_space<vmem>>
          %dma_start3A_449 = tpu.memref_squeeze %dma_start3A_448 : memref<1x128x128xf32, #tpu.memory_space<vmem>> -> memref<128x128xf32, #tpu.memory_space<vmem>>
          %dma_start3A_450 = arith.constant 0 : i32
          %dma_start3A_451 = tpu.memref_slice %arg7[%add3A_443, %dma_start3A_450] : memref<40x128xi32, #tpu.memory_space<vmem>> -> memref<1x128xi32, #tpu.memory_space<vmem>>
          %dma_start3A_452 = tpu.memref_squeeze %dma_start3A_451 : memref<1x128xi32, #tpu.memory_space<vmem>> -> memref<128xi32, #tpu.memory_space<vmem>>
          %dma_start3A_453 = arith.constant 0 : i32
          %dma_start3A_454 = arith.constant 0 : i32
          %dma_start3A_455 = tpu.memref_slice %arg9[%dma_start3A_453, %dma_start3A_454] : memref<10240x128xf32, #tpu.memory_space<vmem_shared>> -> memref<10240x128xf32, #tpu.memory_space<vmem_shared>>
          tpu.enqueue_indirect_dma source(%dma_start3A_449 : memref<128x128xf32, #tpu.memory_space<vmem>>) target(%dma_start3A_455 : memref<10240x128xf32, #tpu.memory_space<vmem_shared>>) offsets(%dma_start3A_452 : memref<128xi32, #tpu.memory_space<vmem>>) semaphore(%run_scoped3A_445 : memref<!tpu.dma_semaphore, #tpu.memory_space<semaphore_mem>>) {add = true}
          %dma_wait3A_456 = arith.constant 0 : i32
          %dma_wait3A_457 = arith.constant 0 : i32
          %dma_wait3A_458 = tpu.memref_slice %arg8[%run_scoped3A_444, %dma_wait3A_456, %dma_wait3A_457] : memref<2x128x128xf32, #tpu.memory_space<vmem>> -> memref<1x128x128xf32, #tpu.memory_space<vmem>>
          %dma_wait3A_459 = tpu.memref_squeeze %dma_wait3A_458 : memref<1x128x128xf32, #tpu.memory_space<vmem>> -> memref<128x128xf32, #tpu.memory_space<vmem>>
          %dma_wait3A_460 = arith.constant 0 : i32
          %dma_wait3A_461 = tpu.memref_slice %arg7[%add3A_443, %dma_wait3A_460] : memref<40x128xi32, #tpu.memory_space<vmem>> -> memref<1x128xi32, #tpu.memory_space<vmem>>
          %dma_wait3A_462 = tpu.memref_squeeze %dma_wait3A_461 : memref<1x128xi32, #tpu.memory_space<vmem>> -> memref<128xi32, #tpu.memory_space<vmem>>
          %dma_wait3A_463 = arith.constant 0 : i32
          %dma_wait3A_464 = arith.constant 0 : i32
          %dma_wait3A_465 = tpu.memref_slice %arg9[%dma_wait3A_463, %dma_wait3A_464] : memref<10240x128xf32, #tpu.memory_space<vmem_shared>> -> memref<10240x128xf32, #tpu.memory_space<vmem_shared>>
          tpu.wait_indirect_dma semaphore(%run_scoped3A_445 : memref<!tpu.dma_semaphore, #tpu.memory_space<semaphore_mem>>) src(%dma_wait3A_459 : memref<128x128xf32, #tpu.memory_space<vmem>>) dst(%dma_wait3A_465 : memref<10240x128xf32, #tpu.memory_space<vmem_shared>>)
          tpu.yield
        }) : () -> ()
      }
      %scan3A_398 = arith.constant 20 : i32
    }
    %scan3A_180 = arith.constant 2 : i32
    %barrier3A_181 = arith.constant 0 : index
    tpu.barrier barrier_id(%barrier3A_181)
    %mul3A_182 = arith.constant 640 : i32
    %mul3A_183 = arith.muli %arg1, %mul3A_182 : i32
    %add3A_184 = arith.constant 0 : i32
    %add3A_185 = arith.addi %mul3A_183, %add3A_184 : i32
    %run_scoped3A = arith.constant 0 : i32
    "tpu.region"() ({
      %run_scoped3A_376 = tpu.sem_alloc : memref<!tpu.dma_semaphore, #tpu.memory_space<semaphore_mem>>
      %dma_start3A_377 = arith.constant 0 : i32
      %dma_start3A_378 = arith.constant 0 : i32
      %dma_start3A_379 = tpu.memref_slice %arg8[%run_scoped3A, %dma_start3A_377, %dma_start3A_378] : memref<2x128x128xf32, #tpu.memory_space<vmem>> -> memref<1x128x128xf32, #tpu.memory_space<vmem>>
      %dma_start3A_380 = tpu.memref_squeeze %dma_start3A_379 : memref<1x128x128xf32, #tpu.memory_space<vmem>> -> memref<128x128xf32, #tpu.memory_space<vmem>>
      %dma_start3A_381 = arith.constant 0 : i32
      %dma_start3A_382 = tpu.memref_slice %arg9[%add3A_185, %dma_start3A_381] : memref<10240x128xf32, #tpu.memory_space<vmem_shared>> -> memref<128x128xf32, #tpu.memory_space<vmem_shared>>
      %dma_start3A_383 = arith.constant 0 : i32
      %dma_start3A_384 = arith.constant 0 : i32
      %dma_start3A_385 = tpu.memref_slice %arg8[%run_scoped3A, %dma_start3A_383, %dma_start3A_384] : memref<2x128x128xf32, #tpu.memory_space<vmem>> -> memref<1x128x128xf32, #tpu.memory_space<vmem>>
      %dma_start3A_386 = tpu.memref_squeeze %dma_start3A_385 : memref<1x128x128xf32, #tpu.memory_space<vmem>> -> memref<128x128xf32, #tpu.memory_space<vmem>>
      %dma_start3A_387 = arith.constant 0 : i32
      %dma_start3A_388 = tpu.memref_slice %arg9[%add3A_185, %dma_start3A_387] : memref<10240x128xf32, #tpu.memory_space<vmem_shared>> -> memref<128x128xf32, #tpu.memory_space<vmem_shared>>
      tpu.enqueue_dma source(%dma_start3A_388 : memref<128x128xf32, #tpu.memory_space<vmem_shared>>) target(%dma_start3A_386 : memref<128x128xf32, #tpu.memory_space<vmem>>) target_semaphore(%run_scoped3A_376 : memref<!tpu.dma_semaphore, #tpu.memory_space<semaphore_mem>>)
      %dma_wait3A_389 = arith.constant 0 : i32
      %dma_wait3A_390 = arith.constant 0 : i32
      %dma_wait3A_391 = tpu.memref_slice %arg8[%run_scoped3A, %dma_wait3A_389, %dma_wait3A_390] : memref<2x128x128xf32, #tpu.memory_space<vmem>> -> memref<1x128x128xf32, #tpu.memory_space<vmem>>
      %dma_wait3A_392 = tpu.memref_squeeze %dma_wait3A_391 : memref<1x128x128xf32, #tpu.memory_space<vmem>> -> memref<128x128xf32, #tpu.memory_space<vmem>>
      %dma_wait3A_393 = arith.constant 0 : i32
      %dma_wait3A_394 = tpu.memref_slice %arg9[%add3A_185, %dma_wait3A_393] : memref<10240x128xf32, #tpu.memory_space<vmem_shared>> -> memref<128x128xf32, #tpu.memory_space<vmem_shared>>
      %dma_wait3A_395 = arith.constant 0 : i32
      %dma_wait3A_396 = arith.constant 0 : i32
      %dma_wait3A_397 = tpu.memref_slice %arg8[%run_scoped3A, %dma_wait3A_395, %dma_wait3A_396] : memref<2x128x128xf32, #tpu.memory_space<vmem>> -> memref<1x128x128xf32, #tpu.memory_space<vmem>>
      %dma_wait3A_398 = tpu.memref_squeeze %dma_wait3A_397 : memref<1x128x128xf32, #tpu.memory_space<vmem>> -> memref<128x128xf32, #tpu.memory_space<vmem>>
      %dma_wait3A_399 = arith.constant 0 : i32
      %dma_wait3A_400 = tpu.memref_slice %arg9[%add3A_185, %dma_wait3A_399] : memref<10240x128xf32, #tpu.memory_space<vmem_shared>> -> memref<128x128xf32, #tpu.memory_space<vmem_shared>>
      tpu.wait_dma2 semaphore(%run_scoped3A_376 : memref<!tpu.dma_semaphore, #tpu.memory_space<semaphore_mem>>) src(%dma_wait3A_400 : memref<128x128xf32, #tpu.memory_space<vmem_shared>>) dst(%dma_wait3A_398 : memref<128x128xf32, #tpu.memory_space<vmem>>)
      tpu.yield
    }) : () -> ()
    %dma_start3A_186 = arith.constant 0 : i32
    %dma_start3A_187 = arith.constant 0 : i32
    %dma_start3A_188 = arith.constant 0 : i32
    %dma_start3A_189 = tpu.memref_slice %arg8[%dma_start3A_186, %dma_start3A_187, %dma_start3A_188] : memref<2x128x128xf32, #tpu.memory_space<vmem>> -> memref<1x128x128xf32, #tpu.memory_space<vmem>>
    %dma_start3A_190 = tpu.memref_squeeze %dma_start3A_189 : memref<1x128x128xf32, #tpu.memory_space<vmem>> -> memref<128x128xf32, #tpu.memory_space<vmem>>
    %dma_start3A_191 = arith.constant 0 : i32
    %dma_start3A_192 = tpu.memref_slice %arg5[%arg0, %add3A_185, %dma_start3A_191] : memref<2x10240x128xf32, #tpu.memory_space<hbm>> -> memref<1x128x128xf32, #tpu.memory_space<hbm>>
    %dma_start3A_193 = tpu.memref_squeeze %dma_start3A_192 : memref<1x128x128xf32, #tpu.memory_space<hbm>> -> memref<128x128xf32, #tpu.memory_space<hbm>>
    %dma_start3A_194 = arith.constant 0 : i32
    %dma_start3A_195 = tpu.memref_slice %arg5[%arg0, %add3A_185, %dma_start3A_194] : memref<2x10240x128xf32, #tpu.memory_space<hbm>> -> memref<1x128x128xf32, #tpu.memory_space<hbm>>
    %dma_start3A_196 = tpu.memref_squeeze %dma_start3A_195 : memref<1x128x128xf32, #tpu.memory_space<hbm>> -> memref<128x128xf32, #tpu.memory_space<hbm>>
    %dma_start3A_197 = arith.constant 0 : i32
    %dma_start3A_198 = arith.constant 0 : i32
    %dma_start3A_199 = tpu.memref_slice %arg8[%dma_start3A_186, %dma_start3A_197, %dma_start3A_198] : memref<2x128x128xf32, #tpu.memory_space<vmem>> -> memref<1x128x128xf32, #tpu.memory_space<vmem>>
    %dma_start3A_200 = tpu.memref_squeeze %dma_start3A_199 : memref<1x128x128xf32, #tpu.memory_space<vmem>> -> memref<128x128xf32, #tpu.memory_space<vmem>>
    tpu.enqueue_dma source(%dma_start3A_200 : memref<128x128xf32, #tpu.memory_space<vmem>>) target(%dma_start3A_196 : memref<128x128xf32, #tpu.memory_space<hbm>>) target_semaphore(%arg10 : memref<!tpu.dma_semaphore, #tpu.memory_space<semaphore_mem>>)
    %mul3A_201 = arith.constant 640 : i32
    %mul3A_202 = arith.muli %arg1, %mul3A_201 : i32
    %add3A_203 = arith.constant 128 : i32
    %add3A_204 = arith.addi %mul3A_202, %add3A_203 : i32
    %run_scoped3A_205 = arith.constant 1 : i32
    "tpu.region"() ({
      %run_scoped3A_376 = tpu.sem_alloc : memref<!tpu.dma_semaphore, #tpu.memory_space<semaphore_mem>>
      %dma_start3A_377 = arith.constant 0 : i32
      %dma_start3A_378 = arith.constant 0 : i32
      %dma_start3A_379 = tpu.memref_slice %arg8[%run_scoped3A_205, %dma_start3A_377, %dma_start3A_378] : memref<2x128x128xf32, #tpu.memory_space<vmem>> -> memref<1x128x128xf32, #tpu.memory_space<vmem>>
      %dma_start3A_380 = tpu.memref_squeeze %dma_start3A_379 : memref<1x128x128xf32, #tpu.memory_space<vmem>> -> memref<128x128xf32, #tpu.memory_space<vmem>>
      %dma_start3A_381 = arith.constant 0 : i32
      %dma_start3A_382 = tpu.memref_slice %arg9[%add3A_204, %dma_start3A_381] : memref<10240x128xf32, #tpu.memory_space<vmem_shared>> -> memref<128x128xf32, #tpu.memory_space<vmem_shared>>
      %dma_start3A_383 = arith.constant 0 : i32
      %dma_start3A_384 = arith.constant 0 : i32
      %dma_start3A_385 = tpu.memref_slice %arg8[%run_scoped3A_205, %dma_start3A_383, %dma_start3A_384] : memref<2x128x128xf32, #tpu.memory_space<vmem>> -> memref<1x128x128xf32, #tpu.memory_space<vmem>>
      %dma_start3A_386 = tpu.memref_squeeze %dma_start3A_385 : memref<1x128x128xf32, #tpu.memory_space<vmem>> -> memref<128x128xf32, #tpu.memory_space<vmem>>
      %dma_start3A_387 = arith.constant 0 : i32
      %dma_start3A_388 = tpu.memref_slice %arg9[%add3A_204, %dma_start3A_387] : memref<10240x128xf32, #tpu.memory_space<vmem_shared>> -> memref<128x128xf32, #tpu.memory_space<vmem_shared>>
      tpu.enqueue_dma source(%dma_start3A_388 : memref<128x128xf32, #tpu.memory_space<vmem_shared>>) target(%dma_start3A_386 : memref<128x128xf32, #tpu.memory_space<vmem>>) target_semaphore(%run_scoped3A_376 : memref<!tpu.dma_semaphore, #tpu.memory_space<semaphore_mem>>)
      %dma_wait3A_389 = arith.constant 0 : i32
      %dma_wait3A_390 = arith.constant 0 : i32
      %dma_wait3A_391 = tpu.memref_slice %arg8[%run_scoped3A_205, %dma_wait3A_389, %dma_wait3A_390] : memref<2x128x128xf32, #tpu.memory_space<vmem>> -> memref<1x128x128xf32, #tpu.memory_space<vmem>>
      %dma_wait3A_392 = tpu.memref_squeeze %dma_wait3A_391 : memref<1x128x128xf32, #tpu.memory_space<vmem>> -> memref<128x128xf32, #tpu.memory_space<vmem>>
      %dma_wait3A_393 = arith.constant 0 : i32
      %dma_wait3A_394 = tpu.memref_slice %arg9[%add3A_204, %dma_wait3A_393] : memref<10240x128xf32, #tpu.memory_space<vmem_shared>> -> memref<128x128xf32, #tpu.memory_space<vmem_shared>>
      %dma_wait3A_395 = arith.constant 0 : i32
      %dma_wait3A_396 = arith.constant 0 : i32
      %dma_wait3A_397 = tpu.memref_slice %arg8[%run_scoped3A_205, %dma_wait3A_395, %dma_wait3A_396] : memref<2x128x128xf32, #tpu.memory_space<vmem>> -> memref<1x128x128xf32, #tpu.memory_space<vmem>>
      %dma_wait3A_398 = tpu.memref_squeeze %dma_wait3A_397 : memref<1x128x128xf32, #tpu.memory_space<vmem>> -> memref<128x128xf32, #tpu.memory_space<vmem>>
      %dma_wait3A_399 = arith.constant 0 : i32
      %dma_wait3A_400 = tpu.memref_slice %arg9[%add3A_204, %dma_wait3A_399] : memref<10240x128xf32, #tpu.memory_space<vmem_shared>> -> memref<128x128xf32, #tpu.memory_space<vmem_shared>>
      tpu.wait_dma2 semaphore(%run_scoped3A_376 : memref<!tpu.dma_semaphore, #tpu.memory_space<semaphore_mem>>) src(%dma_wait3A_400 : memref<128x128xf32, #tpu.memory_space<vmem_shared>>) dst(%dma_wait3A_398 : memref<128x128xf32, #tpu.memory_space<vmem>>)
      tpu.yield
    }) : () -> ()
    %dma_start3A_206 = arith.constant 1 : i32
    %dma_start3A_207 = arith.constant 0 : i32
    %dma_start3A_208 = arith.constant 0 : i32
    %dma_start3A_209 = tpu.memref_slice %arg8[%dma_start3A_206, %dma_start3A_207, %dma_start3A_208] : memref<2x128x128xf32, #tpu.memory_space<vmem>> -> memref<1x128x128xf32, #tpu.memory_space<vmem>>
    %dma_start3A_210 = tpu.memref_squeeze %dma_start3A_209 : memref<1x128x128xf32, #tpu.memory_space<vmem>> -> memref<128x128xf32, #tpu.memory_space<vmem>>
    %dma_start3A_211 = arith.constant 0 : i32
    %dma_start3A_212 = tpu.memref_slice %arg5[%arg0, %add3A_204, %dma_start3A_211] : memref<2x10240x128xf32, #tpu.memory_space<hbm>> -> memref<1x128x128xf32, #tpu.memory_space<hbm>>
    %dma_start3A_213 = tpu.memref_squeeze %dma_start3A_212 : memref<1x128x128xf32, #tpu.memory_space<hbm>> -> memref<128x128xf32, #tpu.memory_space<hbm>>
    %dma_start3A_214 = arith.constant 0 : i32
    %dma_start3A_215 = tpu.memref_slice %arg5[%arg0, %add3A_204, %dma_start3A_214] : memref<2x10240x128xf32, #tpu.memory_space<hbm>> -> memref<1x128x128xf32, #tpu.memory_space<hbm>>
    %dma_start3A_216 = tpu.memref_squeeze %dma_start3A_215 : memref<1x128x128xf32, #tpu.memory_space<hbm>> -> memref<128x128xf32, #tpu.memory_space<hbm>>
    %dma_start3A_217 = arith.constant 0 : i32
    %dma_start3A_218 = arith.constant 0 : i32
    %dma_start3A_219 = tpu.memref_slice %arg8[%dma_start3A_206, %dma_start3A_217, %dma_start3A_218] : memref<2x128x128xf32, #tpu.memory_space<vmem>> -> memref<1x128x128xf32, #tpu.memory_space<vmem>>
    %dma_start3A_220 = tpu.memref_squeeze %dma_start3A_219 : memref<1x128x128xf32, #tpu.memory_space<vmem>> -> memref<128x128xf32, #tpu.memory_space<vmem>>
    tpu.enqueue_dma source(%dma_start3A_220 : memref<128x128xf32, #tpu.memory_space<vmem>>) target(%dma_start3A_216 : memref<128x128xf32, #tpu.memory_space<hbm>>) target_semaphore(%arg11 : memref<!tpu.dma_semaphore, #tpu.memory_space<semaphore_mem>>)
    %mul3A_221 = arith.constant 640 : i32
    %mul3A_222 = arith.muli %arg1, %mul3A_221 : i32
    %add3A_223 = arith.constant 256 : i32
    %add3A_224 = arith.addi %mul3A_222, %add3A_223 : i32
    %mul3A_225 = arith.constant 640 : i32
    %mul3A_226 = arith.muli %arg1, %mul3A_225 : i32
    %add3A_227 = arith.constant 0 : i32
    %add3A_228 = arith.addi %mul3A_226, %add3A_227 : i32
    %dma_wait3A_229 = arith.constant 0 : i32
    %dma_wait3A_230 = arith.constant 0 : i32
    %dma_wait3A_231 = arith.constant 0 : i32
    %dma_wait3A_232 = tpu.memref_slice %arg8[%dma_wait3A_229, %dma_wait3A_230, %dma_wait3A_231] : memref<2x128x128xf32, #tpu.memory_space<vmem>> -> memref<1x128x128xf32, #tpu.memory_space<vmem>>
    %dma_wait3A_233 = tpu.memref_squeeze %dma_wait3A_232 : memref<1x128x128xf32, #tpu.memory_space<vmem>> -> memref<128x128xf32, #tpu.memory_space<vmem>>
    %dma_wait3A_234 = arith.constant 0 : i32
    %dma_wait3A_235 = tpu.memref_slice %arg5[%arg0, %add3A_228, %dma_wait3A_234] : memref<2x10240x128xf32, #tpu.memory_space<hbm>> -> memref<1x128x128xf32, #tpu.memory_space<hbm>>
    %dma_wait3A_236 = tpu.memref_squeeze %dma_wait3A_235 : memref<1x128x128xf32, #tpu.memory_space<hbm>> -> memref<128x128xf32, #tpu.memory_space<hbm>>
    %dma_wait3A_237 = arith.constant 0 : i32
    %dma_wait3A_238 = tpu.memref_slice %arg5[%arg0, %add3A_228, %dma_wait3A_237] : memref<2x10240x128xf32, #tpu.memory_space<hbm>> -> memref<1x128x128xf32, #tpu.memory_space<hbm>>
    %dma_wait3A_239 = tpu.memref_squeeze %dma_wait3A_238 : memref<1x128x128xf32, #tpu.memory_space<hbm>> -> memref<128x128xf32, #tpu.memory_space<hbm>>
    %dma_wait3A_240 = arith.constant 0 : i32
    %dma_wait3A_241 = arith.constant 0 : i32
    %dma_wait3A_242 = tpu.memref_slice %arg8[%dma_wait3A_229, %dma_wait3A_240, %dma_wait3A_241] : memref<2x128x128xf32, #tpu.memory_space<vmem>> -> memref<1x128x128xf32, #tpu.memory_space<vmem>>
    %dma_wait3A_243 = tpu.memref_squeeze %dma_wait3A_242 : memref<1x128x128xf32, #tpu.memory_space<vmem>> -> memref<128x128xf32, #tpu.memory_space<vmem>>
    tpu.wait_dma2 semaphore(%arg10 : memref<!tpu.dma_semaphore, #tpu.memory_space<semaphore_mem>>) src(%dma_wait3A_243 : memref<128x128xf32, #tpu.memory_space<vmem>>) dst(%dma_wait3A_239 : memref<128x128xf32, #tpu.memory_space<hbm>>)
    %run_scoped3A_244 = arith.constant 0 : i32
    "tpu.region"() ({
      %run_scoped3A_376 = tpu.sem_alloc : memref<!tpu.dma_semaphore, #tpu.memory_space<semaphore_mem>>
      %dma_start3A_377 = arith.constant 0 : i32
      %dma_start3A_378 = arith.constant 0 : i32
      %dma_start3A_379 = tpu.memref_slice %arg8[%run_scoped3A_244, %dma_start3A_377, %dma_start3A_378] : memref<2x128x128xf32, #tpu.memory_space<vmem>> -> memref<1x128x128xf32, #tpu.memory_space<vmem>>
      %dma_start3A_380 = tpu.memref_squeeze %dma_start3A_379 : memref<1x128x128xf32, #tpu.memory_space<vmem>> -> memref<128x128xf32, #tpu.memory_space<vmem>>
      %dma_start3A_381 = arith.constant 0 : i32
      %dma_start3A_382 = tpu.memref_slice %arg9[%add3A_224, %dma_start3A_381] : memref<10240x128xf32, #tpu.memory_space<vmem_shared>> -> memref<128x128xf32, #tpu.memory_space<vmem_shared>>
      %dma_start3A_383 = arith.constant 0 : i32
      %dma_start3A_384 = arith.constant 0 : i32
      %dma_start3A_385 = tpu.memref_slice %arg8[%run_scoped3A_244, %dma_start3A_383, %dma_start3A_384] : memref<2x128x128xf32, #tpu.memory_space<vmem>> -> memref<1x128x128xf32, #tpu.memory_space<vmem>>
      %dma_start3A_386 = tpu.memref_squeeze %dma_start3A_385 : memref<1x128x128xf32, #tpu.memory_space<vmem>> -> memref<128x128xf32, #tpu.memory_space<vmem>>
      %dma_start3A_387 = arith.constant 0 : i32
      %dma_start3A_388 = tpu.memref_slice %arg9[%add3A_224, %dma_start3A_387] : memref<10240x128xf32, #tpu.memory_space<vmem_shared>> -> memref<128x128xf32, #tpu.memory_space<vmem_shared>>
      tpu.enqueue_dma source(%dma_start3A_388 : memref<128x128xf32, #tpu.memory_space<vmem_shared>>) target(%dma_start3A_386 : memref<128x128xf32, #tpu.memory_space<vmem>>) target_semaphore(%run_scoped3A_376 : memref<!tpu.dma_semaphore, #tpu.memory_space<semaphore_mem>>)
      %dma_wait3A_389 = arith.constant 0 : i32
      %dma_wait3A_390 = arith.constant 0 : i32
      %dma_wait3A_391 = tpu.memref_slice %arg8[%run_scoped3A_244, %dma_wait3A_389, %dma_wait3A_390] : memref<2x128x128xf32, #tpu.memory_space<vmem>> -> memref<1x128x128xf32, #tpu.memory_space<vmem>>
      %dma_wait3A_392 = tpu.memref_squeeze %dma_wait3A_391 : memref<1x128x128xf32, #tpu.memory_space<vmem>> -> memref<128x128xf32, #tpu.memory_space<vmem>>
      %dma_wait3A_393 = arith.constant 0 : i32
      %dma_wait3A_394 = tpu.memref_slice %arg9[%add3A_224, %dma_wait3A_393] : memref<10240x128xf32, #tpu.memory_space<vmem_shared>> -> memref<128x128xf32, #tpu.memory_space<vmem_shared>>
      %dma_wait3A_395 = arith.constant 0 : i32
      %dma_wait3A_396 = arith.constant 0 : i32
      %dma_wait3A_397 = tpu.memref_slice %arg8[%run_scoped3A_244, %dma_wait3A_395, %dma_wait3A_396] : memref<2x128x128xf32, #tpu.memory_space<vmem>> -> memref<1x128x128xf32, #tpu.memory_space<vmem>>
      %dma_wait3A_398 = tpu.memref_squeeze %dma_wait3A_397 : memref<1x128x128xf32, #tpu.memory_space<vmem>> -> memref<128x128xf32, #tpu.memory_space<vmem>>
      %dma_wait3A_399 = arith.constant 0 : i32
      %dma_wait3A_400 = tpu.memref_slice %arg9[%add3A_224, %dma_wait3A_399] : memref<10240x128xf32, #tpu.memory_space<vmem_shared>> -> memref<128x128xf32, #tpu.memory_space<vmem_shared>>
      tpu.wait_dma2 semaphore(%run_scoped3A_376 : memref<!tpu.dma_semaphore, #tpu.memory_space<semaphore_mem>>) src(%dma_wait3A_400 : memref<128x128xf32, #tpu.memory_space<vmem_shared>>) dst(%dma_wait3A_398 : memref<128x128xf32, #tpu.memory_space<vmem>>)
      tpu.yield
    }) : () -> ()
    %dma_start3A_245 = arith.constant 0 : i32
    %dma_start3A_246 = arith.constant 0 : i32
    %dma_start3A_247 = arith.constant 0 : i32
    %dma_start3A_248 = tpu.memref_slice %arg8[%dma_start3A_245, %dma_start3A_246, %dma_start3A_247] : memref<2x128x128xf32, #tpu.memory_space<vmem>> -> memref<1x128x128xf32, #tpu.memory_space<vmem>>
    %dma_start3A_249 = tpu.memref_squeeze %dma_start3A_248 : memref<1x128x128xf32, #tpu.memory_space<vmem>> -> memref<128x128xf32, #tpu.memory_space<vmem>>
    %dma_start3A_250 = arith.constant 0 : i32
    %dma_start3A_251 = tpu.memref_slice %arg5[%arg0, %add3A_224, %dma_start3A_250] : memref<2x10240x128xf32, #tpu.memory_space<hbm>> -> memref<1x128x128xf32, #tpu.memory_space<hbm>>
    %dma_start3A_252 = tpu.memref_squeeze %dma_start3A_251 : memref<1x128x128xf32, #tpu.memory_space<hbm>> -> memref<128x128xf32, #tpu.memory_space<hbm>>
    %dma_start3A_253 = arith.constant 0 : i32
    %dma_start3A_254 = tpu.memref_slice %arg5[%arg0, %add3A_224, %dma_start3A_253] : memref<2x10240x128xf32, #tpu.memory_space<hbm>> -> memref<1x128x128xf32, #tpu.memory_space<hbm>>
    %dma_start3A_255 = tpu.memref_squeeze %dma_start3A_254 : memref<1x128x128xf32, #tpu.memory_space<hbm>> -> memref<128x128xf32, #tpu.memory_space<hbm>>
    %dma_start3A_256 = arith.constant 0 : i32
    %dma_start3A_257 = arith.constant 0 : i32
    %dma_start3A_258 = tpu.memref_slice %arg8[%dma_start3A_245, %dma_start3A_256, %dma_start3A_257] : memref<2x128x128xf32, #tpu.memory_space<vmem>> -> memref<1x128x128xf32, #tpu.memory_space<vmem>>
    %dma_start3A_259 = tpu.memref_squeeze %dma_start3A_258 : memref<1x128x128xf32, #tpu.memory_space<vmem>> -> memref<128x128xf32, #tpu.memory_space<vmem>>
    tpu.enqueue_dma source(%dma_start3A_259 : memref<128x128xf32, #tpu.memory_space<vmem>>) target(%dma_start3A_255 : memref<128x128xf32, #tpu.memory_space<hbm>>) target_semaphore(%arg10 : memref<!tpu.dma_semaphore, #tpu.memory_space<semaphore_mem>>)
    %mul3A_260 = arith.constant 640 : i32
    %mul3A_261 = arith.muli %arg1, %mul3A_260 : i32
    %add3A_262 = arith.constant 384 : i32
    %add3A_263 = arith.addi %mul3A_261, %add3A_262 : i32
    %mul3A_264 = arith.constant 640 : i32
    %mul3A_265 = arith.muli %arg1, %mul3A_264 : i32
    %add3A_266 = arith.constant 128 : i32
    %add3A_267 = arith.addi %mul3A_265, %add3A_266 : i32
    %dma_wait3A_268 = arith.constant 1 : i32
    %dma_wait3A_269 = arith.constant 0 : i32
    %dma_wait3A_270 = arith.constant 0 : i32
    %dma_wait3A_271 = tpu.memref_slice %arg8[%dma_wait3A_268, %dma_wait3A_269, %dma_wait3A_270] : memref<2x128x128xf32, #tpu.memory_space<vmem>> -> memref<1x128x128xf32, #tpu.memory_space<vmem>>
    %dma_wait3A_272 = tpu.memref_squeeze %dma_wait3A_271 : memref<1x128x128xf32, #tpu.memory_space<vmem>> -> memref<128x128xf32, #tpu.memory_space<vmem>>
    %dma_wait3A_273 = arith.constant 0 : i32
    %dma_wait3A_274 = tpu.memref_slice %arg5[%arg0, %add3A_267, %dma_wait3A_273] : memref<2x10240x128xf32, #tpu.memory_space<hbm>> -> memref<1x128x128xf32, #tpu.memory_space<hbm>>
    %dma_wait3A_275 = tpu.memref_squeeze %dma_wait3A_274 : memref<1x128x128xf32, #tpu.memory_space<hbm>> -> memref<128x128xf32, #tpu.memory_space<hbm>>
    %dma_wait3A_276 = arith.constant 0 : i32
    %dma_wait3A_277 = tpu.memref_slice %arg5[%arg0, %add3A_267, %dma_wait3A_276] : memref<2x10240x128xf32, #tpu.memory_space<hbm>> -> memref<1x128x128xf32, #tpu.memory_space<hbm>>
    %dma_wait3A_278 = tpu.memref_squeeze %dma_wait3A_277 : memref<1x128x128xf32, #tpu.memory_space<hbm>> -> memref<128x128xf32, #tpu.memory_space<hbm>>
    %dma_wait3A_279 = arith.constant 0 : i32
    %dma_wait3A_280 = arith.constant 0 : i32
    %dma_wait3A_281 = tpu.memref_slice %arg8[%dma_wait3A_268, %dma_wait3A_279, %dma_wait3A_280] : memref<2x128x128xf32, #tpu.memory_space<vmem>> -> memref<1x128x128xf32, #tpu.memory_space<vmem>>
    %dma_wait3A_282 = tpu.memref_squeeze %dma_wait3A_281 : memref<1x128x128xf32, #tpu.memory_space<vmem>> -> memref<128x128xf32, #tpu.memory_space<vmem>>
    tpu.wait_dma2 semaphore(%arg11 : memref<!tpu.dma_semaphore, #tpu.memory_space<semaphore_mem>>) src(%dma_wait3A_282 : memref<128x128xf32, #tpu.memory_space<vmem>>) dst(%dma_wait3A_278 : memref<128x128xf32, #tpu.memory_space<hbm>>)
    %run_scoped3A_283 = arith.constant 1 : i32
    "tpu.region"() ({
      %run_scoped3A_376 = tpu.sem_alloc : memref<!tpu.dma_semaphore, #tpu.memory_space<semaphore_mem>>
      %dma_start3A_377 = arith.constant 0 : i32
      %dma_start3A_378 = arith.constant 0 : i32
      %dma_start3A_379 = tpu.memref_slice %arg8[%run_scoped3A_283, %dma_start3A_377, %dma_start3A_378] : memref<2x128x128xf32, #tpu.memory_space<vmem>> -> memref<1x128x128xf32, #tpu.memory_space<vmem>>
      %dma_start3A_380 = tpu.memref_squeeze %dma_start3A_379 : memref<1x128x128xf32, #tpu.memory_space<vmem>> -> memref<128x128xf32, #tpu.memory_space<vmem>>
      %dma_start3A_381 = arith.constant 0 : i32
      %dma_start3A_382 = tpu.memref_slice %arg9[%add3A_263, %dma_start3A_381] : memref<10240x128xf32, #tpu.memory_space<vmem_shared>> -> memref<128x128xf32, #tpu.memory_space<vmem_shared>>
      %dma_start3A_383 = arith.constant 0 : i32
      %dma_start3A_384 = arith.constant 0 : i32
      %dma_start3A_385 = tpu.memref_slice %arg8[%run_scoped3A_283, %dma_start3A_383, %dma_start3A_384] : memref<2x128x128xf32, #tpu.memory_space<vmem>> -> memref<1x128x128xf32, #tpu.memory_space<vmem>>
      %dma_start3A_386 = tpu.memref_squeeze %dma_start3A_385 : memref<1x128x128xf32, #tpu.memory_space<vmem>> -> memref<128x128xf32, #tpu.memory_space<vmem>>
      %dma_start3A_387 = arith.constant 0 : i32
      %dma_start3A_388 = tpu.memref_slice %arg9[%add3A_263, %dma_start3A_387] : memref<10240x128xf32, #tpu.memory_space<vmem_shared>> -> memref<128x128xf32, #tpu.memory_space<vmem_shared>>
      tpu.enqueue_dma source(%dma_start3A_388 : memref<128x128xf32, #tpu.memory_space<vmem_shared>>) target(%dma_start3A_386 : memref<128x128xf32, #tpu.memory_space<vmem>>) target_semaphore(%run_scoped3A_376 : memref<!tpu.dma_semaphore, #tpu.memory_space<semaphore_mem>>)
      %dma_wait3A_389 = arith.constant 0 : i32
      %dma_wait3A_390 = arith.constant 0 : i32
      %dma_wait3A_391 = tpu.memref_slice %arg8[%run_scoped3A_283, %dma_wait3A_389, %dma_wait3A_390] : memref<2x128x128xf32, #tpu.memory_space<vmem>> -> memref<1x128x128xf32, #tpu.memory_space<vmem>>
      %dma_wait3A_392 = tpu.memref_squeeze %dma_wait3A_391 : memref<1x128x128xf32, #tpu.memory_space<vmem>> -> memref<128x128xf32, #tpu.memory_space<vmem>>
      %dma_wait3A_393 = arith.constant 0 : i32
      %dma_wait3A_394 = tpu.memref_slice %arg9[%add3A_263, %dma_wait3A_393] : memref<10240x128xf32, #tpu.memory_space<vmem_shared>> -> memref<128x128xf32, #tpu.memory_space<vmem_shared>>
      %dma_wait3A_395 = arith.constant 0 : i32
      %dma_wait3A_396 = arith.constant 0 : i32
      %dma_wait3A_397 = tpu.memref_slice %arg8[%run_scoped3A_283, %dma_wait3A_395, %dma_wait3A_396] : memref<2x128x128xf32, #tpu.memory_space<vmem>> -> memref<1x128x128xf32, #tpu.memory_space<vmem>>
      %dma_wait3A_398 = tpu.memref_squeeze %dma_wait3A_397 : memref<1x128x128xf32, #tpu.memory_space<vmem>> -> memref<128x128xf32, #tpu.memory_space<vmem>>
      %dma_wait3A_399 = arith.constant 0 : i32
      %dma_wait3A_400 = tpu.memref_slice %arg9[%add3A_263, %dma_wait3A_399] : memref<10240x128xf32, #tpu.memory_space<vmem_shared>> -> memref<128x128xf32, #tpu.memory_space<vmem_shared>>
      tpu.wait_dma2 semaphore(%run_scoped3A_376 : memref<!tpu.dma_semaphore, #tpu.memory_space<semaphore_mem>>) src(%dma_wait3A_400 : memref<128x128xf32, #tpu.memory_space<vmem_shared>>) dst(%dma_wait3A_398 : memref<128x128xf32, #tpu.memory_space<vmem>>)
      tpu.yield
    }) : () -> ()
    %dma_start3A_284 = arith.constant 1 : i32
    %dma_start3A_285 = arith.constant 0 : i32
    %dma_start3A_286 = arith.constant 0 : i32
    %dma_start3A_287 = tpu.memref_slice %arg8[%dma_start3A_284, %dma_start3A_285, %dma_start3A_286] : memref<2x128x128xf32, #tpu.memory_space<vmem>> -> memref<1x128x128xf32, #tpu.memory_space<vmem>>
    %dma_start3A_288 = tpu.memref_squeeze %dma_start3A_287 : memref<1x128x128xf32, #tpu.memory_space<vmem>> -> memref<128x128xf32, #tpu.memory_space<vmem>>
    %dma_start3A_289 = arith.constant 0 : i32
    %dma_start3A_290 = tpu.memref_slice %arg5[%arg0, %add3A_263, %dma_start3A_289] : memref<2x10240x128xf32, #tpu.memory_space<hbm>> -> memref<1x128x128xf32, #tpu.memory_space<hbm>>
    %dma_start3A_291 = tpu.memref_squeeze %dma_start3A_290 : memref<1x128x128xf32, #tpu.memory_space<hbm>> -> memref<128x128xf32, #tpu.memory_space<hbm>>
    %dma_start3A_292 = arith.constant 0 : i32
    %dma_start3A_293 = tpu.memref_slice %arg5[%arg0, %add3A_263, %dma_start3A_292] : memref<2x10240x128xf32, #tpu.memory_space<hbm>> -> memref<1x128x128xf32, #tpu.memory_space<hbm>>
    %dma_start3A_294 = tpu.memref_squeeze %dma_start3A_293 : memref<1x128x128xf32, #tpu.memory_space<hbm>> -> memref<128x128xf32, #tpu.memory_space<hbm>>
    %dma_start3A_295 = arith.constant 0 : i32
    %dma_start3A_296 = arith.constant 0 : i32
    %dma_start3A_297 = tpu.memref_slice %arg8[%dma_start3A_284, %dma_start3A_295, %dma_start3A_296] : memref<2x128x128xf32, #tpu.memory_space<vmem>> -> memref<1x128x128xf32, #tpu.memory_space<vmem>>
    %dma_start3A_298 = tpu.memref_squeeze %dma_start3A_297 : memref<1x128x128xf32, #tpu.memory_space<vmem>> -> memref<128x128xf32, #tpu.memory_space<vmem>>
    tpu.enqueue_dma source(%dma_start3A_298 : memref<128x128xf32, #tpu.memory_space<vmem>>) target(%dma_start3A_294 : memref<128x128xf32, #tpu.memory_space<hbm>>) target_semaphore(%arg11 : memref<!tpu.dma_semaphore, #tpu.memory_space<semaphore_mem>>)
    %mul3A_299 = arith.constant 640 : i32
    %mul3A_300 = arith.muli %arg1, %mul3A_299 : i32
    %add3A_301 = arith.constant 512 : i32
    %add3A_302 = arith.addi %mul3A_300, %add3A_301 : i32
    %mul3A_303 = arith.constant 640 : i32
    %mul3A_304 = arith.muli %arg1, %mul3A_303 : i32
    %add3A_305 = arith.constant 256 : i32
    %add3A_306 = arith.addi %mul3A_304, %add3A_305 : i32
    %dma_wait3A_307 = arith.constant 0 : i32
    %dma_wait3A_308 = arith.constant 0 : i32
    %dma_wait3A_309 = arith.constant 0 : i32
    %dma_wait3A_310 = tpu.memref_slice %arg8[%dma_wait3A_307, %dma_wait3A_308, %dma_wait3A_309] : memref<2x128x128xf32, #tpu.memory_space<vmem>> -> memref<1x128x128xf32, #tpu.memory_space<vmem>>
    %dma_wait3A_311 = tpu.memref_squeeze %dma_wait3A_310 : memref<1x128x128xf32, #tpu.memory_space<vmem>> -> memref<128x128xf32, #tpu.memory_space<vmem>>
    %dma_wait3A_312 = arith.constant 0 : i32
    %dma_wait3A_313 = tpu.memref_slice %arg5[%arg0, %add3A_306, %dma_wait3A_312] : memref<2x10240x128xf32, #tpu.memory_space<hbm>> -> memref<1x128x128xf32, #tpu.memory_space<hbm>>
    %dma_wait3A_314 = tpu.memref_squeeze %dma_wait3A_313 : memref<1x128x128xf32, #tpu.memory_space<hbm>> -> memref<128x128xf32, #tpu.memory_space<hbm>>
    %dma_wait3A_315 = arith.constant 0 : i32
    %dma_wait3A_316 = tpu.memref_slice %arg5[%arg0, %add3A_306, %dma_wait3A_315] : memref<2x10240x128xf32, #tpu.memory_space<hbm>> -> memref<1x128x128xf32, #tpu.memory_space<hbm>>
    %dma_wait3A_317 = tpu.memref_squeeze %dma_wait3A_316 : memref<1x128x128xf32, #tpu.memory_space<hbm>> -> memref<128x128xf32, #tpu.memory_space<hbm>>
    %dma_wait3A_318 = arith.constant 0 : i32
    %dma_wait3A_319 = arith.constant 0 : i32
    %dma_wait3A_320 = tpu.memref_slice %arg8[%dma_wait3A_307, %dma_wait3A_318, %dma_wait3A_319] : memref<2x128x128xf32, #tpu.memory_space<vmem>> -> memref<1x128x128xf32, #tpu.memory_space<vmem>>
    %dma_wait3A_321 = tpu.memref_squeeze %dma_wait3A_320 : memref<1x128x128xf32, #tpu.memory_space<vmem>> -> memref<128x128xf32, #tpu.memory_space<vmem>>
    tpu.wait_dma2 semaphore(%arg10 : memref<!tpu.dma_semaphore, #tpu.memory_space<semaphore_mem>>) src(%dma_wait3A_321 : memref<128x128xf32, #tpu.memory_space<vmem>>) dst(%dma_wait3A_317 : memref<128x128xf32, #tpu.memory_space<hbm>>)
    %run_scoped3A_322 = arith.constant 0 : i32
    "tpu.region"() ({
      %run_scoped3A_376 = tpu.sem_alloc : memref<!tpu.dma_semaphore, #tpu.memory_space<semaphore_mem>>
      %dma_start3A_377 = arith.constant 0 : i32
      %dma_start3A_378 = arith.constant 0 : i32
      %dma_start3A_379 = tpu.memref_slice %arg8[%run_scoped3A_322, %dma_start3A_377, %dma_start3A_378] : memref<2x128x128xf32, #tpu.memory_space<vmem>> -> memref<1x128x128xf32, #tpu.memory_space<vmem>>
      %dma_start3A_380 = tpu.memref_squeeze %dma_start3A_379 : memref<1x128x128xf32, #tpu.memory_space<vmem>> -> memref<128x128xf32, #tpu.memory_space<vmem>>
      %dma_start3A_381 = arith.constant 0 : i32
      %dma_start3A_382 = tpu.memref_slice %arg9[%add3A_302, %dma_start3A_381] : memref<10240x128xf32, #tpu.memory_space<vmem_shared>> -> memref<128x128xf32, #tpu.memory_space<vmem_shared>>
      %dma_start3A_383 = arith.constant 0 : i32
      %dma_start3A_384 = arith.constant 0 : i32
      %dma_start3A_385 = tpu.memref_slice %arg8[%run_scoped3A_322, %dma_start3A_383, %dma_start3A_384] : memref<2x128x128xf32, #tpu.memory_space<vmem>> -> memref<1x128x128xf32, #tpu.memory_space<vmem>>
      %dma_start3A_386 = tpu.memref_squeeze %dma_start3A_385 : memref<1x128x128xf32, #tpu.memory_space<vmem>> -> memref<128x128xf32, #tpu.memory_space<vmem>>
      %dma_start3A_387 = arith.constant 0 : i32
      %dma_start3A_388 = tpu.memref_slice %arg9[%add3A_302, %dma_start3A_387] : memref<10240x128xf32, #tpu.memory_space<vmem_shared>> -> memref<128x128xf32, #tpu.memory_space<vmem_shared>>
      tpu.enqueue_dma source(%dma_start3A_388 : memref<128x128xf32, #tpu.memory_space<vmem_shared>>) target(%dma_start3A_386 : memref<128x128xf32, #tpu.memory_space<vmem>>) target_semaphore(%run_scoped3A_376 : memref<!tpu.dma_semaphore, #tpu.memory_space<semaphore_mem>>)
      %dma_wait3A_389 = arith.constant 0 : i32
      %dma_wait3A_390 = arith.constant 0 : i32
      %dma_wait3A_391 = tpu.memref_slice %arg8[%run_scoped3A_322, %dma_wait3A_389, %dma_wait3A_390] : memref<2x128x128xf32, #tpu.memory_space<vmem>> -> memref<1x128x128xf32, #tpu.memory_space<vmem>>
      %dma_wait3A_392 = tpu.memref_squeeze %dma_wait3A_391 : memref<1x128x128xf32, #tpu.memory_space<vmem>> -> memref<128x128xf32, #tpu.memory_space<vmem>>
      %dma_wait3A_393 = arith.constant 0 : i32
      %dma_wait3A_394 = tpu.memref_slice %arg9[%add3A_302, %dma_wait3A_393] : memref<10240x128xf32, #tpu.memory_space<vmem_shared>> -> memref<128x128xf32, #tpu.memory_space<vmem_shared>>
      %dma_wait3A_395 = arith.constant 0 : i32
      %dma_wait3A_396 = arith.constant 0 : i32
      %dma_wait3A_397 = tpu.memref_slice %arg8[%run_scoped3A_322, %dma_wait3A_395, %dma_wait3A_396] : memref<2x128x128xf32, #tpu.memory_space<vmem>> -> memref<1x128x128xf32, #tpu.memory_space<vmem>>
      %dma_wait3A_398 = tpu.memref_squeeze %dma_wait3A_397 : memref<1x128x128xf32, #tpu.memory_space<vmem>> -> memref<128x128xf32, #tpu.memory_space<vmem>>
      %dma_wait3A_399 = arith.constant 0 : i32
      %dma_wait3A_400 = tpu.memref_slice %arg9[%add3A_302, %dma_wait3A_399] : memref<10240x128xf32, #tpu.memory_space<vmem_shared>> -> memref<128x128xf32, #tpu.memory_space<vmem_shared>>
      tpu.wait_dma2 semaphore(%run_scoped3A_376 : memref<!tpu.dma_semaphore, #tpu.memory_space<semaphore_mem>>) src(%dma_wait3A_400 : memref<128x128xf32, #tpu.memory_space<vmem_shared>>) dst(%dma_wait3A_398 : memref<128x128xf32, #tpu.memory_space<vmem>>)
      tpu.yield
    }) : () -> ()
    %dma_start3A_323 = arith.constant 0 : i32
    %dma_start3A_324 = arith.constant 0 : i32
    %dma_start3A_325 = arith.constant 0 : i32
    %dma_start3A_326 = tpu.memref_slice %arg8[%dma_start3A_323, %dma_start3A_324, %dma_start3A_325] : memref<2x128x128xf32, #tpu.memory_space<vmem>> -> memref<1x128x128xf32, #tpu.memory_space<vmem>>
    %dma_start3A_327 = tpu.memref_squeeze %dma_start3A_326 : memref<1x128x128xf32, #tpu.memory_space<vmem>> -> memref<128x128xf32, #tpu.memory_space<vmem>>
    %dma_start3A_328 = arith.constant 0 : i32
    %dma_start3A_329 = tpu.memref_slice %arg5[%arg0, %add3A_302, %dma_start3A_328] : memref<2x10240x128xf32, #tpu.memory_space<hbm>> -> memref<1x128x128xf32, #tpu.memory_space<hbm>>
    %dma_start3A_330 = tpu.memref_squeeze %dma_start3A_329 : memref<1x128x128xf32, #tpu.memory_space<hbm>> -> memref<128x128xf32, #tpu.memory_space<hbm>>
    %dma_start3A_331 = arith.constant 0 : i32
    %dma_start3A_332 = tpu.memref_slice %arg5[%arg0, %add3A_302, %dma_start3A_331] : memref<2x10240x128xf32, #tpu.memory_space<hbm>> -> memref<1x128x128xf32, #tpu.memory_space<hbm>>
    %dma_start3A_333 = tpu.memref_squeeze %dma_start3A_332 : memref<1x128x128xf32, #tpu.memory_space<hbm>> -> memref<128x128xf32, #tpu.memory_space<hbm>>
    %dma_start3A_334 = arith.constant 0 : i32
    %dma_start3A_335 = arith.constant 0 : i32
    %dma_start3A_336 = tpu.memref_slice %arg8[%dma_start3A_323, %dma_start3A_334, %dma_start3A_335] : memref<2x128x128xf32, #tpu.memory_space<vmem>> -> memref<1x128x128xf32, #tpu.memory_space<vmem>>
    %dma_start3A_337 = tpu.memref_squeeze %dma_start3A_336 : memref<1x128x128xf32, #tpu.memory_space<vmem>> -> memref<128x128xf32, #tpu.memory_space<vmem>>
    tpu.enqueue_dma source(%dma_start3A_337 : memref<128x128xf32, #tpu.memory_space<vmem>>) target(%dma_start3A_333 : memref<128x128xf32, #tpu.memory_space<hbm>>) target_semaphore(%arg10 : memref<!tpu.dma_semaphore, #tpu.memory_space<semaphore_mem>>)
    %mul3A_338 = arith.constant 640 : i32
    %mul3A_339 = arith.muli %arg1, %mul3A_338 : i32
    %add3A_340 = arith.constant 384 : i32
    %add3A_341 = arith.addi %mul3A_339, %add3A_340 : i32
    %dma_wait3A_342 = arith.constant 1 : i32
    %dma_wait3A_343 = arith.constant 0 : i32
    %dma_wait3A_344 = arith.constant 0 : i32
    %dma_wait3A_345 = tpu.memref_slice %arg8[%dma_wait3A_342, %dma_wait3A_343, %dma_wait3A_344] : memref<2x128x128xf32, #tpu.memory_space<vmem>> -> memref<1x128x128xf32, #tpu.memory_space<vmem>>
    %dma_wait3A_346 = tpu.memref_squeeze %dma_wait3A_345 : memref<1x128x128xf32, #tpu.memory_space<vmem>> -> memref<128x128xf32, #tpu.memory_space<vmem>>
    %dma_wait3A_347 = arith.constant 0 : i32
    %dma_wait3A_348 = tpu.memref_slice %arg5[%arg0, %add3A_341, %dma_wait3A_347] : memref<2x10240x128xf32, #tpu.memory_space<hbm>> -> memref<1x128x128xf32, #tpu.memory_space<hbm>>
    %dma_wait3A_349 = tpu.memref_squeeze %dma_wait3A_348 : memref<1x128x128xf32, #tpu.memory_space<hbm>> -> memref<128x128xf32, #tpu.memory_space<hbm>>
    %dma_wait3A_350 = arith.constant 0 : i32
    %dma_wait3A_351 = tpu.memref_slice %arg5[%arg0, %add3A_341, %dma_wait3A_350] : memref<2x10240x128xf32, #tpu.memory_space<hbm>> -> memref<1x128x128xf32, #tpu.memory_space<hbm>>
    %dma_wait3A_352 = tpu.memref_squeeze %dma_wait3A_351 : memref<1x128x128xf32, #tpu.memory_space<hbm>> -> memref<128x128xf32, #tpu.memory_space<hbm>>
    %dma_wait3A_353 = arith.constant 0 : i32
    %dma_wait3A_354 = arith.constant 0 : i32
    %dma_wait3A_355 = tpu.memref_slice %arg8[%dma_wait3A_342, %dma_wait3A_353, %dma_wait3A_354] : memref<2x128x128xf32, #tpu.memory_space<vmem>> -> memref<1x128x128xf32, #tpu.memory_space<vmem>>
    %dma_wait3A_356 = tpu.memref_squeeze %dma_wait3A_355 : memref<1x128x128xf32, #tpu.memory_space<vmem>> -> memref<128x128xf32, #tpu.memory_space<vmem>>
    tpu.wait_dma2 semaphore(%arg11 : memref<!tpu.dma_semaphore, #tpu.memory_space<semaphore_mem>>) src(%dma_wait3A_356 : memref<128x128xf32, #tpu.memory_space<vmem>>) dst(%dma_wait3A_352 : memref<128x128xf32, #tpu.memory_space<hbm>>)
    %mul3A_357 = arith.constant 640 : i32
    %mul3A_358 = arith.muli %arg1, %mul3A_357 : i32
    %add3A_359 = arith.constant 512 : i32
    %add3A_360 = arith.addi %mul3A_358, %add3A_359 : i32
    %dma_wait3A_361 = arith.constant 0 : i32
    %dma_wait3A_362 = arith.constant 0 : i32
    %dma_wait3A_363 = arith.constant 0 : i32
    %dma_wait3A_364 = tpu.memref_slice %arg8[%dma_wait3A_361, %dma_wait3A_362, %dma_wait3A_363] : memref<2x128x128xf32, #tpu.memory_space<vmem>> -> memref<1x128x128xf32, #tpu.memory_space<vmem>>
    %dma_wait3A_365 = tpu.memref_squeeze %dma_wait3A_364 : memref<1x128x128xf32, #tpu.memory_space<vmem>> -> memref<128x128xf32, #tpu.memory_space<vmem>>
    %dma_wait3A_366 = arith.constant 0 : i32
    %dma_wait3A_367 = tpu.memref_slice %arg5[%arg0, %add3A_360, %dma_wait3A_366] : memref<2x10240x128xf32, #tpu.memory_space<hbm>> -> memref<1x128x128xf32, #tpu.memory_space<hbm>>
    %dma_wait3A_368 = tpu.memref_squeeze %dma_wait3A_367 : memref<1x128x128xf32, #tpu.memory_space<hbm>> -> memref<128x128xf32, #tpu.memory_space<hbm>>
    %dma_wait3A_369 = arith.constant 0 : i32
    %dma_wait3A_370 = tpu.memref_slice %arg5[%arg0, %add3A_360, %dma_wait3A_369] : memref<2x10240x128xf32, #tpu.memory_space<hbm>> -> memref<1x128x128xf32, #tpu.memory_space<hbm>>
    %dma_wait3A_371 = tpu.memref_squeeze %dma_wait3A_370 : memref<1x128x128xf32, #tpu.memory_space<hbm>> -> memref<128x128xf32, #tpu.memory_space<hbm>>
    %dma_wait3A_372 = arith.constant 0 : i32
    %dma_wait3A_373 = arith.constant 0 : i32
    %dma_wait3A_374 = tpu.memref_slice %arg8[%dma_wait3A_361, %dma_wait3A_372, %dma_wait3A_373] : memref<2x128x128xf32, #tpu.memory_space<vmem>> -> memref<1x128x128xf32, #tpu.memory_space<vmem>>
    %dma_wait3A_375 = tpu.memref_squeeze %dma_wait3A_374 : memref<1x128x128xf32, #tpu.memory_space<vmem>> -> memref<128x128xf32, #tpu.memory_space<vmem>>
    tpu.wait_dma2 semaphore(%arg10 : memref<!tpu.dma_semaphore, #tpu.memory_space<semaphore_mem>>) src(%dma_wait3A_375 : memref<128x128xf32, #tpu.memory_space<vmem>>) dst(%dma_wait3A_371 : memref<128x128xf32, #tpu.memory_space<hbm>>)
    return
  }
}

#map = affine_map<(d0, d1) -> (0, 0)>
#map1 = affine_map<(d0, d1) -> (0, 0, 0)>
module attributes {stable_mosaic.version = 14 : i64} {
  func.func @_seg_body(%arg0: i32, %arg1: i32, %arg2: memref<10000x128xf32, #tpu.memory_space<hbm>>, %arg3: memref<32x80x128xi32, #tpu.memory_space<hbm>>, %arg4: memref<32x80x128xi32, #tpu.memory_space<hbm>>, %arg5: memref<2x10240x128xf32, #tpu.memory_space<hbm>>, %arg6: memref<40x128xi32, #tpu.memory_space<vmem>>, %arg7: memref<40x128xi32, #tpu.memory_space<vmem>>, %arg8: memref<2x128x128xf32, #tpu.memory_space<vmem>>, %arg9: memref<10240x128xf32, #tpu.memory_space<vmem_shared>>, %arg10: memref<!tpu.dma_semaphore, #tpu.memory_space<semaphore_mem>>, %arg11: memref<!tpu.dma_semaphore, #tpu.memory_space<semaphore_mem>>) attributes {dimension_semantics = [#tpu.dimension_semantics<core_parallel>, #tpu.dimension_semantics<subcore_parallel>], iteration_bounds = array<i64: 2, 16>, scalar_prefetch = 0 : i64, scratch_operands = 6 : i64, tpu.core_type = #tpu.core_type<sc_vector_subcore>, window_params = [{transform_indices = #map}, {transform_indices = #map1}, {transform_indices = #map1}, {transform_indices = #map1}]} {
    %broadcast_in_dim3A = arith.constant 0.000000e+00 : f32
    %broadcast_in_dim3A_0 = vector.broadcast %broadcast_in_dim3A : f32 to vector<16xf32>
    %scan3A = arith.constant 0 : i32
    %scan3A_1 = arith.constant 0 : i32
    %scan3A_2 = arith.constant 128 : i32
    %scan3A_3 = arith.addi %scan3A_1, %scan3A_2 : i32
    %scan3A_4 = arith.constant 1 : i32
    scf.for %scan3A_376 = %scan3A_1 to %scan3A_3 step %scan3A_4  : i32 {
      %swap3A = arith.constant 0 : i32
      %swap3A_377 = arith.index_cast %swap3A : i32 to index
      %swap3A_378 = arith.index_cast %scan3A_376 : i32 to index
      %swap3A_379 = arith.constant 0 : index
      %swap3A_380 = tpu.vector_load %arg8[%swap3A_377, %swap3A_378, %swap3A_379] {strides = array<i32>} : memref<2x128x128xf32, #tpu.memory_space<vmem>>, vector<1x1x16xf32>,
      %swap3A_381 = vector.shape_cast %swap3A_380 : vector<1x1x16xf32> to vector<16xf32>
      %swap3A_382 = vector.shape_cast %broadcast_in_dim3A_0 : vector<16xf32> to vector<1x1x16xf32>
      tpu.vector_store %arg8[%swap3A_377, %swap3A_378, %swap3A_379], %swap3A_382 {strides = array<i32>} : memref<2x128x128xf32, #tpu.memory_space<vmem>>, vector<1x1x16xf32>,
      %swap3A_383 = arith.constant 0 : i32
      %swap3A_384 = arith.index_cast %swap3A_383 : i32 to index
      %swap3A_385 = arith.index_cast %scan3A_376 : i32 to index
      %swap3A_386 = arith.constant 16 : index
      %swap3A_387 = tpu.vector_load %arg8[%swap3A_384, %swap3A_385, %swap3A_386] {strides = array<i32>} : memref<2x128x128xf32, #tpu.memory_space<vmem>>, vector<1x1x16xf32>,
      %swap3A_388 = vector.shape_cast %swap3A_387 : vector<1x1x16xf32> to vector<16xf32>
      %swap3A_389 = vector.shape_cast %broadcast_in_dim3A_0 : vector<16xf32> to vector<1x1x16xf32>
      tpu.vector_store %arg8[%swap3A_384, %swap3A_385, %swap3A_386], %swap3A_389 {strides = array<i32>} : memref<2x128x128xf32, #tpu.memory_space<vmem>>, vector<1x1x16xf32>,
      %swap3A_390 = arith.constant 0 : i32
      %swap3A_391 = arith.index_cast %swap3A_390 : i32 to index
      %swap3A_392 = arith.index_cast %scan3A_376 : i32 to index
      %swap3A_393 = arith.constant 32 : index
      %swap3A_394 = tpu.vector_load %arg8[%swap3A_391, %swap3A_392, %swap3A_393] {strides = array<i32>} : memref<2x128x128xf32, #tpu.memory_space<vmem>>, vector<1x1x16xf32>,
      %swap3A_395 = vector.shape_cast %swap3A_394 : vector<1x1x16xf32> to vector<16xf32>
      %swap3A_396 = vector.shape_cast %broadcast_in_dim3A_0 : vector<16xf32> to vector<1x1x16xf32>
      tpu.vector_store %arg8[%swap3A_391, %swap3A_392, %swap3A_393], %swap3A_396 {strides = array<i32>} : memref<2x128x128xf32, #tpu.memory_space<vmem>>, vector<1x1x16xf32>,
      %swap3A_397 = arith.constant 0 : i32
      %swap3A_398 = arith.index_cast %swap3A_397 : i32 to index
      %swap3A_399 = arith.index_cast %scan3A_376 : i32 to index
      %swap3A_400 = arith.constant 48 : index
      %swap3A_401 = tpu.vector_load %arg8[%swap3A_398, %swap3A_399, %swap3A_400] {strides = array<i32>} : memref<2x128x128xf32, #tpu.memory_space<vmem>>, vector<1x1x16xf32>,
      %swap3A_402 = vector.shape_cast %swap3A_401 : vector<1x1x16xf32> to vector<16xf32>
      %swap3A_403 = vector.shape_cast %broadcast_in_dim3A_0 : vector<16xf32> to vector<1x1x16xf32>
      tpu.vector_store %arg8[%swap3A_398, %swap3A_399, %swap3A_400], %swap3A_403 {strides = array<i32>} : memref<2x128x128xf32, #tpu.memory_space<vmem>>, vector<1x1x16xf32>,
      %swap3A_404 = arith.constant 0 : i32
      %swap3A_405 = arith.index_cast %swap3A_404 : i32 to index
      %swap3A_406 = arith.index_cast %scan3A_376 : i32 to index
      %swap3A_407 = arith.constant 64 : index
      %swap3A_408 = tpu.vector_load %arg8[%swap3A_405, %swap3A_406, %swap3A_407] {strides = array<i32>} : memref<2x128x128xf32, #tpu.memory_space<vmem>>, vector<1x1x16xf32>,
      %swap3A_409 = vector.shape_cast %swap3A_408 : vector<1x1x16xf32> to vector<16xf32>
      %swap3A_410 = vector.shape_cast %broadcast_in_dim3A_0 : vector<16xf32> to vector<1x1x16xf32>
      tpu.vector_store %arg8[%swap3A_405, %swap3A_406, %swap3A_407], %swap3A_410 {strides = array<i32>} : memref<2x128x128xf32, #tpu.memory_space<vmem>>, vector<1x1x16xf32>,
      %swap3A_411 = arith.constant 0 : i32
      %swap3A_412 = arith.index_cast %swap3A_411 : i32 to index
      %swap3A_413 = arith.index_cast %scan3A_376 : i32 to index
      %swap3A_414 = arith.constant 80 : index
      %swap3A_415 = tpu.vector_load %arg8[%swap3A_412, %swap3A_413, %swap3A_414] {strides = array<i32>} : memref<2x128x128xf32, #tpu.memory_space<vmem>>, vector<1x1x16xf32>,
      %swap3A_416 = vector.shape_cast %swap3A_415 : vector<1x1x16xf32> to vector<16xf32>
      %swap3A_417 = vector.shape_cast %broadcast_in_dim3A_0 : vector<16xf32> to vector<1x1x16xf32>
      tpu.vector_store %arg8[%swap3A_412, %swap3A_413, %swap3A_414], %swap3A_417 {strides = array<i32>} : memref<2x128x128xf32, #tpu.memory_space<vmem>>, vector<1x1x16xf32>,
      %swap3A_418 = arith.constant 0 : i32
      %swap3A_419 = arith.index_cast %swap3A_418 : i32 to index
      %swap3A_420 = arith.index_cast %scan3A_376 : i32 to index
      %swap3A_421 = arith.constant 96 : index
      %swap3A_422 = tpu.vector_load %arg8[%swap3A_419, %swap3A_420, %swap3A_421] {strides = array<i32>} : memref<2x128x128xf32, #tpu.memory_space<vmem>>, vector<1x1x16xf32>,
      %swap3A_423 = vector.shape_cast %swap3A_422 : vector<1x1x16xf32> to vector<16xf32>
      %swap3A_424 = vector.shape_cast %broadcast_in_dim3A_0 : vector<16xf32> to vector<1x1x16xf32>
      tpu.vector_store %arg8[%swap3A_419, %swap3A_420, %swap3A_421], %swap3A_424 {strides = array<i32>} : memref<2x128x128xf32, #tpu.memory_space<vmem>>, vector<1x1x16xf32>,
      %swap3A_425 = arith.constant 0 : i32
      %swap3A_426 = arith.index_cast %swap3A_425 : i32 to index
      %swap3A_427 = arith.index_cast %scan3A_376 : i32 to index
      %swap3A_428 = arith.constant 112 : index
      %swap3A_429 = tpu.vector_load %arg8[%swap3A_426, %swap3A_427, %swap3A_428] {strides = array<i32>} : memref<2x128x128xf32, #tpu.memory_space<vmem>>, vector<1x1x16xf32>,
      %swap3A_430 = vector.shape_cast %swap3A_429 : vector<1x1x16xf32> to vector<16xf32>
      %swap3A_431 = vector.shape_cast %broadcast_in_dim3A_0 : vector<16xf32> to vector<1x1x16xf32>
      tpu.vector_store %arg8[%swap3A_426, %swap3A_427, %swap3A_428], %swap3A_431 {strides = array<i32>} : memref<2x128x128xf32, #tpu.memory_space<vmem>>, vector<1x1x16xf32>,
    }
    %scan3A_5 = arith.constant 128 : i32
    %mul3A = arith.constant 640 : i32
    %mul3A_6 = arith.muli %arg1, %mul3A : i32
    %add3A = arith.constant 0 : i32
    %add3A_7 = arith.addi %mul3A_6, %add3A : i32
    %dma_start3A = arith.constant 0 : i32
    %dma_start3A_8 = arith.constant 0 : i32
    %dma_start3A_9 = arith.constant 0 : i32
    %dma_start3A_10 = tpu.memref_slice %arg8[%dma_start3A, %dma_start3A_8, %dma_start3A_9] : memref<2x128x128xf32, #tpu.memory_space<vmem>> -> memref<1x128x128xf32, #tpu.memory_space<vmem>>
    %dma_start3A_11 = tpu.memref_squeeze %dma_start3A_10 : memref<1x128x128xf32, #tpu.memory_space<vmem>> -> memref<128x128xf32, #tpu.memory_space<vmem>>
    %dma_start3A_12 = arith.constant 0 : i32
    %dma_start3A_13 = tpu.memref_slice %arg9[%add3A_7, %dma_start3A_12] : memref<10240x128xf32, #tpu.memory_space<vmem_shared>> -> memref<128x128xf32, #tpu.memory_space<vmem_shared>>
    %dma_start3A_14 = arith.constant 0 : i32
    %dma_start3A_15 = tpu.memref_slice %arg9[%add3A_7, %dma_start3A_14] : memref<10240x128xf32, #tpu.memory_space<vmem_shared>> -> memref<128x128xf32, #tpu.memory_space<vmem_shared>>
    %dma_start3A_16 = arith.constant 0 : i32
    %dma_start3A_17 = arith.constant 0 : i32
    %dma_start3A_18 = tpu.memref_slice %arg8[%dma_start3A, %dma_start3A_16, %dma_start3A_17] : memref<2x128x128xf32, #tpu.memory_space<vmem>> -> memref<1x128x128xf32, #tpu.memory_space<vmem>>
    %dma_start3A_19 = tpu.memref_squeeze %dma_start3A_18 : memref<1x128x128xf32, #tpu.memory_space<vmem>> -> memref<128x128xf32, #tpu.memory_space<vmem>>
    tpu.enqueue_dma source(%dma_start3A_19 : memref<128x128xf32, #tpu.memory_space<vmem>>) target(%dma_start3A_15 : memref<128x128xf32, #tpu.memory_space<vmem_shared>>) target_semaphore(%arg10 : memref<!tpu.dma_semaphore, #tpu.memory_space<semaphore_mem>>)
    %mul3A_20 = arith.constant 640 : i32
    %mul3A_21 = arith.muli %arg1, %mul3A_20 : i32
    %add3A_22 = arith.constant 128 : i32
    %add3A_23 = arith.addi %mul3A_21, %add3A_22 : i32
    %dma_start3A_24 = arith.constant 0 : i32
    %dma_start3A_25 = arith.constant 0 : i32
    %dma_start3A_26 = arith.constant 0 : i32
    %dma_start3A_27 = tpu.memref_slice %arg8[%dma_start3A_24, %dma_start3A_25, %dma_start3A_26] : memref<2x128x128xf32, #tpu.memory_space<vmem>> -> memref<1x128x128xf32, #tpu.memory_space<vmem>>
    %dma_start3A_28 = tpu.memref_squeeze %dma_start3A_27 : memref<1x128x128xf32, #tpu.memory_space<vmem>> -> memref<128x128xf32, #tpu.memory_space<vmem>>
    %dma_start3A_29 = arith.constant 0 : i32
    %dma_start3A_30 = tpu.memref_slice %arg9[%add3A_23, %dma_start3A_29] : memref<10240x128xf32, #tpu.memory_space<vmem_shared>> -> memref<128x128xf32, #tpu.memory_space<vmem_shared>>
    %dma_start3A_31 = arith.constant 0 : i32
    %dma_start3A_32 = tpu.memref_slice %arg9[%add3A_23, %dma_start3A_31] : memref<10240x128xf32, #tpu.memory_space<vmem_shared>> -> memref<128x128xf32, #tpu.memory_space<vmem_shared>>
    %dma_start3A_33 = arith.constant 0 : i32
    %dma_start3A_34 = arith.constant 0 : i32
    %dma_start3A_35 = tpu.memref_slice %arg8[%dma_start3A_24, %dma_start3A_33, %dma_start3A_34] : memref<2x128x128xf32, #tpu.memory_space<vmem>> -> memref<1x128x128xf32, #tpu.memory_space<vmem>>
    %dma_start3A_36 = tpu.memref_squeeze %dma_start3A_35 : memref<1x128x128xf32, #tpu.memory_space<vmem>> -> memref<128x128xf32, #tpu.memory_space<vmem>>
    tpu.enqueue_dma source(%dma_start3A_36 : memref<128x128xf32, #tpu.memory_space<vmem>>) target(%dma_start3A_32 : memref<128x128xf32, #tpu.memory_space<vmem_shared>>) target_semaphore(%arg10 : memref<!tpu.dma_semaphore, #tpu.memory_space<semaphore_mem>>)
    %mul3A_37 = arith.constant 640 : i32
    %mul3A_38 = arith.muli %arg1, %mul3A_37 : i32
    %add3A_39 = arith.constant 256 : i32
    %add3A_40 = arith.addi %mul3A_38, %add3A_39 : i32
    %dma_start3A_41 = arith.constant 0 : i32
    %dma_start3A_42 = arith.constant 0 : i32
    %dma_start3A_43 = arith.constant 0 : i32
    %dma_start3A_44 = tpu.memref_slice %arg8[%dma_start3A_41, %dma_start3A_42, %dma_start3A_43] : memref<2x128x128xf32, #tpu.memory_space<vmem>> -> memref<1x128x128xf32, #tpu.memory_space<vmem>>
    %dma_start3A_45 = tpu.memref_squeeze %dma_start3A_44 : memref<1x128x128xf32, #tpu.memory_space<vmem>> -> memref<128x128xf32, #tpu.memory_space<vmem>>
    %dma_start3A_46 = arith.constant 0 : i32
    %dma_start3A_47 = tpu.memref_slice %arg9[%add3A_40, %dma_start3A_46] : memref<10240x128xf32, #tpu.memory_space<vmem_shared>> -> memref<128x128xf32, #tpu.memory_space<vmem_shared>>
    %dma_start3A_48 = arith.constant 0 : i32
    %dma_start3A_49 = tpu.memref_slice %arg9[%add3A_40, %dma_start3A_48] : memref<10240x128xf32, #tpu.memory_space<vmem_shared>> -> memref<128x128xf32, #tpu.memory_space<vmem_shared>>
    %dma_start3A_50 = arith.constant 0 : i32
    %dma_start3A_51 = arith.constant 0 : i32
    %dma_start3A_52 = tpu.memref_slice %arg8[%dma_start3A_41, %dma_start3A_50, %dma_start3A_51] : memref<2x128x128xf32, #tpu.memory_space<vmem>> -> memref<1x128x128xf32, #tpu.memory_space<vmem>>
    %dma_start3A_53 = tpu.memref_squeeze %dma_start3A_52 : memref<1x128x128xf32, #tpu.memory_space<vmem>> -> memref<128x128xf32, #tpu.memory_space<vmem>>
    tpu.enqueue_dma source(%dma_start3A_53 : memref<128x128xf32, #tpu.memory_space<vmem>>) target(%dma_start3A_49 : memref<128x128xf32, #tpu.memory_space<vmem_shared>>) target_semaphore(%arg10 : memref<!tpu.dma_semaphore, #tpu.memory_space<semaphore_mem>>)
    %mul3A_54 = arith.constant 640 : i32
    %mul3A_55 = arith.muli %arg1, %mul3A_54 : i32
    %add3A_56 = arith.constant 384 : i32
    %add3A_57 = arith.addi %mul3A_55, %add3A_56 : i32
    %dma_start3A_58 = arith.constant 0 : i32
    %dma_start3A_59 = arith.constant 0 : i32
    %dma_start3A_60 = arith.constant 0 : i32
    %dma_start3A_61 = tpu.memref_slice %arg8[%dma_start3A_58, %dma_start3A_59, %dma_start3A_60] : memref<2x128x128xf32, #tpu.memory_space<vmem>> -> memref<1x128x128xf32, #tpu.memory_space<vmem>>
    %dma_start3A_62 = tpu.memref_squeeze %dma_start3A_61 : memref<1x128x128xf32, #tpu.memory_space<vmem>> -> memref<128x128xf32, #tpu.memory_space<vmem>>
    %dma_start3A_63 = arith.constant 0 : i32
    %dma_start3A_64 = tpu.memref_slice %arg9[%add3A_57, %dma_start3A_63] : memref<10240x128xf32, #tpu.memory_space<vmem_shared>> -> memref<128x128xf32, #tpu.memory_space<vmem_shared>>
    %dma_start3A_65 = arith.constant 0 : i32
    %dma_start3A_66 = tpu.memref_slice %arg9[%add3A_57, %dma_start3A_65] : memref<10240x128xf32, #tpu.memory_space<vmem_shared>> -> memref<128x128xf32, #tpu.memory_space<vmem_shared>>
    %dma_start3A_67 = arith.constant 0 : i32
    %dma_start3A_68 = arith.constant 0 : i32
    %dma_start3A_69 = tpu.memref_slice %arg8[%dma_start3A_58, %dma_start3A_67, %dma_start3A_68] : memref<2x128x128xf32, #tpu.memory_space<vmem>> -> memref<1x128x128xf32, #tpu.memory_space<vmem>>
    %dma_start3A_70 = tpu.memref_squeeze %dma_start3A_69 : memref<1x128x128xf32, #tpu.memory_space<vmem>> -> memref<128x128xf32, #tpu.memory_space<vmem>>
    tpu.enqueue_dma source(%dma_start3A_70 : memref<128x128xf32, #tpu.memory_space<vmem>>) target(%dma_start3A_66 : memref<128x128xf32, #tpu.memory_space<vmem_shared>>) target_semaphore(%arg10 : memref<!tpu.dma_semaphore, #tpu.memory_space<semaphore_mem>>)
    %mul3A_71 = arith.constant 640 : i32
    %mul3A_72 = arith.muli %arg1, %mul3A_71 : i32
    %add3A_73 = arith.constant 512 : i32
    %add3A_74 = arith.addi %mul3A_72, %add3A_73 : i32
    %dma_start3A_75 = arith.constant 0 : i32
    %dma_start3A_76 = arith.constant 0 : i32
    %dma_start3A_77 = arith.constant 0 : i32
    %dma_start3A_78 = tpu.memref_slice %arg8[%dma_start3A_75, %dma_start3A_76, %dma_start3A_77] : memref<2x128x128xf32, #tpu.memory_space<vmem>> -> memref<1x128x128xf32, #tpu.memory_space<vmem>>
    %dma_start3A_79 = tpu.memref_squeeze %dma_start3A_78 : memref<1x128x128xf32, #tpu.memory_space<vmem>> -> memref<128x128xf32, #tpu.memory_space<vmem>>
    %dma_start3A_80 = arith.constant 0 : i32
    %dma_start3A_81 = tpu.memref_slice %arg9[%add3A_74, %dma_start3A_80] : memref<10240x128xf32, #tpu.memory_space<vmem_shared>> -> memref<128x128xf32, #tpu.memory_space<vmem_shared>>
    %dma_start3A_82 = arith.constant 0 : i32
    %dma_start3A_83 = tpu.memref_slice %arg9[%add3A_74, %dma_start3A_82] : memref<10240x128xf32, #tpu.memory_space<vmem_shared>> -> memref<128x128xf32, #tpu.memory_space<vmem_shared>>
    %dma_start3A_84 = arith.constant 0 : i32
    %dma_start3A_85 = arith.constant 0 : i32
    %dma_start3A_86 = tpu.memref_slice %arg8[%dma_start3A_75, %dma_start3A_84, %dma_start3A_85] : memref<2x128x128xf32, #tpu.memory_space<vmem>> -> memref<1x128x128xf32, #tpu.memory_space<vmem>>
    %dma_start3A_87 = tpu.memref_squeeze %dma_start3A_86 : memref<1x128x128xf32, #tpu.memory_space<vmem>> -> memref<128x128xf32, #tpu.memory_space<vmem>>
    tpu.enqueue_dma source(%dma_start3A_87 : memref<128x128xf32, #tpu.memory_space<vmem>>) target(%dma_start3A_83 : memref<128x128xf32, #tpu.memory_space<vmem_shared>>) target_semaphore(%arg10 : memref<!tpu.dma_semaphore, #tpu.memory_space<semaphore_mem>>)
    %mul3A_88 = arith.constant 640 : i32
    %mul3A_89 = arith.muli %arg1, %mul3A_88 : i32
    %add3A_90 = arith.constant 0 : i32
    %add3A_91 = arith.addi %mul3A_89, %add3A_90 : i32
    %dma_wait3A = arith.constant 0 : i32
    %dma_wait3A_92 = arith.constant 0 : i32
    %dma_wait3A_93 = arith.constant 0 : i32
    %dma_wait3A_94 = tpu.memref_slice %arg8[%dma_wait3A, %dma_wait3A_92, %dma_wait3A_93] : memref<2x128x128xf32, #tpu.memory_space<vmem>> -> memref<1x128x128xf32, #tpu.memory_space<vmem>>
    %dma_wait3A_95 = tpu.memref_squeeze %dma_wait3A_94 : memref<1x128x128xf32, #tpu.memory_space<vmem>> -> memref<128x128xf32, #tpu.memory_space<vmem>>
    %dma_wait3A_96 = arith.constant 0 : i32
    %dma_wait3A_97 = tpu.memref_slice %arg9[%add3A_91, %dma_wait3A_96] : memref<10240x128xf32, #tpu.memory_space<vmem_shared>> -> memref<128x128xf32, #tpu.memory_space<vmem_shared>>
    %dma_wait3A_98 = arith.constant 0 : i32
    %dma_wait3A_99 = tpu.memref_slice %arg9[%add3A_91, %dma_wait3A_98] : memref<10240x128xf32, #tpu.memory_space<vmem_shared>> -> memref<128x128xf32, #tpu.memory_space<vmem_shared>>
    %dma_wait3A_100 = arith.constant 0 : i32
    %dma_wait3A_101 = arith.constant 0 : i32
    %dma_wait3A_102 = tpu.memref_slice %arg8[%dma_wait3A, %dma_wait3A_100, %dma_wait3A_101] : memref<2x128x128xf32, #tpu.memory_space<vmem>> -> memref<1x128x128xf32, #tpu.memory_space<vmem>>
    %dma_wait3A_103 = tpu.memref_squeeze %dma_wait3A_102 : memref<1x128x128xf32, #tpu.memory_space<vmem>> -> memref<128x128xf32, #tpu.memory_space<vmem>>
    tpu.wait_dma2 semaphore(%arg10 : memref<!tpu.dma_semaphore, #tpu.memory_space<semaphore_mem>>) src(%dma_wait3A_103 : memref<128x128xf32, #tpu.memory_space<vmem>>) dst(%dma_wait3A_99 : memref<128x128xf32, #tpu.memory_space<vmem_shared>>)
    %mul3A_104 = arith.constant 640 : i32
    %mul3A_105 = arith.muli %arg1, %mul3A_104 : i32
    %add3A_106 = arith.constant 128 : i32
    %add3A_107 = arith.addi %mul3A_105, %add3A_106 : i32
    %dma_wait3A_108 = arith.constant 0 : i32
    %dma_wait3A_109 = arith.constant 0 : i32
    %dma_wait3A_110 = arith.constant 0 : i32
    %dma_wait3A_111 = tpu.memref_slice %arg8[%dma_wait3A_108, %dma_wait3A_109, %dma_wait3A_110] : memref<2x128x128xf32, #tpu.memory_space<vmem>> -> memref<1x128x128xf32, #tpu.memory_space<vmem>>
    %dma_wait3A_112 = tpu.memref_squeeze %dma_wait3A_111 : memref<1x128x128xf32, #tpu.memory_space<vmem>> -> memref<128x128xf32, #tpu.memory_space<vmem>>
    %dma_wait3A_113 = arith.constant 0 : i32
    %dma_wait3A_114 = tpu.memref_slice %arg9[%add3A_107, %dma_wait3A_113] : memref<10240x128xf32, #tpu.memory_space<vmem_shared>> -> memref<128x128xf32, #tpu.memory_space<vmem_shared>>
    %dma_wait3A_115 = arith.constant 0 : i32
    %dma_wait3A_116 = tpu.memref_slice %arg9[%add3A_107, %dma_wait3A_115] : memref<10240x128xf32, #tpu.memory_space<vmem_shared>> -> memref<128x128xf32, #tpu.memory_space<vmem_shared>>
    %dma_wait3A_117 = arith.constant 0 : i32
    %dma_wait3A_118 = arith.constant 0 : i32
    %dma_wait3A_119 = tpu.memref_slice %arg8[%dma_wait3A_108, %dma_wait3A_117, %dma_wait3A_118] : memref<2x128x128xf32, #tpu.memory_space<vmem>> -> memref<1x128x128xf32, #tpu.memory_space<vmem>>
    %dma_wait3A_120 = tpu.memref_squeeze %dma_wait3A_119 : memref<1x128x128xf32, #tpu.memory_space<vmem>> -> memref<128x128xf32, #tpu.memory_space<vmem>>
    tpu.wait_dma2 semaphore(%arg10 : memref<!tpu.dma_semaphore, #tpu.memory_space<semaphore_mem>>) src(%dma_wait3A_120 : memref<128x128xf32, #tpu.memory_space<vmem>>) dst(%dma_wait3A_116 : memref<128x128xf32, #tpu.memory_space<vmem_shared>>)
    %mul3A_121 = arith.constant 640 : i32
    %mul3A_122 = arith.muli %arg1, %mul3A_121 : i32
    %add3A_123 = arith.constant 256 : i32
    %add3A_124 = arith.addi %mul3A_122, %add3A_123 : i32
    %dma_wait3A_125 = arith.constant 0 : i32
    %dma_wait3A_126 = arith.constant 0 : i32
    %dma_wait3A_127 = arith.constant 0 : i32
    %dma_wait3A_128 = tpu.memref_slice %arg8[%dma_wait3A_125, %dma_wait3A_126, %dma_wait3A_127] : memref<2x128x128xf32, #tpu.memory_space<vmem>> -> memref<1x128x128xf32, #tpu.memory_space<vmem>>
    %dma_wait3A_129 = tpu.memref_squeeze %dma_wait3A_128 : memref<1x128x128xf32, #tpu.memory_space<vmem>> -> memref<128x128xf32, #tpu.memory_space<vmem>>
    %dma_wait3A_130 = arith.constant 0 : i32
    %dma_wait3A_131 = tpu.memref_slice %arg9[%add3A_124, %dma_wait3A_130] : memref<10240x128xf32, #tpu.memory_space<vmem_shared>> -> memref<128x128xf32, #tpu.memory_space<vmem_shared>>
    %dma_wait3A_132 = arith.constant 0 : i32
    %dma_wait3A_133 = tpu.memref_slice %arg9[%add3A_124, %dma_wait3A_132] : memref<10240x128xf32, #tpu.memory_space<vmem_shared>> -> memref<128x128xf32, #tpu.memory_space<vmem_shared>>
    %dma_wait3A_134 = arith.constant 0 : i32
    %dma_wait3A_135 = arith.constant 0 : i32
    %dma_wait3A_136 = tpu.memref_slice %arg8[%dma_wait3A_125, %dma_wait3A_134, %dma_wait3A_135] : memref<2x128x128xf32, #tpu.memory_space<vmem>> -> memref<1x128x128xf32, #tpu.memory_space<vmem>>
    %dma_wait3A_137 = tpu.memref_squeeze %dma_wait3A_136 : memref<1x128x128xf32, #tpu.memory_space<vmem>> -> memref<128x128xf32, #tpu.memory_space<vmem>>
    tpu.wait_dma2 semaphore(%arg10 : memref<!tpu.dma_semaphore, #tpu.memory_space<semaphore_mem>>) src(%dma_wait3A_137 : memref<128x128xf32, #tpu.memory_space<vmem>>) dst(%dma_wait3A_133 : memref<128x128xf32, #tpu.memory_space<vmem_shared>>)
    %mul3A_138 = arith.constant 640 : i32
    %mul3A_139 = arith.muli %arg1, %mul3A_138 : i32
    %add3A_140 = arith.constant 384 : i32
    %add3A_141 = arith.addi %mul3A_139, %add3A_140 : i32
    %dma_wait3A_142 = arith.constant 0 : i32
    %dma_wait3A_143 = arith.constant 0 : i32
    %dma_wait3A_144 = arith.constant 0 : i32
    %dma_wait3A_145 = tpu.memref_slice %arg8[%dma_wait3A_142, %dma_wait3A_143, %dma_wait3A_144] : memref<2x128x128xf32, #tpu.memory_space<vmem>> -> memref<1x128x128xf32, #tpu.memory_space<vmem>>
    %dma_wait3A_146 = tpu.memref_squeeze %dma_wait3A_145 : memref<1x128x128xf32, #tpu.memory_space<vmem>> -> memref<128x128xf32, #tpu.memory_space<vmem>>
    %dma_wait3A_147 = arith.constant 0 : i32
    %dma_wait3A_148 = tpu.memref_slice %arg9[%add3A_141, %dma_wait3A_147] : memref<10240x128xf32, #tpu.memory_space<vmem_shared>> -> memref<128x128xf32, #tpu.memory_space<vmem_shared>>
    %dma_wait3A_149 = arith.constant 0 : i32
    %dma_wait3A_150 = tpu.memref_slice %arg9[%add3A_141, %dma_wait3A_149] : memref<10240x128xf32, #tpu.memory_space<vmem_shared>> -> memref<128x128xf32, #tpu.memory_space<vmem_shared>>
    %dma_wait3A_151 = arith.constant 0 : i32
    %dma_wait3A_152 = arith.constant 0 : i32
    %dma_wait3A_153 = tpu.memref_slice %arg8[%dma_wait3A_142, %dma_wait3A_151, %dma_wait3A_152] : memref<2x128x128xf32, #tpu.memory_space<vmem>> -> memref<1x128x128xf32, #tpu.memory_space<vmem>>
    %dma_wait3A_154 = tpu.memref_squeeze %dma_wait3A_153 : memref<1x128x128xf32, #tpu.memory_space<vmem>> -> memref<128x128xf32, #tpu.memory_space<vmem>>
    tpu.wait_dma2 semaphore(%arg10 : memref<!tpu.dma_semaphore, #tpu.memory_space<semaphore_mem>>) src(%dma_wait3A_154 : memref<128x128xf32, #tpu.memory_space<vmem>>) dst(%dma_wait3A_150 : memref<128x128xf32, #tpu.memory_space<vmem_shared>>)
    %mul3A_155 = arith.constant 640 : i32
    %mul3A_156 = arith.muli %arg1, %mul3A_155 : i32
    %add3A_157 = arith.constant 512 : i32
    %add3A_158 = arith.addi %mul3A_156, %add3A_157 : i32
    %dma_wait3A_159 = arith.constant 0 : i32
    %dma_wait3A_160 = arith.constant 0 : i32
    %dma_wait3A_161 = arith.constant 0 : i32
    %dma_wait3A_162 = tpu.memref_slice %arg8[%dma_wait3A_159, %dma_wait3A_160, %dma_wait3A_161] : memref<2x128x128xf32, #tpu.memory_space<vmem>> -> memref<1x128x128xf32, #tpu.memory_space<vmem>>
    %dma_wait3A_163 = tpu.memref_squeeze %dma_wait3A_162 : memref<1x128x128xf32, #tpu.memory_space<vmem>> -> memref<128x128xf32, #tpu.memory_space<vmem>>
    %dma_wait3A_164 = arith.constant 0 : i32
    %dma_wait3A_165 = tpu.memref_slice %arg9[%add3A_158, %dma_wait3A_164] : memref<10240x128xf32, #tpu.memory_space<vmem_shared>> -> memref<128x128xf32, #tpu.memory_space<vmem_shared>>
    %dma_wait3A_166 = arith.constant 0 : i32
    %dma_wait3A_167 = tpu.memref_slice %arg9[%add3A_158, %dma_wait3A_166] : memref<10240x128xf32, #tpu.memory_space<vmem_shared>> -> memref<128x128xf32, #tpu.memory_space<vmem_shared>>
    %dma_wait3A_168 = arith.constant 0 : i32
    %dma_wait3A_169 = arith.constant 0 : i32
    %dma_wait3A_170 = tpu.memref_slice %arg8[%dma_wait3A_159, %dma_wait3A_168, %dma_wait3A_169] : memref<2x128x128xf32, #tpu.memory_space<vmem>> -> memref<1x128x128xf32, #tpu.memory_space<vmem>>
    %dma_wait3A_171 = tpu.memref_squeeze %dma_wait3A_170 : memref<1x128x128xf32, #tpu.memory_space<vmem>> -> memref<128x128xf32, #tpu.memory_space<vmem>>
    tpu.wait_dma2 semaphore(%arg10 : memref<!tpu.dma_semaphore, #tpu.memory_space<semaphore_mem>>) src(%dma_wait3A_171 : memref<128x128xf32, #tpu.memory_space<vmem>>) dst(%dma_wait3A_167 : memref<128x128xf32, #tpu.memory_space<vmem_shared>>)
    %barrier3A = arith.constant 0 : index
    tpu.barrier barrier_id(%barrier3A)
    %mul3A_172 = arith.constant 2 : i32
    %mul3A_173 = arith.muli %arg1, %mul3A_172 : i32
    %add3A_174 = arith.addi %mul3A_173, %arg0 : i32
    %scan3A_175 = arith.constant 0 : i32
    %scan3A_176 = arith.constant 0 : i32
    %scan3A_177 = arith.constant 2 : i32
    %scan3A_178 = arith.addi %scan3A_176, %scan3A_177 : i32
    %scan3A_179 = arith.constant 1 : i32
    scf.for %scan3A_376 = %scan3A_176 to %scan3A_178 step %scan3A_179  : i32 {
      %mul3A_377 = arith.constant 40 : i32
      %mul3A_378 = arith.muli %scan3A_376, %mul3A_377 : i32
      "tpu.region"() ({
        %run_scoped3A_399 = tpu.sem_alloc : memref<!tpu.dma_semaphore, #tpu.memory_space<semaphore_mem>>
        %dma_start3A_400 = arith.constant 0 : i32
        %dma_start3A_401 = tpu.memref_slice %arg3[%add3A_174, %mul3A_378, %dma_start3A_400] : memref<32x80x128xi32, #tpu.memory_space<hbm>> -> memref<1x40x128xi32, #tpu.memory_space<hbm>>
        %dma_start3A_402 = tpu.memref_squeeze %dma_start3A_401 : memref<1x40x128xi32, #tpu.memory_space<hbm>> -> memref<40x128xi32, #tpu.memory_space<hbm>>
        %dma_start3A_403 = arith.constant 0 : i32
        %dma_start3A_404 = tpu.memref_slice %arg3[%add3A_174, %mul3A_378, %dma_start3A_403] : memref<32x80x128xi32, #tpu.memory_space<hbm>> -> memref<1x40x128xi32, #tpu.memory_space<hbm>>
        %dma_start3A_405 = tpu.memref_squeeze %dma_start3A_404 : memref<1x40x128xi32, #tpu.memory_space<hbm>> -> memref<40x128xi32, #tpu.memory_space<hbm>>
        tpu.enqueue_dma source(%dma_start3A_405 : memref<40x128xi32, #tpu.memory_space<hbm>>) target(%arg6 : memref<40x128xi32, #tpu.memory_space<vmem>>) target_semaphore(%run_scoped3A_399 : memref<!tpu.dma_semaphore, #tpu.memory_space<semaphore_mem>>)
        %dma_wait3A_406 = arith.constant 0 : i32
        %dma_wait3A_407 = tpu.memref_slice %arg3[%add3A_174, %mul3A_378, %dma_wait3A_406] : memref<32x80x128xi32, #tpu.memory_space<hbm>> -> memref<1x40x128xi32, #tpu.memory_space<hbm>>
        %dma_wait3A_408 = tpu.memref_squeeze %dma_wait3A_407 : memref<1x40x128xi32, #tpu.memory_space<hbm>> -> memref<40x128xi32, #tpu.memory_space<hbm>>
        %dma_wait3A_409 = arith.constant 0 : i32
        %dma_wait3A_410 = tpu.memref_slice %arg3[%add3A_174, %mul3A_378, %dma_wait3A_409] : memref<32x80x128xi32, #tpu.memory_space<hbm>> -> memref<1x40x128xi32, #tpu.memory_space<hbm>>
        %dma_wait3A_411 = tpu.memref_squeeze %dma_wait3A_410 : memref<1x40x128xi32, #tpu.memory_space<hbm>> -> memref<40x128xi32, #tpu.memory_space<hbm>>
        tpu.wait_dma2 semaphore(%run_scoped3A_399 : memref<!tpu.dma_semaphore, #tpu.memory_space<semaphore_mem>>) src(%dma_wait3A_411 : memref<40x128xi32, #tpu.memory_space<hbm>>) dst(%arg6 : memref<40x128xi32, #tpu.memory_space<vmem>>)
        tpu.yield
      }) : () -> ()
      %mul3A_379 = arith.constant 40 : i32
      %mul3A_380 = arith.muli %scan3A_376, %mul3A_379 : i32
      "tpu.region"() ({
        %run_scoped3A_399 = tpu.sem_alloc : memref<!tpu.dma_semaphore, #tpu.memory_space<semaphore_mem>>
        %dma_start3A_400 = arith.constant 0 : i32
        %dma_start3A_401 = tpu.memref_slice %arg4[%add3A_174, %mul3A_380, %dma_start3A_400] : memref<32x80x128xi32, #tpu.memory_space<hbm>> -> memref<1x40x128xi32, #tpu.memory_space<hbm>>
        %dma_start3A_402 = tpu.memref_squeeze %dma_start3A_401 : memref<1x40x128xi32, #tpu.memory_space<hbm>> -> memref<40x128xi32, #tpu.memory_space<hbm>>
        %dma_start3A_403 = arith.constant 0 : i32
        %dma_start3A_404 = tpu.memref_slice %arg4[%add3A_174, %mul3A_380, %dma_start3A_403] : memref<32x80x128xi32, #tpu.memory_space<hbm>> -> memref<1x40x128xi32, #tpu.memory_space<hbm>>
        %dma_start3A_405 = tpu.memref_squeeze %dma_start3A_404 : memref<1x40x128xi32, #tpu.memory_space<hbm>> -> memref<40x128xi32, #tpu.memory_space<hbm>>
        tpu.enqueue_dma source(%dma_start3A_405 : memref<40x128xi32, #tpu.memory_space<hbm>>) target(%arg7 : memref<40x128xi32, #tpu.memory_space<vmem>>) target_semaphore(%run_scoped3A_399 : memref<!tpu.dma_semaphore, #tpu.memory_space<semaphore_mem>>)
        %dma_wait3A_406 = arith.constant 0 : i32
        %dma_wait3A_407 = tpu.memref_slice %arg4[%add3A_174, %mul3A_380, %dma_wait3A_406] : memref<32x80x128xi32, #tpu.memory_space<hbm>> -> memref<1x40x128xi32, #tpu.memory_space<hbm>>
        %dma_wait3A_408 = tpu.memref_squeeze %dma_wait3A_407 : memref<1x40x128xi32, #tpu.memory_space<hbm>> -> memref<40x128xi32, #tpu.memory_space<hbm>>
        %dma_wait3A_409 = arith.constant 0 : i32
        %dma_wait3A_410 = tpu.memref_slice %arg4[%add3A_174, %mul3A_380, %dma_wait3A_409] : memref<32x80x128xi32, #tpu.memory_space<hbm>> -> memref<1x40x128xi32, #tpu.memory_space<hbm>>
        %dma_wait3A_411 = tpu.memref_squeeze %dma_wait3A_410 : memref<1x40x128xi32, #tpu.memory_space<hbm>> -> memref<40x128xi32, #tpu.memory_space<hbm>>
        tpu.wait_dma2 semaphore(%run_scoped3A_399 : memref<!tpu.dma_semaphore, #tpu.memory_space<semaphore_mem>>) src(%dma_wait3A_411 : memref<40x128xi32, #tpu.memory_space<hbm>>) dst(%arg7 : memref<40x128xi32, #tpu.memory_space<vmem>>)
        tpu.yield
      }) : () -> ()
      %dma_start3A_381 = arith.constant 0 : i32
      %dma_start3A_382 = arith.constant 0 : i32
      %dma_start3A_383 = arith.constant 0 : i32
      %dma_start3A_384 = arith.constant 0 : i32
      %dma_start3A_385 = tpu.memref_slice %arg8[%dma_start3A_382, %dma_start3A_383, %dma_start3A_384] : memref<2x128x128xf32, #tpu.memory_space<vmem>> -> memref<1x128x128xf32, #tpu.memory_space<vmem>>
      %dma_start3A_386 = tpu.memref_squeeze %dma_start3A_385 : memref<1x128x128xf32, #tpu.memory_space<vmem>> -> memref<128x128xf32, #tpu.memory_space<vmem>>
      %dma_start3A_387 = arith.constant 0 : i32
      %dma_start3A_388 = tpu.memref_slice %arg6[%dma_start3A_381, %dma_start3A_387] : memref<40x128xi32, #tpu.memory_space<vmem>> -> memref<1x128xi32, #tpu.memory_space<vmem>>
      %dma_start3A_389 = tpu.memref_squeeze %dma_start3A_388 : memref<1x128xi32, #tpu.memory_space<vmem>> -> memref<128xi32, #tpu.memory_space<vmem>>
      %dma_start3A_390 = arith.constant 0 : i32
      %dma_start3A_391 = arith.constant 0 : i32
      %dma_start3A_392 = tpu.memref_slice %arg2[%dma_start3A_390, %dma_start3A_391] : memref<10000x128xf32, #tpu.memory_space<hbm>> -> memref<10000x128xf32, #tpu.memory_space<hbm>>
      tpu.enqueue_indirect_dma source(%dma_start3A_392 : memref<10000x128xf32, #tpu.memory_space<hbm>>) target(%dma_start3A_386 : memref<128x128xf32, #tpu.memory_space<vmem>>) offsets(%dma_start3A_389 : memref<128xi32, #tpu.memory_space<vmem>>) semaphore(%arg10 : memref<!tpu.dma_semaphore, #tpu.memory_space<semaphore_mem>>)
      %scan3A_393 = arith.constant 0 : i32
      %scan3A_394 = arith.constant 0 : i32
      %scan3A_395 = arith.constant 20 : i32
      %scan3A_396 = arith.addi %scan3A_394, %scan3A_395 : i32
      %scan3A_397 = arith.constant 1 : i32
      scf.for %scan3A_399 = %scan3A_394 to %scan3A_396 step %scan3A_397  : i32 {
        %mul3A_400 = arith.constant 2 : i32
        %mul3A_401 = arith.muli %mul3A_400, %scan3A_399 : i32
        %add3A_402 = arith.constant 1 : i32
        %add3A_403 = arith.addi %mul3A_401, %add3A_402 : i32
        %dma_start3A_404 = arith.constant 1 : i32
        %dma_start3A_405 = arith.constant 0 : i32
        %dma_start3A_406 = arith.constant 0 : i32
        %dma_start3A_407 = tpu.memref_slice %arg8[%dma_start3A_404, %dma_start3A_405, %dma_start3A_406] : memref<2x128x128xf32, #tpu.memory_space<vmem>> -> memref<1x128x128xf32, #tpu.memory_space<vmem>>
        %dma_start3A_408 = tpu.memref_squeeze %dma_start3A_407 : memref<1x128x128xf32, #tpu.memory_space<vmem>> -> memref<128x128xf32, #tpu.memory_space<vmem>>
        %dma_start3A_409 = arith.constant 0 : i32
        %dma_start3A_410 = tpu.memref_slice %arg6[%add3A_403, %dma_start3A_409] : memref<40x128xi32, #tpu.memory_space<vmem>> -> memref<1x128xi32, #tpu.memory_space<vmem>>
        %dma_start3A_411 = tpu.memref_squeeze %dma_start3A_410 : memref<1x128xi32, #tpu.memory_space<vmem>> -> memref<128xi32, #tpu.memory_space<vmem>>
        %dma_start3A_412 = arith.constant 0 : i32
        %dma_start3A_413 = arith.constant 0 : i32
        %dma_start3A_414 = tpu.memref_slice %arg2[%dma_start3A_412, %dma_start3A_413] : memref<10000x128xf32, #tpu.memory_space<hbm>> -> memref<10000x128xf32, #tpu.memory_space<hbm>>
        tpu.enqueue_indirect_dma source(%dma_start3A_414 : memref<10000x128xf32, #tpu.memory_space<hbm>>) target(%dma_start3A_408 : memref<128x128xf32, #tpu.memory_space<vmem>>) offsets(%dma_start3A_411 : memref<128xi32, #tpu.memory_space<vmem>>) semaphore(%arg11 : memref<!tpu.dma_semaphore, #tpu.memory_space<semaphore_mem>>)
        %dma_wait3A_415 = arith.constant 0 : i32
        %dma_wait3A_416 = arith.constant 0 : i32
        %dma_wait3A_417 = arith.constant 0 : i32
        %dma_wait3A_418 = tpu.memref_slice %arg8[%dma_wait3A_415, %dma_wait3A_416, %dma_wait3A_417] : memref<2x128x128xf32, #tpu.memory_space<vmem>> -> memref<1x128x128xf32, #tpu.memory_space<vmem>>
        %dma_wait3A_419 = tpu.memref_squeeze %dma_wait3A_418 : memref<1x128x128xf32, #tpu.memory_space<vmem>> -> memref<128x128xf32, #tpu.memory_space<vmem>>
        %dma_wait3A_420 = arith.constant 0 : i32
        %dma_wait3A_421 = tpu.memref_slice %arg6[%mul3A_401, %dma_wait3A_420] : memref<40x128xi32, #tpu.memory_space<vmem>> -> memref<1x128xi32, #tpu.memory_space<vmem>>
        %dma_wait3A_422 = tpu.memref_squeeze %dma_wait3A_421 : memref<1x128xi32, #tpu.memory_space<vmem>> -> memref<128xi32, #tpu.memory_space<vmem>>
        %dma_wait3A_423 = arith.constant 0 : i32
        %dma_wait3A_424 = arith.constant 0 : i32
        %dma_wait3A_425 = tpu.memref_slice %arg2[%dma_wait3A_423, %dma_wait3A_424] : memref<10000x128xf32, #tpu.memory_space<hbm>> -> memref<10000x128xf32, #tpu.memory_space<hbm>>
        tpu.wait_indirect_dma semaphore(%arg10 : memref<!tpu.dma_semaphore, #tpu.memory_space<semaphore_mem>>) src(%dma_wait3A_425 : memref<10000x128xf32, #tpu.memory_space<hbm>>) dst(%dma_wait3A_419 : memref<128x128xf32, #tpu.memory_space<vmem>>)
        %run_scoped3A_426 = arith.constant 0 : i32
        "tpu.region"() ({
          %run_scoped3A_445 = tpu.sem_alloc : memref<!tpu.dma_semaphore, #tpu.memory_space<semaphore_mem>>
          %dma_start3A_446 = arith.constant 0 : i32
          %dma_start3A_447 = arith.constant 0 : i32
          %dma_start3A_448 = tpu.memref_slice %arg8[%run_scoped3A_426, %dma_start3A_446, %dma_start3A_447] : memref<2x128x128xf32, #tpu.memory_space<vmem>> -> memref<1x128x128xf32, #tpu.memory_space<vmem>>
          %dma_start3A_449 = tpu.memref_squeeze %dma_start3A_448 : memref<1x128x128xf32, #tpu.memory_space<vmem>> -> memref<128x128xf32, #tpu.memory_space<vmem>>
          %dma_start3A_450 = arith.constant 0 : i32
          %dma_start3A_451 = tpu.memref_slice %arg7[%mul3A_401, %dma_start3A_450] : memref<40x128xi32, #tpu.memory_space<vmem>> -> memref<1x128xi32, #tpu.memory_space<vmem>>
          %dma_start3A_452 = tpu.memref_squeeze %dma_start3A_451 : memref<1x128xi32, #tpu.memory_space<vmem>> -> memref<128xi32, #tpu.memory_space<vmem>>
          %dma_start3A_453 = arith.constant 0 : i32
          %dma_start3A_454 = arith.constant 0 : i32
          %dma_start3A_455 = tpu.memref_slice %arg9[%dma_start3A_453, %dma_start3A_454] : memref<10240x128xf32, #tpu.memory_space<vmem_shared>> -> memref<10240x128xf32, #tpu.memory_space<vmem_shared>>
          tpu.enqueue_indirect_dma source(%dma_start3A_449 : memref<128x128xf32, #tpu.memory_space<vmem>>) target(%dma_start3A_455 : memref<10240x128xf32, #tpu.memory_space<vmem_shared>>) offsets(%dma_start3A_452 : memref<128xi32, #tpu.memory_space<vmem>>) semaphore(%run_scoped3A_445 : memref<!tpu.dma_semaphore, #tpu.memory_space<semaphore_mem>>) {add = true}
          %dma_wait3A_456 = arith.constant 0 : i32
          %dma_wait3A_457 = arith.constant 0 : i32
          %dma_wait3A_458 = tpu.memref_slice %arg8[%run_scoped3A_426, %dma_wait3A_456, %dma_wait3A_457] : memref<2x128x128xf32, #tpu.memory_space<vmem>> -> memref<1x128x128xf32, #tpu.memory_space<vmem>>
          %dma_wait3A_459 = tpu.memref_squeeze %dma_wait3A_458 : memref<1x128x128xf32, #tpu.memory_space<vmem>> -> memref<128x128xf32, #tpu.memory_space<vmem>>
          %dma_wait3A_460 = arith.constant 0 : i32
          %dma_wait3A_461 = tpu.memref_slice %arg7[%mul3A_401, %dma_wait3A_460] : memref<40x128xi32, #tpu.memory_space<vmem>> -> memref<1x128xi32, #tpu.memory_space<vmem>>
          %dma_wait3A_462 = tpu.memref_squeeze %dma_wait3A_461 : memref<1x128xi32, #tpu.memory_space<vmem>> -> memref<128xi32, #tpu.memory_space<vmem>>
          %dma_wait3A_463 = arith.constant 0 : i32
          %dma_wait3A_464 = arith.constant 0 : i32
          %dma_wait3A_465 = tpu.memref_slice %arg9[%dma_wait3A_463, %dma_wait3A_464] : memref<10240x128xf32, #tpu.memory_space<vmem_shared>> -> memref<10240x128xf32, #tpu.memory_space<vmem_shared>>
          tpu.wait_indirect_dma semaphore(%run_scoped3A_445 : memref<!tpu.dma_semaphore, #tpu.memory_space<semaphore_mem>>) src(%dma_wait3A_459 : memref<128x128xf32, #tpu.memory_space<vmem>>) dst(%dma_wait3A_465 : memref<10240x128xf32, #tpu.memory_space<vmem_shared>>)
          tpu.yield
        }) : () -> ()
        %lt3A = arith.constant 19 : i32
        %lt3A_427 = arith.cmpi slt, %scan3A_399, %lt3A : i32
        %convert_element_type3A = arith.extui %lt3A_427 : i1 to i32
        %cond3A = arith.constant 0 : i32
        %cond3A_428 = arith.cmpi ne, %convert_element_type3A, %cond3A : i32
        scf.if %cond3A_428 {
          %add3A_445 = arith.constant 2 : i32
          %add3A_446 = arith.addi %mul3A_401, %add3A_445 : i32
          %dma_start3A_447 = arith.constant 0 : i32
          %dma_start3A_448 = arith.constant 0 : i32
          %dma_start3A_449 = arith.constant 0 : i32
          %dma_start3A_450 = tpu.memref_slice %arg8[%dma_start3A_447, %dma_start3A_448, %dma_start3A_449] : memref<2x128x128xf32, #tpu.memory_space<vmem>> -> memref<1x128x128xf32, #tpu.memory_space<vmem>>
          %dma_start3A_451 = tpu.memref_squeeze %dma_start3A_450 : memref<1x128x128xf32, #tpu.memory_space<vmem>> -> memref<128x128xf32, #tpu.memory_space<vmem>>
          %dma_start3A_452 = arith.constant 0 : i32
          %dma_start3A_453 = tpu.memref_slice %arg6[%add3A_446, %dma_start3A_452] : memref<40x128xi32, #tpu.memory_space<vmem>> -> memref<1x128xi32, #tpu.memory_space<vmem>>
          %dma_start3A_454 = tpu.memref_squeeze %dma_start3A_453 : memref<1x128xi32, #tpu.memory_space<vmem>> -> memref<128xi32, #tpu.memory_space<vmem>>
          %dma_start3A_455 = arith.constant 0 : i32
          %dma_start3A_456 = arith.constant 0 : i32
          %dma_start3A_457 = tpu.memref_slice %arg2[%dma_start3A_455, %dma_start3A_456] : memref<10000x128xf32, #tpu.memory_space<hbm>> -> memref<10000x128xf32, #tpu.memory_space<hbm>>
          tpu.enqueue_indirect_dma source(%dma_start3A_457 : memref<10000x128xf32, #tpu.memory_space<hbm>>) target(%dma_start3A_451 : memref<128x128xf32, #tpu.memory_space<vmem>>) offsets(%dma_start3A_454 : memref<128xi32, #tpu.memory_space<vmem>>) semaphore(%arg10 : memref<!tpu.dma_semaphore, #tpu.memory_space<semaphore_mem>>)
        } else {
        }
        %add3A_429 = arith.constant 1 : i32
        %add3A_430 = arith.addi %mul3A_401, %add3A_429 : i32
        %dma_wait3A_431 = arith.constant 1 : i32
        %dma_wait3A_432 = arith.constant 0 : i32
        %dma_wait3A_433 = arith.constant 0 : i32
        %dma_wait3A_434 = tpu.memref_slice %arg8[%dma_wait3A_431, %dma_wait3A_432, %dma_wait3A_433] : memref<2x128x128xf32, #tpu.memory_space<vmem>> -> memref<1x128x128xf32, #tpu.memory_space<vmem>>
        %dma_wait3A_435 = tpu.memref_squeeze %dma_wait3A_434 : memref<1x128x128xf32, #tpu.memory_space<vmem>> -> memref<128x128xf32, #tpu.memory_space<vmem>>
        %dma_wait3A_436 = arith.constant 0 : i32
        %dma_wait3A_437 = tpu.memref_slice %arg6[%add3A_430, %dma_wait3A_436] : memref<40x128xi32, #tpu.memory_space<vmem>> -> memref<1x128xi32, #tpu.memory_space<vmem>>
        %dma_wait3A_438 = tpu.memref_squeeze %dma_wait3A_437 : memref<1x128xi32, #tpu.memory_space<vmem>> -> memref<128xi32, #tpu.memory_space<vmem>>
        %dma_wait3A_439 = arith.constant 0 : i32
        %dma_wait3A_440 = arith.constant 0 : i32
        %dma_wait3A_441 = tpu.memref_slice %arg2[%dma_wait3A_439, %dma_wait3A_440] : memref<10000x128xf32, #tpu.memory_space<hbm>> -> memref<10000x128xf32, #tpu.memory_space<hbm>>
        tpu.wait_indirect_dma semaphore(%arg11 : memref<!tpu.dma_semaphore, #tpu.memory_space<semaphore_mem>>) src(%dma_wait3A_441 : memref<10000x128xf32, #tpu.memory_space<hbm>>) dst(%dma_wait3A_435 : memref<128x128xf32, #tpu.memory_space<vmem>>)
        %add3A_442 = arith.constant 1 : i32
        %add3A_443 = arith.addi %mul3A_401, %add3A_442 : i32
        %run_scoped3A_444 = arith.constant 1 : i32
        "tpu.region"() ({
          %run_scoped3A_445 = tpu.sem_alloc : memref<!tpu.dma_semaphore, #tpu.memory_space<semaphore_mem>>
          %dma_start3A_446 = arith.constant 0 : i32
          %dma_start3A_447 = arith.constant 0 : i32
          %dma_start3A_448 = tpu.memref_slice %arg8[%run_scoped3A_444, %dma_start3A_446, %dma_start3A_447] : memref<2x128x128xf32, #tpu.memory_space<vmem>> -> memref<1x128x128xf32, #tpu.memory_space<vmem>>
          %dma_start3A_449 = tpu.memref_squeeze %dma_start3A_448 : memref<1x128x128xf32, #tpu.memory_space<vmem>> -> memref<128x128xf32, #tpu.memory_space<vmem>>
          %dma_start3A_450 = arith.constant 0 : i32
          %dma_start3A_451 = tpu.memref_slice %arg7[%add3A_443, %dma_start3A_450] : memref<40x128xi32, #tpu.memory_space<vmem>> -> memref<1x128xi32, #tpu.memory_space<vmem>>
          %dma_start3A_452 = tpu.memref_squeeze %dma_start3A_451 : memref<1x128xi32, #tpu.memory_space<vmem>> -> memref<128xi32, #tpu.memory_space<vmem>>
          %dma_start3A_453 = arith.constant 0 : i32
          %dma_start3A_454 = arith.constant 0 : i32
          %dma_start3A_455 = tpu.memref_slice %arg9[%dma_start3A_453, %dma_start3A_454] : memref<10240x128xf32, #tpu.memory_space<vmem_shared>> -> memref<10240x128xf32, #tpu.memory_space<vmem_shared>>
          tpu.enqueue_indirect_dma source(%dma_start3A_449 : memref<128x128xf32, #tpu.memory_space<vmem>>) target(%dma_start3A_455 : memref<10240x128xf32, #tpu.memory_space<vmem_shared>>) offsets(%dma_start3A_452 : memref<128xi32, #tpu.memory_space<vmem>>) semaphore(%run_scoped3A_445 : memref<!tpu.dma_semaphore, #tpu.memory_space<semaphore_mem>>) {add = true}
          %dma_wait3A_456 = arith.constant 0 : i32
          %dma_wait3A_457 = arith.constant 0 : i32
          %dma_wait3A_458 = tpu.memref_slice %arg8[%run_scoped3A_444, %dma_wait3A_456, %dma_wait3A_457] : memref<2x128x128xf32, #tpu.memory_space<vmem>> -> memref<1x128x128xf32, #tpu.memory_space<vmem>>
          %dma_wait3A_459 = tpu.memref_squeeze %dma_wait3A_458 : memref<1x128x128xf32, #tpu.memory_space<vmem>> -> memref<128x128xf32, #tpu.memory_space<vmem>>
          %dma_wait3A_460 = arith.constant 0 : i32
          %dma_wait3A_461 = tpu.memref_slice %arg7[%add3A_443, %dma_wait3A_460] : memref<40x128xi32, #tpu.memory_space<vmem>> -> memref<1x128xi32, #tpu.memory_space<vmem>>
          %dma_wait3A_462 = tpu.memref_squeeze %dma_wait3A_461 : memref<1x128xi32, #tpu.memory_space<vmem>> -> memref<128xi32, #tpu.memory_space<vmem>>
          %dma_wait3A_463 = arith.constant 0 : i32
          %dma_wait3A_464 = arith.constant 0 : i32
          %dma_wait3A_465 = tpu.memref_slice %arg9[%dma_wait3A_463, %dma_wait3A_464] : memref<10240x128xf32, #tpu.memory_space<vmem_shared>> -> memref<10240x128xf32, #tpu.memory_space<vmem_shared>>
          tpu.wait_indirect_dma semaphore(%run_scoped3A_445 : memref<!tpu.dma_semaphore, #tpu.memory_space<semaphore_mem>>) src(%dma_wait3A_459 : memref<128x128xf32, #tpu.memory_space<vmem>>) dst(%dma_wait3A_465 : memref<10240x128xf32, #tpu.memory_space<vmem_shared>>)
          tpu.yield
        }) : () -> ()
      }
      %scan3A_398 = arith.constant 20 : i32
    }
    %scan3A_180 = arith.constant 2 : i32
    %barrier3A_181 = arith.constant 0 : index
    tpu.barrier barrier_id(%barrier3A_181)
    %mul3A_182 = arith.constant 640 : i32
    %mul3A_183 = arith.muli %arg1, %mul3A_182 : i32
    %add3A_184 = arith.constant 0 : i32
    %add3A_185 = arith.addi %mul3A_183, %add3A_184 : i32
    %run_scoped3A = arith.constant 0 : i32
    "tpu.region"() ({
      %run_scoped3A_376 = tpu.sem_alloc : memref<!tpu.dma_semaphore, #tpu.memory_space<semaphore_mem>>
      %dma_start3A_377 = arith.constant 0 : i32
      %dma_start3A_378 = arith.constant 0 : i32
      %dma_start3A_379 = tpu.memref_slice %arg8[%run_scoped3A, %dma_start3A_377, %dma_start3A_378] : memref<2x128x128xf32, #tpu.memory_space<vmem>> -> memref<1x128x128xf32, #tpu.memory_space<vmem>>
      %dma_start3A_380 = tpu.memref_squeeze %dma_start3A_379 : memref<1x128x128xf32, #tpu.memory_space<vmem>> -> memref<128x128xf32, #tpu.memory_space<vmem>>
      %dma_start3A_381 = arith.constant 0 : i32
      %dma_start3A_382 = tpu.memref_slice %arg9[%add3A_185, %dma_start3A_381] : memref<10240x128xf32, #tpu.memory_space<vmem_shared>> -> memref<128x128xf32, #tpu.memory_space<vmem_shared>>
      %dma_start3A_383 = arith.constant 0 : i32
      %dma_start3A_384 = arith.constant 0 : i32
      %dma_start3A_385 = tpu.memref_slice %arg8[%run_scoped3A, %dma_start3A_383, %dma_start3A_384] : memref<2x128x128xf32, #tpu.memory_space<vmem>> -> memref<1x128x128xf32, #tpu.memory_space<vmem>>
      %dma_start3A_386 = tpu.memref_squeeze %dma_start3A_385 : memref<1x128x128xf32, #tpu.memory_space<vmem>> -> memref<128x128xf32, #tpu.memory_space<vmem>>
      %dma_start3A_387 = arith.constant 0 : i32
      %dma_start3A_388 = tpu.memref_slice %arg9[%add3A_185, %dma_start3A_387] : memref<10240x128xf32, #tpu.memory_space<vmem_shared>> -> memref<128x128xf32, #tpu.memory_space<vmem_shared>>
      tpu.enqueue_dma source(%dma_start3A_388 : memref<128x128xf32, #tpu.memory_space<vmem_shared>>) target(%dma_start3A_386 : memref<128x128xf32, #tpu.memory_space<vmem>>) target_semaphore(%run_scoped3A_376 : memref<!tpu.dma_semaphore, #tpu.memory_space<semaphore_mem>>)
      %dma_wait3A_389 = arith.constant 0 : i32
      %dma_wait3A_390 = arith.constant 0 : i32
      %dma_wait3A_391 = tpu.memref_slice %arg8[%run_scoped3A, %dma_wait3A_389, %dma_wait3A_390] : memref<2x128x128xf32, #tpu.memory_space<vmem>> -> memref<1x128x128xf32, #tpu.memory_space<vmem>>
      %dma_wait3A_392 = tpu.memref_squeeze %dma_wait3A_391 : memref<1x128x128xf32, #tpu.memory_space<vmem>> -> memref<128x128xf32, #tpu.memory_space<vmem>>
      %dma_wait3A_393 = arith.constant 0 : i32
      %dma_wait3A_394 = tpu.memref_slice %arg9[%add3A_185, %dma_wait3A_393] : memref<10240x128xf32, #tpu.memory_space<vmem_shared>> -> memref<128x128xf32, #tpu.memory_space<vmem_shared>>
      %dma_wait3A_395 = arith.constant 0 : i32
      %dma_wait3A_396 = arith.constant 0 : i32
      %dma_wait3A_397 = tpu.memref_slice %arg8[%run_scoped3A, %dma_wait3A_395, %dma_wait3A_396] : memref<2x128x128xf32, #tpu.memory_space<vmem>> -> memref<1x128x128xf32, #tpu.memory_space<vmem>>
      %dma_wait3A_398 = tpu.memref_squeeze %dma_wait3A_397 : memref<1x128x128xf32, #tpu.memory_space<vmem>> -> memref<128x128xf32, #tpu.memory_space<vmem>>
      %dma_wait3A_399 = arith.constant 0 : i32
      %dma_wait3A_400 = tpu.memref_slice %arg9[%add3A_185, %dma_wait3A_399] : memref<10240x128xf32, #tpu.memory_space<vmem_shared>> -> memref<128x128xf32, #tpu.memory_space<vmem_shared>>
      tpu.wait_dma2 semaphore(%run_scoped3A_376 : memref<!tpu.dma_semaphore, #tpu.memory_space<semaphore_mem>>) src(%dma_wait3A_400 : memref<128x128xf32, #tpu.memory_space<vmem_shared>>) dst(%dma_wait3A_398 : memref<128x128xf32, #tpu.memory_space<vmem>>)
      tpu.yield
    }) : () -> ()
    %dma_start3A_186 = arith.constant 0 : i32
    %dma_start3A_187 = arith.constant 0 : i32
    %dma_start3A_188 = arith.constant 0 : i32
    %dma_start3A_189 = tpu.memref_slice %arg8[%dma_start3A_186, %dma_start3A_187, %dma_start3A_188] : memref<2x128x128xf32, #tpu.memory_space<vmem>> -> memref<1x128x128xf32, #tpu.memory_space<vmem>>
    %dma_start3A_190 = tpu.memref_squeeze %dma_start3A_189 : memref<1x128x128xf32, #tpu.memory_space<vmem>> -> memref<128x128xf32, #tpu.memory_space<vmem>>
    %dma_start3A_191 = arith.constant 0 : i32
    %dma_start3A_192 = tpu.memref_slice %arg5[%arg0, %add3A_185, %dma_start3A_191] : memref<2x10240x128xf32, #tpu.memory_space<hbm>> -> memref<1x128x128xf32, #tpu.memory_space<hbm>>
    %dma_start3A_193 = tpu.memref_squeeze %dma_start3A_192 : memref<1x128x128xf32, #tpu.memory_space<hbm>> -> memref<128x128xf32, #tpu.memory_space<hbm>>
    %dma_start3A_194 = arith.constant 0 : i32
    %dma_start3A_195 = tpu.memref_slice %arg5[%arg0, %add3A_185, %dma_start3A_194] : memref<2x10240x128xf32, #tpu.memory_space<hbm>> -> memref<1x128x128xf32, #tpu.memory_space<hbm>>
    %dma_start3A_196 = tpu.memref_squeeze %dma_start3A_195 : memref<1x128x128xf32, #tpu.memory_space<hbm>> -> memref<128x128xf32, #tpu.memory_space<hbm>>
    %dma_start3A_197 = arith.constant 0 : i32
    %dma_start3A_198 = arith.constant 0 : i32
    %dma_start3A_199 = tpu.memref_slice %arg8[%dma_start3A_186, %dma_start3A_197, %dma_start3A_198] : memref<2x128x128xf32, #tpu.memory_space<vmem>> -> memref<1x128x128xf32, #tpu.memory_space<vmem>>
    %dma_start3A_200 = tpu.memref_squeeze %dma_start3A_199 : memref<1x128x128xf32, #tpu.memory_space<vmem>> -> memref<128x128xf32, #tpu.memory_space<vmem>>
    tpu.enqueue_dma source(%dma_start3A_200 : memref<128x128xf32, #tpu.memory_space<vmem>>) target(%dma_start3A_196 : memref<128x128xf32, #tpu.memory_space<hbm>>) target_semaphore(%arg10 : memref<!tpu.dma_semaphore, #tpu.memory_space<semaphore_mem>>)
    %mul3A_201 = arith.constant 640 : i32
    %mul3A_202 = arith.muli %arg1, %mul3A_201 : i32
    %add3A_203 = arith.constant 128 : i32
    %add3A_204 = arith.addi %mul3A_202, %add3A_203 : i32
    %run_scoped3A_205 = arith.constant 1 : i32
    "tpu.region"() ({
      %run_scoped3A_376 = tpu.sem_alloc : memref<!tpu.dma_semaphore, #tpu.memory_space<semaphore_mem>>
      %dma_start3A_377 = arith.constant 0 : i32
      %dma_start3A_378 = arith.constant 0 : i32
      %dma_start3A_379 = tpu.memref_slice %arg8[%run_scoped3A_205, %dma_start3A_377, %dma_start3A_378] : memref<2x128x128xf32, #tpu.memory_space<vmem>> -> memref<1x128x128xf32, #tpu.memory_space<vmem>>
      %dma_start3A_380 = tpu.memref_squeeze %dma_start3A_379 : memref<1x128x128xf32, #tpu.memory_space<vmem>> -> memref<128x128xf32, #tpu.memory_space<vmem>>
      %dma_start3A_381 = arith.constant 0 : i32
      %dma_start3A_382 = tpu.memref_slice %arg9[%add3A_204, %dma_start3A_381] : memref<10240x128xf32, #tpu.memory_space<vmem_shared>> -> memref<128x128xf32, #tpu.memory_space<vmem_shared>>
      %dma_start3A_383 = arith.constant 0 : i32
      %dma_start3A_384 = arith.constant 0 : i32
      %dma_start3A_385 = tpu.memref_slice %arg8[%run_scoped3A_205, %dma_start3A_383, %dma_start3A_384] : memref<2x128x128xf32, #tpu.memory_space<vmem>> -> memref<1x128x128xf32, #tpu.memory_space<vmem>>
      %dma_start3A_386 = tpu.memref_squeeze %dma_start3A_385 : memref<1x128x128xf32, #tpu.memory_space<vmem>> -> memref<128x128xf32, #tpu.memory_space<vmem>>
      %dma_start3A_387 = arith.constant 0 : i32
      %dma_start3A_388 = tpu.memref_slice %arg9[%add3A_204, %dma_start3A_387] : memref<10240x128xf32, #tpu.memory_space<vmem_shared>> -> memref<128x128xf32, #tpu.memory_space<vmem_shared>>
      tpu.enqueue_dma source(%dma_start3A_388 : memref<128x128xf32, #tpu.memory_space<vmem_shared>>) target(%dma_start3A_386 : memref<128x128xf32, #tpu.memory_space<vmem>>) target_semaphore(%run_scoped3A_376 : memref<!tpu.dma_semaphore, #tpu.memory_space<semaphore_mem>>)
      %dma_wait3A_389 = arith.constant 0 : i32
      %dma_wait3A_390 = arith.constant 0 : i32
      %dma_wait3A_391 = tpu.memref_slice %arg8[%run_scoped3A_205, %dma_wait3A_389, %dma_wait3A_390] : memref<2x128x128xf32, #tpu.memory_space<vmem>> -> memref<1x128x128xf32, #tpu.memory_space<vmem>>
      %dma_wait3A_392 = tpu.memref_squeeze %dma_wait3A_391 : memref<1x128x128xf32, #tpu.memory_space<vmem>> -> memref<128x128xf32, #tpu.memory_space<vmem>>
      %dma_wait3A_393 = arith.constant 0 : i32
      %dma_wait3A_394 = tpu.memref_slice %arg9[%add3A_204, %dma_wait3A_393] : memref<10240x128xf32, #tpu.memory_space<vmem_shared>> -> memref<128x128xf32, #tpu.memory_space<vmem_shared>>
      %dma_wait3A_395 = arith.constant 0 : i32
      %dma_wait3A_396 = arith.constant 0 : i32
      %dma_wait3A_397 = tpu.memref_slice %arg8[%run_scoped3A_205, %dma_wait3A_395, %dma_wait3A_396] : memref<2x128x128xf32, #tpu.memory_space<vmem>> -> memref<1x128x128xf32, #tpu.memory_space<vmem>>
      %dma_wait3A_398 = tpu.memref_squeeze %dma_wait3A_397 : memref<1x128x128xf32, #tpu.memory_space<vmem>> -> memref<128x128xf32, #tpu.memory_space<vmem>>
      %dma_wait3A_399 = arith.constant 0 : i32
      %dma_wait3A_400 = tpu.memref_slice %arg9[%add3A_204, %dma_wait3A_399] : memref<10240x128xf32, #tpu.memory_space<vmem_shared>> -> memref<128x128xf32, #tpu.memory_space<vmem_shared>>
      tpu.wait_dma2 semaphore(%run_scoped3A_376 : memref<!tpu.dma_semaphore, #tpu.memory_space<semaphore_mem>>) src(%dma_wait3A_400 : memref<128x128xf32, #tpu.memory_space<vmem_shared>>) dst(%dma_wait3A_398 : memref<128x128xf32, #tpu.memory_space<vmem>>)
      tpu.yield
    }) : () -> ()
    %dma_start3A_206 = arith.constant 1 : i32
    %dma_start3A_207 = arith.constant 0 : i32
    %dma_start3A_208 = arith.constant 0 : i32
    %dma_start3A_209 = tpu.memref_slice %arg8[%dma_start3A_206, %dma_start3A_207, %dma_start3A_208] : memref<2x128x128xf32, #tpu.memory_space<vmem>> -> memref<1x128x128xf32, #tpu.memory_space<vmem>>
    %dma_start3A_210 = tpu.memref_squeeze %dma_start3A_209 : memref<1x128x128xf32, #tpu.memory_space<vmem>> -> memref<128x128xf32, #tpu.memory_space<vmem>>
    %dma_start3A_211 = arith.constant 0 : i32
    %dma_start3A_212 = tpu.memref_slice %arg5[%arg0, %add3A_204, %dma_start3A_211] : memref<2x10240x128xf32, #tpu.memory_space<hbm>> -> memref<1x128x128xf32, #tpu.memory_space<hbm>>
    %dma_start3A_213 = tpu.memref_squeeze %dma_start3A_212 : memref<1x128x128xf32, #tpu.memory_space<hbm>> -> memref<128x128xf32, #tpu.memory_space<hbm>>
    %dma_start3A_214 = arith.constant 0 : i32
    %dma_start3A_215 = tpu.memref_slice %arg5[%arg0, %add3A_204, %dma_start3A_214] : memref<2x10240x128xf32, #tpu.memory_space<hbm>> -> memref<1x128x128xf32, #tpu.memory_space<hbm>>
    %dma_start3A_216 = tpu.memref_squeeze %dma_start3A_215 : memref<1x128x128xf32, #tpu.memory_space<hbm>> -> memref<128x128xf32, #tpu.memory_space<hbm>>
    %dma_start3A_217 = arith.constant 0 : i32
    %dma_start3A_218 = arith.constant 0 : i32
    %dma_start3A_219 = tpu.memref_slice %arg8[%dma_start3A_206, %dma_start3A_217, %dma_start3A_218] : memref<2x128x128xf32, #tpu.memory_space<vmem>> -> memref<1x128x128xf32, #tpu.memory_space<vmem>>
    %dma_start3A_220 = tpu.memref_squeeze %dma_start3A_219 : memref<1x128x128xf32, #tpu.memory_space<vmem>> -> memref<128x128xf32, #tpu.memory_space<vmem>>
    tpu.enqueue_dma source(%dma_start3A_220 : memref<128x128xf32, #tpu.memory_space<vmem>>) target(%dma_start3A_216 : memref<128x128xf32, #tpu.memory_space<hbm>>) target_semaphore(%arg11 : memref<!tpu.dma_semaphore, #tpu.memory_space<semaphore_mem>>)
    %mul3A_221 = arith.constant 640 : i32
    %mul3A_222 = arith.muli %arg1, %mul3A_221 : i32
    %add3A_223 = arith.constant 256 : i32
    %add3A_224 = arith.addi %mul3A_222, %add3A_223 : i32
    %mul3A_225 = arith.constant 640 : i32
    %mul3A_226 = arith.muli %arg1, %mul3A_225 : i32
    %add3A_227 = arith.constant 0 : i32
    %add3A_228 = arith.addi %mul3A_226, %add3A_227 : i32
    %dma_wait3A_229 = arith.constant 0 : i32
    %dma_wait3A_230 = arith.constant 0 : i32
    %dma_wait3A_231 = arith.constant 0 : i32
    %dma_wait3A_232 = tpu.memref_slice %arg8[%dma_wait3A_229, %dma_wait3A_230, %dma_wait3A_231] : memref<2x128x128xf32, #tpu.memory_space<vmem>> -> memref<1x128x128xf32, #tpu.memory_space<vmem>>
    %dma_wait3A_233 = tpu.memref_squeeze %dma_wait3A_232 : memref<1x128x128xf32, #tpu.memory_space<vmem>> -> memref<128x128xf32, #tpu.memory_space<vmem>>
    %dma_wait3A_234 = arith.constant 0 : i32
    %dma_wait3A_235 = tpu.memref_slice %arg5[%arg0, %add3A_228, %dma_wait3A_234] : memref<2x10240x128xf32, #tpu.memory_space<hbm>> -> memref<1x128x128xf32, #tpu.memory_space<hbm>>
    %dma_wait3A_236 = tpu.memref_squeeze %dma_wait3A_235 : memref<1x128x128xf32, #tpu.memory_space<hbm>> -> memref<128x128xf32, #tpu.memory_space<hbm>>
    %dma_wait3A_237 = arith.constant 0 : i32
    %dma_wait3A_238 = tpu.memref_slice %arg5[%arg0, %add3A_228, %dma_wait3A_237] : memref<2x10240x128xf32, #tpu.memory_space<hbm>> -> memref<1x128x128xf32, #tpu.memory_space<hbm>>
    %dma_wait3A_239 = tpu.memref_squeeze %dma_wait3A_238 : memref<1x128x128xf32, #tpu.memory_space<hbm>> -> memref<128x128xf32, #tpu.memory_space<hbm>>
    %dma_wait3A_240 = arith.constant 0 : i32
    %dma_wait3A_241 = arith.constant 0 : i32
    %dma_wait3A_242 = tpu.memref_slice %arg8[%dma_wait3A_229, %dma_wait3A_240, %dma_wait3A_241] : memref<2x128x128xf32, #tpu.memory_space<vmem>> -> memref<1x128x128xf32, #tpu.memory_space<vmem>>
    %dma_wait3A_243 = tpu.memref_squeeze %dma_wait3A_242 : memref<1x128x128xf32, #tpu.memory_space<vmem>> -> memref<128x128xf32, #tpu.memory_space<vmem>>
    tpu.wait_dma2 semaphore(%arg10 : memref<!tpu.dma_semaphore, #tpu.memory_space<semaphore_mem>>) src(%dma_wait3A_243 : memref<128x128xf32, #tpu.memory_space<vmem>>) dst(%dma_wait3A_239 : memref<128x128xf32, #tpu.memory_space<hbm>>)
    %run_scoped3A_244 = arith.constant 0 : i32
    "tpu.region"() ({
      %run_scoped3A_376 = tpu.sem_alloc : memref<!tpu.dma_semaphore, #tpu.memory_space<semaphore_mem>>
      %dma_start3A_377 = arith.constant 0 : i32
      %dma_start3A_378 = arith.constant 0 : i32
      %dma_start3A_379 = tpu.memref_slice %arg8[%run_scoped3A_244, %dma_start3A_377, %dma_start3A_378] : memref<2x128x128xf32, #tpu.memory_space<vmem>> -> memref<1x128x128xf32, #tpu.memory_space<vmem>>
      %dma_start3A_380 = tpu.memref_squeeze %dma_start3A_379 : memref<1x128x128xf32, #tpu.memory_space<vmem>> -> memref<128x128xf32, #tpu.memory_space<vmem>>
      %dma_start3A_381 = arith.constant 0 : i32
      %dma_start3A_382 = tpu.memref_slice %arg9[%add3A_224, %dma_start3A_381] : memref<10240x128xf32, #tpu.memory_space<vmem_shared>> -> memref<128x128xf32, #tpu.memory_space<vmem_shared>>
      %dma_start3A_383 = arith.constant 0 : i32
      %dma_start3A_384 = arith.constant 0 : i32
      %dma_start3A_385 = tpu.memref_slice %arg8[%run_scoped3A_244, %dma_start3A_383, %dma_start3A_384] : memref<2x128x128xf32, #tpu.memory_space<vmem>> -> memref<1x128x128xf32, #tpu.memory_space<vmem>>
      %dma_start3A_386 = tpu.memref_squeeze %dma_start3A_385 : memref<1x128x128xf32, #tpu.memory_space<vmem>> -> memref<128x128xf32, #tpu.memory_space<vmem>>
      %dma_start3A_387 = arith.constant 0 : i32
      %dma_start3A_388 = tpu.memref_slice %arg9[%add3A_224, %dma_start3A_387] : memref<10240x128xf32, #tpu.memory_space<vmem_shared>> -> memref<128x128xf32, #tpu.memory_space<vmem_shared>>
      tpu.enqueue_dma source(%dma_start3A_388 : memref<128x128xf32, #tpu.memory_space<vmem_shared>>) target(%dma_start3A_386 : memref<128x128xf32, #tpu.memory_space<vmem>>) target_semaphore(%run_scoped3A_376 : memref<!tpu.dma_semaphore, #tpu.memory_space<semaphore_mem>>)
      %dma_wait3A_389 = arith.constant 0 : i32
      %dma_wait3A_390 = arith.constant 0 : i32
      %dma_wait3A_391 = tpu.memref_slice %arg8[%run_scoped3A_244, %dma_wait3A_389, %dma_wait3A_390] : memref<2x128x128xf32, #tpu.memory_space<vmem>> -> memref<1x128x128xf32, #tpu.memory_space<vmem>>
      %dma_wait3A_392 = tpu.memref_squeeze %dma_wait3A_391 : memref<1x128x128xf32, #tpu.memory_space<vmem>> -> memref<128x128xf32, #tpu.memory_space<vmem>>
      %dma_wait3A_393 = arith.constant 0 : i32
      %dma_wait3A_394 = tpu.memref_slice %arg9[%add3A_224, %dma_wait3A_393] : memref<10240x128xf32, #tpu.memory_space<vmem_shared>> -> memref<128x128xf32, #tpu.memory_space<vmem_shared>>
      %dma_wait3A_395 = arith.constant 0 : i32
      %dma_wait3A_396 = arith.constant 0 : i32
      %dma_wait3A_397 = tpu.memref_slice %arg8[%run_scoped3A_244, %dma_wait3A_395, %dma_wait3A_396] : memref<2x128x128xf32, #tpu.memory_space<vmem>> -> memref<1x128x128xf32, #tpu.memory_space<vmem>>
      %dma_wait3A_398 = tpu.memref_squeeze %dma_wait3A_397 : memref<1x128x128xf32, #tpu.memory_space<vmem>> -> memref<128x128xf32, #tpu.memory_space<vmem>>
      %dma_wait3A_399 = arith.constant 0 : i32
      %dma_wait3A_400 = tpu.memref_slice %arg9[%add3A_224, %dma_wait3A_399] : memref<10240x128xf32, #tpu.memory_space<vmem_shared>> -> memref<128x128xf32, #tpu.memory_space<vmem_shared>>
      tpu.wait_dma2 semaphore(%run_scoped3A_376 : memref<!tpu.dma_semaphore, #tpu.memory_space<semaphore_mem>>) src(%dma_wait3A_400 : memref<128x128xf32, #tpu.memory_space<vmem_shared>>) dst(%dma_wait3A_398 : memref<128x128xf32, #tpu.memory_space<vmem>>)
      tpu.yield
    }) : () -> ()
    %dma_start3A_245 = arith.constant 0 : i32
    %dma_start3A_246 = arith.constant 0 : i32
    %dma_start3A_247 = arith.constant 0 : i32
    %dma_start3A_248 = tpu.memref_slice %arg8[%dma_start3A_245, %dma_start3A_246, %dma_start3A_247] : memref<2x128x128xf32, #tpu.memory_space<vmem>> -> memref<1x128x128xf32, #tpu.memory_space<vmem>>
    %dma_start3A_249 = tpu.memref_squeeze %dma_start3A_248 : memref<1x128x128xf32, #tpu.memory_space<vmem>> -> memref<128x128xf32, #tpu.memory_space<vmem>>
    %dma_start3A_250 = arith.constant 0 : i32
    %dma_start3A_251 = tpu.memref_slice %arg5[%arg0, %add3A_224, %dma_start3A_250] : memref<2x10240x128xf32, #tpu.memory_space<hbm>> -> memref<1x128x128xf32, #tpu.memory_space<hbm>>
    %dma_start3A_252 = tpu.memref_squeeze %dma_start3A_251 : memref<1x128x128xf32, #tpu.memory_space<hbm>> -> memref<128x128xf32, #tpu.memory_space<hbm>>
    %dma_start3A_253 = arith.constant 0 : i32
    %dma_start3A_254 = tpu.memref_slice %arg5[%arg0, %add3A_224, %dma_start3A_253] : memref<2x10240x128xf32, #tpu.memory_space<hbm>> -> memref<1x128x128xf32, #tpu.memory_space<hbm>>
    %dma_start3A_255 = tpu.memref_squeeze %dma_start3A_254 : memref<1x128x128xf32, #tpu.memory_space<hbm>> -> memref<128x128xf32, #tpu.memory_space<hbm>>
    %dma_start3A_256 = arith.constant 0 : i32
    %dma_start3A_257 = arith.constant 0 : i32
    %dma_start3A_258 = tpu.memref_slice %arg8[%dma_start3A_245, %dma_start3A_256, %dma_start3A_257] : memref<2x128x128xf32, #tpu.memory_space<vmem>> -> memref<1x128x128xf32, #tpu.memory_space<vmem>>
    %dma_start3A_259 = tpu.memref_squeeze %dma_start3A_258 : memref<1x128x128xf32, #tpu.memory_space<vmem>> -> memref<128x128xf32, #tpu.memory_space<vmem>>
    tpu.enqueue_dma source(%dma_start3A_259 : memref<128x128xf32, #tpu.memory_space<vmem>>) target(%dma_start3A_255 : memref<128x128xf32, #tpu.memory_space<hbm>>) target_semaphore(%arg10 : memref<!tpu.dma_semaphore, #tpu.memory_space<semaphore_mem>>)
    %mul3A_260 = arith.constant 640 : i32
    %mul3A_261 = arith.muli %arg1, %mul3A_260 : i32
    %add3A_262 = arith.constant 384 : i32
    %add3A_263 = arith.addi %mul3A_261, %add3A_262 : i32
    %mul3A_264 = arith.constant 640 : i32
    %mul3A_265 = arith.muli %arg1, %mul3A_264 : i32
    %add3A_266 = arith.constant 128 : i32
    %add3A_267 = arith.addi %mul3A_265, %add3A_266 : i32
    %dma_wait3A_268 = arith.constant 1 : i32
    %dma_wait3A_269 = arith.constant 0 : i32
    %dma_wait3A_270 = arith.constant 0 : i32
    %dma_wait3A_271 = tpu.memref_slice %arg8[%dma_wait3A_268, %dma_wait3A_269, %dma_wait3A_270] : memref<2x128x128xf32, #tpu.memory_space<vmem>> -> memref<1x128x128xf32, #tpu.memory_space<vmem>>
    %dma_wait3A_272 = tpu.memref_squeeze %dma_wait3A_271 : memref<1x128x128xf32, #tpu.memory_space<vmem>> -> memref<128x128xf32, #tpu.memory_space<vmem>>
    %dma_wait3A_273 = arith.constant 0 : i32
    %dma_wait3A_274 = tpu.memref_slice %arg5[%arg0, %add3A_267, %dma_wait3A_273] : memref<2x10240x128xf32, #tpu.memory_space<hbm>> -> memref<1x128x128xf32, #tpu.memory_space<hbm>>
    %dma_wait3A_275 = tpu.memref_squeeze %dma_wait3A_274 : memref<1x128x128xf32, #tpu.memory_space<hbm>> -> memref<128x128xf32, #tpu.memory_space<hbm>>
    %dma_wait3A_276 = arith.constant 0 : i32
    %dma_wait3A_277 = tpu.memref_slice %arg5[%arg0, %add3A_267, %dma_wait3A_276] : memref<2x10240x128xf32, #tpu.memory_space<hbm>> -> memref<1x128x128xf32, #tpu.memory_space<hbm>>
    %dma_wait3A_278 = tpu.memref_squeeze %dma_wait3A_277 : memref<1x128x128xf32, #tpu.memory_space<hbm>> -> memref<128x128xf32, #tpu.memory_space<hbm>>
    %dma_wait3A_279 = arith.constant 0 : i32
    %dma_wait3A_280 = arith.constant 0 : i32
    %dma_wait3A_281 = tpu.memref_slice %arg8[%dma_wait3A_268, %dma_wait3A_279, %dma_wait3A_280] : memref<2x128x128xf32, #tpu.memory_space<vmem>> -> memref<1x128x128xf32, #tpu.memory_space<vmem>>
    %dma_wait3A_282 = tpu.memref_squeeze %dma_wait3A_281 : memref<1x128x128xf32, #tpu.memory_space<vmem>> -> memref<128x128xf32, #tpu.memory_space<vmem>>
    tpu.wait_dma2 semaphore(%arg11 : memref<!tpu.dma_semaphore, #tpu.memory_space<semaphore_mem>>) src(%dma_wait3A_282 : memref<128x128xf32, #tpu.memory_space<vmem>>) dst(%dma_wait3A_278 : memref<128x128xf32, #tpu.memory_space<hbm>>)
    %run_scoped3A_283 = arith.constant 1 : i32
    "tpu.region"() ({
      %run_scoped3A_376 = tpu.sem_alloc : memref<!tpu.dma_semaphore, #tpu.memory_space<semaphore_mem>>
      %dma_start3A_377 = arith.constant 0 : i32
      %dma_start3A_378 = arith.constant 0 : i32
      %dma_start3A_379 = tpu.memref_slice %arg8[%run_scoped3A_283, %dma_start3A_377, %dma_start3A_378] : memref<2x128x128xf32, #tpu.memory_space<vmem>> -> memref<1x128x128xf32, #tpu.memory_space<vmem>>
      %dma_start3A_380 = tpu.memref_squeeze %dma_start3A_379 : memref<1x128x128xf32, #tpu.memory_space<vmem>> -> memref<128x128xf32, #tpu.memory_space<vmem>>
      %dma_start3A_381 = arith.constant 0 : i32
      %dma_start3A_382 = tpu.memref_slice %arg9[%add3A_263, %dma_start3A_381] : memref<10240x128xf32, #tpu.memory_space<vmem_shared>> -> memref<128x128xf32, #tpu.memory_space<vmem_shared>>
      %dma_start3A_383 = arith.constant 0 : i32
      %dma_start3A_384 = arith.constant 0 : i32
      %dma_start3A_385 = tpu.memref_slice %arg8[%run_scoped3A_283, %dma_start3A_383, %dma_start3A_384] : memref<2x128x128xf32, #tpu.memory_space<vmem>> -> memref<1x128x128xf32, #tpu.memory_space<vmem>>
      %dma_start3A_386 = tpu.memref_squeeze %dma_start3A_385 : memref<1x128x128xf32, #tpu.memory_space<vmem>> -> memref<128x128xf32, #tpu.memory_space<vmem>>
      %dma_start3A_387 = arith.constant 0 : i32
      %dma_start3A_388 = tpu.memref_slice %arg9[%add3A_263, %dma_start3A_387] : memref<10240x128xf32, #tpu.memory_space<vmem_shared>> -> memref<128x128xf32, #tpu.memory_space<vmem_shared>>
      tpu.enqueue_dma source(%dma_start3A_388 : memref<128x128xf32, #tpu.memory_space<vmem_shared>>) target(%dma_start3A_386 : memref<128x128xf32, #tpu.memory_space<vmem>>) target_semaphore(%run_scoped3A_376 : memref<!tpu.dma_semaphore, #tpu.memory_space<semaphore_mem>>)
      %dma_wait3A_389 = arith.constant 0 : i32
      %dma_wait3A_390 = arith.constant 0 : i32
      %dma_wait3A_391 = tpu.memref_slice %arg8[%run_scoped3A_283, %dma_wait3A_389, %dma_wait3A_390] : memref<2x128x128xf32, #tpu.memory_space<vmem>> -> memref<1x128x128xf32, #tpu.memory_space<vmem>>
      %dma_wait3A_392 = tpu.memref_squeeze %dma_wait3A_391 : memref<1x128x128xf32, #tpu.memory_space<vmem>> -> memref<128x128xf32, #tpu.memory_space<vmem>>
      %dma_wait3A_393 = arith.constant 0 : i32
      %dma_wait3A_394 = tpu.memref_slice %arg9[%add3A_263, %dma_wait3A_393] : memref<10240x128xf32, #tpu.memory_space<vmem_shared>> -> memref<128x128xf32, #tpu.memory_space<vmem_shared>>
      %dma_wait3A_395 = arith.constant 0 : i32
      %dma_wait3A_396 = arith.constant 0 : i32
      %dma_wait3A_397 = tpu.memref_slice %arg8[%run_scoped3A_283, %dma_wait3A_395, %dma_wait3A_396] : memref<2x128x128xf32, #tpu.memory_space<vmem>> -> memref<1x128x128xf32, #tpu.memory_space<vmem>>
      %dma_wait3A_398 = tpu.memref_squeeze %dma_wait3A_397 : memref<1x128x128xf32, #tpu.memory_space<vmem>> -> memref<128x128xf32, #tpu.memory_space<vmem>>
      %dma_wait3A_399 = arith.constant 0 : i32
      %dma_wait3A_400 = tpu.memref_slice %arg9[%add3A_263, %dma_wait3A_399] : memref<10240x128xf32, #tpu.memory_space<vmem_shared>> -> memref<128x128xf32, #tpu.memory_space<vmem_shared>>
      tpu.wait_dma2 semaphore(%run_scoped3A_376 : memref<!tpu.dma_semaphore, #tpu.memory_space<semaphore_mem>>) src(%dma_wait3A_400 : memref<128x128xf32, #tpu.memory_space<vmem_shared>>) dst(%dma_wait3A_398 : memref<128x128xf32, #tpu.memory_space<vmem>>)
      tpu.yield
    }) : () -> ()
    %dma_start3A_284 = arith.constant 1 : i32
    %dma_start3A_285 = arith.constant 0 : i32
    %dma_start3A_286 = arith.constant 0 : i32
    %dma_start3A_287 = tpu.memref_slice %arg8[%dma_start3A_284, %dma_start3A_285, %dma_start3A_286] : memref<2x128x128xf32, #tpu.memory_space<vmem>> -> memref<1x128x128xf32, #tpu.memory_space<vmem>>
    %dma_start3A_288 = tpu.memref_squeeze %dma_start3A_287 : memref<1x128x128xf32, #tpu.memory_space<vmem>> -> memref<128x128xf32, #tpu.memory_space<vmem>>
    %dma_start3A_289 = arith.constant 0 : i32
    %dma_start3A_290 = tpu.memref_slice %arg5[%arg0, %add3A_263, %dma_start3A_289] : memref<2x10240x128xf32, #tpu.memory_space<hbm>> -> memref<1x128x128xf32, #tpu.memory_space<hbm>>
    %dma_start3A_291 = tpu.memref_squeeze %dma_start3A_290 : memref<1x128x128xf32, #tpu.memory_space<hbm>> -> memref<128x128xf32, #tpu.memory_space<hbm>>
    %dma_start3A_292 = arith.constant 0 : i32
    %dma_start3A_293 = tpu.memref_slice %arg5[%arg0, %add3A_263, %dma_start3A_292] : memref<2x10240x128xf32, #tpu.memory_space<hbm>> -> memref<1x128x128xf32, #tpu.memory_space<hbm>>
    %dma_start3A_294 = tpu.memref_squeeze %dma_start3A_293 : memref<1x128x128xf32, #tpu.memory_space<hbm>> -> memref<128x128xf32, #tpu.memory_space<hbm>>
    %dma_start3A_295 = arith.constant 0 : i32
    %dma_start3A_296 = arith.constant 0 : i32
    %dma_start3A_297 = tpu.memref_slice %arg8[%dma_start3A_284, %dma_start3A_295, %dma_start3A_296] : memref<2x128x128xf32, #tpu.memory_space<vmem>> -> memref<1x128x128xf32, #tpu.memory_space<vmem>>
    %dma_start3A_298 = tpu.memref_squeeze %dma_start3A_297 : memref<1x128x128xf32, #tpu.memory_space<vmem>> -> memref<128x128xf32, #tpu.memory_space<vmem>>
    tpu.enqueue_dma source(%dma_start3A_298 : memref<128x128xf32, #tpu.memory_space<vmem>>) target(%dma_start3A_294 : memref<128x128xf32, #tpu.memory_space<hbm>>) target_semaphore(%arg11 : memref<!tpu.dma_semaphore, #tpu.memory_space<semaphore_mem>>)
    %mul3A_299 = arith.constant 640 : i32
    %mul3A_300 = arith.muli %arg1, %mul3A_299 : i32
    %add3A_301 = arith.constant 512 : i32
    %add3A_302 = arith.addi %mul3A_300, %add3A_301 : i32
    %mul3A_303 = arith.constant 640 : i32
    %mul3A_304 = arith.muli %arg1, %mul3A_303 : i32
    %add3A_305 = arith.constant 256 : i32
    %add3A_306 = arith.addi %mul3A_304, %add3A_305 : i32
    %dma_wait3A_307 = arith.constant 0 : i32
    %dma_wait3A_308 = arith.constant 0 : i32
    %dma_wait3A_309 = arith.constant 0 : i32
    %dma_wait3A_310 = tpu.memref_slice %arg8[%dma_wait3A_307, %dma_wait3A_308, %dma_wait3A_309] : memref<2x128x128xf32, #tpu.memory_space<vmem>> -> memref<1x128x128xf32, #tpu.memory_space<vmem>>
    %dma_wait3A_311 = tpu.memref_squeeze %dma_wait3A_310 : memref<1x128x128xf32, #tpu.memory_space<vmem>> -> memref<128x128xf32, #tpu.memory_space<vmem>>
    %dma_wait3A_312 = arith.constant 0 : i32
    %dma_wait3A_313 = tpu.memref_slice %arg5[%arg0, %add3A_306, %dma_wait3A_312] : memref<2x10240x128xf32, #tpu.memory_space<hbm>> -> memref<1x128x128xf32, #tpu.memory_space<hbm>>
    %dma_wait3A_314 = tpu.memref_squeeze %dma_wait3A_313 : memref<1x128x128xf32, #tpu.memory_space<hbm>> -> memref<128x128xf32, #tpu.memory_space<hbm>>
    %dma_wait3A_315 = arith.constant 0 : i32
    %dma_wait3A_316 = tpu.memref_slice %arg5[%arg0, %add3A_306, %dma_wait3A_315] : memref<2x10240x128xf32, #tpu.memory_space<hbm>> -> memref<1x128x128xf32, #tpu.memory_space<hbm>>
    %dma_wait3A_317 = tpu.memref_squeeze %dma_wait3A_316 : memref<1x128x128xf32, #tpu.memory_space<hbm>> -> memref<128x128xf32, #tpu.memory_space<hbm>>
    %dma_wait3A_318 = arith.constant 0 : i32
    %dma_wait3A_319 = arith.constant 0 : i32
    %dma_wait3A_320 = tpu.memref_slice %arg8[%dma_wait3A_307, %dma_wait3A_318, %dma_wait3A_319] : memref<2x128x128xf32, #tpu.memory_space<vmem>> -> memref<1x128x128xf32, #tpu.memory_space<vmem>>
    %dma_wait3A_321 = tpu.memref_squeeze %dma_wait3A_320 : memref<1x128x128xf32, #tpu.memory_space<vmem>> -> memref<128x128xf32, #tpu.memory_space<vmem>>
    tpu.wait_dma2 semaphore(%arg10 : memref<!tpu.dma_semaphore, #tpu.memory_space<semaphore_mem>>) src(%dma_wait3A_321 : memref<128x128xf32, #tpu.memory_space<vmem>>) dst(%dma_wait3A_317 : memref<128x128xf32, #tpu.memory_space<hbm>>)
    %run_scoped3A_322 = arith.constant 0 : i32
    "tpu.region"() ({
      %run_scoped3A_376 = tpu.sem_alloc : memref<!tpu.dma_semaphore, #tpu.memory_space<semaphore_mem>>
      %dma_start3A_377 = arith.constant 0 : i32
      %dma_start3A_378 = arith.constant 0 : i32
      %dma_start3A_379 = tpu.memref_slice %arg8[%run_scoped3A_322, %dma_start3A_377, %dma_start3A_378] : memref<2x128x128xf32, #tpu.memory_space<vmem>> -> memref<1x128x128xf32, #tpu.memory_space<vmem>>
      %dma_start3A_380 = tpu.memref_squeeze %dma_start3A_379 : memref<1x128x128xf32, #tpu.memory_space<vmem>> -> memref<128x128xf32, #tpu.memory_space<vmem>>
      %dma_start3A_381 = arith.constant 0 : i32
      %dma_start3A_382 = tpu.memref_slice %arg9[%add3A_302, %dma_start3A_381] : memref<10240x128xf32, #tpu.memory_space<vmem_shared>> -> memref<128x128xf32, #tpu.memory_space<vmem_shared>>
      %dma_start3A_383 = arith.constant 0 : i32
      %dma_start3A_384 = arith.constant 0 : i32
      %dma_start3A_385 = tpu.memref_slice %arg8[%run_scoped3A_322, %dma_start3A_383, %dma_start3A_384] : memref<2x128x128xf32, #tpu.memory_space<vmem>> -> memref<1x128x128xf32, #tpu.memory_space<vmem>>
      %dma_start3A_386 = tpu.memref_squeeze %dma_start3A_385 : memref<1x128x128xf32, #tpu.memory_space<vmem>> -> memref<128x128xf32, #tpu.memory_space<vmem>>
      %dma_start3A_387 = arith.constant 0 : i32
      %dma_start3A_388 = tpu.memref_slice %arg9[%add3A_302, %dma_start3A_387] : memref<10240x128xf32, #tpu.memory_space<vmem_shared>> -> memref<128x128xf32, #tpu.memory_space<vmem_shared>>
      tpu.enqueue_dma source(%dma_start3A_388 : memref<128x128xf32, #tpu.memory_space<vmem_shared>>) target(%dma_start3A_386 : memref<128x128xf32, #tpu.memory_space<vmem>>) target_semaphore(%run_scoped3A_376 : memref<!tpu.dma_semaphore, #tpu.memory_space<semaphore_mem>>)
      %dma_wait3A_389 = arith.constant 0 : i32
      %dma_wait3A_390 = arith.constant 0 : i32
      %dma_wait3A_391 = tpu.memref_slice %arg8[%run_scoped3A_322, %dma_wait3A_389, %dma_wait3A_390] : memref<2x128x128xf32, #tpu.memory_space<vmem>> -> memref<1x128x128xf32, #tpu.memory_space<vmem>>
      %dma_wait3A_392 = tpu.memref_squeeze %dma_wait3A_391 : memref<1x128x128xf32, #tpu.memory_space<vmem>> -> memref<128x128xf32, #tpu.memory_space<vmem>>
      %dma_wait3A_393 = arith.constant 0 : i32
      %dma_wait3A_394 = tpu.memref_slice %arg9[%add3A_302, %dma_wait3A_393] : memref<10240x128xf32, #tpu.memory_space<vmem_shared>> -> memref<128x128xf32, #tpu.memory_space<vmem_shared>>
      %dma_wait3A_395 = arith.constant 0 : i32
      %dma_wait3A_396 = arith.constant 0 : i32
      %dma_wait3A_397 = tpu.memref_slice %arg8[%run_scoped3A_322, %dma_wait3A_395, %dma_wait3A_396] : memref<2x128x128xf32, #tpu.memory_space<vmem>> -> memref<1x128x128xf32, #tpu.memory_space<vmem>>
      %dma_wait3A_398 = tpu.memref_squeeze %dma_wait3A_397 : memref<1x128x128xf32, #tpu.memory_space<vmem>> -> memref<128x128xf32, #tpu.memory_space<vmem>>
      %dma_wait3A_399 = arith.constant 0 : i32
      %dma_wait3A_400 = tpu.memref_slice %arg9[%add3A_302, %dma_wait3A_399] : memref<10240x128xf32, #tpu.memory_space<vmem_shared>> -> memref<128x128xf32, #tpu.memory_space<vmem_shared>>
      tpu.wait_dma2 semaphore(%run_scoped3A_376 : memref<!tpu.dma_semaphore, #tpu.memory_space<semaphore_mem>>) src(%dma_wait3A_400 : memref<128x128xf32, #tpu.memory_space<vmem_shared>>) dst(%dma_wait3A_398 : memref<128x128xf32, #tpu.memory_space<vmem>>)
      tpu.yield
    }) : () -> ()
    %dma_start3A_323 = arith.constant 0 : i32
    %dma_start3A_324 = arith.constant 0 : i32
    %dma_start3A_325 = arith.constant 0 : i32
    %dma_start3A_326 = tpu.memref_slice %arg8[%dma_start3A_323, %dma_start3A_324, %dma_start3A_325] : memref<2x128x128xf32, #tpu.memory_space<vmem>> -> memref<1x128x128xf32, #tpu.memory_space<vmem>>
    %dma_start3A_327 = tpu.memref_squeeze %dma_start3A_326 : memref<1x128x128xf32, #tpu.memory_space<vmem>> -> memref<128x128xf32, #tpu.memory_space<vmem>>
    %dma_start3A_328 = arith.constant 0 : i32
    %dma_start3A_329 = tpu.memref_slice %arg5[%arg0, %add3A_302, %dma_start3A_328] : memref<2x10240x128xf32, #tpu.memory_space<hbm>> -> memref<1x128x128xf32, #tpu.memory_space<hbm>>
    %dma_start3A_330 = tpu.memref_squeeze %dma_start3A_329 : memref<1x128x128xf32, #tpu.memory_space<hbm>> -> memref<128x128xf32, #tpu.memory_space<hbm>>
    %dma_start3A_331 = arith.constant 0 : i32
    %dma_start3A_332 = tpu.memref_slice %arg5[%arg0, %add3A_302, %dma_start3A_331] : memref<2x10240x128xf32, #tpu.memory_space<hbm>> -> memref<1x128x128xf32, #tpu.memory_space<hbm>>
    %dma_start3A_333 = tpu.memref_squeeze %dma_start3A_332 : memref<1x128x128xf32, #tpu.memory_space<hbm>> -> memref<128x128xf32, #tpu.memory_space<hbm>>
    %dma_start3A_334 = arith.constant 0 : i32
    %dma_start3A_335 = arith.constant 0 : i32
    %dma_start3A_336 = tpu.memref_slice %arg8[%dma_start3A_323, %dma_start3A_334, %dma_start3A_335] : memref<2x128x128xf32, #tpu.memory_space<vmem>> -> memref<1x128x128xf32, #tpu.memory_space<vmem>>
    %dma_start3A_337 = tpu.memref_squeeze %dma_start3A_336 : memref<1x128x128xf32, #tpu.memory_space<vmem>> -> memref<128x128xf32, #tpu.memory_space<vmem>>
    tpu.enqueue_dma source(%dma_start3A_337 : memref<128x128xf32, #tpu.memory_space<vmem>>) target(%dma_start3A_333 : memref<128x128xf32, #tpu.memory_space<hbm>>) target_semaphore(%arg10 : memref<!tpu.dma_semaphore, #tpu.memory_space<semaphore_mem>>)
    %mul3A_338 = arith.constant 640 : i32
    %mul3A_339 = arith.muli %arg1, %mul3A_338 : i32
    %add3A_340 = arith.constant 384 : i32
    %add3A_341 = arith.addi %mul3A_339, %add3A_340 : i32
    %dma_wait3A_342 = arith.constant 1 : i32
    %dma_wait3A_343 = arith.constant 0 : i32
    %dma_wait3A_344 = arith.constant 0 : i32
    %dma_wait3A_345 = tpu.memref_slice %arg8[%dma_wait3A_342, %dma_wait3A_343, %dma_wait3A_344] : memref<2x128x128xf32, #tpu.memory_space<vmem>> -> memref<1x128x128xf32, #tpu.memory_space<vmem>>
    %dma_wait3A_346 = tpu.memref_squeeze %dma_wait3A_345 : memref<1x128x128xf32, #tpu.memory_space<vmem>> -> memref<128x128xf32, #tpu.memory_space<vmem>>
    %dma_wait3A_347 = arith.constant 0 : i32
    %dma_wait3A_348 = tpu.memref_slice %arg5[%arg0, %add3A_341, %dma_wait3A_347] : memref<2x10240x128xf32, #tpu.memory_space<hbm>> -> memref<1x128x128xf32, #tpu.memory_space<hbm>>
    %dma_wait3A_349 = tpu.memref_squeeze %dma_wait3A_348 : memref<1x128x128xf32, #tpu.memory_space<hbm>> -> memref<128x128xf32, #tpu.memory_space<hbm>>
    %dma_wait3A_350 = arith.constant 0 : i32
    %dma_wait3A_351 = tpu.memref_slice %arg5[%arg0, %add3A_341, %dma_wait3A_350] : memref<2x10240x128xf32, #tpu.memory_space<hbm>> -> memref<1x128x128xf32, #tpu.memory_space<hbm>>
    %dma_wait3A_352 = tpu.memref_squeeze %dma_wait3A_351 : memref<1x128x128xf32, #tpu.memory_space<hbm>> -> memref<128x128xf32, #tpu.memory_space<hbm>>
    %dma_wait3A_353 = arith.constant 0 : i32
    %dma_wait3A_354 = arith.constant 0 : i32
    %dma_wait3A_355 = tpu.memref_slice %arg8[%dma_wait3A_342, %dma_wait3A_353, %dma_wait3A_354] : memref<2x128x128xf32, #tpu.memory_space<vmem>> -> memref<1x128x128xf32, #tpu.memory_space<vmem>>
    %dma_wait3A_356 = tpu.memref_squeeze %dma_wait3A_355 : memref<1x128x128xf32, #tpu.memory_space<vmem>> -> memref<128x128xf32, #tpu.memory_space<vmem>>
    tpu.wait_dma2 semaphore(%arg11 : memref<!tpu.dma_semaphore, #tpu.memory_space<semaphore_mem>>) src(%dma_wait3A_356 : memref<128x128xf32, #tpu.memory_space<vmem>>) dst(%dma_wait3A_352 : memref<128x128xf32, #tpu.memory_space<hbm>>)
    %mul3A_357 = arith.constant 640 : i32
    %mul3A_358 = arith.muli %arg1, %mul3A_357 : i32
    %add3A_359 = arith.constant 512 : i32
    %add3A_360 = arith.addi %mul3A_358, %add3A_359 : i32
    %dma_wait3A_361 = arith.constant 0 : i32
    %dma_wait3A_362 = arith.constant 0 : i32
    %dma_wait3A_363 = arith.constant 0 : i32
    %dma_wait3A_364 = tpu.memref_slice %arg8[%dma_wait3A_361, %dma_wait3A_362, %dma_wait3A_363] : memref<2x128x128xf32, #tpu.memory_space<vmem>> -> memref<1x128x128xf32, #tpu.memory_space<vmem>>
    %dma_wait3A_365 = tpu.memref_squeeze %dma_wait3A_364 : memref<1x128x128xf32, #tpu.memory_space<vmem>> -> memref<128x128xf32, #tpu.memory_space<vmem>>
    %dma_wait3A_366 = arith.constant 0 : i32
    %dma_wait3A_367 = tpu.memref_slice %arg5[%arg0, %add3A_360, %dma_wait3A_366] : memref<2x10240x128xf32, #tpu.memory_space<hbm>> -> memref<1x128x128xf32, #tpu.memory_space<hbm>>
    %dma_wait3A_368 = tpu.memref_squeeze %dma_wait3A_367 : memref<1x128x128xf32, #tpu.memory_space<hbm>> -> memref<128x128xf32, #tpu.memory_space<hbm>>
    %dma_wait3A_369 = arith.constant 0 : i32
    %dma_wait3A_370 = tpu.memref_slice %arg5[%arg0, %add3A_360, %dma_wait3A_369] : memref<2x10240x128xf32, #tpu.memory_space<hbm>> -> memref<1x128x128xf32, #tpu.memory_space<hbm>>
    %dma_wait3A_371 = tpu.memref_squeeze %dma_wait3A_370 : memref<1x128x128xf32, #tpu.memory_space<hbm>> -> memref<128x128xf32, #tpu.memory_space<hbm>>
    %dma_wait3A_372 = arith.constant 0 : i32
    %dma_wait3A_373 = arith.constant 0 : i32
    %dma_wait3A_374 = tpu.memref_slice %arg8[%dma_wait3A_361, %dma_wait3A_372, %dma_wait3A_373] : memref<2x128x128xf32, #tpu.memory_space<vmem>> -> memref<1x128x128xf32, #tpu.memory_space<vmem>>
    %dma_wait3A_375 = tpu.memref_squeeze %dma_wait3A_374 : memref<1x128x128xf32, #tpu.memory_space<vmem>> -> memref<128x128xf32, #tpu.memory_space<vmem>>
    tpu.wait_dma2 semaphore(%arg10 : memref<!tpu.dma_semaphore, #tpu.memory_space<semaphore_mem>>) src(%dma_wait3A_375 : memref<128x128xf32, #tpu.memory_space<vmem>>) dst(%dma_wait3A_371 : memref<128x128xf32, #tpu.memory_space<hbm>>)
    return
  }
}

#map = affine_map<(d0, d1) -> (0, 0)>
#map1 = affine_map<(d0, d1) -> (0, 0, 0)>
module attributes {stable_mosaic.version = 14 : i64} {
  func.func @_seg_body(%arg0: i32, %arg1: i32, %arg2: memref<10000x128xf32, #tpu.memory_space<hbm>>, %arg3: memref<32x80x128xi32, #tpu.memory_space<hbm>>, %arg4: memref<32x80x128xi32, #tpu.memory_space<hbm>>, %arg5: memref<2x10240x128xf32, #tpu.memory_space<hbm>>, %arg6: memref<40x128xi32, #tpu.memory_space<vmem>>, %arg7: memref<40x128xi32, #tpu.memory_space<vmem>>, %arg8: memref<2x128x128xf32, #tpu.memory_space<vmem>>, %arg9: memref<10240x128xf32, #tpu.memory_space<vmem_shared>>, %arg10: memref<!tpu.dma_semaphore, #tpu.memory_space<semaphore_mem>>, %arg11: memref<!tpu.dma_semaphore, #tpu.memory_space<semaphore_mem>>) attributes {dimension_semantics = [#tpu.dimension_semantics<core_parallel>, #tpu.dimension_semantics<subcore_parallel>], iteration_bounds = array<i64: 2, 16>, scalar_prefetch = 0 : i64, scratch_operands = 6 : i64, tpu.core_type = #tpu.core_type<sc_vector_subcore>, window_params = [{transform_indices = #map}, {transform_indices = #map1}, {transform_indices = #map1}, {transform_indices = #map1}]} {
    %broadcast_in_dim3A = arith.constant 0.000000e+00 : f32
    %broadcast_in_dim3A_0 = vector.broadcast %broadcast_in_dim3A : f32 to vector<16xf32>
    %scan3A = arith.constant 0 : i32
    %scan3A_1 = arith.constant 0 : i32
    %scan3A_2 = arith.constant 128 : i32
    %scan3A_3 = arith.addi %scan3A_1, %scan3A_2 : i32
    %scan3A_4 = arith.constant 1 : i32
    scf.for %scan3A_376 = %scan3A_1 to %scan3A_3 step %scan3A_4  : i32 {
      %swap3A = arith.constant 0 : i32
      %swap3A_377 = arith.index_cast %swap3A : i32 to index
      %swap3A_378 = arith.index_cast %scan3A_376 : i32 to index
      %swap3A_379 = arith.constant 0 : index
      %swap3A_380 = tpu.vector_load %arg8[%swap3A_377, %swap3A_378, %swap3A_379] {strides = array<i32>} : memref<2x128x128xf32, #tpu.memory_space<vmem>>, vector<1x1x16xf32>,
      %swap3A_381 = vector.shape_cast %swap3A_380 : vector<1x1x16xf32> to vector<16xf32>
      %swap3A_382 = vector.shape_cast %broadcast_in_dim3A_0 : vector<16xf32> to vector<1x1x16xf32>
      tpu.vector_store %arg8[%swap3A_377, %swap3A_378, %swap3A_379], %swap3A_382 {strides = array<i32>} : memref<2x128x128xf32, #tpu.memory_space<vmem>>, vector<1x1x16xf32>,
      %swap3A_383 = arith.constant 0 : i32
      %swap3A_384 = arith.index_cast %swap3A_383 : i32 to index
      %swap3A_385 = arith.index_cast %scan3A_376 : i32 to index
      %swap3A_386 = arith.constant 16 : index
      %swap3A_387 = tpu.vector_load %arg8[%swap3A_384, %swap3A_385, %swap3A_386] {strides = array<i32>} : memref<2x128x128xf32, #tpu.memory_space<vmem>>, vector<1x1x16xf32>,
      %swap3A_388 = vector.shape_cast %swap3A_387 : vector<1x1x16xf32> to vector<16xf32>
      %swap3A_389 = vector.shape_cast %broadcast_in_dim3A_0 : vector<16xf32> to vector<1x1x16xf32>
      tpu.vector_store %arg8[%swap3A_384, %swap3A_385, %swap3A_386], %swap3A_389 {strides = array<i32>} : memref<2x128x128xf32, #tpu.memory_space<vmem>>, vector<1x1x16xf32>,
      %swap3A_390 = arith.constant 0 : i32
      %swap3A_391 = arith.index_cast %swap3A_390 : i32 to index
      %swap3A_392 = arith.index_cast %scan3A_376 : i32 to index
      %swap3A_393 = arith.constant 32 : index
      %swap3A_394 = tpu.vector_load %arg8[%swap3A_391, %swap3A_392, %swap3A_393] {strides = array<i32>} : memref<2x128x128xf32, #tpu.memory_space<vmem>>, vector<1x1x16xf32>,
      %swap3A_395 = vector.shape_cast %swap3A_394 : vector<1x1x16xf32> to vector<16xf32>
      %swap3A_396 = vector.shape_cast %broadcast_in_dim3A_0 : vector<16xf32> to vector<1x1x16xf32>
      tpu.vector_store %arg8[%swap3A_391, %swap3A_392, %swap3A_393], %swap3A_396 {strides = array<i32>} : memref<2x128x128xf32, #tpu.memory_space<vmem>>, vector<1x1x16xf32>,
      %swap3A_397 = arith.constant 0 : i32
      %swap3A_398 = arith.index_cast %swap3A_397 : i32 to index
      %swap3A_399 = arith.index_cast %scan3A_376 : i32 to index
      %swap3A_400 = arith.constant 48 : index
      %swap3A_401 = tpu.vector_load %arg8[%swap3A_398, %swap3A_399, %swap3A_400] {strides = array<i32>} : memref<2x128x128xf32, #tpu.memory_space<vmem>>, vector<1x1x16xf32>,
      %swap3A_402 = vector.shape_cast %swap3A_401 : vector<1x1x16xf32> to vector<16xf32>
      %swap3A_403 = vector.shape_cast %broadcast_in_dim3A_0 : vector<16xf32> to vector<1x1x16xf32>
      tpu.vector_store %arg8[%swap3A_398, %swap3A_399, %swap3A_400], %swap3A_403 {strides = array<i32>} : memref<2x128x128xf32, #tpu.memory_space<vmem>>, vector<1x1x16xf32>,
      %swap3A_404 = arith.constant 0 : i32
      %swap3A_405 = arith.index_cast %swap3A_404 : i32 to index
      %swap3A_406 = arith.index_cast %scan3A_376 : i32 to index
      %swap3A_407 = arith.constant 64 : index
      %swap3A_408 = tpu.vector_load %arg8[%swap3A_405, %swap3A_406, %swap3A_407] {strides = array<i32>} : memref<2x128x128xf32, #tpu.memory_space<vmem>>, vector<1x1x16xf32>,
      %swap3A_409 = vector.shape_cast %swap3A_408 : vector<1x1x16xf32> to vector<16xf32>
      %swap3A_410 = vector.shape_cast %broadcast_in_dim3A_0 : vector<16xf32> to vector<1x1x16xf32>
      tpu.vector_store %arg8[%swap3A_405, %swap3A_406, %swap3A_407], %swap3A_410 {strides = array<i32>} : memref<2x128x128xf32, #tpu.memory_space<vmem>>, vector<1x1x16xf32>,
      %swap3A_411 = arith.constant 0 : i32
      %swap3A_412 = arith.index_cast %swap3A_411 : i32 to index
      %swap3A_413 = arith.index_cast %scan3A_376 : i32 to index
      %swap3A_414 = arith.constant 80 : index
      %swap3A_415 = tpu.vector_load %arg8[%swap3A_412, %swap3A_413, %swap3A_414] {strides = array<i32>} : memref<2x128x128xf32, #tpu.memory_space<vmem>>, vector<1x1x16xf32>,
      %swap3A_416 = vector.shape_cast %swap3A_415 : vector<1x1x16xf32> to vector<16xf32>
      %swap3A_417 = vector.shape_cast %broadcast_in_dim3A_0 : vector<16xf32> to vector<1x1x16xf32>
      tpu.vector_store %arg8[%swap3A_412, %swap3A_413, %swap3A_414], %swap3A_417 {strides = array<i32>} : memref<2x128x128xf32, #tpu.memory_space<vmem>>, vector<1x1x16xf32>,
      %swap3A_418 = arith.constant 0 : i32
      %swap3A_419 = arith.index_cast %swap3A_418 : i32 to index
      %swap3A_420 = arith.index_cast %scan3A_376 : i32 to index
      %swap3A_421 = arith.constant 96 : index
      %swap3A_422 = tpu.vector_load %arg8[%swap3A_419, %swap3A_420, %swap3A_421] {strides = array<i32>} : memref<2x128x128xf32, #tpu.memory_space<vmem>>, vector<1x1x16xf32>,
      %swap3A_423 = vector.shape_cast %swap3A_422 : vector<1x1x16xf32> to vector<16xf32>
      %swap3A_424 = vector.shape_cast %broadcast_in_dim3A_0 : vector<16xf32> to vector<1x1x16xf32>
      tpu.vector_store %arg8[%swap3A_419, %swap3A_420, %swap3A_421], %swap3A_424 {strides = array<i32>} : memref<2x128x128xf32, #tpu.memory_space<vmem>>, vector<1x1x16xf32>,
      %swap3A_425 = arith.constant 0 : i32
      %swap3A_426 = arith.index_cast %swap3A_425 : i32 to index
      %swap3A_427 = arith.index_cast %scan3A_376 : i32 to index
      %swap3A_428 = arith.constant 112 : index
      %swap3A_429 = tpu.vector_load %arg8[%swap3A_426, %swap3A_427, %swap3A_428] {strides = array<i32>} : memref<2x128x128xf32, #tpu.memory_space<vmem>>, vector<1x1x16xf32>,
      %swap3A_430 = vector.shape_cast %swap3A_429 : vector<1x1x16xf32> to vector<16xf32>
      %swap3A_431 = vector.shape_cast %broadcast_in_dim3A_0 : vector<16xf32> to vector<1x1x16xf32>
      tpu.vector_store %arg8[%swap3A_426, %swap3A_427, %swap3A_428], %swap3A_431 {strides = array<i32>} : memref<2x128x128xf32, #tpu.memory_space<vmem>>, vector<1x1x16xf32>,
    }
    %scan3A_5 = arith.constant 128 : i32
    %mul3A = arith.constant 640 : i32
    %mul3A_6 = arith.muli %arg1, %mul3A : i32
    %add3A = arith.constant 0 : i32
    %add3A_7 = arith.addi %mul3A_6, %add3A : i32
    %dma_start3A = arith.constant 0 : i32
    %dma_start3A_8 = arith.constant 0 : i32
    %dma_start3A_9 = arith.constant 0 : i32
    %dma_start3A_10 = tpu.memref_slice %arg8[%dma_start3A, %dma_start3A_8, %dma_start3A_9] : memref<2x128x128xf32, #tpu.memory_space<vmem>> -> memref<1x128x128xf32, #tpu.memory_space<vmem>>
    %dma_start3A_11 = tpu.memref_squeeze %dma_start3A_10 : memref<1x128x128xf32, #tpu.memory_space<vmem>> -> memref<128x128xf32, #tpu.memory_space<vmem>>
    %dma_start3A_12 = arith.constant 0 : i32
    %dma_start3A_13 = tpu.memref_slice %arg9[%add3A_7, %dma_start3A_12] : memref<10240x128xf32, #tpu.memory_space<vmem_shared>> -> memref<128x128xf32, #tpu.memory_space<vmem_shared>>
    %dma_start3A_14 = arith.constant 0 : i32
    %dma_start3A_15 = tpu.memref_slice %arg9[%add3A_7, %dma_start3A_14] : memref<10240x128xf32, #tpu.memory_space<vmem_shared>> -> memref<128x128xf32, #tpu.memory_space<vmem_shared>>
    %dma_start3A_16 = arith.constant 0 : i32
    %dma_start3A_17 = arith.constant 0 : i32
    %dma_start3A_18 = tpu.memref_slice %arg8[%dma_start3A, %dma_start3A_16, %dma_start3A_17] : memref<2x128x128xf32, #tpu.memory_space<vmem>> -> memref<1x128x128xf32, #tpu.memory_space<vmem>>
    %dma_start3A_19 = tpu.memref_squeeze %dma_start3A_18 : memref<1x128x128xf32, #tpu.memory_space<vmem>> -> memref<128x128xf32, #tpu.memory_space<vmem>>
    tpu.enqueue_dma source(%dma_start3A_19 : memref<128x128xf32, #tpu.memory_space<vmem>>) target(%dma_start3A_15 : memref<128x128xf32, #tpu.memory_space<vmem_shared>>) target_semaphore(%arg10 : memref<!tpu.dma_semaphore, #tpu.memory_space<semaphore_mem>>)
    %mul3A_20 = arith.constant 640 : i32
    %mul3A_21 = arith.muli %arg1, %mul3A_20 : i32
    %add3A_22 = arith.constant 128 : i32
    %add3A_23 = arith.addi %mul3A_21, %add3A_22 : i32
    %dma_start3A_24 = arith.constant 0 : i32
    %dma_start3A_25 = arith.constant 0 : i32
    %dma_start3A_26 = arith.constant 0 : i32
    %dma_start3A_27 = tpu.memref_slice %arg8[%dma_start3A_24, %dma_start3A_25, %dma_start3A_26] : memref<2x128x128xf32, #tpu.memory_space<vmem>> -> memref<1x128x128xf32, #tpu.memory_space<vmem>>
    %dma_start3A_28 = tpu.memref_squeeze %dma_start3A_27 : memref<1x128x128xf32, #tpu.memory_space<vmem>> -> memref<128x128xf32, #tpu.memory_space<vmem>>
    %dma_start3A_29 = arith.constant 0 : i32
    %dma_start3A_30 = tpu.memref_slice %arg9[%add3A_23, %dma_start3A_29] : memref<10240x128xf32, #tpu.memory_space<vmem_shared>> -> memref<128x128xf32, #tpu.memory_space<vmem_shared>>
    %dma_start3A_31 = arith.constant 0 : i32
    %dma_start3A_32 = tpu.memref_slice %arg9[%add3A_23, %dma_start3A_31] : memref<10240x128xf32, #tpu.memory_space<vmem_shared>> -> memref<128x128xf32, #tpu.memory_space<vmem_shared>>
    %dma_start3A_33 = arith.constant 0 : i32
    %dma_start3A_34 = arith.constant 0 : i32
    %dma_start3A_35 = tpu.memref_slice %arg8[%dma_start3A_24, %dma_start3A_33, %dma_start3A_34] : memref<2x128x128xf32, #tpu.memory_space<vmem>> -> memref<1x128x128xf32, #tpu.memory_space<vmem>>
    %dma_start3A_36 = tpu.memref_squeeze %dma_start3A_35 : memref<1x128x128xf32, #tpu.memory_space<vmem>> -> memref<128x128xf32, #tpu.memory_space<vmem>>
    tpu.enqueue_dma source(%dma_start3A_36 : memref<128x128xf32, #tpu.memory_space<vmem>>) target(%dma_start3A_32 : memref<128x128xf32, #tpu.memory_space<vmem_shared>>) target_semaphore(%arg10 : memref<!tpu.dma_semaphore, #tpu.memory_space<semaphore_mem>>)
    %mul3A_37 = arith.constant 640 : i32
    %mul3A_38 = arith.muli %arg1, %mul3A_37 : i32
    %add3A_39 = arith.constant 256 : i32
    %add3A_40 = arith.addi %mul3A_38, %add3A_39 : i32
    %dma_start3A_41 = arith.constant 0 : i32
    %dma_start3A_42 = arith.constant 0 : i32
    %dma_start3A_43 = arith.constant 0 : i32
    %dma_start3A_44 = tpu.memref_slice %arg8[%dma_start3A_41, %dma_start3A_42, %dma_start3A_43] : memref<2x128x128xf32, #tpu.memory_space<vmem>> -> memref<1x128x128xf32, #tpu.memory_space<vmem>>
    %dma_start3A_45 = tpu.memref_squeeze %dma_start3A_44 : memref<1x128x128xf32, #tpu.memory_space<vmem>> -> memref<128x128xf32, #tpu.memory_space<vmem>>
    %dma_start3A_46 = arith.constant 0 : i32
    %dma_start3A_47 = tpu.memref_slice %arg9[%add3A_40, %dma_start3A_46] : memref<10240x128xf32, #tpu.memory_space<vmem_shared>> -> memref<128x128xf32, #tpu.memory_space<vmem_shared>>
    %dma_start3A_48 = arith.constant 0 : i32
    %dma_start3A_49 = tpu.memref_slice %arg9[%add3A_40, %dma_start3A_48] : memref<10240x128xf32, #tpu.memory_space<vmem_shared>> -> memref<128x128xf32, #tpu.memory_space<vmem_shared>>
    %dma_start3A_50 = arith.constant 0 : i32
    %dma_start3A_51 = arith.constant 0 : i32
    %dma_start3A_52 = tpu.memref_slice %arg8[%dma_start3A_41, %dma_start3A_50, %dma_start3A_51] : memref<2x128x128xf32, #tpu.memory_space<vmem>> -> memref<1x128x128xf32, #tpu.memory_space<vmem>>
    %dma_start3A_53 = tpu.memref_squeeze %dma_start3A_52 : memref<1x128x128xf32, #tpu.memory_space<vmem>> -> memref<128x128xf32, #tpu.memory_space<vmem>>
    tpu.enqueue_dma source(%dma_start3A_53 : memref<128x128xf32, #tpu.memory_space<vmem>>) target(%dma_start3A_49 : memref<128x128xf32, #tpu.memory_space<vmem_shared>>) target_semaphore(%arg10 : memref<!tpu.dma_semaphore, #tpu.memory_space<semaphore_mem>>)
    %mul3A_54 = arith.constant 640 : i32
    %mul3A_55 = arith.muli %arg1, %mul3A_54 : i32
    %add3A_56 = arith.constant 384 : i32
    %add3A_57 = arith.addi %mul3A_55, %add3A_56 : i32
    %dma_start3A_58 = arith.constant 0 : i32
    %dma_start3A_59 = arith.constant 0 : i32
    %dma_start3A_60 = arith.constant 0 : i32
    %dma_start3A_61 = tpu.memref_slice %arg8[%dma_start3A_58, %dma_start3A_59, %dma_start3A_60] : memref<2x128x128xf32, #tpu.memory_space<vmem>> -> memref<1x128x128xf32, #tpu.memory_space<vmem>>
    %dma_start3A_62 = tpu.memref_squeeze %dma_start3A_61 : memref<1x128x128xf32, #tpu.memory_space<vmem>> -> memref<128x128xf32, #tpu.memory_space<vmem>>
    %dma_start3A_63 = arith.constant 0 : i32
    %dma_start3A_64 = tpu.memref_slice %arg9[%add3A_57, %dma_start3A_63] : memref<10240x128xf32, #tpu.memory_space<vmem_shared>> -> memref<128x128xf32, #tpu.memory_space<vmem_shared>>
    %dma_start3A_65 = arith.constant 0 : i32
    %dma_start3A_66 = tpu.memref_slice %arg9[%add3A_57, %dma_start3A_65] : memref<10240x128xf32, #tpu.memory_space<vmem_shared>> -> memref<128x128xf32, #tpu.memory_space<vmem_shared>>
    %dma_start3A_67 = arith.constant 0 : i32
    %dma_start3A_68 = arith.constant 0 : i32
    %dma_start3A_69 = tpu.memref_slice %arg8[%dma_start3A_58, %dma_start3A_67, %dma_start3A_68] : memref<2x128x128xf32, #tpu.memory_space<vmem>> -> memref<1x128x128xf32, #tpu.memory_space<vmem>>
    %dma_start3A_70 = tpu.memref_squeeze %dma_start3A_69 : memref<1x128x128xf32, #tpu.memory_space<vmem>> -> memref<128x128xf32, #tpu.memory_space<vmem>>
    tpu.enqueue_dma source(%dma_start3A_70 : memref<128x128xf32, #tpu.memory_space<vmem>>) target(%dma_start3A_66 : memref<128x128xf32, #tpu.memory_space<vmem_shared>>) target_semaphore(%arg10 : memref<!tpu.dma_semaphore, #tpu.memory_space<semaphore_mem>>)
    %mul3A_71 = arith.constant 640 : i32
    %mul3A_72 = arith.muli %arg1, %mul3A_71 : i32
    %add3A_73 = arith.constant 512 : i32
    %add3A_74 = arith.addi %mul3A_72, %add3A_73 : i32
    %dma_start3A_75 = arith.constant 0 : i32
    %dma_start3A_76 = arith.constant 0 : i32
    %dma_start3A_77 = arith.constant 0 : i32
    %dma_start3A_78 = tpu.memref_slice %arg8[%dma_start3A_75, %dma_start3A_76, %dma_start3A_77] : memref<2x128x128xf32, #tpu.memory_space<vmem>> -> memref<1x128x128xf32, #tpu.memory_space<vmem>>
    %dma_start3A_79 = tpu.memref_squeeze %dma_start3A_78 : memref<1x128x128xf32, #tpu.memory_space<vmem>> -> memref<128x128xf32, #tpu.memory_space<vmem>>
    %dma_start3A_80 = arith.constant 0 : i32
    %dma_start3A_81 = tpu.memref_slice %arg9[%add3A_74, %dma_start3A_80] : memref<10240x128xf32, #tpu.memory_space<vmem_shared>> -> memref<128x128xf32, #tpu.memory_space<vmem_shared>>
    %dma_start3A_82 = arith.constant 0 : i32
    %dma_start3A_83 = tpu.memref_slice %arg9[%add3A_74, %dma_start3A_82] : memref<10240x128xf32, #tpu.memory_space<vmem_shared>> -> memref<128x128xf32, #tpu.memory_space<vmem_shared>>
    %dma_start3A_84 = arith.constant 0 : i32
    %dma_start3A_85 = arith.constant 0 : i32
    %dma_start3A_86 = tpu.memref_slice %arg8[%dma_start3A_75, %dma_start3A_84, %dma_start3A_85] : memref<2x128x128xf32, #tpu.memory_space<vmem>> -> memref<1x128x128xf32, #tpu.memory_space<vmem>>
    %dma_start3A_87 = tpu.memref_squeeze %dma_start3A_86 : memref<1x128x128xf32, #tpu.memory_space<vmem>> -> memref<128x128xf32, #tpu.memory_space<vmem>>
    tpu.enqueue_dma source(%dma_start3A_87 : memref<128x128xf32, #tpu.memory_space<vmem>>) target(%dma_start3A_83 : memref<128x128xf32, #tpu.memory_space<vmem_shared>>) target_semaphore(%arg10 : memref<!tpu.dma_semaphore, #tpu.memory_space<semaphore_mem>>)
    %mul3A_88 = arith.constant 640 : i32
    %mul3A_89 = arith.muli %arg1, %mul3A_88 : i32
    %add3A_90 = arith.constant 0 : i32
    %add3A_91 = arith.addi %mul3A_89, %add3A_90 : i32
    %dma_wait3A = arith.constant 0 : i32
    %dma_wait3A_92 = arith.constant 0 : i32
    %dma_wait3A_93 = arith.constant 0 : i32
    %dma_wait3A_94 = tpu.memref_slice %arg8[%dma_wait3A, %dma_wait3A_92, %dma_wait3A_93] : memref<2x128x128xf32, #tpu.memory_space<vmem>> -> memref<1x128x128xf32, #tpu.memory_space<vmem>>
    %dma_wait3A_95 = tpu.memref_squeeze %dma_wait3A_94 : memref<1x128x128xf32, #tpu.memory_space<vmem>> -> memref<128x128xf32, #tpu.memory_space<vmem>>
    %dma_wait3A_96 = arith.constant 0 : i32
    %dma_wait3A_97 = tpu.memref_slice %arg9[%add3A_91, %dma_wait3A_96] : memref<10240x128xf32, #tpu.memory_space<vmem_shared>> -> memref<128x128xf32, #tpu.memory_space<vmem_shared>>
    %dma_wait3A_98 = arith.constant 0 : i32
    %dma_wait3A_99 = tpu.memref_slice %arg9[%add3A_91, %dma_wait3A_98] : memref<10240x128xf32, #tpu.memory_space<vmem_shared>> -> memref<128x128xf32, #tpu.memory_space<vmem_shared>>
    %dma_wait3A_100 = arith.constant 0 : i32
    %dma_wait3A_101 = arith.constant 0 : i32
    %dma_wait3A_102 = tpu.memref_slice %arg8[%dma_wait3A, %dma_wait3A_100, %dma_wait3A_101] : memref<2x128x128xf32, #tpu.memory_space<vmem>> -> memref<1x128x128xf32, #tpu.memory_space<vmem>>
    %dma_wait3A_103 = tpu.memref_squeeze %dma_wait3A_102 : memref<1x128x128xf32, #tpu.memory_space<vmem>> -> memref<128x128xf32, #tpu.memory_space<vmem>>
    tpu.wait_dma2 semaphore(%arg10 : memref<!tpu.dma_semaphore, #tpu.memory_space<semaphore_mem>>) src(%dma_wait3A_103 : memref<128x128xf32, #tpu.memory_space<vmem>>) dst(%dma_wait3A_99 : memref<128x128xf32, #tpu.memory_space<vmem_shared>>)
    %mul3A_104 = arith.constant 640 : i32
    %mul3A_105 = arith.muli %arg1, %mul3A_104 : i32
    %add3A_106 = arith.constant 128 : i32
    %add3A_107 = arith.addi %mul3A_105, %add3A_106 : i32
    %dma_wait3A_108 = arith.constant 0 : i32
    %dma_wait3A_109 = arith.constant 0 : i32
    %dma_wait3A_110 = arith.constant 0 : i32
    %dma_wait3A_111 = tpu.memref_slice %arg8[%dma_wait3A_108, %dma_wait3A_109, %dma_wait3A_110] : memref<2x128x128xf32, #tpu.memory_space<vmem>> -> memref<1x128x128xf32, #tpu.memory_space<vmem>>
    %dma_wait3A_112 = tpu.memref_squeeze %dma_wait3A_111 : memref<1x128x128xf32, #tpu.memory_space<vmem>> -> memref<128x128xf32, #tpu.memory_space<vmem>>
    %dma_wait3A_113 = arith.constant 0 : i32
    %dma_wait3A_114 = tpu.memref_slice %arg9[%add3A_107, %dma_wait3A_113] : memref<10240x128xf32, #tpu.memory_space<vmem_shared>> -> memref<128x128xf32, #tpu.memory_space<vmem_shared>>
    %dma_wait3A_115 = arith.constant 0 : i32
    %dma_wait3A_116 = tpu.memref_slice %arg9[%add3A_107, %dma_wait3A_115] : memref<10240x128xf32, #tpu.memory_space<vmem_shared>> -> memref<128x128xf32, #tpu.memory_space<vmem_shared>>
    %dma_wait3A_117 = arith.constant 0 : i32
    %dma_wait3A_118 = arith.constant 0 : i32
    %dma_wait3A_119 = tpu.memref_slice %arg8[%dma_wait3A_108, %dma_wait3A_117, %dma_wait3A_118] : memref<2x128x128xf32, #tpu.memory_space<vmem>> -> memref<1x128x128xf32, #tpu.memory_space<vmem>>
    %dma_wait3A_120 = tpu.memref_squeeze %dma_wait3A_119 : memref<1x128x128xf32, #tpu.memory_space<vmem>> -> memref<128x128xf32, #tpu.memory_space<vmem>>
    tpu.wait_dma2 semaphore(%arg10 : memref<!tpu.dma_semaphore, #tpu.memory_space<semaphore_mem>>) src(%dma_wait3A_120 : memref<128x128xf32, #tpu.memory_space<vmem>>) dst(%dma_wait3A_116 : memref<128x128xf32, #tpu.memory_space<vmem_shared>>)
    %mul3A_121 = arith.constant 640 : i32
    %mul3A_122 = arith.muli %arg1, %mul3A_121 : i32
    %add3A_123 = arith.constant 256 : i32
    %add3A_124 = arith.addi %mul3A_122, %add3A_123 : i32
    %dma_wait3A_125 = arith.constant 0 : i32
    %dma_wait3A_126 = arith.constant 0 : i32
    %dma_wait3A_127 = arith.constant 0 : i32
    %dma_wait3A_128 = tpu.memref_slice %arg8[%dma_wait3A_125, %dma_wait3A_126, %dma_wait3A_127] : memref<2x128x128xf32, #tpu.memory_space<vmem>> -> memref<1x128x128xf32, #tpu.memory_space<vmem>>
    %dma_wait3A_129 = tpu.memref_squeeze %dma_wait3A_128 : memref<1x128x128xf32, #tpu.memory_space<vmem>> -> memref<128x128xf32, #tpu.memory_space<vmem>>
    %dma_wait3A_130 = arith.constant 0 : i32
    %dma_wait3A_131 = tpu.memref_slice %arg9[%add3A_124, %dma_wait3A_130] : memref<10240x128xf32, #tpu.memory_space<vmem_shared>> -> memref<128x128xf32, #tpu.memory_space<vmem_shared>>
    %dma_wait3A_132 = arith.constant 0 : i32
    %dma_wait3A_133 = tpu.memref_slice %arg9[%add3A_124, %dma_wait3A_132] : memref<10240x128xf32, #tpu.memory_space<vmem_shared>> -> memref<128x128xf32, #tpu.memory_space<vmem_shared>>
    %dma_wait3A_134 = arith.constant 0 : i32
    %dma_wait3A_135 = arith.constant 0 : i32
    %dma_wait3A_136 = tpu.memref_slice %arg8[%dma_wait3A_125, %dma_wait3A_134, %dma_wait3A_135] : memref<2x128x128xf32, #tpu.memory_space<vmem>> -> memref<1x128x128xf32, #tpu.memory_space<vmem>>
    %dma_wait3A_137 = tpu.memref_squeeze %dma_wait3A_136 : memref<1x128x128xf32, #tpu.memory_space<vmem>> -> memref<128x128xf32, #tpu.memory_space<vmem>>
    tpu.wait_dma2 semaphore(%arg10 : memref<!tpu.dma_semaphore, #tpu.memory_space<semaphore_mem>>) src(%dma_wait3A_137 : memref<128x128xf32, #tpu.memory_space<vmem>>) dst(%dma_wait3A_133 : memref<128x128xf32, #tpu.memory_space<vmem_shared>>)
    %mul3A_138 = arith.constant 640 : i32
    %mul3A_139 = arith.muli %arg1, %mul3A_138 : i32
    %add3A_140 = arith.constant 384 : i32
    %add3A_141 = arith.addi %mul3A_139, %add3A_140 : i32
    %dma_wait3A_142 = arith.constant 0 : i32
    %dma_wait3A_143 = arith.constant 0 : i32
    %dma_wait3A_144 = arith.constant 0 : i32
    %dma_wait3A_145 = tpu.memref_slice %arg8[%dma_wait3A_142, %dma_wait3A_143, %dma_wait3A_144] : memref<2x128x128xf32, #tpu.memory_space<vmem>> -> memref<1x128x128xf32, #tpu.memory_space<vmem>>
    %dma_wait3A_146 = tpu.memref_squeeze %dma_wait3A_145 : memref<1x128x128xf32, #tpu.memory_space<vmem>> -> memref<128x128xf32, #tpu.memory_space<vmem>>
    %dma_wait3A_147 = arith.constant 0 : i32
    %dma_wait3A_148 = tpu.memref_slice %arg9[%add3A_141, %dma_wait3A_147] : memref<10240x128xf32, #tpu.memory_space<vmem_shared>> -> memref<128x128xf32, #tpu.memory_space<vmem_shared>>
    %dma_wait3A_149 = arith.constant 0 : i32
    %dma_wait3A_150 = tpu.memref_slice %arg9[%add3A_141, %dma_wait3A_149] : memref<10240x128xf32, #tpu.memory_space<vmem_shared>> -> memref<128x128xf32, #tpu.memory_space<vmem_shared>>
    %dma_wait3A_151 = arith.constant 0 : i32
    %dma_wait3A_152 = arith.constant 0 : i32
    %dma_wait3A_153 = tpu.memref_slice %arg8[%dma_wait3A_142, %dma_wait3A_151, %dma_wait3A_152] : memref<2x128x128xf32, #tpu.memory_space<vmem>> -> memref<1x128x128xf32, #tpu.memory_space<vmem>>
    %dma_wait3A_154 = tpu.memref_squeeze %dma_wait3A_153 : memref<1x128x128xf32, #tpu.memory_space<vmem>> -> memref<128x128xf32, #tpu.memory_space<vmem>>
    tpu.wait_dma2 semaphore(%arg10 : memref<!tpu.dma_semaphore, #tpu.memory_space<semaphore_mem>>) src(%dma_wait3A_154 : memref<128x128xf32, #tpu.memory_space<vmem>>) dst(%dma_wait3A_150 : memref<128x128xf32, #tpu.memory_space<vmem_shared>>)
    %mul3A_155 = arith.constant 640 : i32
    %mul3A_156 = arith.muli %arg1, %mul3A_155 : i32
    %add3A_157 = arith.constant 512 : i32
    %add3A_158 = arith.addi %mul3A_156, %add3A_157 : i32
    %dma_wait3A_159 = arith.constant 0 : i32
    %dma_wait3A_160 = arith.constant 0 : i32
    %dma_wait3A_161 = arith.constant 0 : i32
    %dma_wait3A_162 = tpu.memref_slice %arg8[%dma_wait3A_159, %dma_wait3A_160, %dma_wait3A_161] : memref<2x128x128xf32, #tpu.memory_space<vmem>> -> memref<1x128x128xf32, #tpu.memory_space<vmem>>
    %dma_wait3A_163 = tpu.memref_squeeze %dma_wait3A_162 : memref<1x128x128xf32, #tpu.memory_space<vmem>> -> memref<128x128xf32, #tpu.memory_space<vmem>>
    %dma_wait3A_164 = arith.constant 0 : i32
    %dma_wait3A_165 = tpu.memref_slice %arg9[%add3A_158, %dma_wait3A_164] : memref<10240x128xf32, #tpu.memory_space<vmem_shared>> -> memref<128x128xf32, #tpu.memory_space<vmem_shared>>
    %dma_wait3A_166 = arith.constant 0 : i32
    %dma_wait3A_167 = tpu.memref_slice %arg9[%add3A_158, %dma_wait3A_166] : memref<10240x128xf32, #tpu.memory_space<vmem_shared>> -> memref<128x128xf32, #tpu.memory_space<vmem_shared>>
    %dma_wait3A_168 = arith.constant 0 : i32
    %dma_wait3A_169 = arith.constant 0 : i32
    %dma_wait3A_170 = tpu.memref_slice %arg8[%dma_wait3A_159, %dma_wait3A_168, %dma_wait3A_169] : memref<2x128x128xf32, #tpu.memory_space<vmem>> -> memref<1x128x128xf32, #tpu.memory_space<vmem>>
    %dma_wait3A_171 = tpu.memref_squeeze %dma_wait3A_170 : memref<1x128x128xf32, #tpu.memory_space<vmem>> -> memref<128x128xf32, #tpu.memory_space<vmem>>
    tpu.wait_dma2 semaphore(%arg10 : memref<!tpu.dma_semaphore, #tpu.memory_space<semaphore_mem>>) src(%dma_wait3A_171 : memref<128x128xf32, #tpu.memory_space<vmem>>) dst(%dma_wait3A_167 : memref<128x128xf32, #tpu.memory_space<vmem_shared>>)
    %barrier3A = arith.constant 0 : index
    tpu.barrier barrier_id(%barrier3A)
    %mul3A_172 = arith.constant 2 : i32
    %mul3A_173 = arith.muli %arg1, %mul3A_172 : i32
    %add3A_174 = arith.addi %mul3A_173, %arg0 : i32
    %scan3A_175 = arith.constant 0 : i32
    %scan3A_176 = arith.constant 0 : i32
    %scan3A_177 = arith.constant 2 : i32
    %scan3A_178 = arith.addi %scan3A_176, %scan3A_177 : i32
    %scan3A_179 = arith.constant 1 : i32
    scf.for %scan3A_376 = %scan3A_176 to %scan3A_178 step %scan3A_179  : i32 {
      %mul3A_377 = arith.constant 40 : i32
      %mul3A_378 = arith.muli %scan3A_376, %mul3A_377 : i32
      "tpu.region"() ({
        %run_scoped3A_399 = tpu.sem_alloc : memref<!tpu.dma_semaphore, #tpu.memory_space<semaphore_mem>>
        %dma_start3A_400 = arith.constant 0 : i32
        %dma_start3A_401 = tpu.memref_slice %arg3[%add3A_174, %mul3A_378, %dma_start3A_400] : memref<32x80x128xi32, #tpu.memory_space<hbm>> -> memref<1x40x128xi32, #tpu.memory_space<hbm>>
        %dma_start3A_402 = tpu.memref_squeeze %dma_start3A_401 : memref<1x40x128xi32, #tpu.memory_space<hbm>> -> memref<40x128xi32, #tpu.memory_space<hbm>>
        %dma_start3A_403 = arith.constant 0 : i32
        %dma_start3A_404 = tpu.memref_slice %arg3[%add3A_174, %mul3A_378, %dma_start3A_403] : memref<32x80x128xi32, #tpu.memory_space<hbm>> -> memref<1x40x128xi32, #tpu.memory_space<hbm>>
        %dma_start3A_405 = tpu.memref_squeeze %dma_start3A_404 : memref<1x40x128xi32, #tpu.memory_space<hbm>> -> memref<40x128xi32, #tpu.memory_space<hbm>>
        tpu.enqueue_dma source(%dma_start3A_405 : memref<40x128xi32, #tpu.memory_space<hbm>>) target(%arg6 : memref<40x128xi32, #tpu.memory_space<vmem>>) target_semaphore(%run_scoped3A_399 : memref<!tpu.dma_semaphore, #tpu.memory_space<semaphore_mem>>)
        %dma_wait3A_406 = arith.constant 0 : i32
        %dma_wait3A_407 = tpu.memref_slice %arg3[%add3A_174, %mul3A_378, %dma_wait3A_406] : memref<32x80x128xi32, #tpu.memory_space<hbm>> -> memref<1x40x128xi32, #tpu.memory_space<hbm>>
        %dma_wait3A_408 = tpu.memref_squeeze %dma_wait3A_407 : memref<1x40x128xi32, #tpu.memory_space<hbm>> -> memref<40x128xi32, #tpu.memory_space<hbm>>
        %dma_wait3A_409 = arith.constant 0 : i32
        %dma_wait3A_410 = tpu.memref_slice %arg3[%add3A_174, %mul3A_378, %dma_wait3A_409] : memref<32x80x128xi32, #tpu.memory_space<hbm>> -> memref<1x40x128xi32, #tpu.memory_space<hbm>>
        %dma_wait3A_411 = tpu.memref_squeeze %dma_wait3A_410 : memref<1x40x128xi32, #tpu.memory_space<hbm>> -> memref<40x128xi32, #tpu.memory_space<hbm>>
        tpu.wait_dma2 semaphore(%run_scoped3A_399 : memref<!tpu.dma_semaphore, #tpu.memory_space<semaphore_mem>>) src(%dma_wait3A_411 : memref<40x128xi32, #tpu.memory_space<hbm>>) dst(%arg6 : memref<40x128xi32, #tpu.memory_space<vmem>>)
        tpu.yield
      }) : () -> ()
      %mul3A_379 = arith.constant 40 : i32
      %mul3A_380 = arith.muli %scan3A_376, %mul3A_379 : i32
      "tpu.region"() ({
        %run_scoped3A_399 = tpu.sem_alloc : memref<!tpu.dma_semaphore, #tpu.memory_space<semaphore_mem>>
        %dma_start3A_400 = arith.constant 0 : i32
        %dma_start3A_401 = tpu.memref_slice %arg4[%add3A_174, %mul3A_380, %dma_start3A_400] : memref<32x80x128xi32, #tpu.memory_space<hbm>> -> memref<1x40x128xi32, #tpu.memory_space<hbm>>
        %dma_start3A_402 = tpu.memref_squeeze %dma_start3A_401 : memref<1x40x128xi32, #tpu.memory_space<hbm>> -> memref<40x128xi32, #tpu.memory_space<hbm>>
        %dma_start3A_403 = arith.constant 0 : i32
        %dma_start3A_404 = tpu.memref_slice %arg4[%add3A_174, %mul3A_380, %dma_start3A_403] : memref<32x80x128xi32, #tpu.memory_space<hbm>> -> memref<1x40x128xi32, #tpu.memory_space<hbm>>
        %dma_start3A_405 = tpu.memref_squeeze %dma_start3A_404 : memref<1x40x128xi32, #tpu.memory_space<hbm>> -> memref<40x128xi32, #tpu.memory_space<hbm>>
        tpu.enqueue_dma source(%dma_start3A_405 : memref<40x128xi32, #tpu.memory_space<hbm>>) target(%arg7 : memref<40x128xi32, #tpu.memory_space<vmem>>) target_semaphore(%run_scoped3A_399 : memref<!tpu.dma_semaphore, #tpu.memory_space<semaphore_mem>>)
        %dma_wait3A_406 = arith.constant 0 : i32
        %dma_wait3A_407 = tpu.memref_slice %arg4[%add3A_174, %mul3A_380, %dma_wait3A_406] : memref<32x80x128xi32, #tpu.memory_space<hbm>> -> memref<1x40x128xi32, #tpu.memory_space<hbm>>
        %dma_wait3A_408 = tpu.memref_squeeze %dma_wait3A_407 : memref<1x40x128xi32, #tpu.memory_space<hbm>> -> memref<40x128xi32, #tpu.memory_space<hbm>>
        %dma_wait3A_409 = arith.constant 0 : i32
        %dma_wait3A_410 = tpu.memref_slice %arg4[%add3A_174, %mul3A_380, %dma_wait3A_409] : memref<32x80x128xi32, #tpu.memory_space<hbm>> -> memref<1x40x128xi32, #tpu.memory_space<hbm>>
        %dma_wait3A_411 = tpu.memref_squeeze %dma_wait3A_410 : memref<1x40x128xi32, #tpu.memory_space<hbm>> -> memref<40x128xi32, #tpu.memory_space<hbm>>
        tpu.wait_dma2 semaphore(%run_scoped3A_399 : memref<!tpu.dma_semaphore, #tpu.memory_space<semaphore_mem>>) src(%dma_wait3A_411 : memref<40x128xi32, #tpu.memory_space<hbm>>) dst(%arg7 : memref<40x128xi32, #tpu.memory_space<vmem>>)
        tpu.yield
      }) : () -> ()
      %dma_start3A_381 = arith.constant 0 : i32
      %dma_start3A_382 = arith.constant 0 : i32
      %dma_start3A_383 = arith.constant 0 : i32
      %dma_start3A_384 = arith.constant 0 : i32
      %dma_start3A_385 = tpu.memref_slice %arg8[%dma_start3A_382, %dma_start3A_383, %dma_start3A_384] : memref<2x128x128xf32, #tpu.memory_space<vmem>> -> memref<1x128x128xf32, #tpu.memory_space<vmem>>
      %dma_start3A_386 = tpu.memref_squeeze %dma_start3A_385 : memref<1x128x128xf32, #tpu.memory_space<vmem>> -> memref<128x128xf32, #tpu.memory_space<vmem>>
      %dma_start3A_387 = arith.constant 0 : i32
      %dma_start3A_388 = tpu.memref_slice %arg6[%dma_start3A_381, %dma_start3A_387] : memref<40x128xi32, #tpu.memory_space<vmem>> -> memref<1x128xi32, #tpu.memory_space<vmem>>
      %dma_start3A_389 = tpu.memref_squeeze %dma_start3A_388 : memref<1x128xi32, #tpu.memory_space<vmem>> -> memref<128xi32, #tpu.memory_space<vmem>>
      %dma_start3A_390 = arith.constant 0 : i32
      %dma_start3A_391 = arith.constant 0 : i32
      %dma_start3A_392 = tpu.memref_slice %arg2[%dma_start3A_390, %dma_start3A_391] : memref<10000x128xf32, #tpu.memory_space<hbm>> -> memref<10000x128xf32, #tpu.memory_space<hbm>>
      tpu.enqueue_indirect_dma source(%dma_start3A_392 : memref<10000x128xf32, #tpu.memory_space<hbm>>) target(%dma_start3A_386 : memref<128x128xf32, #tpu.memory_space<vmem>>) offsets(%dma_start3A_389 : memref<128xi32, #tpu.memory_space<vmem>>) semaphore(%arg10 : memref<!tpu.dma_semaphore, #tpu.memory_space<semaphore_mem>>)
      %scan3A_393 = arith.constant 0 : i32
      %scan3A_394 = arith.constant 0 : i32
      %scan3A_395 = arith.constant 20 : i32
      %scan3A_396 = arith.addi %scan3A_394, %scan3A_395 : i32
      %scan3A_397 = arith.constant 1 : i32
      scf.for %scan3A_399 = %scan3A_394 to %scan3A_396 step %scan3A_397  : i32 {
        %mul3A_400 = arith.constant 2 : i32
        %mul3A_401 = arith.muli %mul3A_400, %scan3A_399 : i32
        %add3A_402 = arith.constant 1 : i32
        %add3A_403 = arith.addi %mul3A_401, %add3A_402 : i32
        %dma_start3A_404 = arith.constant 1 : i32
        %dma_start3A_405 = arith.constant 0 : i32
        %dma_start3A_406 = arith.constant 0 : i32
        %dma_start3A_407 = tpu.memref_slice %arg8[%dma_start3A_404, %dma_start3A_405, %dma_start3A_406] : memref<2x128x128xf32, #tpu.memory_space<vmem>> -> memref<1x128x128xf32, #tpu.memory_space<vmem>>
        %dma_start3A_408 = tpu.memref_squeeze %dma_start3A_407 : memref<1x128x128xf32, #tpu.memory_space<vmem>> -> memref<128x128xf32, #tpu.memory_space<vmem>>
        %dma_start3A_409 = arith.constant 0 : i32
        %dma_start3A_410 = tpu.memref_slice %arg6[%add3A_403, %dma_start3A_409] : memref<40x128xi32, #tpu.memory_space<vmem>> -> memref<1x128xi32, #tpu.memory_space<vmem>>
        %dma_start3A_411 = tpu.memref_squeeze %dma_start3A_410 : memref<1x128xi32, #tpu.memory_space<vmem>> -> memref<128xi32, #tpu.memory_space<vmem>>
        %dma_start3A_412 = arith.constant 0 : i32
        %dma_start3A_413 = arith.constant 0 : i32
        %dma_start3A_414 = tpu.memref_slice %arg2[%dma_start3A_412, %dma_start3A_413] : memref<10000x128xf32, #tpu.memory_space<hbm>> -> memref<10000x128xf32, #tpu.memory_space<hbm>>
        tpu.enqueue_indirect_dma source(%dma_start3A_414 : memref<10000x128xf32, #tpu.memory_space<hbm>>) target(%dma_start3A_408 : memref<128x128xf32, #tpu.memory_space<vmem>>) offsets(%dma_start3A_411 : memref<128xi32, #tpu.memory_space<vmem>>) semaphore(%arg11 : memref<!tpu.dma_semaphore, #tpu.memory_space<semaphore_mem>>)
        %dma_wait3A_415 = arith.constant 0 : i32
        %dma_wait3A_416 = arith.constant 0 : i32
        %dma_wait3A_417 = arith.constant 0 : i32
        %dma_wait3A_418 = tpu.memref_slice %arg8[%dma_wait3A_415, %dma_wait3A_416, %dma_wait3A_417] : memref<2x128x128xf32, #tpu.memory_space<vmem>> -> memref<1x128x128xf32, #tpu.memory_space<vmem>>
        %dma_wait3A_419 = tpu.memref_squeeze %dma_wait3A_418 : memref<1x128x128xf32, #tpu.memory_space<vmem>> -> memref<128x128xf32, #tpu.memory_space<vmem>>
        %dma_wait3A_420 = arith.constant 0 : i32
        %dma_wait3A_421 = tpu.memref_slice %arg6[%mul3A_401, %dma_wait3A_420] : memref<40x128xi32, #tpu.memory_space<vmem>> -> memref<1x128xi32, #tpu.memory_space<vmem>>
        %dma_wait3A_422 = tpu.memref_squeeze %dma_wait3A_421 : memref<1x128xi32, #tpu.memory_space<vmem>> -> memref<128xi32, #tpu.memory_space<vmem>>
        %dma_wait3A_423 = arith.constant 0 : i32
        %dma_wait3A_424 = arith.constant 0 : i32
        %dma_wait3A_425 = tpu.memref_slice %arg2[%dma_wait3A_423, %dma_wait3A_424] : memref<10000x128xf32, #tpu.memory_space<hbm>> -> memref<10000x128xf32, #tpu.memory_space<hbm>>
        tpu.wait_indirect_dma semaphore(%arg10 : memref<!tpu.dma_semaphore, #tpu.memory_space<semaphore_mem>>) src(%dma_wait3A_425 : memref<10000x128xf32, #tpu.memory_space<hbm>>) dst(%dma_wait3A_419 : memref<128x128xf32, #tpu.memory_space<vmem>>)
        %run_scoped3A_426 = arith.constant 0 : i32
        "tpu.region"() ({
          %run_scoped3A_445 = tpu.sem_alloc : memref<!tpu.dma_semaphore, #tpu.memory_space<semaphore_mem>>
          %dma_start3A_446 = arith.constant 0 : i32
          %dma_start3A_447 = arith.constant 0 : i32
          %dma_start3A_448 = tpu.memref_slice %arg8[%run_scoped3A_426, %dma_start3A_446, %dma_start3A_447] : memref<2x128x128xf32, #tpu.memory_space<vmem>> -> memref<1x128x128xf32, #tpu.memory_space<vmem>>
          %dma_start3A_449 = tpu.memref_squeeze %dma_start3A_448 : memref<1x128x128xf32, #tpu.memory_space<vmem>> -> memref<128x128xf32, #tpu.memory_space<vmem>>
          %dma_start3A_450 = arith.constant 0 : i32
          %dma_start3A_451 = tpu.memref_slice %arg7[%mul3A_401, %dma_start3A_450] : memref<40x128xi32, #tpu.memory_space<vmem>> -> memref<1x128xi32, #tpu.memory_space<vmem>>
          %dma_start3A_452 = tpu.memref_squeeze %dma_start3A_451 : memref<1x128xi32, #tpu.memory_space<vmem>> -> memref<128xi32, #tpu.memory_space<vmem>>
          %dma_start3A_453 = arith.constant 0 : i32
          %dma_start3A_454 = arith.constant 0 : i32
          %dma_start3A_455 = tpu.memref_slice %arg9[%dma_start3A_453, %dma_start3A_454] : memref<10240x128xf32, #tpu.memory_space<vmem_shared>> -> memref<10240x128xf32, #tpu.memory_space<vmem_shared>>
          tpu.enqueue_indirect_dma source(%dma_start3A_449 : memref<128x128xf32, #tpu.memory_space<vmem>>) target(%dma_start3A_455 : memref<10240x128xf32, #tpu.memory_space<vmem_shared>>) offsets(%dma_start3A_452 : memref<128xi32, #tpu.memory_space<vmem>>) semaphore(%run_scoped3A_445 : memref<!tpu.dma_semaphore, #tpu.memory_space<semaphore_mem>>) {add = true}
          %dma_wait3A_456 = arith.constant 0 : i32
          %dma_wait3A_457 = arith.constant 0 : i32
          %dma_wait3A_458 = tpu.memref_slice %arg8[%run_scoped3A_426, %dma_wait3A_456, %dma_wait3A_457] : memref<2x128x128xf32, #tpu.memory_space<vmem>> -> memref<1x128x128xf32, #tpu.memory_space<vmem>>
          %dma_wait3A_459 = tpu.memref_squeeze %dma_wait3A_458 : memref<1x128x128xf32, #tpu.memory_space<vmem>> -> memref<128x128xf32, #tpu.memory_space<vmem>>
          %dma_wait3A_460 = arith.constant 0 : i32
          %dma_wait3A_461 = tpu.memref_slice %arg7[%mul3A_401, %dma_wait3A_460] : memref<40x128xi32, #tpu.memory_space<vmem>> -> memref<1x128xi32, #tpu.memory_space<vmem>>
          %dma_wait3A_462 = tpu.memref_squeeze %dma_wait3A_461 : memref<1x128xi32, #tpu.memory_space<vmem>> -> memref<128xi32, #tpu.memory_space<vmem>>
          %dma_wait3A_463 = arith.constant 0 : i32
          %dma_wait3A_464 = arith.constant 0 : i32
          %dma_wait3A_465 = tpu.memref_slice %arg9[%dma_wait3A_463, %dma_wait3A_464] : memref<10240x128xf32, #tpu.memory_space<vmem_shared>> -> memref<10240x128xf32, #tpu.memory_space<vmem_shared>>
          tpu.wait_indirect_dma semaphore(%run_scoped3A_445 : memref<!tpu.dma_semaphore, #tpu.memory_space<semaphore_mem>>) src(%dma_wait3A_459 : memref<128x128xf32, #tpu.memory_space<vmem>>) dst(%dma_wait3A_465 : memref<10240x128xf32, #tpu.memory_space<vmem_shared>>)
          tpu.yield
        }) : () -> ()
        %lt3A = arith.constant 19 : i32
        %lt3A_427 = arith.cmpi slt, %scan3A_399, %lt3A : i32
        %convert_element_type3A = arith.extui %lt3A_427 : i1 to i32
        %cond3A = arith.constant 0 : i32
        %cond3A_428 = arith.cmpi ne, %convert_element_type3A, %cond3A : i32
        scf.if %cond3A_428 {
          %add3A_445 = arith.constant 2 : i32
          %add3A_446 = arith.addi %mul3A_401, %add3A_445 : i32
          %dma_start3A_447 = arith.constant 0 : i32
          %dma_start3A_448 = arith.constant 0 : i32
          %dma_start3A_449 = arith.constant 0 : i32
          %dma_start3A_450 = tpu.memref_slice %arg8[%dma_start3A_447, %dma_start3A_448, %dma_start3A_449] : memref<2x128x128xf32, #tpu.memory_space<vmem>> -> memref<1x128x128xf32, #tpu.memory_space<vmem>>
          %dma_start3A_451 = tpu.memref_squeeze %dma_start3A_450 : memref<1x128x128xf32, #tpu.memory_space<vmem>> -> memref<128x128xf32, #tpu.memory_space<vmem>>
          %dma_start3A_452 = arith.constant 0 : i32
          %dma_start3A_453 = tpu.memref_slice %arg6[%add3A_446, %dma_start3A_452] : memref<40x128xi32, #tpu.memory_space<vmem>> -> memref<1x128xi32, #tpu.memory_space<vmem>>
          %dma_start3A_454 = tpu.memref_squeeze %dma_start3A_453 : memref<1x128xi32, #tpu.memory_space<vmem>> -> memref<128xi32, #tpu.memory_space<vmem>>
          %dma_start3A_455 = arith.constant 0 : i32
          %dma_start3A_456 = arith.constant 0 : i32
          %dma_start3A_457 = tpu.memref_slice %arg2[%dma_start3A_455, %dma_start3A_456] : memref<10000x128xf32, #tpu.memory_space<hbm>> -> memref<10000x128xf32, #tpu.memory_space<hbm>>
          tpu.enqueue_indirect_dma source(%dma_start3A_457 : memref<10000x128xf32, #tpu.memory_space<hbm>>) target(%dma_start3A_451 : memref<128x128xf32, #tpu.memory_space<vmem>>) offsets(%dma_start3A_454 : memref<128xi32, #tpu.memory_space<vmem>>) semaphore(%arg10 : memref<!tpu.dma_semaphore, #tpu.memory_space<semaphore_mem>>)
        } else {
        }
        %add3A_429 = arith.constant 1 : i32
        %add3A_430 = arith.addi %mul3A_401, %add3A_429 : i32
        %dma_wait3A_431 = arith.constant 1 : i32
        %dma_wait3A_432 = arith.constant 0 : i32
        %dma_wait3A_433 = arith.constant 0 : i32
        %dma_wait3A_434 = tpu.memref_slice %arg8[%dma_wait3A_431, %dma_wait3A_432, %dma_wait3A_433] : memref<2x128x128xf32, #tpu.memory_space<vmem>> -> memref<1x128x128xf32, #tpu.memory_space<vmem>>
        %dma_wait3A_435 = tpu.memref_squeeze %dma_wait3A_434 : memref<1x128x128xf32, #tpu.memory_space<vmem>> -> memref<128x128xf32, #tpu.memory_space<vmem>>
        %dma_wait3A_436 = arith.constant 0 : i32
        %dma_wait3A_437 = tpu.memref_slice %arg6[%add3A_430, %dma_wait3A_436] : memref<40x128xi32, #tpu.memory_space<vmem>> -> memref<1x128xi32, #tpu.memory_space<vmem>>
        %dma_wait3A_438 = tpu.memref_squeeze %dma_wait3A_437 : memref<1x128xi32, #tpu.memory_space<vmem>> -> memref<128xi32, #tpu.memory_space<vmem>>
        %dma_wait3A_439 = arith.constant 0 : i32
        %dma_wait3A_440 = arith.constant 0 : i32
        %dma_wait3A_441 = tpu.memref_slice %arg2[%dma_wait3A_439, %dma_wait3A_440] : memref<10000x128xf32, #tpu.memory_space<hbm>> -> memref<10000x128xf32, #tpu.memory_space<hbm>>
        tpu.wait_indirect_dma semaphore(%arg11 : memref<!tpu.dma_semaphore, #tpu.memory_space<semaphore_mem>>) src(%dma_wait3A_441 : memref<10000x128xf32, #tpu.memory_space<hbm>>) dst(%dma_wait3A_435 : memref<128x128xf32, #tpu.memory_space<vmem>>)
        %add3A_442 = arith.constant 1 : i32
        %add3A_443 = arith.addi %mul3A_401, %add3A_442 : i32
        %run_scoped3A_444 = arith.constant 1 : i32
        "tpu.region"() ({
          %run_scoped3A_445 = tpu.sem_alloc : memref<!tpu.dma_semaphore, #tpu.memory_space<semaphore_mem>>
          %dma_start3A_446 = arith.constant 0 : i32
          %dma_start3A_447 = arith.constant 0 : i32
          %dma_start3A_448 = tpu.memref_slice %arg8[%run_scoped3A_444, %dma_start3A_446, %dma_start3A_447] : memref<2x128x128xf32, #tpu.memory_space<vmem>> -> memref<1x128x128xf32, #tpu.memory_space<vmem>>
          %dma_start3A_449 = tpu.memref_squeeze %dma_start3A_448 : memref<1x128x128xf32, #tpu.memory_space<vmem>> -> memref<128x128xf32, #tpu.memory_space<vmem>>
          %dma_start3A_450 = arith.constant 0 : i32
          %dma_start3A_451 = tpu.memref_slice %arg7[%add3A_443, %dma_start3A_450] : memref<40x128xi32, #tpu.memory_space<vmem>> -> memref<1x128xi32, #tpu.memory_space<vmem>>
          %dma_start3A_452 = tpu.memref_squeeze %dma_start3A_451 : memref<1x128xi32, #tpu.memory_space<vmem>> -> memref<128xi32, #tpu.memory_space<vmem>>
          %dma_start3A_453 = arith.constant 0 : i32
          %dma_start3A_454 = arith.constant 0 : i32
          %dma_start3A_455 = tpu.memref_slice %arg9[%dma_start3A_453, %dma_start3A_454] : memref<10240x128xf32, #tpu.memory_space<vmem_shared>> -> memref<10240x128xf32, #tpu.memory_space<vmem_shared>>
          tpu.enqueue_indirect_dma source(%dma_start3A_449 : memref<128x128xf32, #tpu.memory_space<vmem>>) target(%dma_start3A_455 : memref<10240x128xf32, #tpu.memory_space<vmem_shared>>) offsets(%dma_start3A_452 : memref<128xi32, #tpu.memory_space<vmem>>) semaphore(%run_scoped3A_445 : memref<!tpu.dma_semaphore, #tpu.memory_space<semaphore_mem>>) {add = true}
          %dma_wait3A_456 = arith.constant 0 : i32
          %dma_wait3A_457 = arith.constant 0 : i32
          %dma_wait3A_458 = tpu.memref_slice %arg8[%run_scoped3A_444, %dma_wait3A_456, %dma_wait3A_457] : memref<2x128x128xf32, #tpu.memory_space<vmem>> -> memref<1x128x128xf32, #tpu.memory_space<vmem>>
          %dma_wait3A_459 = tpu.memref_squeeze %dma_wait3A_458 : memref<1x128x128xf32, #tpu.memory_space<vmem>> -> memref<128x128xf32, #tpu.memory_space<vmem>>
          %dma_wait3A_460 = arith.constant 0 : i32
          %dma_wait3A_461 = tpu.memref_slice %arg7[%add3A_443, %dma_wait3A_460] : memref<40x128xi32, #tpu.memory_space<vmem>> -> memref<1x128xi32, #tpu.memory_space<vmem>>
          %dma_wait3A_462 = tpu.memref_squeeze %dma_wait3A_461 : memref<1x128xi32, #tpu.memory_space<vmem>> -> memref<128xi32, #tpu.memory_space<vmem>>
          %dma_wait3A_463 = arith.constant 0 : i32
          %dma_wait3A_464 = arith.constant 0 : i32
          %dma_wait3A_465 = tpu.memref_slice %arg9[%dma_wait3A_463, %dma_wait3A_464] : memref<10240x128xf32, #tpu.memory_space<vmem_shared>> -> memref<10240x128xf32, #tpu.memory_space<vmem_shared>>
          tpu.wait_indirect_dma semaphore(%run_scoped3A_445 : memref<!tpu.dma_semaphore, #tpu.memory_space<semaphore_mem>>) src(%dma_wait3A_459 : memref<128x128xf32, #tpu.memory_space<vmem>>) dst(%dma_wait3A_465 : memref<10240x128xf32, #tpu.memory_space<vmem_shared>>)
          tpu.yield
        }) : () -> ()
      }
      %scan3A_398 = arith.constant 20 : i32
    }
    %scan3A_180 = arith.constant 2 : i32
    %barrier3A_181 = arith.constant 0 : index
    tpu.barrier barrier_id(%barrier3A_181)
    %mul3A_182 = arith.constant 640 : i32
    %mul3A_183 = arith.muli %arg1, %mul3A_182 : i32
    %add3A_184 = arith.constant 0 : i32
    %add3A_185 = arith.addi %mul3A_183, %add3A_184 : i32
    %run_scoped3A = arith.constant 0 : i32
    "tpu.region"() ({
      %run_scoped3A_376 = tpu.sem_alloc : memref<!tpu.dma_semaphore, #tpu.memory_space<semaphore_mem>>
      %dma_start3A_377 = arith.constant 0 : i32
      %dma_start3A_378 = arith.constant 0 : i32
      %dma_start3A_379 = tpu.memref_slice %arg8[%run_scoped3A, %dma_start3A_377, %dma_start3A_378] : memref<2x128x128xf32, #tpu.memory_space<vmem>> -> memref<1x128x128xf32, #tpu.memory_space<vmem>>
      %dma_start3A_380 = tpu.memref_squeeze %dma_start3A_379 : memref<1x128x128xf32, #tpu.memory_space<vmem>> -> memref<128x128xf32, #tpu.memory_space<vmem>>
      %dma_start3A_381 = arith.constant 0 : i32
      %dma_start3A_382 = tpu.memref_slice %arg9[%add3A_185, %dma_start3A_381] : memref<10240x128xf32, #tpu.memory_space<vmem_shared>> -> memref<128x128xf32, #tpu.memory_space<vmem_shared>>
      %dma_start3A_383 = arith.constant 0 : i32
      %dma_start3A_384 = arith.constant 0 : i32
      %dma_start3A_385 = tpu.memref_slice %arg8[%run_scoped3A, %dma_start3A_383, %dma_start3A_384] : memref<2x128x128xf32, #tpu.memory_space<vmem>> -> memref<1x128x128xf32, #tpu.memory_space<vmem>>
      %dma_start3A_386 = tpu.memref_squeeze %dma_start3A_385 : memref<1x128x128xf32, #tpu.memory_space<vmem>> -> memref<128x128xf32, #tpu.memory_space<vmem>>
      %dma_start3A_387 = arith.constant 0 : i32
      %dma_start3A_388 = tpu.memref_slice %arg9[%add3A_185, %dma_start3A_387] : memref<10240x128xf32, #tpu.memory_space<vmem_shared>> -> memref<128x128xf32, #tpu.memory_space<vmem_shared>>
      tpu.enqueue_dma source(%dma_start3A_388 : memref<128x128xf32, #tpu.memory_space<vmem_shared>>) target(%dma_start3A_386 : memref<128x128xf32, #tpu.memory_space<vmem>>) target_semaphore(%run_scoped3A_376 : memref<!tpu.dma_semaphore, #tpu.memory_space<semaphore_mem>>)
      %dma_wait3A_389 = arith.constant 0 : i32
      %dma_wait3A_390 = arith.constant 0 : i32
      %dma_wait3A_391 = tpu.memref_slice %arg8[%run_scoped3A, %dma_wait3A_389, %dma_wait3A_390] : memref<2x128x128xf32, #tpu.memory_space<vmem>> -> memref<1x128x128xf32, #tpu.memory_space<vmem>>
      %dma_wait3A_392 = tpu.memref_squeeze %dma_wait3A_391 : memref<1x128x128xf32, #tpu.memory_space<vmem>> -> memref<128x128xf32, #tpu.memory_space<vmem>>
      %dma_wait3A_393 = arith.constant 0 : i32
      %dma_wait3A_394 = tpu.memref_slice %arg9[%add3A_185, %dma_wait3A_393] : memref<10240x128xf32, #tpu.memory_space<vmem_shared>> -> memref<128x128xf32, #tpu.memory_space<vmem_shared>>
      %dma_wait3A_395 = arith.constant 0 : i32
      %dma_wait3A_396 = arith.constant 0 : i32
      %dma_wait3A_397 = tpu.memref_slice %arg8[%run_scoped3A, %dma_wait3A_395, %dma_wait3A_396] : memref<2x128x128xf32, #tpu.memory_space<vmem>> -> memref<1x128x128xf32, #tpu.memory_space<vmem>>
      %dma_wait3A_398 = tpu.memref_squeeze %dma_wait3A_397 : memref<1x128x128xf32, #tpu.memory_space<vmem>> -> memref<128x128xf32, #tpu.memory_space<vmem>>
      %dma_wait3A_399 = arith.constant 0 : i32
      %dma_wait3A_400 = tpu.memref_slice %arg9[%add3A_185, %dma_wait3A_399] : memref<10240x128xf32, #tpu.memory_space<vmem_shared>> -> memref<128x128xf32, #tpu.memory_space<vmem_shared>>
      tpu.wait_dma2 semaphore(%run_scoped3A_376 : memref<!tpu.dma_semaphore, #tpu.memory_space<semaphore_mem>>) src(%dma_wait3A_400 : memref<128x128xf32, #tpu.memory_space<vmem_shared>>) dst(%dma_wait3A_398 : memref<128x128xf32, #tpu.memory_space<vmem>>)
      tpu.yield
    }) : () -> ()
    %dma_start3A_186 = arith.constant 0 : i32
    %dma_start3A_187 = arith.constant 0 : i32
    %dma_start3A_188 = arith.constant 0 : i32
    %dma_start3A_189 = tpu.memref_slice %arg8[%dma_start3A_186, %dma_start3A_187, %dma_start3A_188] : memref<2x128x128xf32, #tpu.memory_space<vmem>> -> memref<1x128x128xf32, #tpu.memory_space<vmem>>
    %dma_start3A_190 = tpu.memref_squeeze %dma_start3A_189 : memref<1x128x128xf32, #tpu.memory_space<vmem>> -> memref<128x128xf32, #tpu.memory_space<vmem>>
    %dma_start3A_191 = arith.constant 0 : i32
    %dma_start3A_192 = tpu.memref_slice %arg5[%arg0, %add3A_185, %dma_start3A_191] : memref<2x10240x128xf32, #tpu.memory_space<hbm>> -> memref<1x128x128xf32, #tpu.memory_space<hbm>>
    %dma_start3A_193 = tpu.memref_squeeze %dma_start3A_192 : memref<1x128x128xf32, #tpu.memory_space<hbm>> -> memref<128x128xf32, #tpu.memory_space<hbm>>
    %dma_start3A_194 = arith.constant 0 : i32
    %dma_start3A_195 = tpu.memref_slice %arg5[%arg0, %add3A_185, %dma_start3A_194] : memref<2x10240x128xf32, #tpu.memory_space<hbm>> -> memref<1x128x128xf32, #tpu.memory_space<hbm>>
    %dma_start3A_196 = tpu.memref_squeeze %dma_start3A_195 : memref<1x128x128xf32, #tpu.memory_space<hbm>> -> memref<128x128xf32, #tpu.memory_space<hbm>>
    %dma_start3A_197 = arith.constant 0 : i32
    %dma_start3A_198 = arith.constant 0 : i32
    %dma_start3A_199 = tpu.memref_slice %arg8[%dma_start3A_186, %dma_start3A_197, %dma_start3A_198] : memref<2x128x128xf32, #tpu.memory_space<vmem>> -> memref<1x128x128xf32, #tpu.memory_space<vmem>>
    %dma_start3A_200 = tpu.memref_squeeze %dma_start3A_199 : memref<1x128x128xf32, #tpu.memory_space<vmem>> -> memref<128x128xf32, #tpu.memory_space<vmem>>
    tpu.enqueue_dma source(%dma_start3A_200 : memref<128x128xf32, #tpu.memory_space<vmem>>) target(%dma_start3A_196 : memref<128x128xf32, #tpu.memory_space<hbm>>) target_semaphore(%arg10 : memref<!tpu.dma_semaphore, #tpu.memory_space<semaphore_mem>>)
    %mul3A_201 = arith.constant 640 : i32
    %mul3A_202 = arith.muli %arg1, %mul3A_201 : i32
    %add3A_203 = arith.constant 128 : i32
    %add3A_204 = arith.addi %mul3A_202, %add3A_203 : i32
    %run_scoped3A_205 = arith.constant 1 : i32
    "tpu.region"() ({
      %run_scoped3A_376 = tpu.sem_alloc : memref<!tpu.dma_semaphore, #tpu.memory_space<semaphore_mem>>
      %dma_start3A_377 = arith.constant 0 : i32
      %dma_start3A_378 = arith.constant 0 : i32
      %dma_start3A_379 = tpu.memref_slice %arg8[%run_scoped3A_205, %dma_start3A_377, %dma_start3A_378] : memref<2x128x128xf32, #tpu.memory_space<vmem>> -> memref<1x128x128xf32, #tpu.memory_space<vmem>>
      %dma_start3A_380 = tpu.memref_squeeze %dma_start3A_379 : memref<1x128x128xf32, #tpu.memory_space<vmem>> -> memref<128x128xf32, #tpu.memory_space<vmem>>
      %dma_start3A_381 = arith.constant 0 : i32
      %dma_start3A_382 = tpu.memref_slice %arg9[%add3A_204, %dma_start3A_381] : memref<10240x128xf32, #tpu.memory_space<vmem_shared>> -> memref<128x128xf32, #tpu.memory_space<vmem_shared>>
      %dma_start3A_383 = arith.constant 0 : i32
      %dma_start3A_384 = arith.constant 0 : i32
      %dma_start3A_385 = tpu.memref_slice %arg8[%run_scoped3A_205, %dma_start3A_383, %dma_start3A_384] : memref<2x128x128xf32, #tpu.memory_space<vmem>> -> memref<1x128x128xf32, #tpu.memory_space<vmem>>
      %dma_start3A_386 = tpu.memref_squeeze %dma_start3A_385 : memref<1x128x128xf32, #tpu.memory_space<vmem>> -> memref<128x128xf32, #tpu.memory_space<vmem>>
      %dma_start3A_387 = arith.constant 0 : i32
      %dma_start3A_388 = tpu.memref_slice %arg9[%add3A_204, %dma_start3A_387] : memref<10240x128xf32, #tpu.memory_space<vmem_shared>> -> memref<128x128xf32, #tpu.memory_space<vmem_shared>>
      tpu.enqueue_dma source(%dma_start3A_388 : memref<128x128xf32, #tpu.memory_space<vmem_shared>>) target(%dma_start3A_386 : memref<128x128xf32, #tpu.memory_space<vmem>>) target_semaphore(%run_scoped3A_376 : memref<!tpu.dma_semaphore, #tpu.memory_space<semaphore_mem>>)
      %dma_wait3A_389 = arith.constant 0 : i32
      %dma_wait3A_390 = arith.constant 0 : i32
      %dma_wait3A_391 = tpu.memref_slice %arg8[%run_scoped3A_205, %dma_wait3A_389, %dma_wait3A_390] : memref<2x128x128xf32, #tpu.memory_space<vmem>> -> memref<1x128x128xf32, #tpu.memory_space<vmem>>
      %dma_wait3A_392 = tpu.memref_squeeze %dma_wait3A_391 : memref<1x128x128xf32, #tpu.memory_space<vmem>> -> memref<128x128xf32, #tpu.memory_space<vmem>>
      %dma_wait3A_393 = arith.constant 0 : i32
      %dma_wait3A_394 = tpu.memref_slice %arg9[%add3A_204, %dma_wait3A_393] : memref<10240x128xf32, #tpu.memory_space<vmem_shared>> -> memref<128x128xf32, #tpu.memory_space<vmem_shared>>
      %dma_wait3A_395 = arith.constant 0 : i32
      %dma_wait3A_396 = arith.constant 0 : i32
      %dma_wait3A_397 = tpu.memref_slice %arg8[%run_scoped3A_205, %dma_wait3A_395, %dma_wait3A_396] : memref<2x128x128xf32, #tpu.memory_space<vmem>> -> memref<1x128x128xf32, #tpu.memory_space<vmem>>
      %dma_wait3A_398 = tpu.memref_squeeze %dma_wait3A_397 : memref<1x128x128xf32, #tpu.memory_space<vmem>> -> memref<128x128xf32, #tpu.memory_space<vmem>>
      %dma_wait3A_399 = arith.constant 0 : i32
      %dma_wait3A_400 = tpu.memref_slice %arg9[%add3A_204, %dma_wait3A_399] : memref<10240x128xf32, #tpu.memory_space<vmem_shared>> -> memref<128x128xf32, #tpu.memory_space<vmem_shared>>
      tpu.wait_dma2 semaphore(%run_scoped3A_376 : memref<!tpu.dma_semaphore, #tpu.memory_space<semaphore_mem>>) src(%dma_wait3A_400 : memref<128x128xf32, #tpu.memory_space<vmem_shared>>) dst(%dma_wait3A_398 : memref<128x128xf32, #tpu.memory_space<vmem>>)
      tpu.yield
    }) : () -> ()
    %dma_start3A_206 = arith.constant 1 : i32
    %dma_start3A_207 = arith.constant 0 : i32
    %dma_start3A_208 = arith.constant 0 : i32
    %dma_start3A_209 = tpu.memref_slice %arg8[%dma_start3A_206, %dma_start3A_207, %dma_start3A_208] : memref<2x128x128xf32, #tpu.memory_space<vmem>> -> memref<1x128x128xf32, #tpu.memory_space<vmem>>
    %dma_start3A_210 = tpu.memref_squeeze %dma_start3A_209 : memref<1x128x128xf32, #tpu.memory_space<vmem>> -> memref<128x128xf32, #tpu.memory_space<vmem>>
    %dma_start3A_211 = arith.constant 0 : i32
    %dma_start3A_212 = tpu.memref_slice %arg5[%arg0, %add3A_204, %dma_start3A_211] : memref<2x10240x128xf32, #tpu.memory_space<hbm>> -> memref<1x128x128xf32, #tpu.memory_space<hbm>>
    %dma_start3A_213 = tpu.memref_squeeze %dma_start3A_212 : memref<1x128x128xf32, #tpu.memory_space<hbm>> -> memref<128x128xf32, #tpu.memory_space<hbm>>
    %dma_start3A_214 = arith.constant 0 : i32
    %dma_start3A_215 = tpu.memref_slice %arg5[%arg0, %add3A_204, %dma_start3A_214] : memref<2x10240x128xf32, #tpu.memory_space<hbm>> -> memref<1x128x128xf32, #tpu.memory_space<hbm>>
    %dma_start3A_216 = tpu.memref_squeeze %dma_start3A_215 : memref<1x128x128xf32, #tpu.memory_space<hbm>> -> memref<128x128xf32, #tpu.memory_space<hbm>>
    %dma_start3A_217 = arith.constant 0 : i32
    %dma_start3A_218 = arith.constant 0 : i32
    %dma_start3A_219 = tpu.memref_slice %arg8[%dma_start3A_206, %dma_start3A_217, %dma_start3A_218] : memref<2x128x128xf32, #tpu.memory_space<vmem>> -> memref<1x128x128xf32, #tpu.memory_space<vmem>>
    %dma_start3A_220 = tpu.memref_squeeze %dma_start3A_219 : memref<1x128x128xf32, #tpu.memory_space<vmem>> -> memref<128x128xf32, #tpu.memory_space<vmem>>
    tpu.enqueue_dma source(%dma_start3A_220 : memref<128x128xf32, #tpu.memory_space<vmem>>) target(%dma_start3A_216 : memref<128x128xf32, #tpu.memory_space<hbm>>) target_semaphore(%arg11 : memref<!tpu.dma_semaphore, #tpu.memory_space<semaphore_mem>>)
    %mul3A_221 = arith.constant 640 : i32
    %mul3A_222 = arith.muli %arg1, %mul3A_221 : i32
    %add3A_223 = arith.constant 256 : i32
    %add3A_224 = arith.addi %mul3A_222, %add3A_223 : i32
    %mul3A_225 = arith.constant 640 : i32
    %mul3A_226 = arith.muli %arg1, %mul3A_225 : i32
    %add3A_227 = arith.constant 0 : i32
    %add3A_228 = arith.addi %mul3A_226, %add3A_227 : i32
    %dma_wait3A_229 = arith.constant 0 : i32
    %dma_wait3A_230 = arith.constant 0 : i32
    %dma_wait3A_231 = arith.constant 0 : i32
    %dma_wait3A_232 = tpu.memref_slice %arg8[%dma_wait3A_229, %dma_wait3A_230, %dma_wait3A_231] : memref<2x128x128xf32, #tpu.memory_space<vmem>> -> memref<1x128x128xf32, #tpu.memory_space<vmem>>
    %dma_wait3A_233 = tpu.memref_squeeze %dma_wait3A_232 : memref<1x128x128xf32, #tpu.memory_space<vmem>> -> memref<128x128xf32, #tpu.memory_space<vmem>>
    %dma_wait3A_234 = arith.constant 0 : i32
    %dma_wait3A_235 = tpu.memref_slice %arg5[%arg0, %add3A_228, %dma_wait3A_234] : memref<2x10240x128xf32, #tpu.memory_space<hbm>> -> memref<1x128x128xf32, #tpu.memory_space<hbm>>
    %dma_wait3A_236 = tpu.memref_squeeze %dma_wait3A_235 : memref<1x128x128xf32, #tpu.memory_space<hbm>> -> memref<128x128xf32, #tpu.memory_space<hbm>>
    %dma_wait3A_237 = arith.constant 0 : i32
    %dma_wait3A_238 = tpu.memref_slice %arg5[%arg0, %add3A_228, %dma_wait3A_237] : memref<2x10240x128xf32, #tpu.memory_space<hbm>> -> memref<1x128x128xf32, #tpu.memory_space<hbm>>
    %dma_wait3A_239 = tpu.memref_squeeze %dma_wait3A_238 : memref<1x128x128xf32, #tpu.memory_space<hbm>> -> memref<128x128xf32, #tpu.memory_space<hbm>>
    %dma_wait3A_240 = arith.constant 0 : i32
    %dma_wait3A_241 = arith.constant 0 : i32
    %dma_wait3A_242 = tpu.memref_slice %arg8[%dma_wait3A_229, %dma_wait3A_240, %dma_wait3A_241] : memref<2x128x128xf32, #tpu.memory_space<vmem>> -> memref<1x128x128xf32, #tpu.memory_space<vmem>>
    %dma_wait3A_243 = tpu.memref_squeeze %dma_wait3A_242 : memref<1x128x128xf32, #tpu.memory_space<vmem>> -> memref<128x128xf32, #tpu.memory_space<vmem>>
    tpu.wait_dma2 semaphore(%arg10 : memref<!tpu.dma_semaphore, #tpu.memory_space<semaphore_mem>>) src(%dma_wait3A_243 : memref<128x128xf32, #tpu.memory_space<vmem>>) dst(%dma_wait3A_239 : memref<128x128xf32, #tpu.memory_space<hbm>>)
    %run_scoped3A_244 = arith.constant 0 : i32
    "tpu.region"() ({
      %run_scoped3A_376 = tpu.sem_alloc : memref<!tpu.dma_semaphore, #tpu.memory_space<semaphore_mem>>
      %dma_start3A_377 = arith.constant 0 : i32
      %dma_start3A_378 = arith.constant 0 : i32
      %dma_start3A_379 = tpu.memref_slice %arg8[%run_scoped3A_244, %dma_start3A_377, %dma_start3A_378] : memref<2x128x128xf32, #tpu.memory_space<vmem>> -> memref<1x128x128xf32, #tpu.memory_space<vmem>>
      %dma_start3A_380 = tpu.memref_squeeze %dma_start3A_379 : memref<1x128x128xf32, #tpu.memory_space<vmem>> -> memref<128x128xf32, #tpu.memory_space<vmem>>
      %dma_start3A_381 = arith.constant 0 : i32
      %dma_start3A_382 = tpu.memref_slice %arg9[%add3A_224, %dma_start3A_381] : memref<10240x128xf32, #tpu.memory_space<vmem_shared>> -> memref<128x128xf32, #tpu.memory_space<vmem_shared>>
      %dma_start3A_383 = arith.constant 0 : i32
      %dma_start3A_384 = arith.constant 0 : i32
      %dma_start3A_385 = tpu.memref_slice %arg8[%run_scoped3A_244, %dma_start3A_383, %dma_start3A_384] : memref<2x128x128xf32, #tpu.memory_space<vmem>> -> memref<1x128x128xf32, #tpu.memory_space<vmem>>
      %dma_start3A_386 = tpu.memref_squeeze %dma_start3A_385 : memref<1x128x128xf32, #tpu.memory_space<vmem>> -> memref<128x128xf32, #tpu.memory_space<vmem>>
      %dma_start3A_387 = arith.constant 0 : i32
      %dma_start3A_388 = tpu.memref_slice %arg9[%add3A_224, %dma_start3A_387] : memref<10240x128xf32, #tpu.memory_space<vmem_shared>> -> memref<128x128xf32, #tpu.memory_space<vmem_shared>>
      tpu.enqueue_dma source(%dma_start3A_388 : memref<128x128xf32, #tpu.memory_space<vmem_shared>>) target(%dma_start3A_386 : memref<128x128xf32, #tpu.memory_space<vmem>>) target_semaphore(%run_scoped3A_376 : memref<!tpu.dma_semaphore, #tpu.memory_space<semaphore_mem>>)
      %dma_wait3A_389 = arith.constant 0 : i32
      %dma_wait3A_390 = arith.constant 0 : i32
      %dma_wait3A_391 = tpu.memref_slice %arg8[%run_scoped3A_244, %dma_wait3A_389, %dma_wait3A_390] : memref<2x128x128xf32, #tpu.memory_space<vmem>> -> memref<1x128x128xf32, #tpu.memory_space<vmem>>
      %dma_wait3A_392 = tpu.memref_squeeze %dma_wait3A_391 : memref<1x128x128xf32, #tpu.memory_space<vmem>> -> memref<128x128xf32, #tpu.memory_space<vmem>>
      %dma_wait3A_393 = arith.constant 0 : i32
      %dma_wait3A_394 = tpu.memref_slice %arg9[%add3A_224, %dma_wait3A_393] : memref<10240x128xf32, #tpu.memory_space<vmem_shared>> -> memref<128x128xf32, #tpu.memory_space<vmem_shared>>
      %dma_wait3A_395 = arith.constant 0 : i32
      %dma_wait3A_396 = arith.constant 0 : i32
      %dma_wait3A_397 = tpu.memref_slice %arg8[%run_scoped3A_244, %dma_wait3A_395, %dma_wait3A_396] : memref<2x128x128xf32, #tpu.memory_space<vmem>> -> memref<1x128x128xf32, #tpu.memory_space<vmem>>
      %dma_wait3A_398 = tpu.memref_squeeze %dma_wait3A_397 : memref<1x128x128xf32, #tpu.memory_space<vmem>> -> memref<128x128xf32, #tpu.memory_space<vmem>>
      %dma_wait3A_399 = arith.constant 0 : i32
      %dma_wait3A_400 = tpu.memref_slice %arg9[%add3A_224, %dma_wait3A_399] : memref<10240x128xf32, #tpu.memory_space<vmem_shared>> -> memref<128x128xf32, #tpu.memory_space<vmem_shared>>
      tpu.wait_dma2 semaphore(%run_scoped3A_376 : memref<!tpu.dma_semaphore, #tpu.memory_space<semaphore_mem>>) src(%dma_wait3A_400 : memref<128x128xf32, #tpu.memory_space<vmem_shared>>) dst(%dma_wait3A_398 : memref<128x128xf32, #tpu.memory_space<vmem>>)
      tpu.yield
    }) : () -> ()
    %dma_start3A_245 = arith.constant 0 : i32
    %dma_start3A_246 = arith.constant 0 : i32
    %dma_start3A_247 = arith.constant 0 : i32
    %dma_start3A_248 = tpu.memref_slice %arg8[%dma_start3A_245, %dma_start3A_246, %dma_start3A_247] : memref<2x128x128xf32, #tpu.memory_space<vmem>> -> memref<1x128x128xf32, #tpu.memory_space<vmem>>
    %dma_start3A_249 = tpu.memref_squeeze %dma_start3A_248 : memref<1x128x128xf32, #tpu.memory_space<vmem>> -> memref<128x128xf32, #tpu.memory_space<vmem>>
    %dma_start3A_250 = arith.constant 0 : i32
    %dma_start3A_251 = tpu.memref_slice %arg5[%arg0, %add3A_224, %dma_start3A_250] : memref<2x10240x128xf32, #tpu.memory_space<hbm>> -> memref<1x128x128xf32, #tpu.memory_space<hbm>>
    %dma_start3A_252 = tpu.memref_squeeze %dma_start3A_251 : memref<1x128x128xf32, #tpu.memory_space<hbm>> -> memref<128x128xf32, #tpu.memory_space<hbm>>
    %dma_start3A_253 = arith.constant 0 : i32
    %dma_start3A_254 = tpu.memref_slice %arg5[%arg0, %add3A_224, %dma_start3A_253] : memref<2x10240x128xf32, #tpu.memory_space<hbm>> -> memref<1x128x128xf32, #tpu.memory_space<hbm>>
    %dma_start3A_255 = tpu.memref_squeeze %dma_start3A_254 : memref<1x128x128xf32, #tpu.memory_space<hbm>> -> memref<128x128xf32, #tpu.memory_space<hbm>>
    %dma_start3A_256 = arith.constant 0 : i32
    %dma_start3A_257 = arith.constant 0 : i32
    %dma_start3A_258 = tpu.memref_slice %arg8[%dma_start3A_245, %dma_start3A_256, %dma_start3A_257] : memref<2x128x128xf32, #tpu.memory_space<vmem>> -> memref<1x128x128xf32, #tpu.memory_space<vmem>>
    %dma_start3A_259 = tpu.memref_squeeze %dma_start3A_258 : memref<1x128x128xf32, #tpu.memory_space<vmem>> -> memref<128x128xf32, #tpu.memory_space<vmem>>
    tpu.enqueue_dma source(%dma_start3A_259 : memref<128x128xf32, #tpu.memory_space<vmem>>) target(%dma_start3A_255 : memref<128x128xf32, #tpu.memory_space<hbm>>) target_semaphore(%arg10 : memref<!tpu.dma_semaphore, #tpu.memory_space<semaphore_mem>>)
    %mul3A_260 = arith.constant 640 : i32
    %mul3A_261 = arith.muli %arg1, %mul3A_260 : i32
    %add3A_262 = arith.constant 384 : i32
    %add3A_263 = arith.addi %mul3A_261, %add3A_262 : i32
    %mul3A_264 = arith.constant 640 : i32
    %mul3A_265 = arith.muli %arg1, %mul3A_264 : i32
    %add3A_266 = arith.constant 128 : i32
    %add3A_267 = arith.addi %mul3A_265, %add3A_266 : i32
    %dma_wait3A_268 = arith.constant 1 : i32
    %dma_wait3A_269 = arith.constant 0 : i32
    %dma_wait3A_270 = arith.constant 0 : i32
    %dma_wait3A_271 = tpu.memref_slice %arg8[%dma_wait3A_268, %dma_wait3A_269, %dma_wait3A_270] : memref<2x128x128xf32, #tpu.memory_space<vmem>> -> memref<1x128x128xf32, #tpu.memory_space<vmem>>
    %dma_wait3A_272 = tpu.memref_squeeze %dma_wait3A_271 : memref<1x128x128xf32, #tpu.memory_space<vmem>> -> memref<128x128xf32, #tpu.memory_space<vmem>>
    %dma_wait3A_273 = arith.constant 0 : i32
    %dma_wait3A_274 = tpu.memref_slice %arg5[%arg0, %add3A_267, %dma_wait3A_273] : memref<2x10240x128xf32, #tpu.memory_space<hbm>> -> memref<1x128x128xf32, #tpu.memory_space<hbm>>
    %dma_wait3A_275 = tpu.memref_squeeze %dma_wait3A_274 : memref<1x128x128xf32, #tpu.memory_space<hbm>> -> memref<128x128xf32, #tpu.memory_space<hbm>>
    %dma_wait3A_276 = arith.constant 0 : i32
    %dma_wait3A_277 = tpu.memref_slice %arg5[%arg0, %add3A_267, %dma_wait3A_276] : memref<2x10240x128xf32, #tpu.memory_space<hbm>> -> memref<1x128x128xf32, #tpu.memory_space<hbm>>
    %dma_wait3A_278 = tpu.memref_squeeze %dma_wait3A_277 : memref<1x128x128xf32, #tpu.memory_space<hbm>> -> memref<128x128xf32, #tpu.memory_space<hbm>>
    %dma_wait3A_279 = arith.constant 0 : i32
    %dma_wait3A_280 = arith.constant 0 : i32
    %dma_wait3A_281 = tpu.memref_slice %arg8[%dma_wait3A_268, %dma_wait3A_279, %dma_wait3A_280] : memref<2x128x128xf32, #tpu.memory_space<vmem>> -> memref<1x128x128xf32, #tpu.memory_space<vmem>>
    %dma_wait3A_282 = tpu.memref_squeeze %dma_wait3A_281 : memref<1x128x128xf32, #tpu.memory_space<vmem>> -> memref<128x128xf32, #tpu.memory_space<vmem>>
    tpu.wait_dma2 semaphore(%arg11 : memref<!tpu.dma_semaphore, #tpu.memory_space<semaphore_mem>>) src(%dma_wait3A_282 : memref<128x128xf32, #tpu.memory_space<vmem>>) dst(%dma_wait3A_278 : memref<128x128xf32, #tpu.memory_space<hbm>>)
    %run_scoped3A_283 = arith.constant 1 : i32
    "tpu.region"() ({
      %run_scoped3A_376 = tpu.sem_alloc : memref<!tpu.dma_semaphore, #tpu.memory_space<semaphore_mem>>
      %dma_start3A_377 = arith.constant 0 : i32
      %dma_start3A_378 = arith.constant 0 : i32
      %dma_start3A_379 = tpu.memref_slice %arg8[%run_scoped3A_283, %dma_start3A_377, %dma_start3A_378] : memref<2x128x128xf32, #tpu.memory_space<vmem>> -> memref<1x128x128xf32, #tpu.memory_space<vmem>>
      %dma_start3A_380 = tpu.memref_squeeze %dma_start3A_379 : memref<1x128x128xf32, #tpu.memory_space<vmem>> -> memref<128x128xf32, #tpu.memory_space<vmem>>
      %dma_start3A_381 = arith.constant 0 : i32
      %dma_start3A_382 = tpu.memref_slice %arg9[%add3A_263, %dma_start3A_381] : memref<10240x128xf32, #tpu.memory_space<vmem_shared>> -> memref<128x128xf32, #tpu.memory_space<vmem_shared>>
      %dma_start3A_383 = arith.constant 0 : i32
      %dma_start3A_384 = arith.constant 0 : i32
      %dma_start3A_385 = tpu.memref_slice %arg8[%run_scoped3A_283, %dma_start3A_383, %dma_start3A_384] : memref<2x128x128xf32, #tpu.memory_space<vmem>> -> memref<1x128x128xf32, #tpu.memory_space<vmem>>
      %dma_start3A_386 = tpu.memref_squeeze %dma_start3A_385 : memref<1x128x128xf32, #tpu.memory_space<vmem>> -> memref<128x128xf32, #tpu.memory_space<vmem>>
      %dma_start3A_387 = arith.constant 0 : i32
      %dma_start3A_388 = tpu.memref_slice %arg9[%add3A_263, %dma_start3A_387] : memref<10240x128xf32, #tpu.memory_space<vmem_shared>> -> memref<128x128xf32, #tpu.memory_space<vmem_shared>>
      tpu.enqueue_dma source(%dma_start3A_388 : memref<128x128xf32, #tpu.memory_space<vmem_shared>>) target(%dma_start3A_386 : memref<128x128xf32, #tpu.memory_space<vmem>>) target_semaphore(%run_scoped3A_376 : memref<!tpu.dma_semaphore, #tpu.memory_space<semaphore_mem>>)
      %dma_wait3A_389 = arith.constant 0 : i32
      %dma_wait3A_390 = arith.constant 0 : i32
      %dma_wait3A_391 = tpu.memref_slice %arg8[%run_scoped3A_283, %dma_wait3A_389, %dma_wait3A_390] : memref<2x128x128xf32, #tpu.memory_space<vmem>> -> memref<1x128x128xf32, #tpu.memory_space<vmem>>
      %dma_wait3A_392 = tpu.memref_squeeze %dma_wait3A_391 : memref<1x128x128xf32, #tpu.memory_space<vmem>> -> memref<128x128xf32, #tpu.memory_space<vmem>>
      %dma_wait3A_393 = arith.constant 0 : i32
      %dma_wait3A_394 = tpu.memref_slice %arg9[%add3A_263, %dma_wait3A_393] : memref<10240x128xf32, #tpu.memory_space<vmem_shared>> -> memref<128x128xf32, #tpu.memory_space<vmem_shared>>
      %dma_wait3A_395 = arith.constant 0 : i32
      %dma_wait3A_396 = arith.constant 0 : i32
      %dma_wait3A_397 = tpu.memref_slice %arg8[%run_scoped3A_283, %dma_wait3A_395, %dma_wait3A_396] : memref<2x128x128xf32, #tpu.memory_space<vmem>> -> memref<1x128x128xf32, #tpu.memory_space<vmem>>
      %dma_wait3A_398 = tpu.memref_squeeze %dma_wait3A_397 : memref<1x128x128xf32, #tpu.memory_space<vmem>> -> memref<128x128xf32, #tpu.memory_space<vmem>>
      %dma_wait3A_399 = arith.constant 0 : i32
      %dma_wait3A_400 = tpu.memref_slice %arg9[%add3A_263, %dma_wait3A_399] : memref<10240x128xf32, #tpu.memory_space<vmem_shared>> -> memref<128x128xf32, #tpu.memory_space<vmem_shared>>
      tpu.wait_dma2 semaphore(%run_scoped3A_376 : memref<!tpu.dma_semaphore, #tpu.memory_space<semaphore_mem>>) src(%dma_wait3A_400 : memref<128x128xf32, #tpu.memory_space<vmem_shared>>) dst(%dma_wait3A_398 : memref<128x128xf32, #tpu.memory_space<vmem>>)
      tpu.yield
    }) : () -> ()
    %dma_start3A_284 = arith.constant 1 : i32
    %dma_start3A_285 = arith.constant 0 : i32
    %dma_start3A_286 = arith.constant 0 : i32
    %dma_start3A_287 = tpu.memref_slice %arg8[%dma_start3A_284, %dma_start3A_285, %dma_start3A_286] : memref<2x128x128xf32, #tpu.memory_space<vmem>> -> memref<1x128x128xf32, #tpu.memory_space<vmem>>
    %dma_start3A_288 = tpu.memref_squeeze %dma_start3A_287 : memref<1x128x128xf32, #tpu.memory_space<vmem>> -> memref<128x128xf32, #tpu.memory_space<vmem>>
    %dma_start3A_289 = arith.constant 0 : i32
    %dma_start3A_290 = tpu.memref_slice %arg5[%arg0, %add3A_263, %dma_start3A_289] : memref<2x10240x128xf32, #tpu.memory_space<hbm>> -> memref<1x128x128xf32, #tpu.memory_space<hbm>>
    %dma_start3A_291 = tpu.memref_squeeze %dma_start3A_290 : memref<1x128x128xf32, #tpu.memory_space<hbm>> -> memref<128x128xf32, #tpu.memory_space<hbm>>
    %dma_start3A_292 = arith.constant 0 : i32
    %dma_start3A_293 = tpu.memref_slice %arg5[%arg0, %add3A_263, %dma_start3A_292] : memref<2x10240x128xf32, #tpu.memory_space<hbm>> -> memref<1x128x128xf32, #tpu.memory_space<hbm>>
    %dma_start3A_294 = tpu.memref_squeeze %dma_start3A_293 : memref<1x128x128xf32, #tpu.memory_space<hbm>> -> memref<128x128xf32, #tpu.memory_space<hbm>>
    %dma_start3A_295 = arith.constant 0 : i32
    %dma_start3A_296 = arith.constant 0 : i32
    %dma_start3A_297 = tpu.memref_slice %arg8[%dma_start3A_284, %dma_start3A_295, %dma_start3A_296] : memref<2x128x128xf32, #tpu.memory_space<vmem>> -> memref<1x128x128xf32, #tpu.memory_space<vmem>>
    %dma_start3A_298 = tpu.memref_squeeze %dma_start3A_297 : memref<1x128x128xf32, #tpu.memory_space<vmem>> -> memref<128x128xf32, #tpu.memory_space<vmem>>
    tpu.enqueue_dma source(%dma_start3A_298 : memref<128x128xf32, #tpu.memory_space<vmem>>) target(%dma_start3A_294 : memref<128x128xf32, #tpu.memory_space<hbm>>) target_semaphore(%arg11 : memref<!tpu.dma_semaphore, #tpu.memory_space<semaphore_mem>>)
    %mul3A_299 = arith.constant 640 : i32
    %mul3A_300 = arith.muli %arg1, %mul3A_299 : i32
    %add3A_301 = arith.constant 512 : i32
    %add3A_302 = arith.addi %mul3A_300, %add3A_301 : i32
    %mul3A_303 = arith.constant 640 : i32
    %mul3A_304 = arith.muli %arg1, %mul3A_303 : i32
    %add3A_305 = arith.constant 256 : i32
    %add3A_306 = arith.addi %mul3A_304, %add3A_305 : i32
    %dma_wait3A_307 = arith.constant 0 : i32
    %dma_wait3A_308 = arith.constant 0 : i32
    %dma_wait3A_309 = arith.constant 0 : i32
    %dma_wait3A_310 = tpu.memref_slice %arg8[%dma_wait3A_307, %dma_wait3A_308, %dma_wait3A_309] : memref<2x128x128xf32, #tpu.memory_space<vmem>> -> memref<1x128x128xf32, #tpu.memory_space<vmem>>
    %dma_wait3A_311 = tpu.memref_squeeze %dma_wait3A_310 : memref<1x128x128xf32, #tpu.memory_space<vmem>> -> memref<128x128xf32, #tpu.memory_space<vmem>>
    %dma_wait3A_312 = arith.constant 0 : i32
    %dma_wait3A_313 = tpu.memref_slice %arg5[%arg0, %add3A_306, %dma_wait3A_312] : memref<2x10240x128xf32, #tpu.memory_space<hbm>> -> memref<1x128x128xf32, #tpu.memory_space<hbm>>
    %dma_wait3A_314 = tpu.memref_squeeze %dma_wait3A_313 : memref<1x128x128xf32, #tpu.memory_space<hbm>> -> memref<128x128xf32, #tpu.memory_space<hbm>>
    %dma_wait3A_315 = arith.constant 0 : i32
    %dma_wait3A_316 = tpu.memref_slice %arg5[%arg0, %add3A_306, %dma_wait3A_315] : memref<2x10240x128xf32, #tpu.memory_space<hbm>> -> memref<1x128x128xf32, #tpu.memory_space<hbm>>
    %dma_wait3A_317 = tpu.memref_squeeze %dma_wait3A_316 : memref<1x128x128xf32, #tpu.memory_space<hbm>> -> memref<128x128xf32, #tpu.memory_space<hbm>>
    %dma_wait3A_318 = arith.constant 0 : i32
    %dma_wait3A_319 = arith.constant 0 : i32
    %dma_wait3A_320 = tpu.memref_slice %arg8[%dma_wait3A_307, %dma_wait3A_318, %dma_wait3A_319] : memref<2x128x128xf32, #tpu.memory_space<vmem>> -> memref<1x128x128xf32, #tpu.memory_space<vmem>>
    %dma_wait3A_321 = tpu.memref_squeeze %dma_wait3A_320 : memref<1x128x128xf32, #tpu.memory_space<vmem>> -> memref<128x128xf32, #tpu.memory_space<vmem>>
    tpu.wait_dma2 semaphore(%arg10 : memref<!tpu.dma_semaphore, #tpu.memory_space<semaphore_mem>>) src(%dma_wait3A_321 : memref<128x128xf32, #tpu.memory_space<vmem>>) dst(%dma_wait3A_317 : memref<128x128xf32, #tpu.memory_space<hbm>>)
    %run_scoped3A_322 = arith.constant 0 : i32
    "tpu.region"() ({
      %run_scoped3A_376 = tpu.sem_alloc : memref<!tpu.dma_semaphore, #tpu.memory_space<semaphore_mem>>
      %dma_start3A_377 = arith.constant 0 : i32
      %dma_start3A_378 = arith.constant 0 : i32
      %dma_start3A_379 = tpu.memref_slice %arg8[%run_scoped3A_322, %dma_start3A_377, %dma_start3A_378] : memref<2x128x128xf32, #tpu.memory_space<vmem>> -> memref<1x128x128xf32, #tpu.memory_space<vmem>>
      %dma_start3A_380 = tpu.memref_squeeze %dma_start3A_379 : memref<1x128x128xf32, #tpu.memory_space<vmem>> -> memref<128x128xf32, #tpu.memory_space<vmem>>
      %dma_start3A_381 = arith.constant 0 : i32
      %dma_start3A_382 = tpu.memref_slice %arg9[%add3A_302, %dma_start3A_381] : memref<10240x128xf32, #tpu.memory_space<vmem_shared>> -> memref<128x128xf32, #tpu.memory_space<vmem_shared>>
      %dma_start3A_383 = arith.constant 0 : i32
      %dma_start3A_384 = arith.constant 0 : i32
      %dma_start3A_385 = tpu.memref_slice %arg8[%run_scoped3A_322, %dma_start3A_383, %dma_start3A_384] : memref<2x128x128xf32, #tpu.memory_space<vmem>> -> memref<1x128x128xf32, #tpu.memory_space<vmem>>
      %dma_start3A_386 = tpu.memref_squeeze %dma_start3A_385 : memref<1x128x128xf32, #tpu.memory_space<vmem>> -> memref<128x128xf32, #tpu.memory_space<vmem>>
      %dma_start3A_387 = arith.constant 0 : i32
      %dma_start3A_388 = tpu.memref_slice %arg9[%add3A_302, %dma_start3A_387] : memref<10240x128xf32, #tpu.memory_space<vmem_shared>> -> memref<128x128xf32, #tpu.memory_space<vmem_shared>>
      tpu.enqueue_dma source(%dma_start3A_388 : memref<128x128xf32, #tpu.memory_space<vmem_shared>>) target(%dma_start3A_386 : memref<128x128xf32, #tpu.memory_space<vmem>>) target_semaphore(%run_scoped3A_376 : memref<!tpu.dma_semaphore, #tpu.memory_space<semaphore_mem>>)
      %dma_wait3A_389 = arith.constant 0 : i32
      %dma_wait3A_390 = arith.constant 0 : i32
      %dma_wait3A_391 = tpu.memref_slice %arg8[%run_scoped3A_322, %dma_wait3A_389, %dma_wait3A_390] : memref<2x128x128xf32, #tpu.memory_space<vmem>> -> memref<1x128x128xf32, #tpu.memory_space<vmem>>
      %dma_wait3A_392 = tpu.memref_squeeze %dma_wait3A_391 : memref<1x128x128xf32, #tpu.memory_space<vmem>> -> memref<128x128xf32, #tpu.memory_space<vmem>>
      %dma_wait3A_393 = arith.constant 0 : i32
      %dma_wait3A_394 = tpu.memref_slice %arg9[%add3A_302, %dma_wait3A_393] : memref<10240x128xf32, #tpu.memory_space<vmem_shared>> -> memref<128x128xf32, #tpu.memory_space<vmem_shared>>
      %dma_wait3A_395 = arith.constant 0 : i32
      %dma_wait3A_396 = arith.constant 0 : i32
      %dma_wait3A_397 = tpu.memref_slice %arg8[%run_scoped3A_322, %dma_wait3A_395, %dma_wait3A_396] : memref<2x128x128xf32, #tpu.memory_space<vmem>> -> memref<1x128x128xf32, #tpu.memory_space<vmem>>
      %dma_wait3A_398 = tpu.memref_squeeze %dma_wait3A_397 : memref<1x128x128xf32, #tpu.memory_space<vmem>> -> memref<128x128xf32, #tpu.memory_space<vmem>>
      %dma_wait3A_399 = arith.constant 0 : i32
      %dma_wait3A_400 = tpu.memref_slice %arg9[%add3A_302, %dma_wait3A_399] : memref<10240x128xf32, #tpu.memory_space<vmem_shared>> -> memref<128x128xf32, #tpu.memory_space<vmem_shared>>
      tpu.wait_dma2 semaphore(%run_scoped3A_376 : memref<!tpu.dma_semaphore, #tpu.memory_space<semaphore_mem>>) src(%dma_wait3A_400 : memref<128x128xf32, #tpu.memory_space<vmem_shared>>) dst(%dma_wait3A_398 : memref<128x128xf32, #tpu.memory_space<vmem>>)
      tpu.yield
    }) : () -> ()
    %dma_start3A_323 = arith.constant 0 : i32
    %dma_start3A_324 = arith.constant 0 : i32
    %dma_start3A_325 = arith.constant 0 : i32
    %dma_start3A_326 = tpu.memref_slice %arg8[%dma_start3A_323, %dma_start3A_324, %dma_start3A_325] : memref<2x128x128xf32, #tpu.memory_space<vmem>> -> memref<1x128x128xf32, #tpu.memory_space<vmem>>
    %dma_start3A_327 = tpu.memref_squeeze %dma_start3A_326 : memref<1x128x128xf32, #tpu.memory_space<vmem>> -> memref<128x128xf32, #tpu.memory_space<vmem>>
    %dma_start3A_328 = arith.constant 0 : i32
    %dma_start3A_329 = tpu.memref_slice %arg5[%arg0, %add3A_302, %dma_start3A_328] : memref<2x10240x128xf32, #tpu.memory_space<hbm>> -> memref<1x128x128xf32, #tpu.memory_space<hbm>>
    %dma_start3A_330 = tpu.memref_squeeze %dma_start3A_329 : memref<1x128x128xf32, #tpu.memory_space<hbm>> -> memref<128x128xf32, #tpu.memory_space<hbm>>
    %dma_start3A_331 = arith.constant 0 : i32
    %dma_start3A_332 = tpu.memref_slice %arg5[%arg0, %add3A_302, %dma_start3A_331] : memref<2x10240x128xf32, #tpu.memory_space<hbm>> -> memref<1x128x128xf32, #tpu.memory_space<hbm>>
    %dma_start3A_333 = tpu.memref_squeeze %dma_start3A_332 : memref<1x128x128xf32, #tpu.memory_space<hbm>> -> memref<128x128xf32, #tpu.memory_space<hbm>>
    %dma_start3A_334 = arith.constant 0 : i32
    %dma_start3A_335 = arith.constant 0 : i32
    %dma_start3A_336 = tpu.memref_slice %arg8[%dma_start3A_323, %dma_start3A_334, %dma_start3A_335] : memref<2x128x128xf32, #tpu.memory_space<vmem>> -> memref<1x128x128xf32, #tpu.memory_space<vmem>>
    %dma_start3A_337 = tpu.memref_squeeze %dma_start3A_336 : memref<1x128x128xf32, #tpu.memory_space<vmem>> -> memref<128x128xf32, #tpu.memory_space<vmem>>
    tpu.enqueue_dma source(%dma_start3A_337 : memref<128x128xf32, #tpu.memory_space<vmem>>) target(%dma_start3A_333 : memref<128x128xf32, #tpu.memory_space<hbm>>) target_semaphore(%arg10 : memref<!tpu.dma_semaphore, #tpu.memory_space<semaphore_mem>>)
    %mul3A_338 = arith.constant 640 : i32
    %mul3A_339 = arith.muli %arg1, %mul3A_338 : i32
    %add3A_340 = arith.constant 384 : i32
    %add3A_341 = arith.addi %mul3A_339, %add3A_340 : i32
    %dma_wait3A_342 = arith.constant 1 : i32
    %dma_wait3A_343 = arith.constant 0 : i32
    %dma_wait3A_344 = arith.constant 0 : i32
    %dma_wait3A_345 = tpu.memref_slice %arg8[%dma_wait3A_342, %dma_wait3A_343, %dma_wait3A_344] : memref<2x128x128xf32, #tpu.memory_space<vmem>> -> memref<1x128x128xf32, #tpu.memory_space<vmem>>
    %dma_wait3A_346 = tpu.memref_squeeze %dma_wait3A_345 : memref<1x128x128xf32, #tpu.memory_space<vmem>> -> memref<128x128xf32, #tpu.memory_space<vmem>>
    %dma_wait3A_347 = arith.constant 0 : i32
    %dma_wait3A_348 = tpu.memref_slice %arg5[%arg0, %add3A_341, %dma_wait3A_347] : memref<2x10240x128xf32, #tpu.memory_space<hbm>> -> memref<1x128x128xf32, #tpu.memory_space<hbm>>
    %dma_wait3A_349 = tpu.memref_squeeze %dma_wait3A_348 : memref<1x128x128xf32, #tpu.memory_space<hbm>> -> memref<128x128xf32, #tpu.memory_space<hbm>>
    %dma_wait3A_350 = arith.constant 0 : i32
    %dma_wait3A_351 = tpu.memref_slice %arg5[%arg0, %add3A_341, %dma_wait3A_350] : memref<2x10240x128xf32, #tpu.memory_space<hbm>> -> memref<1x128x128xf32, #tpu.memory_space<hbm>>
    %dma_wait3A_352 = tpu.memref_squeeze %dma_wait3A_351 : memref<1x128x128xf32, #tpu.memory_space<hbm>> -> memref<128x128xf32, #tpu.memory_space<hbm>>
    %dma_wait3A_353 = arith.constant 0 : i32
    %dma_wait3A_354 = arith.constant 0 : i32
    %dma_wait3A_355 = tpu.memref_slice %arg8[%dma_wait3A_342, %dma_wait3A_353, %dma_wait3A_354] : memref<2x128x128xf32, #tpu.memory_space<vmem>> -> memref<1x128x128xf32, #tpu.memory_space<vmem>>
    %dma_wait3A_356 = tpu.memref_squeeze %dma_wait3A_355 : memref<1x128x128xf32, #tpu.memory_space<vmem>> -> memref<128x128xf32, #tpu.memory_space<vmem>>
    tpu.wait_dma2 semaphore(%arg11 : memref<!tpu.dma_semaphore, #tpu.memory_space<semaphore_mem>>) src(%dma_wait3A_356 : memref<128x128xf32, #tpu.memory_space<vmem>>) dst(%dma_wait3A_352 : memref<128x128xf32, #tpu.memory_space<hbm>>)
    %mul3A_357 = arith.constant 640 : i32
    %mul3A_358 = arith.muli %arg1, %mul3A_357 : i32
    %add3A_359 = arith.constant 512 : i32
    %add3A_360 = arith.addi %mul3A_358, %add3A_359 : i32
    %dma_wait3A_361 = arith.constant 0 : i32
    %dma_wait3A_362 = arith.constant 0 : i32
    %dma_wait3A_363 = arith.constant 0 : i32
    %dma_wait3A_364 = tpu.memref_slice %arg8[%dma_wait3A_361, %dma_wait3A_362, %dma_wait3A_363] : memref<2x128x128xf32, #tpu.memory_space<vmem>> -> memref<1x128x128xf32, #tpu.memory_space<vmem>>
    %dma_wait3A_365 = tpu.memref_squeeze %dma_wait3A_364 : memref<1x128x128xf32, #tpu.memory_space<vmem>> -> memref<128x128xf32, #tpu.memory_space<vmem>>
    %dma_wait3A_366 = arith.constant 0 : i32
    %dma_wait3A_367 = tpu.memref_slice %arg5[%arg0, %add3A_360, %dma_wait3A_366] : memref<2x10240x128xf32, #tpu.memory_space<hbm>> -> memref<1x128x128xf32, #tpu.memory_space<hbm>>
    %dma_wait3A_368 = tpu.memref_squeeze %dma_wait3A_367 : memref<1x128x128xf32, #tpu.memory_space<hbm>> -> memref<128x128xf32, #tpu.memory_space<hbm>>
    %dma_wait3A_369 = arith.constant 0 : i32
    %dma_wait3A_370 = tpu.memref_slice %arg5[%arg0, %add3A_360, %dma_wait3A_369] : memref<2x10240x128xf32, #tpu.memory_space<hbm>> -> memref<1x128x128xf32, #tpu.memory_space<hbm>>
    %dma_wait3A_371 = tpu.memref_squeeze %dma_wait3A_370 : memref<1x128x128xf32, #tpu.memory_space<hbm>> -> memref<128x128xf32, #tpu.memory_space<hbm>>
    %dma_wait3A_372 = arith.constant 0 : i32
    %dma_wait3A_373 = arith.constant 0 : i32
    %dma_wait3A_374 = tpu.memref_slice %arg8[%dma_wait3A_361, %dma_wait3A_372, %dma_wait3A_373] : memref<2x128x128xf32, #tpu.memory_space<vmem>> -> memref<1x128x128xf32, #tpu.memory_space<vmem>>
    %dma_wait3A_375 = tpu.memref_squeeze %dma_wait3A_374 : memref<1x128x128xf32, #tpu.memory_space<vmem>> -> memref<128x128xf32, #tpu.memory_space<vmem>>
    tpu.wait_dma2 semaphore(%arg10 : memref<!tpu.dma_semaphore, #tpu.memory_space<semaphore_mem>>) src(%dma_wait3A_375 : memref<128x128xf32, #tpu.memory_space<vmem>>) dst(%dma_wait3A_371 : memref<128x128xf32, #tpu.memory_space<hbm>>)
    return
  }
}

module attributes {stable_mosaic.version = 14 : i64} {
  func.func @_pre_body(%arg0: memref<10000x2xf32, #tpu.memory_space<vmem>>, %arg1: memref<10000x128xf32, #tpu.memory_space<vmem>>, %arg2: memref<128x128xf32, #tpu.memory_space<vmem>>, %arg3: memref<10000x128xf32, #tpu.memory_space<vmem>>, %arg4: memref<10000x1xf32, #tpu.memory_space<vmem>>) attributes {dimension_semantics = [], scalar_prefetch = 0 : i64, scratch_operands = 0 : i64, tpu.core_type = #tpu.core_type<tc>} {
    %get3A = arith.constant 0 : index
    %get3A_0 = arith.constant 0 : index
    %get3A_1 = vector.load %arg0[%get3A, %get3A_0] : memref<10000x2xf32, #tpu.memory_space<vmem>>, vector<10000x2xf32>
    %slice3A = vector.extract_strided_slice %get3A_1 {offsets = [0, 0], sizes = [10000, 1], strides = [1, 1]} : vector<10000x2xf32> to vector<10000x1xf32>
    %slice3A_2 = vector.extract_strided_slice %get3A_1 {offsets = [0, 1], sizes = [10000, 1], strides = [1, 1]} : vector<10000x2xf32> to vector<10000x1xf32>
    %add3A = arith.addf %slice3A, %slice3A_2 : vector<10000x1xf32>
    %add3A_3 = arith.constant 1.000000e+00 : f32
    %add3A_4 = vector.broadcast %add3A_3 : f32 to vector<10000x1xf32>
    %add3A_5 = arith.addf %add3A, %add3A_4 : vector<10000x1xf32>
    %rsqrt3A = math.rsqrt %add3A_5 : vector<10000x1xf32>
    %swap3A = arith.constant 0 : index
    %swap3A_6 = arith.constant 0 : index
    %swap3A_7 = vector.load %arg4[%swap3A, %swap3A_6] : memref<10000x1xf32, #tpu.memory_space<vmem>>, vector<10000x1xf32>
    tpu.vector_store %arg4[%swap3A, %swap3A_6], %rsqrt3A {strides = array<i32>} : memref<10000x1xf32, #tpu.memory_space<vmem>>, vector<10000x1xf32>,
    %get3A_8 = arith.constant 0 : index
    %get3A_9 = arith.constant 0 : index
    %get3A_10 = vector.load %arg1[%get3A_8, %get3A_9] : memref<10000x128xf32, #tpu.memory_space<vmem>>, vector<10000x128xf32>
    %get3A_11 = arith.constant 0 : index
    %get3A_12 = arith.constant 0 : index
    %get3A_13 = vector.load %arg2[%get3A_11, %get3A_12] : memref<128x128xf32, #tpu.memory_space<vmem>>, vector<128x128xf32>
    %dot_general3A = arith.constant dense<0.000000e+00> : vector<10000x128xf32>
    %dot_general3A_14 = tpu.matmul %get3A_10, %get3A_13, %dot_general3A {dimension_numbers = #tpu.dot_dimension_numbers<[1], [0], [0], [1], [0, 0, 1, 1], [], []>, transpose_lhs_hint = false} : vector<10000x128xf32>, vector<128x128xf32>, vector<10000x128xf32> -> vector<10000x128xf32>
    %mul3A = vector.broadcast %rsqrt3A : vector<10000x1xf32> to vector<10000x128xf32>
    %mul3A_15 = arith.mulf %mul3A, %dot_general3A_14 : vector<10000x128xf32>
    %swap3A_16 = arith.constant 0 : index
    %swap3A_17 = arith.constant 0 : index
    %swap3A_18 = vector.load %arg3[%swap3A_16, %swap3A_17] : memref<10000x128xf32, #tpu.memory_space<vmem>>, vector<10000x128xf32>
    tpu.vector_store %arg3[%swap3A_16, %swap3A_17], %mul3A_15 {strides = array<i32>} : memref<10000x128xf32, #tpu.memory_space<vmem>>, vector<10000x128xf32>,
    return
  }
}

module attributes {stable_mosaic.version = 14 : i64} {
  func.func @_mid_body(%arg0: memref<2x10240x128xf32, #tpu.memory_space<vmem>>, %arg1: memref<10000x128xf32, #tpu.memory_space<vmem>>, %arg2: memref<10000x1xf32, #tpu.memory_space<vmem>>, %arg3: memref<1x128xf32, #tpu.memory_space<vmem>>, %arg4: memref<1x128xf32, #tpu.memory_space<vmem>>, %arg5: memref<1x128xf32, #tpu.memory_space<vmem>>, %arg6: memref<128x128xf32, #tpu.memory_space<vmem>>, %arg7: memref<10000x128xf32, #tpu.memory_space<vmem>>, %arg8: memref<10000x128xf32, #tpu.memory_space<vmem>>) attributes {dimension_semantics = [], scalar_prefetch = 0 : i64, scratch_operands = 0 : i64, tpu.core_type = #tpu.core_type<tc>} {
    %get3A = arith.constant 0 : index
    %get3A_0 = arith.constant 0 : index
    %get3A_1 = vector.load %arg1[%get3A, %get3A_0] : memref<10000x128xf32, #tpu.memory_space<vmem>>, vector<10000x128xf32>
    %get3A_2 = arith.constant 0 : index
    %get3A_3 = arith.constant 0 : index
    %get3A_4 = arith.constant 0 : index
    %get3A_5 = vector.load %arg0[%get3A_2, %get3A_3, %get3A_4] : memref<2x10240x128xf32, #tpu.memory_space<vmem>>, vector<1x10000x128xf32>
    %get3A_6 = vector.shape_cast %get3A_5 : vector<1x10000x128xf32> to vector<10000x128xf32>
    %get3A_7 = arith.constant 1 : index
    %get3A_8 = arith.constant 0 : index
    %get3A_9 = arith.constant 0 : index
    %get3A_10 = vector.load %arg0[%get3A_7, %get3A_8, %get3A_9] : memref<2x10240x128xf32, #tpu.memory_space<vmem>>, vector<1x10000x128xf32>
    %get3A_11 = vector.shape_cast %get3A_10 : vector<1x10000x128xf32> to vector<10000x128xf32>
    %add3A = arith.addf %get3A_6, %get3A_11 : vector<10000x128xf32>
    %get3A_12 = arith.constant 0 : index
    %get3A_13 = arith.constant 0 : index
    %get3A_14 = vector.load %arg2[%get3A_12, %get3A_13] : memref<10000x1xf32, #tpu.memory_space<vmem>>, vector<10000x1xf32>
    %add3A_15 = arith.addf %add3A, %get3A_1 : vector<10000x128xf32>
    %mul3A = vector.broadcast %get3A_14 : vector<10000x1xf32> to vector<10000x128xf32>
    %mul3A_16 = arith.mulf %mul3A, %add3A_15 : vector<10000x128xf32>
    %get3A_17 = arith.constant 0 : index
    %get3A_18 = arith.constant 0 : index
    %get3A_19 = vector.load %arg3[%get3A_17, %get3A_18] : memref<1x128xf32, #tpu.memory_space<vmem>>, vector<1x128xf32>
    %add3A_20 = vector.broadcast %get3A_19 : vector<1x128xf32> to vector<10000x128xf32>
    %add3A_21 = arith.addf %mul3A_16, %add3A_20 : vector<10000x128xf32>
    %reduce_sum3A = arith.constant dense<0.000000e+00> : vector<128xf32>
    %reduce_sum3A_22 = vector.multi_reduction <add>, %add3A_21, %reduce_sum3A [0] : vector<10000x128xf32> to vector<128xf32>
    %broadcast_in_dim3A = vector.shape_cast %reduce_sum3A_22 : vector<128xf32> to vector<1x128xf32>
    %div3A = arith.constant 1.000000e+04 : f32
    %div3A_23 = vector.broadcast %div3A : f32 to vector<1x128xf32>
    %div3A_24 = arith.divf %broadcast_in_dim3A, %div3A_23 : vector<1x128xf32>
    %sub3A = vector.broadcast %div3A_24 : vector<1x128xf32> to vector<10000x128xf32>
    %sub3A_25 = arith.subf %add3A_21, %sub3A : vector<10000x128xf32>
    %mul3A_26 = arith.mulf %sub3A_25, %sub3A_25 : vector<10000x128xf32>
    %reduce_sum3A_27 = arith.constant dense<0.000000e+00> : vector<128xf32>
    %reduce_sum3A_28 = vector.multi_reduction <add>, %mul3A_26, %reduce_sum3A_27 [0] : vector<10000x128xf32> to vector<128xf32>
    %broadcast_in_dim3A_29 = vector.shape_cast %reduce_sum3A_28 : vector<128xf32> to vector<1x128xf32>
    %div3A_30 = arith.constant 1.000000e+04 : f32
    %div3A_31 = vector.broadcast %div3A_30 : f32 to vector<1x128xf32>
    %div3A_32 = arith.divf %broadcast_in_dim3A_29, %div3A_31 : vector<1x128xf32>
    %get3A_33 = arith.constant 0 : index
    %get3A_34 = arith.constant 0 : index
    %get3A_35 = vector.load %arg4[%get3A_33, %get3A_34] : memref<1x128xf32, #tpu.memory_space<vmem>>, vector<1x128xf32>
    %mul3A_36 = vector.broadcast %get3A_35 : vector<1x128xf32> to vector<10000x128xf32>
    %mul3A_37 = arith.mulf %mul3A_36, %sub3A_25 : vector<10000x128xf32>
    %add3A_38 = arith.constant 9.99999974E-6 : f32
    %add3A_39 = vector.broadcast %add3A_38 : f32 to vector<1x128xf32>
    %add3A_40 = arith.addf %div3A_32, %add3A_39 : vector<1x128xf32>
    %rsqrt3A = math.rsqrt %add3A_40 : vector<1x128xf32>
    %mul3A_41 = vector.broadcast %rsqrt3A : vector<1x128xf32> to vector<10000x128xf32>
    %mul3A_42 = arith.mulf %mul3A_37, %mul3A_41 : vector<10000x128xf32>
    %get3A_43 = arith.constant 0 : index
    %get3A_44 = arith.constant 0 : index
    %get3A_45 = vector.load %arg5[%get3A_43, %get3A_44] : memref<1x128xf32, #tpu.memory_space<vmem>>, vector<1x128xf32>
    %add3A_46 = vector.broadcast %get3A_45 : vector<1x128xf32> to vector<10000x128xf32>
    %add3A_47 = arith.addf %mul3A_42, %add3A_46 : vector<10000x128xf32>
    %max3A = arith.constant 0.000000e+00 : f32
    %max3A_48 = vector.broadcast %max3A : f32 to vector<10000x128xf32>
    %max3A_49 = arith.maximumf %add3A_47, %max3A_48 : vector<10000x128xf32>
    %swap3A = arith.constant 0 : index
    %swap3A_50 = arith.constant 0 : index
    %swap3A_51 = vector.load %arg7[%swap3A, %swap3A_50] : memref<10000x128xf32, #tpu.memory_space<vmem>>, vector<10000x128xf32>
    tpu.vector_store %arg7[%swap3A, %swap3A_50], %max3A_49 {strides = array<i32>} : memref<10000x128xf32, #tpu.memory_space<vmem>>, vector<10000x128xf32>,
    %get3A_52 = arith.constant 0 : index
    %get3A_53 = arith.constant 0 : index
    %get3A_54 = vector.load %arg6[%get3A_52, %get3A_53] : memref<128x128xf32, #tpu.memory_space<vmem>>, vector<128x128xf32>
    %dot_general3A = arith.constant dense<0.000000e+00> : vector<10000x128xf32>
    %dot_general3A_55 = tpu.matmul %max3A_49, %get3A_54, %dot_general3A {dimension_numbers = #tpu.dot_dimension_numbers<[1], [0], [0], [1], [0, 0, 1, 1], [], []>, transpose_lhs_hint = false} : vector<10000x128xf32>, vector<128x128xf32>, vector<10000x128xf32> -> vector<10000x128xf32>
    %mul3A_56 = vector.broadcast %get3A_14 : vector<10000x1xf32> to vector<10000x128xf32>
    %mul3A_57 = arith.mulf %mul3A_56, %dot_general3A_55 : vector<10000x128xf32>
    %swap3A_58 = arith.constant 0 : index
    %swap3A_59 = arith.constant 0 : index
    %swap3A_60 = vector.load %arg8[%swap3A_58, %swap3A_59] : memref<10000x128xf32, #tpu.memory_space<vmem>>, vector<10000x128xf32>
    tpu.vector_store %arg8[%swap3A_58, %swap3A_59], %mul3A_57 {strides = array<i32>} : memref<10000x128xf32, #tpu.memory_space<vmem>>, vector<10000x128xf32>,
    return
  }
}

module attributes {stable_mosaic.version = 14 : i64} {
  func.func @_mid_body(%arg0: memref<2x10240x128xf32, #tpu.memory_space<vmem>>, %arg1: memref<10000x128xf32, #tpu.memory_space<vmem>>, %arg2: memref<10000x1xf32, #tpu.memory_space<vmem>>, %arg3: memref<10000x128xf32, #tpu.memory_space<vmem>>, %arg4: memref<1x128xf32, #tpu.memory_space<vmem>>, %arg5: memref<1x128xf32, #tpu.memory_space<vmem>>, %arg6: memref<1x128xf32, #tpu.memory_space<vmem>>, %arg7: memref<128x128xf32, #tpu.memory_space<vmem>>, %arg8: memref<10000x128xf32, #tpu.memory_space<vmem>>, %arg9: memref<10000x128xf32, #tpu.memory_space<vmem>>) attributes {dimension_semantics = [], scalar_prefetch = 0 : i64, scratch_operands = 0 : i64, tpu.core_type = #tpu.core_type<tc>} {
    %get3A = arith.constant 0 : index
    %get3A_0 = arith.constant 0 : index
    %get3A_1 = vector.load %arg1[%get3A, %get3A_0] : memref<10000x128xf32, #tpu.memory_space<vmem>>, vector<10000x128xf32>
    %get3A_2 = arith.constant 0 : index
    %get3A_3 = arith.constant 0 : index
    %get3A_4 = arith.constant 0 : index
    %get3A_5 = vector.load %arg0[%get3A_2, %get3A_3, %get3A_4] : memref<2x10240x128xf32, #tpu.memory_space<vmem>>, vector<1x10000x128xf32>
    %get3A_6 = vector.shape_cast %get3A_5 : vector<1x10000x128xf32> to vector<10000x128xf32>
    %get3A_7 = arith.constant 1 : index
    %get3A_8 = arith.constant 0 : index
    %get3A_9 = arith.constant 0 : index
    %get3A_10 = vector.load %arg0[%get3A_7, %get3A_8, %get3A_9] : memref<2x10240x128xf32, #tpu.memory_space<vmem>>, vector<1x10000x128xf32>
    %get3A_11 = vector.shape_cast %get3A_10 : vector<1x10000x128xf32> to vector<10000x128xf32>
    %add3A = arith.addf %get3A_6, %get3A_11 : vector<10000x128xf32>
    %get3A_12 = arith.constant 0 : index
    %get3A_13 = arith.constant 0 : index
    %get3A_14 = vector.load %arg2[%get3A_12, %get3A_13] : memref<10000x1xf32, #tpu.memory_space<vmem>>, vector<10000x1xf32>
    %add3A_15 = arith.addf %add3A, %get3A_1 : vector<10000x128xf32>
    %mul3A = vector.broadcast %get3A_14 : vector<10000x1xf32> to vector<10000x128xf32>
    %mul3A_16 = arith.mulf %mul3A, %add3A_15 : vector<10000x128xf32>
    %get3A_17 = arith.constant 0 : index
    %get3A_18 = arith.constant 0 : index
    %get3A_19 = vector.load %arg4[%get3A_17, %get3A_18] : memref<1x128xf32, #tpu.memory_space<vmem>>, vector<1x128xf32>
    %add3A_20 = vector.broadcast %get3A_19 : vector<1x128xf32> to vector<10000x128xf32>
    %add3A_21 = arith.addf %mul3A_16, %add3A_20 : vector<10000x128xf32>
    %reduce_sum3A = arith.constant dense<0.000000e+00> : vector<128xf32>
    %reduce_sum3A_22 = vector.multi_reduction <add>, %add3A_21, %reduce_sum3A [0] : vector<10000x128xf32> to vector<128xf32>
    %broadcast_in_dim3A = vector.shape_cast %reduce_sum3A_22 : vector<128xf32> to vector<1x128xf32>
    %div3A = arith.constant 1.000000e+04 : f32
    %div3A_23 = vector.broadcast %div3A : f32 to vector<1x128xf32>
    %div3A_24 = arith.divf %broadcast_in_dim3A, %div3A_23 : vector<1x128xf32>
    %sub3A = vector.broadcast %div3A_24 : vector<1x128xf32> to vector<10000x128xf32>
    %sub3A_25 = arith.subf %add3A_21, %sub3A : vector<10000x128xf32>
    %mul3A_26 = arith.mulf %sub3A_25, %sub3A_25 : vector<10000x128xf32>
    %reduce_sum3A_27 = arith.constant dense<0.000000e+00> : vector<128xf32>
    %reduce_sum3A_28 = vector.multi_reduction <add>, %mul3A_26, %reduce_sum3A_27 [0] : vector<10000x128xf32> to vector<128xf32>
    %broadcast_in_dim3A_29 = vector.shape_cast %reduce_sum3A_28 : vector<128xf32> to vector<1x128xf32>
    %div3A_30 = arith.constant 1.000000e+04 : f32
    %div3A_31 = vector.broadcast %div3A_30 : f32 to vector<1x128xf32>
    %div3A_32 = arith.divf %broadcast_in_dim3A_29, %div3A_31 : vector<1x128xf32>
    %get3A_33 = arith.constant 0 : index
    %get3A_34 = arith.constant 0 : index
    %get3A_35 = vector.load %arg5[%get3A_33, %get3A_34] : memref<1x128xf32, #tpu.memory_space<vmem>>, vector<1x128xf32>
    %mul3A_36 = vector.broadcast %get3A_35 : vector<1x128xf32> to vector<10000x128xf32>
    %mul3A_37 = arith.mulf %mul3A_36, %sub3A_25 : vector<10000x128xf32>
    %add3A_38 = arith.constant 9.99999974E-6 : f32
    %add3A_39 = vector.broadcast %add3A_38 : f32 to vector<1x128xf32>
    %add3A_40 = arith.addf %div3A_32, %add3A_39 : vector<1x128xf32>
    %rsqrt3A = math.rsqrt %add3A_40 : vector<1x128xf32>
    %mul3A_41 = vector.broadcast %rsqrt3A : vector<1x128xf32> to vector<10000x128xf32>
    %mul3A_42 = arith.mulf %mul3A_37, %mul3A_41 : vector<10000x128xf32>
    %get3A_43 = arith.constant 0 : index
    %get3A_44 = arith.constant 0 : index
    %get3A_45 = vector.load %arg6[%get3A_43, %get3A_44] : memref<1x128xf32, #tpu.memory_space<vmem>>, vector<1x128xf32>
    %add3A_46 = vector.broadcast %get3A_45 : vector<1x128xf32> to vector<10000x128xf32>
    %add3A_47 = arith.addf %mul3A_42, %add3A_46 : vector<10000x128xf32>
    %max3A = arith.constant 0.000000e+00 : f32
    %max3A_48 = vector.broadcast %max3A : f32 to vector<10000x128xf32>
    %max3A_49 = arith.maximumf %add3A_47, %max3A_48 : vector<10000x128xf32>
    %get3A_50 = arith.constant 0 : index
    %get3A_51 = arith.constant 0 : index
    %get3A_52 = vector.load %arg3[%get3A_50, %get3A_51] : memref<10000x128xf32, #tpu.memory_space<vmem>>, vector<10000x128xf32>
    %add3A_53 = arith.addf %max3A_49, %get3A_52 : vector<10000x128xf32>
    %swap3A = arith.constant 0 : index
    %swap3A_54 = arith.constant 0 : index
    %swap3A_55 = vector.load %arg8[%swap3A, %swap3A_54] : memref<10000x128xf32, #tpu.memory_space<vmem>>, vector<10000x128xf32>
    tpu.vector_store %arg8[%swap3A, %swap3A_54], %add3A_53 {strides = array<i32>} : memref<10000x128xf32, #tpu.memory_space<vmem>>, vector<10000x128xf32>,
    %get3A_56 = arith.constant 0 : index
    %get3A_57 = arith.constant 0 : index
    %get3A_58 = vector.load %arg7[%get3A_56, %get3A_57] : memref<128x128xf32, #tpu.memory_space<vmem>>, vector<128x128xf32>
    %dot_general3A = arith.constant dense<0.000000e+00> : vector<10000x128xf32>
    %dot_general3A_59 = tpu.matmul %add3A_53, %get3A_58, %dot_general3A {dimension_numbers = #tpu.dot_dimension_numbers<[1], [0], [0], [1], [0, 0, 1, 1], [], []>, transpose_lhs_hint = false} : vector<10000x128xf32>, vector<128x128xf32>, vector<10000x128xf32> -> vector<10000x128xf32>
    %mul3A_60 = vector.broadcast %get3A_14 : vector<10000x1xf32> to vector<10000x128xf32>
    %mul3A_61 = arith.mulf %mul3A_60, %dot_general3A_59 : vector<10000x128xf32>
    %swap3A_62 = arith.constant 0 : index
    %swap3A_63 = arith.constant 0 : index
    %swap3A_64 = vector.load %arg9[%swap3A_62, %swap3A_63] : memref<10000x128xf32, #tpu.memory_space<vmem>>, vector<10000x128xf32>
    tpu.vector_store %arg9[%swap3A_62, %swap3A_63], %mul3A_61 {strides = array<i32>} : memref<10000x128xf32, #tpu.memory_space<vmem>>, vector<10000x128xf32>,
    return
  }
}

module attributes {stable_mosaic.version = 14 : i64} {
  func.func @_mid_body(%arg0: memref<2x10240x128xf32, #tpu.memory_space<vmem>>, %arg1: memref<10000x128xf32, #tpu.memory_space<vmem>>, %arg2: memref<10000x1xf32, #tpu.memory_space<vmem>>, %arg3: memref<10000x128xf32, #tpu.memory_space<vmem>>, %arg4: memref<1x128xf32, #tpu.memory_space<vmem>>, %arg5: memref<1x128xf32, #tpu.memory_space<vmem>>, %arg6: memref<1x128xf32, #tpu.memory_space<vmem>>, %arg7: memref<10000x128xf32, #tpu.memory_space<vmem>>) attributes {dimension_semantics = [], scalar_prefetch = 0 : i64, scratch_operands = 0 : i64, tpu.core_type = #tpu.core_type<tc>} {
    %get3A = arith.constant 0 : index
    %get3A_0 = arith.constant 0 : index
    %get3A_1 = vector.load %arg1[%get3A, %get3A_0] : memref<10000x128xf32, #tpu.memory_space<vmem>>, vector<10000x128xf32>
    %get3A_2 = arith.constant 0 : index
    %get3A_3 = arith.constant 0 : index
    %get3A_4 = arith.constant 0 : index
    %get3A_5 = vector.load %arg0[%get3A_2, %get3A_3, %get3A_4] : memref<2x10240x128xf32, #tpu.memory_space<vmem>>, vector<1x10000x128xf32>
    %get3A_6 = vector.shape_cast %get3A_5 : vector<1x10000x128xf32> to vector<10000x128xf32>
    %get3A_7 = arith.constant 1 : index
    %get3A_8 = arith.constant 0 : index
    %get3A_9 = arith.constant 0 : index
    %get3A_10 = vector.load %arg0[%get3A_7, %get3A_8, %get3A_9] : memref<2x10240x128xf32, #tpu.memory_space<vmem>>, vector<1x10000x128xf32>
    %get3A_11 = vector.shape_cast %get3A_10 : vector<1x10000x128xf32> to vector<10000x128xf32>
    %add3A = arith.addf %get3A_6, %get3A_11 : vector<10000x128xf32>
    %get3A_12 = arith.constant 0 : index
    %get3A_13 = arith.constant 0 : index
    %get3A_14 = vector.load %arg2[%get3A_12, %get3A_13] : memref<10000x1xf32, #tpu.memory_space<vmem>>, vector<10000x1xf32>
    %add3A_15 = arith.addf %add3A, %get3A_1 : vector<10000x128xf32>
    %mul3A = vector.broadcast %get3A_14 : vector<10000x1xf32> to vector<10000x128xf32>
    %mul3A_16 = arith.mulf %mul3A, %add3A_15 : vector<10000x128xf32>
    %get3A_17 = arith.constant 0 : index
    %get3A_18 = arith.constant 0 : index
    %get3A_19 = vector.load %arg4[%get3A_17, %get3A_18] : memref<1x128xf32, #tpu.memory_space<vmem>>, vector<1x128xf32>
    %add3A_20 = vector.broadcast %get3A_19 : vector<1x128xf32> to vector<10000x128xf32>
    %add3A_21 = arith.addf %mul3A_16, %add3A_20 : vector<10000x128xf32>
    %reduce_sum3A = arith.constant dense<0.000000e+00> : vector<128xf32>
    %reduce_sum3A_22 = vector.multi_reduction <add>, %add3A_21, %reduce_sum3A [0] : vector<10000x128xf32> to vector<128xf32>
    %broadcast_in_dim3A = vector.shape_cast %reduce_sum3A_22 : vector<128xf32> to vector<1x128xf32>
    %div3A = arith.constant 1.000000e+04 : f32
    %div3A_23 = vector.broadcast %div3A : f32 to vector<1x128xf32>
    %div3A_24 = arith.divf %broadcast_in_dim3A, %div3A_23 : vector<1x128xf32>
    %sub3A = vector.broadcast %div3A_24 : vector<1x128xf32> to vector<10000x128xf32>
    %sub3A_25 = arith.subf %add3A_21, %sub3A : vector<10000x128xf32>
    %mul3A_26 = arith.mulf %sub3A_25, %sub3A_25 : vector<10000x128xf32>
    %reduce_sum3A_27 = arith.constant dense<0.000000e+00> : vector<128xf32>
    %reduce_sum3A_28 = vector.multi_reduction <add>, %mul3A_26, %reduce_sum3A_27 [0] : vector<10000x128xf32> to vector<128xf32>
    %broadcast_in_dim3A_29 = vector.shape_cast %reduce_sum3A_28 : vector<128xf32> to vector<1x128xf32>
    %div3A_30 = arith.constant 1.000000e+04 : f32
    %div3A_31 = vector.broadcast %div3A_30 : f32 to vector<1x128xf32>
    %div3A_32 = arith.divf %broadcast_in_dim3A_29, %div3A_31 : vector<1x128xf32>
    %get3A_33 = arith.constant 0 : index
    %get3A_34 = arith.constant 0 : index
    %get3A_35 = vector.load %arg5[%get3A_33, %get3A_34] : memref<1x128xf32, #tpu.memory_space<vmem>>, vector<1x128xf32>
    %mul3A_36 = vector.broadcast %get3A_35 : vector<1x128xf32> to vector<10000x128xf32>
    %mul3A_37 = arith.mulf %mul3A_36, %sub3A_25 : vector<10000x128xf32>
    %add3A_38 = arith.constant 9.99999974E-6 : f32
    %add3A_39 = vector.broadcast %add3A_38 : f32 to vector<1x128xf32>
    %add3A_40 = arith.addf %div3A_32, %add3A_39 : vector<1x128xf32>
    %rsqrt3A = math.rsqrt %add3A_40 : vector<1x128xf32>
    %mul3A_41 = vector.broadcast %rsqrt3A : vector<1x128xf32> to vector<10000x128xf32>
    %mul3A_42 = arith.mulf %mul3A_37, %mul3A_41 : vector<10000x128xf32>
    %get3A_43 = arith.constant 0 : index
    %get3A_44 = arith.constant 0 : index
    %get3A_45 = vector.load %arg6[%get3A_43, %get3A_44] : memref<1x128xf32, #tpu.memory_space<vmem>>, vector<1x128xf32>
    %add3A_46 = vector.broadcast %get3A_45 : vector<1x128xf32> to vector<10000x128xf32>
    %add3A_47 = arith.addf %mul3A_42, %add3A_46 : vector<10000x128xf32>
    %max3A = arith.constant 0.000000e+00 : f32
    %max3A_48 = vector.broadcast %max3A : f32 to vector<10000x128xf32>
    %max3A_49 = arith.maximumf %add3A_47, %max3A_48 : vector<10000x128xf32>
    %get3A_50 = arith.constant 0 : index
    %get3A_51 = arith.constant 0 : index
    %get3A_52 = vector.load %arg3[%get3A_50, %get3A_51] : memref<10000x128xf32, #tpu.memory_space<vmem>>, vector<10000x128xf32>
    %add3A_53 = arith.addf %max3A_49, %get3A_52 : vector<10000x128xf32>
    %swap3A = arith.constant 0 : index
    %swap3A_54 = arith.constant 0 : index
    %swap3A_55 = vector.load %arg7[%swap3A, %swap3A_54] : memref<10000x128xf32, #tpu.memory_space<vmem>>, vector<10000x128xf32>
    tpu.vector_store %arg7[%swap3A, %swap3A_54], %add3A_53 {strides = array<i32>} : memref<10000x128xf32, #tpu.memory_space<vmem>>, vector<10000x128xf32>,
    return
  }
}

</mosaic_0001>

<sc_bundles>
// kernel: kernel.10.cloned.1.call-start
scs
__scs_entry_jumppad:
0x0: {  	(pc) =	sbr.rel $0x88, $3  }
0x1: {  	(tag) =	ssettag $0x0;
	lr =	simm.s32 $0x1  }
0x2: {  	[smem:$0x3F93] =	sst lr;
	_ =	strace $0xD0000000  }
0x3: {  	_ = 	snop  }
0x4: {  	_ = 	snop  }
0x5: {  	_ = 	snop  }
0x6: {  	_ = 	snop  }
0x7: {  	_ = 	snop  }
__scs_overlays_trampoline_lowered:
0x8: {  	[smem:$0x3FA2] =	sst s0  }
0x9: {  	[smem:$0x3FA3] =	sst s1  }
0xa: {  	[smem:$0x3FA4] =	sst s2  }
0xb: {  	[smem:$0x3FA5] =	sst s3  }
0xc: {  	[smem:$0x3FA6] =	sst s4  }
0xd: {  	[smem:$0x3FA7] =	sst s5  }
0xe: {  	[smem:$0x3FA8] =	sst s6  }
0xf: {  	[smem:$0x3FA9] =	sst s7  }
0x10: {  	[smem:$0x3FAA] =	sst s8  }
0x11: {  	[smem:$0x3FAB] =	sst s9;
	s0 =	simm.s32 @!p0 $0x0  }
0x12: {  	s1 =	sld [smem:$0x3F91];
	s0 =	simm.s32 @p0 $0x1  }
0x13: {  	[smem:$0x3FAC] =	sst s0;
	s0 =	simm.s32 @!p1 $0x0  }
0x14: {  	s2 =	sld [smem:$0x3F90];
	s0 =	simm.s32 @p1 $0x1  }
0x15: {  	[smem:$0x3FAD] =	sst s0;
	s0 =	simm.s32 @!p2 $0x0  }
0x16: {  	s3 =	sld [smem:$0x3FDB];
	s0 =	simm.s32 @p2 $0x1  }
0x17: {  	s4 =	simm.s32 $0x1BF5;
	[smem:$0x3FAF] =	sst s0  }
0x18: {  	s0 =	sld [smem:$0x3F92];
	_ =	swait.ge [sflag:s4], $0x0  }
0x19: {  	s7 =	sld [smem:$0x3F93]  }
0x1a: {  	s8 =	sadd.s32 $0xFFFFE003, lr  }
0x1b: {  	s9 =	sadd.s32 $0xFFFFFEF7, lr;
	s5 =	simm.s32 $0xFFFFFFFF;
	p2 =	slt.u32 s8, $0xFFFFF086  }
0x1c: {  	p1 =	slt.u32 s9, $0xF7A;
	s5 =	simm.s32 @!p2 $0x0  }
0x1d: {  	s5 =	simm.s32 @p1 $0x1;
	p0 =	seq.s32 s7, s2  }
0x1e: {  	s7 =	smul.u32 @!p0 $0xF7A, s2;
	p2 =	seq.s32 @!p0 s5, $0x0  }
0x1f: {  	s9 =	smul.u32 $0xF7A, s1;
	s8 =	simm.s32 @!p0 $0x1BF5;
	p2 =	por !p2, p0  }
0x20: {  	[sflag:s8] =	ssyncset.s32 @!p0 $0xFFFFF086;
	s6 =	sadd.s32 @!p0 s3, s7;
	s7 =	simm.s32 @!p0 $0x108  }
0x21: {  	s3 =	sadd.s32 s3, s9;
	s6 =	sadd.s32 @!p0 $0x88, s6;
	s7 =	simm.s32 @p2 $0x1082  }
0x22: {  	[simem:s7], [sflag:s8] =	dma.local @!p0 [hbm:s6], $0xF7A  }
0x23: {  	s9 =	sor.u32 $0xD0000000, s2;
	s6 =	simm.s32 $0x108;
	_ =	swait.ge @!p0 [sflag:s8], $0x0  }
0x24: {  	s3 =	sadd.s32 $0x88, s3;
	s6 =	simm.s32 @!p1 $0x1082;
	[sflag:s4] =	ssyncset.s32 $0xFFFFF086  }
0x25: {  	[simem:s6], [sflag:s4] =	dma.local [hbm:s3], $0xF7A  }
0x26: {  	[smem:$0x3F93] =	sst s1;
	(tag) =	ssettag s2;
	_ =	strace s9  }
0x27: {  	s1 =	sld [smem:$0x3FA3]  }
0x28: {  	s2 =	sld [smem:$0x3FA4]  }
0x29: {  	s4 =	sld [smem:$0x3FA6]  }
0x2a: {  	p0 =	seq.s32 s5, $0x0;
	s5 =	sld [smem:$0x3FA7]  }
0x2b: {  	s6 =	sld [smem:$0x3FA8]  }
0x2c: {  	s7 =	sld [smem:$0x3FA9]  }
0x2d: {  	s3 =	simm.s32 $0x108;
	s8 =	sld [smem:$0x3FAA]  }
0x2e: {  	s3 =	simm.s32 @!p0 $0x1082;
	s9 =	sld [smem:$0x3FAB]  }
0x2f: {  	lr =	sadd.s32 s0, s3;
	s0 =	sld [smem:$0x3FA2]  }
0x30: {  	s3 =	sld [smem:$0x3FA5]  }
0x31: {  	[smem:$0x3FAE] =	sst s10  }
0x32: {  	s10 =	sld [smem:$0x3FAC];
	_ =	sdelay $0x3  }
0x33: {  	p0 =	seq.s32 s10, $0x1;
	s10 =	sld [smem:$0x3FAE];
	_ =	sdelay $0x3  }
0x34: {  	[smem:$0x3FAE] =	sst s10  }
0x35: {  	s10 =	sld [smem:$0x3FAD];
	_ =	sdelay $0x3  }
0x36: {  	p1 =	seq.s32 s10, $0x1;
	s10 =	sld [smem:$0x3FAE];
	_ =	sdelay $0x3  }
0x37: {  	[smem:$0x3FAE] =	sst s10  }
0x38: {  	s10 =	sld [smem:$0x3FAF]  }
0x39: {  	_ = 	snop;
	(pc) =	sbr.ind lr, $3  }
0x3a: {  	_ = 	snop  }
0x3b: {  	_ = 	snop  }
0x3c: {  	p2 =	seq.s32 s10, $0x1;
	s10 =	sld [smem:$0x3FAE]  }
0x3d: {  	_ =	shalt  }
0x3e: {  	_ =	shalt  }
0x3f: {  	_ =	shalt  }
0x40: {  	_ =	shalt  }
0x41: {  	_ =	shalt  }
0x42: {  	_ =	shalt  }
0x43: {  	_ =	shalt  }
0x44: {  	_ =	shalt  }
0x45: {  	_ =	shalt  }
0x46: {  	_ =	shalt  }
0x47: {  	_ =	shalt  }
0x48: {  	_ =	shalt  }
0x49: {  	_ =	shalt  }
0x4a: {  	_ =	shalt  }
0x4b: {  	_ =	shalt  }
0x4c: {  	_ =	shalt  }
0x4d: {  	_ =	shalt  }
0x4e: {  	_ =	shalt  }
0x4f: {  	_ =	shalt  }
0x50: {  	_ =	shalt  }
0x51: {  	_ =	shalt  }
0x52: {  	_ =	shalt  }
0x53: {  	_ =	shalt  }
0x54: {  	_ =	shalt  }
0x55: {  	_ =	shalt  }
0x56: {  	_ =	shalt  }
0x57: {  	_ =	shalt  }
0x58: {  	_ =	shalt  }
0x59: {  	_ =	shalt  }
0x5a: {  	_ =	shalt  }
0x5b: {  	_ =	shalt  }
0x5c: {  	_ =	shalt  }
0x5d: {  	_ =	shalt  }
0x5e: {  	_ =	shalt  }
0x5f: {  	_ =	shalt  }
0x60: {  	_ =	shalt  }
0x61: {  	_ =	shalt  }
0x62: {  	_ =	shalt  }
0x63: {  	_ =	shalt  }
0x64: {  	_ =	shalt  }
0x65: {  	_ =	shalt  }
0x66: {  	_ =	shalt  }
0x67: {  	_ =	shalt  }
0x68: {  	_ =	shalt  }
0x69: {  	_ =	shalt  }
0x6a: {  	_ =	shalt  }
0x6b: {  	_ =	shalt  }
0x6c: {  	_ =	shalt  }
0x6d: {  	_ =	shalt  }
0x6e: {  	_ =	shalt  }
0x6f: {  	_ =	shalt  }
0x70: {  	_ =	shalt  }
0x71: {  	_ =	shalt  }
0x72: {  	_ =	shalt  }
0x73: {  	_ =	shalt  }
0x74: {  	_ =	shalt  }
0x75: {  	_ =	shalt  }
0x76: {  	_ =	shalt  }
0x77: {  	_ =	shalt  }
0x78: {  	_ =	shalt  }
0x79: {  	_ =	shalt  }
0x7a: {  	_ =	shalt  }
0x7b: {  	_ =	shalt  }
0x7c: {  	_ =	shalt  }
0x7d: {  	_ =	shalt  }
0x7e: {  	_ =	shalt  }
0x7f: {  	_ =	shalt  }
0x80: {  	_ =	shalt  }
0x81: {  	_ =	shalt  }
0x82: {  	_ =	shalt  }
0x83: {  	_ =	shalt  }
0x84: {  	_ =	shalt  }
0x85: {  	_ =	shalt  }
0x86: {  	_ =	shalt  }
0x87: {  	_ =	shalt  }
.Lfunc_end0:
.L_simem_size_0:
called_computation_lowered:
.L_overlay_start_0:
0x88: {  	s2 =	sld [smem:$0x3FD9]  }
0x89: {  	s3 =	sld [smem:$0x3FFE];
	_ =	sdelay $0x1  }
0x8a: {  	s1 =	srdreg.scid  }
0x8b: {  	s0 =	sand.u32 $0x1, s1  }
0x8c: {  	s17 =	sshll.u32 s0, $0xA;
	s2 =	sadd.s32 s3, s2  }
0x8d: {  	s2 =	sadd.s32 s2, s17  }
0x8e: {  	[smem:$0x3FBA] =	sst s2  }
0x8f: {  	_ = 	snop  }
0x90: {  	s2 =	sld [smem:$0x3FD0];
	(tm) =	ssettm $0x1  }
0x91: {  	s18 =	sld [smem:$0x3FFB];
	_ =	sdelay $0x3  }
0x92: {  	_ =	strace s18  }
0x93: {  	s3 =	sld [smem:$0x3FFC];
	_ =	sdelay $0x3  }
0x94: {  	_ =	strace s3  }
0x95: {  	s3 =	sld [smem:$0x3FFD];
	_ =	sdelay $0x3  }
0x96: {  	_ =	strace s3  }
0x97: {  	_ =	strace $0x8FFFFFFF  }
0x98: {  	s19 =	sld [smem:$0x3FDB];
	_ =	sdelay $0x1  }
0x99: {  	s4 =	simm.s32 $_scs_section_size  }
0x9a: {  	s5 =	simm.s32 $_size__tile_overlayer_lowered;
	s6 =	simm.s32 $_tile_overlayer_lowered  }
0x9b: {  	s22 =	simm.s32 $0x1BFF;
	s21 =	sshll.u32 s6, $0x1;
	s3 =	sadd.s32 s4, s19  }
0x9c: {  	s7 =	simm.s32 $0x0;
	s20 =	sshll.u32 s5, $0x1;
	s5 =	sadd.s32 s21, s3  }
0x9d: {  	[timem:s7], [sflag:s22] =	dma.local [hbm:s5], s20  }
0x9e: {  	_ =	swait.ge [sflag:s22], s20  }
0x9f: {  	s4 =	ssub.s32 $0x0, s20;
	[sflag:s22] =	ssyncset.done $0x0  }
0xa0: {  	[sflag:s22] =	ssyncadd.s32 s4;
	_ =	sdelay $0x1  }
0xa1: {  	s23 =	simm.s32 $0x1B8B  }
0xa2: {  	_ =	swait.ge [sflag:s23], $0x1  }
0xa3: {  	[sflag:s23] =	ssyncset.done $0x0  }
0xa4: {  	s25 =	simm.s32 $0x1B8E;
	s24 =	sld [smem:$0x3FFE];
	[sflag:s23] =	ssyncadd.s32 $0xFFFFFFFF  }
0xa5: {  	s26 =	simm.s32 $execute0_lowered;
	[smem:$0x3FD2] =	sst s25  }
0xa6: {  	s5 =	sshll.u32 s26, $0x1;
	_ =	strace $0x80000046;
	[dreg:$0x1] =	wrdreg $0xFFFFFFFF  }
0xa7: {  	s28 =	simm.s32 $_size_execute0_lowered;
	s3 =	sadd.s32 s3, s5;
	[dreg:$0x0] =	wrdreg $0x0  }
0xa8: {  	s5 =	sshll.u32 s28, $0x1;
	[dreg:$0x2] =	wrdreg s3  }
0xa9: {  	[dreg:$0x3] =	wrdreg s5  }
0xaa: {  	[dreg:$0x4] =	wrdreg $0xC0  }
0xab: {  	_ =	task [dreg:s7], $0x5FFFF  }
0xac: {  	[dreg:$0x1] =	wrdreg $0xFFFFFFFF  }
0xad: {  	[dreg:$0x0] =	wrdreg $0x60  }
0xae: {  	[dreg:$0x2] =	wrdreg s24  }
0xaf: {  	[dreg:$0x3] =	wrdreg s2  }
0xb0: {  	[dreg:$0x4] =	wrdreg $0x2B000  }
0xb1: {  	[dreg:$0x5] =	wrdreg $0x9  }
0xb2: {  	_ =	task.clear_ibuf [dreg:s7], $0x6FFFF;
	_ =	strace $0x90000046  }
0xb3: {  	s29 =	simm.s32 $0x9;
	_ =	strace $0x80000048  }
0xb4: {  	_ =	swait.ge [sflag:s29], $0x1  }
0xb5: {  	[sflag:s29] =	ssyncadd.s32 $0xFFFFFFFF  }
0xb6: {  	_ =	strace $0x90000048  }
0xb7: {  	_ =	sfence  }
0xb8: {  	s30 =	sld [smem:$0x0];
	_ =	sdelay $0x2  }
0xb9: {  	s31 =	sshll.u32 s1, $0xD;
	s1 =	sshrl.u32 s1, $0x2  }
0xba: {  	s3 =	sand.u32 $0x4000, s31;
	s1 =	sadd.s32 s1, s30  }
0xbb: {  	s0 =	sor.u32 s3, s0;
	s1 =	sshll.u32 s1, $0x11  }
0xbc: {  	s0 =	sor.u32 s1, s0  }
0xbd: {  	s0 =	sadd.s32 $0x8F2B, s0  }
0xbe: {  	[sflag:s0] =	ssyncadd.remote.s32 $0x1  }
0xbf: {  	_ =	sfence.sel $0xFFFF  }
0xc0: {  	[dreg:$0x0] =	wrdreg $0xFFFFFFFF;
	(pc) =	sbr.abs _section_cstart, $3  }
0xc1: {  	[dreg:$0x1] =	wrdreg $0xFFFFFFFF  }
0xc2: {  	_ =	task.clear_ibuf [dreg:s7], $0x2FFFF;
	_ =	strace $0x9FFFFFFF  }
0xc3: {  	(tm) =	ssettm $0x7FFFFFFF  }
tec
execute0_lowered:
.L_overlay_start_1:
0x0: {  	(tag) =	ssettag $0x1  }
0x1: {  	s4 =	rddreg [dreg:$0x0]  }
0x2: {  	s1 =	srdreg.scid;
	s6 =	rddreg [dreg:$0x1]  }
0x3: {  	s0 =	stileid.u32;
	s2 =	rddreg [dreg:$0x2];
	s3 =	simm.s32 $0x0  }
0x4: {  	s11 =	simm.s32 $0x2800;
	s12 =	simm.s32 $0x100;
	s13 =	simm.s32 $0x0  }
0x5: {  	s5 =	sand.u32 $0x1, s1;
	s1 =	rddreg [dreg:$0x3];
	s8 =	smul.u32 $0xA00, s0  }
0x6: {  	s28 =	sshll.u32 s0, $0x1;
	[smem:$0x7FF] =	sst s3;
	s9 =	smul.u32 $0x500, s0  }
0x7: {  	s7 =	sor.u32 s5, s28;
	_ =	strace $0x80000047;
	s29 =	ssub.s32 $0x2, s5  }
0x8: {  	s5 =	sshll.u32 s5, $0x7;
	s7 =	smul.u32 $0x500, s7;
	s10 =	sshrl.u32 s29, $0x1  }
0x9: {  	s8 =	sshrl.u32 s8, $0x2;
	s5 =	sor.u32 s5, s9;
	s9 =	simm.s32 $0x1  }
0xa: {  	s30 =	ssub.s32 s29, s10;
	s31 =	sshrl.u32 s5, $0x3;
	s10 =	simm.s32 $0x80  }
0xb: {  	s7 =	sadd.s32 s7, s4;
	s4 =	sadd.s32 s8, s2;
	s6 =	sadd.s32 s6, s31  }
0xc: {  	v0 =	vimm.f32 $1.000000000e+00;
	v1 =	vimm.f32 $0.0e+00;
	s8 =	simm.s32 $0x2880;
	s5 =	sadd.s32 $0x4E00, s7;
	s7 =	smax.u32 s30, $0x1  }
.LBB2_1:
0xd: {  	[tilespmem:$0x2800] =	vst v0  }
0xe: {  	[tilespmem:$0x2810] =	vst v0  }
0xf: {  	[tilespmem:$0x2820] =	vst v0  }
0x10: {  	[tilespmem:$0x2830] =	vst v0  }
0x11: {  	[tilespmem:$0x2840] =	vst v0  }
0x12: {  	[tilespmem:$0x2850] =	vst v0  }
0x13: {  	[tilespmem:$0x2860] =	vst v0  }
0x14: {  	[tilespmem:$0x2870] =	vst v0  }
0x15: {  	[tilespmem:$0x2880] =	vst v1  }
0x16: {  	[tilespmem:$0x2890] =	vst v1  }
0x17: {  	[tilespmem:$0x28A0] =	vst v1  }
0x18: {  	[tilespmem:$0x28B0] =	vst v1  }
0x19: {  	[tilespmem:$0x28C0] =	vst v1  }
0x1a: {  	[tilespmem:$0x28D0] =	vst v1  }
0x1b: {  	[tilespmem:$0x28E0] =	vst v1  }
0x1c: {  	[tilespmem:$0x28F0] =	vst v1  }
0x1d: {  	[tilespmem:$0x2900] =	vst v1  }
0x1e: {  	[tilespmem:$0x2910] =	vst v1  }
0x1f: {  	[tilespmem:$0x2920] =	vst v1  }
0x20: {  	[tilespmem:$0x2930] =	vst v1  }
0x21: {  	[tilespmem:$0x2940] =	vst v1  }
0x22: {  	[tilespmem:$0x2950] =	vst v1  }
0x23: {  	[tilespmem:$0x2960] =	vst v1  }
0x24: {  	[tilespmem:$0x2970] =	vst v1  }
0x25: {  	[tilespmem:$0x2980] =	vst v1  }
0x26: {  	[tilespmem:$0x2990] =	vst v1  }
0x27: {  	[tilespmem:$0x29A0] =	vst v1  }
0x28: {  	[tilespmem:$0x29B0] =	vst v1  }
0x29: {  	[tilespmem:$0x29C0] =	vst v1  }
0x2a: {  	[tilespmem:$0x29D0] =	vst v1  }
0x2b: {  	[tilespmem:$0x29E0] =	vst v1  }
0x2c: {  	[tilespmem:$0x29F0] =	vst v1  }
0x2d: {  	[tilespmem:$0x2A00] =	vst v1  }
0x2e: {  	[tilespmem:$0x2A10] =	vst v1  }
0x2f: {  	[tilespmem:$0x2A20] =	vst v1  }
0x30: {  	[tilespmem:$0x2A30] =	vst v1  }
0x31: {  	[tilespmem:$0x2A40] =	vst v1  }
0x32: {  	[tilespmem:$0x2A50] =	vst v1  }
0x33: {  	[tilespmem:$0x2A60] =	vst v1  }
0x34: {  	[tilespmem:$0x2A70] =	vst v1  }
0x35: {  	[tilespmem:$0x2A80] =	vst v1  }
0x36: {  	[tilespmem:$0x2A90] =	vst v1  }
0x37: {  	[tilespmem:$0x2AA0] =	vst v1  }
0x38: {  	[tilespmem:$0x2AB0] =	vst v1  }
0x39: {  	[tilespmem:$0x2AC0] =	vst v1  }
0x3a: {  	[tilespmem:$0x2AD0] =	vst v1  }
0x3b: {  	[tilespmem:$0x2AE0] =	vst v1  }
0x3c: {  	[tilespmem:$0x2AF0] =	vst v1  }
0x3d: {  	[spmem:s4] =	stream.linear.scatter [tilespmem:s8], [sflag:$0x1], $0x280, $0x38;
	[tilespmem:$0x2D80] =	vst v63  }
0x3e: {  	_ =	swait.ge [sflag:s9], $0x280  }
0x3f: {  	[sflag:s9] =	ssyncset.done $0x0  }
0x40: {  	[sflag:s9] =	ssyncadd.s32 $0xFFFFFD80  }
0x41: {  	[bflag:$0x0] =	sbarrier.arrive $0xFFFF  }
0x42: {  	[tilespmem:s3], [sflag:$0x1] =	stream.linear.gather [hbm4b:s5+s3], $0x2800, $0x38;
	[tilespmem:$0x2D80] =	vst v63  }
0x43: {  	_ =	swait.ge [sflag:s9], $0x2800  }
0x44: {  	[sflag:s9] =	ssyncset.done $0x0  }
0x45: {  	s14 =	simm.s32 $0x0;
	[sflag:s9] =	ssyncadd.s32 $0xFFFFD800  }
0x46: {  	[spmem:s2] =	stream.indirect.scatter.add.f32 [tilespmem:s11], [sflag:$0x1], $0x1, s14, s10, $0xb8;
	[tilespmem:$0x2D80] =	vst v63  }
0x47: {  	_ =	swait.ge [sflag:s9], $0x80  }
0x48: {  	s14 =	simm.s32 $0x200;
	[sflag:s9] =	ssyncset.done $0x0  }
.LBB2_2:
0x49: {  	s15 =	sshra.s32 s14, $0x2;
	[sflag:s9] =	ssyncadd.s32 $0xFFFFFF80;
	p0 =	sne.s32 s14, $0x9E00  }
0x4a: {  	[spmem:s2] =	stream.indirect.scatter.add.f32 [tilespmem:s11], [sflag:$0x1], $0x1, s15, s10, $0xb8;
	[tilespmem:$0x2D80] =	vst v63  }
.Ltmp0:
0x4b: {  	_ = 	snop;
	(pc) =	sbr.rel @p0 .LBB2_2-.Ltmp0, $4  }
0x4c: {  	_ = 	snop  }
0x4d: {  	s14 =	sadd.s32 $0x200, s14  }
0x4e: {  	_ =	swait.ge [sflag:s9], $0x80  }
0x4f: {  	[sflag:s9] =	ssyncset.done $0x0  }
0x50: {  	[sflag:s9] =	ssyncadd.s32 $0xFFFFFF80  }
0x51: {  	[bflag:$0x0] =	sbarrier.arrive $0xFFFF  }
0x52: {  	[tilespmem:s8], [sflag:$0x1] =	stream.linear.gather [spmem:s4], $0x280, $0x38;
	[tilespmem:$0x2D80] =	vst v63  }
0x53: {  	s13 =	sadd.s32 $0x1, s13;
	_ =	swait.ge [sflag:s9], $0x280  }
0x54: {  	p0 =	sne.s32 s13, s7;
	[sflag:s9] =	ssyncset.done $0x0  }
.Ltmp1:
0x55: {  	[sflag:s9] =	ssyncadd.s32 $0xFFFFFD80;
	(pc) =	sbr.rel @p0 .LBB2_1-.Ltmp1, $4  }
0x56: {  	[hbm4b:s6+s10] =	stream.strided.scatter [tilespmem:s8], [sflag:$0x1], $0x280, s12, s10, $0x38;
	[tilespmem:$0x2D80] =	vst v63  }
0x57: {  	_ =	swait.ge [sflag:s9], $0x280  }
0x58: {  	[sflag:s9] =	ssyncset.done $0x0  }
0x59: {  	[sflag:s9] =	ssyncadd.s32 $0xFFFFFD80  }
0x5a: {  	_ =	sfence.sel $0x180000  }
0x5b: {  	[bflag:$0x0] =	sbarrier.arrive $0xFFFF  }
0x5c: {  	p0 =	sne.s32 s0, $0x0;
	_ =	strace $0x90000047  }
0x5d: {  	s0 =	sadd.s32 @!p0 $0x100000, s1;
	[bflag:$0x2] =	sbarrier.arrive $0xFFFF  }
0x5e: {  	[sflag:s0] =	ssyncadd.tile.s32 @!p0 $0x1;
	_ =	shalt  }
.Lfunc_end2:
_tile_overlayer_lowered:
.L_overlay_start_2:
0x5f: {  	(tag) =	ssettag $0x2  }
0x60: {  	s0 =	rddreg [dreg:$0x0];
	s2 =	stileid.u32  }
0x61: {  	s1 =	rddreg [dreg:$0x1];
	p0 =	sne.s32 s2, $0x0  }
0x62: {  	s3 =	rddreg [dreg:$0x2];
	[bflag:$0x3] =	sbarrier.arrive $0xFFFF;
	s2 =	simm.s32 @!p0 $0x1C01  }
0x63: {  	[timem:s3], [sflag:s2] =	dma.local @!p0 [hbm:s0], s1  }
0x64: {  	s0 =	simm.s32 @!p0 $0x1  }
0x65: {  	_ =	swait.ge @!p0 [sflag:s0], s1  }
0x66: {  	s1 =	ssub.s32 @!p0 $0x0, s1;
	[sflag:s0] =	ssyncset.done @!p0 $0x0  }
0x67: {  	[sflag:s0] =	ssyncadd.s32 @!p0 s1  }
0x68: {  	[bflag:$0x3] =	sbarrier.arrive $0xFFFF  }
0x69: {  	_ =	shalt  }

// kernel: kernel.13.cloned.1.call-start
scs
__scs_entry_jumppad:
0x0: {  	(pc) =	sbr.rel $0x88, $3  }
0x1: {  	(tag) =	ssettag $0x0;
	lr =	simm.s32 $0x1  }
0x2: {  	[smem:$0x3F93] =	sst lr;
	_ =	strace $0xD0000000  }
0x3: {  	_ = 	snop  }
0x4: {  	_ = 	snop  }
0x5: {  	_ = 	snop  }
0x6: {  	_ = 	snop  }
0x7: {  	_ = 	snop  }
__scs_overlays_trampoline_lowered:
0x8: {  	[smem:$0x3FA2] =	sst s0  }
0x9: {  	[smem:$0x3FA3] =	sst s1  }
0xa: {  	[smem:$0x3FA4] =	sst s2  }
0xb: {  	[smem:$0x3FA5] =	sst s3  }
0xc: {  	[smem:$0x3FA6] =	sst s4  }
0xd: {  	[smem:$0x3FA7] =	sst s5  }
0xe: {  	[smem:$0x3FA8] =	sst s6  }
0xf: {  	[smem:$0x3FA9] =	sst s7  }
0x10: {  	[smem:$0x3FAA] =	sst s8  }
0x11: {  	[smem:$0x3FAB] =	sst s9;
	s0 =	simm.s32 @!p0 $0x0  }
0x12: {  	s1 =	sld [smem:$0x3F91];
	s0 =	simm.s32 @p0 $0x1  }
0x13: {  	[smem:$0x3FAC] =	sst s0;
	s0 =	simm.s32 @!p1 $0x0  }
0x14: {  	s2 =	sld [smem:$0x3F90];
	s0 =	simm.s32 @p1 $0x1  }
0x15: {  	[smem:$0x3FAD] =	sst s0;
	s0 =	simm.s32 @!p2 $0x0  }
0x16: {  	s3 =	sld [smem:$0x3FDB];
	s0 =	simm.s32 @p2 $0x1  }
0x17: {  	s4 =	simm.s32 $0x1BF5;
	[smem:$0x3FAF] =	sst s0  }
0x18: {  	s0 =	sld [smem:$0x3F92];
	_ =	swait.ge [sflag:s4], $0x0  }
0x19: {  	s7 =	sld [smem:$0x3F93]  }
0x1a: {  	s8 =	sadd.s32 $0xFFFFE003, lr  }
0x1b: {  	s9 =	sadd.s32 $0xFFFFFEF7, lr;
	s5 =	simm.s32 $0xFFFFFFFF;
	p2 =	slt.u32 s8, $0xFFFFF086  }
0x1c: {  	p1 =	slt.u32 s9, $0xF7A;
	s5 =	simm.s32 @!p2 $0x0  }
0x1d: {  	s5 =	simm.s32 @p1 $0x1;
	p0 =	seq.s32 s7, s2  }
0x1e: {  	s7 =	smul.u32 @!p0 $0xF7A, s2;
	p2 =	seq.s32 @!p0 s5, $0x0  }
0x1f: {  	s9 =	smul.u32 $0xF7A, s1;
	s8 =	simm.s32 @!p0 $0x1BF5;
	p2 =	por !p2, p0  }
0x20: {  	[sflag:s8] =	ssyncset.s32 @!p0 $0xFFFFF086;
	s6 =	sadd.s32 @!p0 s3, s7;
	s7 =	simm.s32 @!p0 $0x108  }
0x21: {  	s3 =	sadd.s32 s3, s9;
	s6 =	sadd.s32 @!p0 $0x88, s6;
	s7 =	simm.s32 @p2 $0x1082  }
0x22: {  	[simem:s7], [sflag:s8] =	dma.local @!p0 [hbm:s6], $0xF7A  }
0x23: {  	s9 =	sor.u32 $0xD0000000, s2;
	s6 =	simm.s32 $0x108;
	_ =	swait.ge @!p0 [sflag:s8], $0x0  }
0x24: {  	s3 =	sadd.s32 $0x88, s3;
	s6 =	simm.s32 @!p1 $0x1082;
	[sflag:s4] =	ssyncset.s32 $0xFFFFF086  }
0x25: {  	[simem:s6], [sflag:s4] =	dma.local [hbm:s3], $0xF7A  }
0x26: {  	[smem:$0x3F93] =	sst s1;
	(tag) =	ssettag s2;
	_ =	strace s9  }
0x27: {  	s1 =	sld [smem:$0x3FA3]  }
0x28: {  	s2 =	sld [smem:$0x3FA4]  }
0x29: {  	s4 =	sld [smem:$0x3FA6]  }
0x2a: {  	p0 =	seq.s32 s5, $0x0;
	s5 =	sld [smem:$0x3FA7]  }
0x2b: {  	s6 =	sld [smem:$0x3FA8]  }
0x2c: {  	s7 =	sld [smem:$0x3FA9]  }
0x2d: {  	s3 =	simm.s32 $0x108;
	s8 =	sld [smem:$0x3FAA]  }
0x2e: {  	s3 =	simm.s32 @!p0 $0x1082;
	s9 =	sld [smem:$0x3FAB]  }
0x2f: {  	lr =	sadd.s32 s0, s3;
	s0 =	sld [smem:$0x3FA2]  }
0x30: {  	s3 =	sld [smem:$0x3FA5]  }
0x31: {  	[smem:$0x3FAE] =	sst s10  }
0x32: {  	s10 =	sld [smem:$0x3FAC];
	_ =	sdelay $0x3  }
0x33: {  	p0 =	seq.s32 s10, $0x1;
	s10 =	sld [smem:$0x3FAE];
	_ =	sdelay $0x3  }
0x34: {  	[smem:$0x3FAE] =	sst s10  }
0x35: {  	s10 =	sld [smem:$0x3FAD];
	_ =	sdelay $0x3  }
0x36: {  	p1 =	seq.s32 s10, $0x1;
	s10 =	sld [smem:$0x3FAE];
	_ =	sdelay $0x3  }
0x37: {  	[smem:$0x3FAE] =	sst s10  }
0x38: {  	s10 =	sld [smem:$0x3FAF]  }
0x39: {  	_ = 	snop;
	(pc) =	sbr.ind lr, $3  }
0x3a: {  	_ = 	snop  }
0x3b: {  	_ = 	snop  }
0x3c: {  	p2 =	seq.s32 s10, $0x1;
	s10 =	sld [smem:$0x3FAE]  }
0x3d: {  	_ =	shalt  }
0x3e: {  	_ =	shalt  }
0x3f: {  	_ =	shalt  }
0x40: {  	_ =	shalt  }
0x41: {  	_ =	shalt  }
0x42: {  	_ =	shalt  }
0x43: {  	_ =	shalt  }
0x44: {  	_ =	shalt  }
0x45: {  	_ =	shalt  }
0x46: {  	_ =	shalt  }
0x47: {  	_ =	shalt  }
0x48: {  	_ =	shalt  }
0x49: {  	_ =	shalt  }
0x4a: {  	_ =	shalt  }
0x4b: {  	_ =	shalt  }
0x4c: {  	_ =	shalt  }
0x4d: {  	_ =	shalt  }
0x4e: {  	_ =	shalt  }
0x4f: {  	_ =	shalt  }
0x50: {  	_ =	shalt  }
0x51: {  	_ =	shalt  }
0x52: {  	_ =	shalt  }
0x53: {  	_ =	shalt  }
0x54: {  	_ =	shalt  }
0x55: {  	_ =	shalt  }
0x56: {  	_ =	shalt  }
0x57: {  	_ =	shalt  }
0x58: {  	_ =	shalt  }
0x59: {  	_ =	shalt  }
0x5a: {  	_ =	shalt  }
0x5b: {  	_ =	shalt  }
0x5c: {  	_ =	shalt  }
0x5d: {  	_ =	shalt  }
0x5e: {  	_ =	shalt  }
0x5f: {  	_ =	shalt  }
0x60: {  	_ =	shalt  }
0x61: {  	_ =	shalt  }
0x62: {  	_ =	shalt  }
0x63: {  	_ =	shalt  }
0x64: {  	_ =	shalt  }
0x65: {  	_ =	shalt  }
0x66: {  	_ =	shalt  }
0x67: {  	_ =	shalt  }
0x68: {  	_ =	shalt  }
0x69: {  	_ =	shalt  }
0x6a: {  	_ =	shalt  }
0x6b: {  	_ =	shalt  }
0x6c: {  	_ =	shalt  }
0x6d: {  	_ =	shalt  }
0x6e: {  	_ =	shalt  }
0x6f: {  	_ =	shalt  }
0x70: {  	_ =	shalt  }
0x71: {  	_ =	shalt  }
0x72: {  	_ =	shalt  }
0x73: {  	_ =	shalt  }
0x74: {  	_ =	shalt  }
0x75: {  	_ =	shalt  }
0x76: {  	_ =	shalt  }
0x77: {  	_ =	shalt  }
0x78: {  	_ =	shalt  }
0x79: {  	_ =	shalt  }
0x7a: {  	_ =	shalt  }
0x7b: {  	_ =	shalt  }
0x7c: {  	_ =	shalt  }
0x7d: {  	_ =	shalt  }
0x7e: {  	_ =	shalt  }
0x7f: {  	_ =	shalt  }
0x80: {  	_ =	shalt  }
0x81: {  	_ =	shalt  }
0x82: {  	_ =	shalt  }
0x83: {  	_ =	shalt  }
0x84: {  	_ =	shalt  }
0x85: {  	_ =	shalt  }
0x86: {  	_ =	shalt  }
0x87: {  	_ =	shalt  }
.Lfunc_end0:
.L_simem_size_0:
called_computation.1_lowered:
.L_overlay_start_0:
0x88: {  	s2 =	sld [smem:$0x3FD9]  }
0x89: {  	s3 =	sld [smem:$0x3FFE];
	_ =	sdelay $0x1  }
0x8a: {  	s1 =	srdreg.scid  }
0x8b: {  	s0 =	sand.u32 $0x1, s1  }
0x8c: {  	s17 =	sshll.u32 s0, $0xA;
	s2 =	sadd.s32 s3, s2  }
0x8d: {  	s2 =	sadd.s32 s2, s17  }
0x8e: {  	[smem:$0x3FBA] =	sst s2  }
0x8f: {  	_ = 	snop  }
0x90: {  	s2 =	sld [smem:$0x3FD0];
	(tm) =	ssettm $0x1  }
0x91: {  	s18 =	sld [smem:$0x3FFB];
	_ =	sdelay $0x3  }
0x92: {  	_ =	strace s18  }
0x93: {  	s3 =	sld [smem:$0x3FFC];
	_ =	sdelay $0x3  }
0x94: {  	_ =	strace s3  }
0x95: {  	s3 =	sld [smem:$0x3FFD];
	_ =	sdelay $0x3  }
0x96: {  	_ =	strace s3  }
0x97: {  	_ =	strace $0x8FFFFFFF  }
0x98: {  	s19 =	sld [smem:$0x3FDB];
	_ =	sdelay $0x1  }
0x99: {  	s4 =	simm.s32 $_scs_section_size  }
0x9a: {  	s5 =	simm.s32 $_size__tile_overlayer_lowered;
	s6 =	simm.s32 $_tile_overlayer_lowered  }
0x9b: {  	s22 =	simm.s32 $0x1BFF;
	s21 =	sshll.u32 s6, $0x1;
	s3 =	sadd.s32 s4, s19  }
0x9c: {  	s7 =	simm.s32 $0x0;
	s20 =	sshll.u32 s5, $0x1;
	s5 =	sadd.s32 s21, s3  }
0x9d: {  	[timem:s7], [sflag:s22] =	dma.local [hbm:s5], s20  }
0x9e: {  	_ =	swait.ge [sflag:s22], s20  }
0x9f: {  	s4 =	ssub.s32 $0x0, s20;
	[sflag:s22] =	ssyncset.done $0x0  }
0xa0: {  	[sflag:s22] =	ssyncadd.s32 s4;
	_ =	sdelay $0x1  }
0xa1: {  	s23 =	simm.s32 $0x1B8B  }
0xa2: {  	_ =	swait.ge [sflag:s23], $0x1  }
0xa3: {  	[sflag:s23] =	ssyncset.done $0x0  }
0xa4: {  	s25 =	simm.s32 $0x1B8E;
	s24 =	sld [smem:$0x3FFE];
	[sflag:s23] =	ssyncadd.s32 $0xFFFFFFFF  }
0xa5: {  	s26 =	simm.s32 $execute0_lowered;
	[smem:$0x3FD2] =	sst s25  }
0xa6: {  	s5 =	sshll.u32 s26, $0x1;
	_ =	strace $0x80000049;
	[dreg:$0x1] =	wrdreg $0xFFFFFFFF  }
0xa7: {  	s28 =	simm.s32 $_size_execute0_lowered;
	s3 =	sadd.s32 s3, s5;
	[dreg:$0x0] =	wrdreg $0x0  }
0xa8: {  	s5 =	sshll.u32 s28, $0x1;
	[dreg:$0x2] =	wrdreg s3  }
0xa9: {  	[dreg:$0x3] =	wrdreg s5  }
0xaa: {  	[dreg:$0x4] =	wrdreg $0xC0  }
0xab: {  	_ =	task [dreg:s7], $0x5FFFF  }
0xac: {  	[dreg:$0x1] =	wrdreg $0xFFFFFFFF  }
0xad: {  	[dreg:$0x0] =	wrdreg $0x60  }
0xae: {  	[dreg:$0x2] =	wrdreg s2  }
0xaf: {  	[dreg:$0x3] =	wrdreg s24  }
0xb0: {  	[dreg:$0x4] =	wrdreg $0xA8000  }
0xb1: {  	[dreg:$0x5] =	wrdreg $0x9  }
0xb2: {  	_ =	task.clear_ibuf [dreg:s7], $0x6FFFF;
	_ =	strace $0x90000049  }
0xb3: {  	s29 =	simm.s32 $0x9;
	_ =	strace $0x8000004B  }
0xb4: {  	_ =	swait.ge [sflag:s29], $0x1  }
0xb5: {  	[sflag:s29] =	ssyncadd.s32 $0xFFFFFFFF  }
0xb6: {  	_ =	strace $0x9000004B  }
0xb7: {  	_ =	sfence  }
0xb8: {  	s30 =	sld [smem:$0x0];
	_ =	sdelay $0x2  }
0xb9: {  	s31 =	sshll.u32 s1, $0xD;
	s1 =	sshrl.u32 s1, $0x2  }
0xba: {  	s3 =	sand.u32 $0x4000, s31;
	s1 =	sadd.s32 s1, s30  }
0xbb: {  	s0 =	sor.u32 s3, s0;
	s1 =	sshll.u32 s1, $0x11  }
0xbc: {  	s0 =	sor.u32 s1, s0  }
0xbd: {  	s0 =	sadd.s32 $0x8F2B, s0  }
0xbe: {  	[sflag:s0] =	ssyncadd.remote.s32 $0x1  }
0xbf: {  	_ =	sfence.sel $0xFFFF  }
0xc0: {  	[dreg:$0x0] =	wrdreg $0xFFFFFFFF;
	(pc) =	sbr.abs _section_cstart, $3  }
0xc1: {  	[dreg:$0x1] =	wrdreg $0xFFFFFFFF  }
0xc2: {  	_ =	task.clear_ibuf [dreg:s7], $0x2FFFF;
	_ =	strace $0x9FFFFFFF  }
0xc3: {  	(tm) =	ssettm $0x7FFFFFFF  }
tec
execute0_lowered:
.L_overlay_start_1:
0x0: {  	(tag) =	ssettag $0x1  }
0x1: {  	s1 =	rddreg [dreg:$0x0]  }
0x2: {  	s0 =	rddreg [dreg:$0x1]  }
0x3: {  	s2 =	rddreg [dreg:$0x2];
	s4 =	simm.s32 $0x0  }
0x4: {  	s3 =	srdreg.scid;
	s9 =	stileid.u32;
	s20 =	simm.s32 $0x2800  }
0x5: {  	s21 =	simm.s32 $0x1;
	s22 =	simm.s32 $0x3;
	s23 =	simm.s32 $0x1400  }
0x6: {  	s28 =	simm.s32 $0x1380;
	s29 =	simm.s32 $0x2700;
	s30 =	simm.s32 $0x2780  }
0x7: {  	s31 =	simm.s32 $0x0;
	[smem:$0x7FF] =	sst s4;
	s5 =	smul.u32 $0x50000, s9  }
0x8: {  	s3 =	sand.u32 $0x1, s3;
	s18 =	sadd.s32 $0xEE00, s0;
	s10 =	smul.u32 $0x14000, s9  }
0x9: {  	s19 =	sadd.s32 $0x4E00, s0;
	s0 =	sadd.s32 $0x18E00, s0;
	s17 =	sshll.u32 s9, $0x1  }
0xa: {  	_ =	strace $0x8000004A;
	s6 =	ssub.s32 $0x2, s3;
	s14 =	smul.u32 $0x140000, s3  }
0xb: {  	s3 =	sor.u32 s3, s17;
	s7 =	sshrl.u32 s6, $0x1;
	s5 =	sshrl.u32 s5, $0x2  }
0xc: {  	s11 =	sadd.s32 $0x4000, s10;
	s12 =	sadd.s32 $0x8000, s10;
	s13 =	sadd.s32 $0xC000, s10  }
0xd: {  	s16 =	sadd.s32 $0x10000, s10;
	s3 =	smul.u32 $0x2800, s3;
	s15 =	ssub.s32 s6, s7  }
0xe: {  	s5 =	sadd.s32 s5, s2;
	s6 =	sadd.s32 s11, s2;
	s7 =	sadd.s32 s12, s2  }
0xf: {  	s8 =	sadd.s32 s13, s2;
	s9 =	sadd.s32 s16, s2;
	s10 =	sadd.s32 s10, s14  }
0x10: {  	s11 =	sadd.s32 s14, s11;
	s12 =	sadd.s32 s14, s12;
	s13 =	sadd.s32 s14, s13  }
0x11: {  	s14 =	sadd.s32 s14, s16;
	s10 =	sshrl.u32 s10, $0x3;
	s11 =	sshrl.u32 s11, $0x3  }
0x12: {  	s12 =	sshrl.u32 s12, $0x3;
	s13 =	sshrl.u32 s13, $0x3;
	s14 =	sshrl.u32 s14, $0x3  }
0x13: {  	s3 =	sshrl.u32 s3, $0x3;
	s15 =	smax.u32 s15, $0x1;
	s10 =	sadd.s32 s0, s10  }
0x14: {  	s24 =	sadd.s32 s0, s11;
	s25 =	sadd.s32 s0, s12;
	s13 =	sadd.s32 s0, s13  }
0x15: {  	s14 =	sadd.s32 s0, s14;
	s26 =	sadd.s32 $0x280, s3;
	[dreg:$0x4] =	wrdreg s10  }
0x16: {  	s16 =	sadd.s32 s18, s3;
	s17 =	sadd.s32 s19, s3;
	[dreg:$0x5] =	wrdreg s24  }
0x17: {  	[dreg:$0x6] =	wrdreg s25;
	s18 =	sadd.s32 s18, s26;
	s19 =	sadd.s32 s19, s26  }
0x18: {  	v0 =	vimm.f32 $0.0e+00;
	s24 =	simm.s32 $0x80;
	s25 =	simm.s32 $0x6800;
	s26 =	simm.s32 $0x2  }
.LBB2_1:
0x19: {  	s0 =	simm.s32 $0x0;
	s3 =	simm.s32 $0x200  }
.LBB2_2:
0x1a: {  	p0 =	sne.s32 s3, $0xFE00;
	[tilespmem:s0+$0x2870] =	vst v0  }
0x1b: {  	[tilespmem:s0+$0x2800] =	vst v0  }
0x1c: {  	[tilespmem:s0+$0x2810] =	vst v0  }
.Ltmp0:
0x1d: {  	[tilespmem:s0+$0x2820] =	vst v0;
	(pc) =	sbr.rel @p0 .LBB2_2-.Ltmp0, $4  }
0x1e: {  	[tilespmem:s0+$0x2830] =	vst v0  }
0x1f: {  	[tilespmem:s0+$0x2840] =	vst v0  }
0x20: {  	[tilespmem:s0+$0x2850] =	vst v0  }
0x21: {  	[tilespmem:s0+$0x2860] =	vst v0;
	s0 =	sshra.s32 s3, $0x2;
	s3 =	sadd.s32 $0x200, s3  }
0x22: {  	[tilespmem:s0+$0x2870] =	vst v0  }
0x23: {  	[tilespmem:s0+$0x2800] =	vst v0  }
0x24: {  	[tilespmem:s0+$0x2810] =	vst v0  }
0x25: {  	[tilespmem:s0+$0x2820] =	vst v0  }
0x26: {  	[tilespmem:s0+$0x2830] =	vst v0  }
0x27: {  	[tilespmem:s0+$0x2840] =	vst v0  }
0x28: {  	[tilespmem:s0+$0x2850] =	vst v0  }
0x29: {  	[tilespmem:s0+$0x2860] =	vst v0  }
0x2a: {  	[spmem:s5] =	stream.linear.scatter [tilespmem:s20], [sflag:$0x1], $0x4000, $0x38;
	[tilespmem:$0x1E800] =	vst v63  }
0x2b: {  	_ = 	snop  }
0x2c: {  	[spmem:s6] =	stream.linear.scatter [tilespmem:s20], [sflag:$0x1], $0x4000, $0x38;
	[tilespmem:$0x1E800] =	vst v63  }
0x2d: {  	_ = 	snop  }
0x2e: {  	[spmem:s7] =	stream.linear.scatter [tilespmem:s20], [sflag:$0x1], $0x4000, $0x38;
	[tilespmem:$0x1E800] =	vst v63  }
0x2f: {  	_ = 	snop  }
0x30: {  	[spmem:s8] =	stream.linear.scatter [tilespmem:s20], [sflag:$0x1], $0x4000, $0x38;
	[tilespmem:$0x1E800] =	vst v63  }
0x31: {  	_ = 	snop  }
0x32: {  	[spmem:s9] =	stream.linear.scatter [tilespmem:s20], [sflag:$0x1], $0x4000, $0x38;
	[tilespmem:$0x1E800] =	vst v63  }
0x33: {  	_ =	swait.ge [sflag:s21], $0x4000  }
0x34: {  	[sflag:s21] =	ssyncset.done $0x0  }
0x35: {  	[sflag:s21] =	ssyncadd.s32 $0xFFFFC000  }
0x36: {  	_ =	swait.ge [sflag:s21], $0x4000  }
0x37: {  	[sflag:s21] =	ssyncset.done $0x0  }
0x38: {  	[sflag:s21] =	ssyncadd.s32 $0xFFFFC000  }
0x39: {  	_ =	swait.ge [sflag:s21], $0x4000  }
0x3a: {  	[sflag:s21] =	ssyncset.done $0x0  }
0x3b: {  	[sflag:s21] =	ssyncadd.s32 $0xFFFFC000  }
0x3c: {  	_ =	swait.ge [sflag:s21], $0x4000  }
0x3d: {  	[sflag:s21] =	ssyncset.done $0x0  }
0x3e: {  	[sflag:s21] =	ssyncadd.s32 $0xFFFFC000  }
0x3f: {  	_ =	swait.ge [sflag:s21], $0x4000  }
0x40: {  	[sflag:s21] =	ssyncset.done $0x0  }
0x41: {  	[sflag:s21] =	ssyncadd.s32 $0xFFFFC000  }
0x42: {  	s12 =	simm.s32 $0x0;
	[bflag:$0x0] =	sbarrier.arrive $0xFFFF  }
0x43: {  	[tilespmem:s12], [sflag:$0x3] =	stream.linear.gather [hbm4b:s16+s12], $0x1400, $0x38;
	[tilespmem:$0x1E800] =	vst v63  }
0x44: {  	_ =	swait.ge [sflag:s22], $0x1400  }
0x45: {  	[sflag:s22] =	ssyncset.done $0x0  }
0x46: {  	[sflag:s22] =	ssyncadd.s32 $0xFFFFEC00  }
0x47: {  	[tilespmem:s23], [sflag:$0x3] =	stream.linear.gather [hbm4b:s17+s12], $0x1400, $0x38;
	[tilespmem:$0x1E800] =	vst v63  }
0x48: {  	_ =	swait.ge [sflag:s22], $0x1400  }
0x49: {  	[sflag:s22] =	ssyncset.done $0x0  }
0x4a: {  	[sflag:s22] =	ssyncadd.s32 $0xFFFFEC00  }
0x4b: {  	[tilespmem:s20], [sflag:$0x1] =	stream.indirect.gather [hbm4b:s1+s24], $0x80, s12, s24, $0xb8;
	[tilespmem:$0x1E800] =	vst v63  }
0x4c: {  	s3 =	simm.s32 $0x80  }
0x4d: {  	[tilespmem:s25], [sflag:$0x2] =	stream.indirect.gather [hbm4b:s1+s24], $0x80, s3, s24, $0xb8;
	[tilespmem:$0x1E800] =	vst v63  }
0x4e: {  	_ =	swait.ge [sflag:s21], $0x4000  }
0x4f: {  	[sflag:s21] =	ssyncset.done $0x0  }
0x50: {  	s10 =	simm.s32 $0x1400;
	[sflag:s21] =	ssyncadd.s32 $0xFFFFC000  }
0x51: {  	[spmem:s2] =	stream.indirect.scatter.add.f32 [tilespmem:s20], [sflag:$0x3], $0x80, s10, s24, $0xb8;
	[tilespmem:$0x1E800] =	vst v63  }
0x52: {  	_ =	swait.ge [sflag:s22], $0x4000  }
0x53: {  	[sflag:s22] =	ssyncset.done $0x0  }
0x54: {  	s11 =	simm.s32 $0x100;
	[sflag:s22] =	ssyncadd.s32 $0xFFFFC000  }
0x55: {  	[tilespmem:s20], [sflag:$0x1] =	stream.indirect.gather [hbm4b:s1+s24], $0x80, s11, s24, $0xb8;
	[tilespmem:$0x1E800] =	vst v63  }
0x56: {  	_ =	swait.ge [sflag:s26], $0x4000  }
0x57: {  	[sflag:s26] =	ssyncset.done $0x0  }
0x58: {  	s12 =	simm.s32 $0x1480;
	[sflag:s26] =	ssyncadd.s32 $0xFFFFC000  }
0x59: {  	[spmem:s2] =	stream.indirect.scatter.add.f32 [tilespmem:s25], [sflag:$0x3], $0x80, s12, s24, $0xb8;
	[tilespmem:$0x1E800] =	vst v63  }
0x5a: {  	_ =	swait.ge [sflag:s22], $0x4000  }
0x5b: {  	s0 =	simm.s32 $0x100;
	s3 =	simm.s32 $0x800;
	[sflag:s22] =	ssyncset.done $0x0  }
.LBB2_4:
0x5c: {  	s10 =	sadd.s32 $0x80, s0  }
0x5d: {  	[sflag:s22] =	ssyncadd.s32 $0xFFFFC000;
	s11 =	smov.u32 s3;
	s12 =	sadd.s32 $0x400, s3  }
0x5e: {  	[tilespmem:s25], [sflag:$0x2] =	stream.indirect.gather [hbm4b:s1+s24], $0x80, s10, s24, $0xb8;
	[tilespmem:$0x1E800] =	vst v63  }
0x5f: {  	p0 =	sne.s32 s3, $0x4800;
	_ =	swait.ge [sflag:s21], $0x4000  }
0x60: {  	[sflag:s21] =	ssyncset.done $0x0  }
0x61: {  	s3 =	sadd.s32 $0x1400, s0;
	[sflag:s21] =	ssyncadd.s32 $0xFFFFC000  }
0x62: {  	[spmem:s2] =	stream.indirect.scatter.add.f32 [tilespmem:s20], [sflag:$0x3], $0x80, s3, s24, $0xb8;
	[tilespmem:$0x1E800] =	vst v63  }
0x63: {  	_ =	swait.ge [sflag:s22], $0x4000  }
0x64: {  	[sflag:s22] =	ssyncset.done $0x0  }
0x65: {  	s3 =	sadd.s32 $0x100, s0;
	[sflag:s22] =	ssyncadd.s32 $0xFFFFC000  }
0x66: {  	[tilespmem:s20], [sflag:$0x1] =	stream.indirect.gather [hbm4b:s1+s24], $0x80, s3, s24, $0xb8;
	[tilespmem:$0x1E800] =	vst v63  }
0x67: {  	_ =	swait.ge [sflag:s26], $0x4000  }
.Ltmp1:
0x68: {  	[sflag:s26] =	ssyncset.done $0x0;
	(pc) =	sbr.rel @p0 .LBB2_4-.Ltmp1, $4  }
0x69: {  	s0 =	sadd.s32 $0x1480, s0;
	[sflag:s26] =	ssyncadd.s32 $0xFFFFC000  }
0x6a: {  	[spmem:s2] =	stream.indirect.scatter.add.f32 [tilespmem:s25], [sflag:$0x3], $0x80, s0, s24, $0xb8;
	[tilespmem:$0x1E800] =	vst v63  }
0x6b: {  	_ =	swait.ge [sflag:s22], $0x4000  }
0x6c: {  	s3 =	smov.u32 s12;
	s0 =	sshra.s32 s11, $0x2;
	[sflag:s22] =	ssyncset.done $0x0  }
0x6d: {  	s3 =	sadd.s32 $0x80, s0;
	[sflag:s22] =	ssyncadd.s32 $0xFFFFC000  }
0x6e: {  	[tilespmem:s25], [sflag:$0x2] =	stream.indirect.gather [hbm4b:s1+s24], $0x80, s3, s24, $0xb8;
	[tilespmem:$0x1E800] =	vst v63  }
0x6f: {  	_ =	swait.ge [sflag:s21], $0x4000  }
0x70: {  	[sflag:s21] =	ssyncset.done $0x0  }
0x71: {  	s12 =	sadd.s32 $0x1400, s0;
	[sflag:s21] =	ssyncadd.s32 $0xFFFFC000  }
0x72: {  	[spmem:s2] =	stream.indirect.scatter.add.f32 [tilespmem:s20], [sflag:$0x3], $0x80, s12, s24, $0xb8;
	[tilespmem:$0x1E800] =	vst v63  }
0x73: {  	_ =	swait.ge [sflag:s22], $0x4000  }
0x74: {  	[sflag:s22] =	ssyncset.done $0x0  }
0x75: {  	s10 =	sadd.s32 $0x100, s0;
	[sflag:s22] =	ssyncadd.s32 $0xFFFFC000  }
0x76: {  	[tilespmem:s20], [sflag:$0x1] =	stream.indirect.gather [hbm4b:s1+s24], $0x80, s10, s24, $0xb8;
	[tilespmem:$0x1E800] =	vst v63  }
0x77: {  	_ =	swait.ge [sflag:s26], $0x4000  }
0x78: {  	[sflag:s26] =	ssyncset.done $0x0  }
0x79: {  	s11 =	sadd.s32 $0x1480, s0;
	[sflag:s26] =	ssyncadd.s32 $0xFFFFC000  }
0x7a: {  	[spmem:s2] =	stream.indirect.scatter.add.f32 [tilespmem:s25], [sflag:$0x3], $0x80, s11, s24, $0xb8;
	[tilespmem:$0x1E800] =	vst v63  }
0x7b: {  	_ =	swait.ge [sflag:s22], $0x4000  }
0x7c: {  	[sflag:s22] =	ssyncset.done $0x0  }
0x7d: {  	[sflag:s22] =	ssyncadd.s32 $0xFFFFC000  }
0x7e: {  	[tilespmem:s25], [sflag:$0x2] =	stream.indirect.gather [hbm4b:s1+s24], $0x80, s28, s24, $0xb8;
	[tilespmem:$0x1E800] =	vst v63  }
0x7f: {  	_ =	swait.ge [sflag:s21], $0x4000  }
0x80: {  	[sflag:s21] =	ssyncset.done $0x0  }
0x81: {  	[sflag:s21] =	ssyncadd.s32 $0xFFFFC000  }
0x82: {  	[spmem:s2] =	stream.indirect.scatter.add.f32 [tilespmem:s20], [sflag:$0x3], $0x80, s29, s24, $0xb8;
	[tilespmem:$0x1E800] =	vst v63  }
0x83: {  	_ =	swait.ge [sflag:s22], $0x4000  }
0x84: {  	[sflag:s22] =	ssyncset.done $0x0  }
0x85: {  	[sflag:s22] =	ssyncadd.s32 $0xFFFFC000  }
0x86: {  	_ =	swait.ge [sflag:s26], $0x4000  }
0x87: {  	[sflag:s26] =	ssyncset.done $0x0  }
0x88: {  	[sflag:s26] =	ssyncadd.s32 $0xFFFFC000  }
0x89: {  	[spmem:s2] =	stream.indirect.scatter.add.f32 [tilespmem:s25], [sflag:$0x3], $0x80, s30, s24, $0xb8;
	[tilespmem:$0x1E800] =	vst v63  }
0x8a: {  	_ =	swait.ge [sflag:s22], $0x4000  }
0x8b: {  	[sflag:s22] =	ssyncset.done $0x0  }
0x8c: {  	s12 =	simm.s32 $0x0;
	[sflag:s22] =	ssyncadd.s32 $0xFFFFC000  }
0x8d: {  	[tilespmem:s12], [sflag:$0x3] =	stream.linear.gather [hbm4b:s18+s12], $0x1400, $0x38;
	[tilespmem:$0x1E800] =	vst v63  }
0x8e: {  	_ =	swait.ge [sflag:s22], $0x1400  }
0x8f: {  	[sflag:s22] =	ssyncset.done $0x0  }
0x90: {  	[sflag:s22] =	ssyncadd.s32 $0xFFFFEC00  }
0x91: {  	[tilespmem:s23], [sflag:$0x3] =	stream.linear.gather [hbm4b:s19+s12], $0x1400, $0x38;
	[tilespmem:$0x1E800] =	vst v63  }
0x92: {  	_ =	swait.ge [sflag:s22], $0x1400  }
0x93: {  	[sflag:s22] =	ssyncset.done $0x0  }
0x94: {  	[sflag:s22] =	ssyncadd.s32 $0xFFFFEC00  }
0x95: {  	[tilespmem:s20], [sflag:$0x1] =	stream.indirect.gather [hbm4b:s1+s24], $0x80, s12, s24, $0xb8;
	[tilespmem:$0x1E800] =	vst v63  }
0x96: {  	s3 =	simm.s32 $0x80  }
0x97: {  	[tilespmem:s25], [sflag:$0x2] =	stream.indirect.gather [hbm4b:s1+s24], $0x80, s3, s24, $0xb8;
	[tilespmem:$0x1E800] =	vst v63  }
0x98: {  	_ =	swait.ge [sflag:s21], $0x4000  }
0x99: {  	[sflag:s21] =	ssyncset.done $0x0  }
0x9a: {  	s10 =	simm.s32 $0x1400;
	[sflag:s21] =	ssyncadd.s32 $0xFFFFC000  }
0x9b: {  	[spmem:s2] =	stream.indirect.scatter.add.f32 [tilespmem:s20], [sflag:$0x3], $0x80, s10, s24, $0xb8;
	[tilespmem:$0x1E800] =	vst v63  }
0x9c: {  	_ =	swait.ge [sflag:s22], $0x4000  }
0x9d: {  	[sflag:s22] =	ssyncset.done $0x0  }
0x9e: {  	s11 =	simm.s32 $0x100;
	[sflag:s22] =	ssyncadd.s32 $0xFFFFC000  }
0x9f: {  	[tilespmem:s20], [sflag:$0x1] =	stream.indirect.gather [hbm4b:s1+s24], $0x80, s11, s24, $0xb8;
	[tilespmem:$0x1E800] =	vst v63  }
0xa0: {  	_ =	swait.ge [sflag:s26], $0x4000  }
0xa1: {  	[sflag:s26] =	ssyncset.done $0x0  }
0xa2: {  	s12 =	simm.s32 $0x1480;
	[sflag:s26] =	ssyncadd.s32 $0xFFFFC000  }
0xa3: {  	[spmem:s2] =	stream.indirect.scatter.add.f32 [tilespmem:s25], [sflag:$0x3], $0x80, s12, s24, $0xb8;
	[tilespmem:$0x1E800] =	vst v63  }
0xa4: {  	_ =	swait.ge [sflag:s22], $0x4000  }
0xa5: {  	s0 =	simm.s32 $0x100;
	s3 =	simm.s32 $0x800;
	[sflag:s22] =	ssyncset.done $0x0  }
.LBB2_6:
0xa6: {  	s10 =	sadd.s32 $0x80, s0  }
0xa7: {  	[sflag:s22] =	ssyncadd.s32 $0xFFFFC000;
	s11 =	smov.u32 s3;
	s12 =	sadd.s32 $0x400, s3  }
0xa8: {  	[tilespmem:s25], [sflag:$0x2] =	stream.indirect.gather [hbm4b:s1+s24], $0x80, s10, s24, $0xb8;
	[tilespmem:$0x1E800] =	vst v63  }
0xa9: {  	p0 =	sne.s32 s3, $0x4800;
	_ =	swait.ge [sflag:s21], $0x4000  }
0xaa: {  	[sflag:s21] =	ssyncset.done $0x0  }
0xab: {  	s3 =	sadd.s32 $0x1400, s0;
	[sflag:s21] =	ssyncadd.s32 $0xFFFFC000  }
0xac: {  	[spmem:s2] =	stream.indirect.scatter.add.f32 [tilespmem:s20], [sflag:$0x3], $0x80, s3, s24, $0xb8;
	[tilespmem:$0x1E800] =	vst v63  }
0xad: {  	_ =	swait.ge [sflag:s22], $0x4000  }
0xae: {  	[sflag:s22] =	ssyncset.done $0x0  }
0xaf: {  	s3 =	sadd.s32 $0x100, s0;
	[sflag:s22] =	ssyncadd.s32 $0xFFFFC000  }
0xb0: {  	[tilespmem:s20], [sflag:$0x1] =	stream.indirect.gather [hbm4b:s1+s24], $0x80, s3, s24, $0xb8;
	[tilespmem:$0x1E800] =	vst v63  }
0xb1: {  	_ =	swait.ge [sflag:s26], $0x4000  }
.Ltmp2:
0xb2: {  	[sflag:s26] =	ssyncset.done $0x0;
	(pc) =	sbr.rel @p0 .LBB2_6-.Ltmp2, $4  }
0xb3: {  	s0 =	sadd.s32 $0x1480, s0;
	[sflag:s26] =	ssyncadd.s32 $0xFFFFC000  }
0xb4: {  	[spmem:s2] =	stream.indirect.scatter.add.f32 [tilespmem:s25], [sflag:$0x3], $0x80, s0, s24, $0xb8;
	[tilespmem:$0x1E800] =	vst v63  }
0xb5: {  	_ =	swait.ge [sflag:s22], $0x4000  }
0xb6: {  	s3 =	smov.u32 s12;
	s0 =	sshra.s32 s11, $0x2;
	[sflag:s22] =	ssyncset.done $0x0  }
0xb7: {  	s3 =	sadd.s32 $0x80, s0;
	[sflag:s22] =	ssyncadd.s32 $0xFFFFC000  }
0xb8: {  	[tilespmem:s25], [sflag:$0x2] =	stream.indirect.gather [hbm4b:s1+s24], $0x80, s3, s24, $0xb8;
	[tilespmem:$0x1E800] =	vst v63  }
0xb9: {  	_ =	swait.ge [sflag:s21], $0x4000  }
0xba: {  	[sflag:s21] =	ssyncset.done $0x0  }
0xbb: {  	s11 =	sadd.s32 $0x1400, s0;
	[sflag:s21] =	ssyncadd.s32 $0xFFFFC000  }
0xbc: {  	[spmem:s2] =	stream.indirect.scatter.add.f32 [tilespmem:s20], [sflag:$0x3], $0x80, s11, s24, $0xb8;
	[tilespmem:$0x1E800] =	vst v63  }
0xbd: {  	_ =	swait.ge [sflag:s22], $0x4000  }
0xbe: {  	[sflag:s22] =	ssyncset.done $0x0  }
0xbf: {  	s12 =	sadd.s32 $0x100, s0;
	[sflag:s22] =	ssyncadd.s32 $0xFFFFC000  }
0xc0: {  	[tilespmem:s20], [sflag:$0x1] =	stream.indirect.gather [hbm4b:s1+s24], $0x80, s12, s24, $0xb8;
	[tilespmem:$0x1E800] =	vst v63  }
0xc1: {  	_ =	swait.ge [sflag:s26], $0x4000  }
0xc2: {  	[sflag:s26] =	ssyncset.done $0x0  }
0xc3: {  	s3 =	sadd.s32 $0x1480, s0;
	[sflag:s26] =	ssyncadd.s32 $0xFFFFC000  }
0xc4: {  	[spmem:s2] =	stream.indirect.scatter.add.f32 [tilespmem:s25], [sflag:$0x3], $0x80, s3, s24, $0xb8;
	[tilespmem:$0x1E800] =	vst v63  }
0xc5: {  	_ =	swait.ge [sflag:s22], $0x4000  }
0xc6: {  	[sflag:s22] =	ssyncset.done $0x0  }
0xc7: {  	[sflag:s22] =	ssyncadd.s32 $0xFFFFC000  }
0xc8: {  	[tilespmem:s25], [sflag:$0x2] =	stream.indirect.gather [hbm4b:s1+s24], $0x80, s28, s24, $0xb8;
	[tilespmem:$0x1E800] =	vst v63  }
0xc9: {  	_ =	swait.ge [sflag:s21], $0x4000  }
0xca: {  	[sflag:s21] =	ssyncset.done $0x0  }
0xcb: {  	[sflag:s21] =	ssyncadd.s32 $0xFFFFC000  }
0xcc: {  	[spmem:s2] =	stream.indirect.scatter.add.f32 [tilespmem:s20], [sflag:$0x3], $0x80, s29, s24, $0xb8;
	[tilespmem:$0x1E800] =	vst v63  }
0xcd: {  	_ =	swait.ge [sflag:s22], $0x4000  }
0xce: {  	[sflag:s22] =	ssyncset.done $0x0  }
0xcf: {  	[sflag:s22] =	ssyncadd.s32 $0xFFFFC000  }
0xd0: {  	_ =	swait.ge [sflag:s26], $0x4000  }
0xd1: {  	[sflag:s26] =	ssyncset.done $0x0  }
0xd2: {  	[sflag:s26] =	ssyncadd.s32 $0xFFFFC000  }
0xd3: {  	[spmem:s2] =	stream.indirect.scatter.add.f32 [tilespmem:s25], [sflag:$0x3], $0x80, s30, s24, $0xb8;
	[tilespmem:$0x1E800] =	vst v63  }
0xd4: {  	_ =	swait.ge [sflag:s22], $0x4000  }
0xd5: {  	[sflag:s22] =	ssyncset.done $0x0  }
0xd6: {  	[sflag:s22] =	ssyncadd.s32 $0xFFFFC000  }
0xd7: {  	[bflag:$0x0] =	sbarrier.arrive $0xFFFF  }
0xd8: {  	[tilespmem:s20], [sflag:$0x3] =	stream.linear.gather [spmem:s5], $0x4000, $0x38;
	[tilespmem:$0x1E800] =	vst v63  }
0xd9: {  	_ =	swait.ge [sflag:s22], $0x4000  }
0xda: {  	[sflag:s22] =	ssyncset.done $0x0  }
0xdb: {  	s10 =	rddreg [dreg:$0x4];
	[sflag:s22] =	ssyncadd.s32 $0xFFFFC000  }
0xdc: {  	[hbm4b:s10+s4] =	stream.linear.scatter [tilespmem:s20], [sflag:$0x1], $0x4000, $0x38;
	[tilespmem:$0x1E800] =	vst v63  }
0xdd: {  	_ = 	snop  }
0xde: {  	[tilespmem:s25], [sflag:$0x3] =	stream.linear.gather [spmem:s6], $0x4000, $0x38;
	[tilespmem:$0x1E800] =	vst v63  }
0xdf: {  	_ =	swait.ge [sflag:s22], $0x4000  }
0xe0: {  	[sflag:s22] =	ssyncset.done $0x0  }
0xe1: {  	s11 =	rddreg [dreg:$0x5];
	[sflag:s22] =	ssyncadd.s32 $0xFFFFC000  }
0xe2: {  	[hbm4b:s11+s4] =	stream.linear.scatter [tilespmem:s25], [sflag:$0x2], $0x4000, $0x38;
	[tilespmem:$0x1E800] =	vst v63  }
0xe3: {  	_ =	swait.ge [sflag:s21], $0x4000  }
0xe4: {  	[sflag:s21] =	ssyncset.done $0x0  }
0xe5: {  	[sflag:s21] =	ssyncadd.s32 $0xFFFFC000  }
0xe6: {  	[tilespmem:s20], [sflag:$0x3] =	stream.linear.gather [spmem:s7], $0x4000, $0x38;
	[tilespmem:$0x1E800] =	vst v63  }
0xe7: {  	_ =	swait.ge [sflag:s22], $0x4000  }
0xe8: {  	[sflag:s22] =	ssyncset.done $0x0  }
0xe9: {  	s12 =	rddreg [dreg:$0x6];
	[sflag:s22] =	ssyncadd.s32 $0xFFFFC000  }
0xea: {  	[hbm4b:s12+s4] =	stream.linear.scatter [tilespmem:s20], [sflag:$0x1], $0x4000, $0x38;
	[tilespmem:$0x1E800] =	vst v63  }
0xeb: {  	_ =	swait.ge [sflag:s26], $0x4000  }
0xec: {  	[sflag:s26] =	ssyncset.done $0x0  }
0xed: {  	[sflag:s26] =	ssyncadd.s32 $0xFFFFC000  }
0xee: {  	[tilespmem:s25], [sflag:$0x3] =	stream.linear.gather [spmem:s8], $0x4000, $0x38;
	[tilespmem:$0x1E800] =	vst v63  }
0xef: {  	_ =	swait.ge [sflag:s22], $0x4000  }
0xf0: {  	[sflag:s22] =	ssyncset.done $0x0  }
0xf1: {  	[sflag:s22] =	ssyncadd.s32 $0xFFFFC000  }
0xf2: {  	[hbm4b:s13+s4] =	stream.linear.scatter [tilespmem:s25], [sflag:$0x2], $0x4000, $0x38;
	[tilespmem:$0x1E800] =	vst v63  }
0xf3: {  	_ =	swait.ge [sflag:s21], $0x4000  }
0xf4: {  	[sflag:s21] =	ssyncset.done $0x0  }
0xf5: {  	[sflag:s21] =	ssyncadd.s32 $0xFFFFC000  }
0xf6: {  	[tilespmem:s20], [sflag:$0x3] =	stream.linear.gather [spmem:s9], $0x4000, $0x38;
	[tilespmem:$0x1E800] =	vst v63  }
0xf7: {  	_ =	swait.ge [sflag:s22], $0x4000  }
0xf8: {  	[sflag:s22] =	ssyncset.done $0x0  }
0xf9: {  	s31 =	sadd.s32 $0x1, s31;
	[sflag:s22] =	ssyncadd.s32 $0xFFFFC000  }
0xfa: {  	[hbm4b:s14+s4] =	stream.linear.scatter [tilespmem:s20], [sflag:$0x1], $0x4000, $0x38;
	[tilespmem:$0x1E800] =	vst v63  }
0xfb: {  	p0 =	sne.s32 s31, s15;
	_ =	swait.ge [sflag:s26], $0x4000  }
.Ltmp3:
0xfc: {  	[sflag:s26] =	ssyncset.done $0x0;
	(pc) =	sbr.rel @p0 .LBB2_1-.Ltmp3, $4  }
0xfd: {  	[sflag:s26] =	ssyncadd.s32 $0xFFFFC000  }
0xfe: {  	_ =	swait.ge [sflag:s21], $0x4000  }
0xff: {  	[sflag:s21] =	ssyncset.done $0x0  }
0x100: {  	[sflag:s21] =	ssyncadd.s32 $0xFFFFC000  }
0x101: {  	_ =	sfence.sel $0x180000  }
0x102: {  	[bflag:$0x0] =	sbarrier.arrive $0xFFFF  }
0x103: {  	_ =	strace $0x9000004A  }
0x104: {  	s0 =	stileid.u32;
	[bflag:$0x2] =	sbarrier.arrive $0xFFFF  }
0x105: {  	p0 =	sne.s32 s0, $0x0;
	s0 =	rddreg [dreg:$0x3]  }
0x106: {  	s0 =	sadd.s32 @!p0 $0x100000, s0  }
0x107: {  	[sflag:s0] =	ssyncadd.tile.s32 @!p0 $0x1;
	_ =	shalt  }
.Lfunc_end2:
_tile_overlayer_lowered:
.L_overlay_start_2:
0x108: {  	(tag) =	ssettag $0x2  }
0x109: {  	s0 =	rddreg [dreg:$0x0];
	s2 =	stileid.u32  }
0x10a: {  	s1 =	rddreg [dreg:$0x1];
	p0 =	sne.s32 s2, $0x0  }
0x10b: {  	s3 =	rddreg [dreg:$0x2];
	[bflag:$0x3] =	sbarrier.arrive $0xFFFF;
	s2 =	simm.s32 @!p0 $0x1C03  }
0x10c: {  	[timem:s3], [sflag:s2] =	dma.local @!p0 [hbm:s0], s1  }
0x10d: {  	s0 =	simm.s32 @!p0 $0x3  }
0x10e: {  	_ =	swait.ge @!p0 [sflag:s0], s1  }
0x10f: {  	s1 =	ssub.s32 @!p0 $0x0, s1;
	[sflag:s0] =	ssyncset.done @!p0 $0x0  }
0x110: {  	[sflag:s0] =	ssyncadd.s32 @!p0 s1  }
0x111: {  	[bflag:$0x3] =	sbarrier.arrive $0xFFFF  }
0x112: {  	_ =	shalt  }

// kernel: kernel.16.cloned.1.call-start
scs
__scs_entry_jumppad:
0x0: {  	(pc) =	sbr.rel $0x88, $3  }
0x1: {  	(tag) =	ssettag $0x0;
	lr =	simm.s32 $0x1  }
0x2: {  	[smem:$0x3F93] =	sst lr;
	_ =	strace $0xD0000000  }
0x3: {  	_ = 	snop  }
0x4: {  	_ = 	snop  }
0x5: {  	_ = 	snop  }
0x6: {  	_ = 	snop  }
0x7: {  	_ = 	snop  }
__scs_overlays_trampoline_lowered:
0x8: {  	[smem:$0x3FA2] =	sst s0  }
0x9: {  	[smem:$0x3FA3] =	sst s1  }
0xa: {  	[smem:$0x3FA4] =	sst s2  }
0xb: {  	[smem:$0x3FA5] =	sst s3  }
0xc: {  	[smem:$0x3FA6] =	sst s4  }
0xd: {  	[smem:$0x3FA7] =	sst s5  }
0xe: {  	[smem:$0x3FA8] =	sst s6  }
0xf: {  	[smem:$0x3FA9] =	sst s7  }
0x10: {  	[smem:$0x3FAA] =	sst s8  }
0x11: {  	[smem:$0x3FAB] =	sst s9;
	s0 =	simm.s32 @!p0 $0x0  }
0x12: {  	s1 =	sld [smem:$0x3F91];
	s0 =	simm.s32 @p0 $0x1  }
0x13: {  	[smem:$0x3FAC] =	sst s0;
	s0 =	simm.s32 @!p1 $0x0  }
0x14: {  	s2 =	sld [smem:$0x3F90];
	s0 =	simm.s32 @p1 $0x1  }
0x15: {  	[smem:$0x3FAD] =	sst s0;
	s0 =	simm.s32 @!p2 $0x0  }
0x16: {  	s3 =	sld [smem:$0x3FDB];
	s0 =	simm.s32 @p2 $0x1  }
0x17: {  	s4 =	simm.s32 $0x1BF5;
	[smem:$0x3FAF] =	sst s0  }
0x18: {  	s0 =	sld [smem:$0x3F92];
	_ =	swait.ge [sflag:s4], $0x0  }
0x19: {  	s7 =	sld [smem:$0x3F93]  }
0x1a: {  	s8 =	sadd.s32 $0xFFFFE003, lr  }
0x1b: {  	s9 =	sadd.s32 $0xFFFFFEF7, lr;
	s5 =	simm.s32 $0xFFFFFFFF;
	p2 =	slt.u32 s8, $0xFFFFF086  }
0x1c: {  	p1 =	slt.u32 s9, $0xF7A;
	s5 =	simm.s32 @!p2 $0x0  }
0x1d: {  	s5 =	simm.s32 @p1 $0x1;
	p0 =	seq.s32 s7, s2  }
0x1e: {  	s7 =	smul.u32 @!p0 $0xF7A, s2;
	p2 =	seq.s32 @!p0 s5, $0x0  }
0x1f: {  	s9 =	smul.u32 $0xF7A, s1;
	s8 =	simm.s32 @!p0 $0x1BF5;
	p2 =	por !p2, p0  }
0x20: {  	[sflag:s8] =	ssyncset.s32 @!p0 $0xFFFFF086;
	s6 =	sadd.s32 @!p0 s3, s7;
	s7 =	simm.s32 @!p0 $0x108  }
0x21: {  	s3 =	sadd.s32 s3, s9;
	s6 =	sadd.s32 @!p0 $0x88, s6;
	s7 =	simm.s32 @p2 $0x1082  }
0x22: {  	[simem:s7], [sflag:s8] =	dma.local @!p0 [hbm:s6], $0xF7A  }
0x23: {  	s9 =	sor.u32 $0xD0000000, s2;
	s6 =	simm.s32 $0x108;
	_ =	swait.ge @!p0 [sflag:s8], $0x0  }
0x24: {  	s3 =	sadd.s32 $0x88, s3;
	s6 =	simm.s32 @!p1 $0x1082;
	[sflag:s4] =	ssyncset.s32 $0xFFFFF086  }
0x25: {  	[simem:s6], [sflag:s4] =	dma.local [hbm:s3], $0xF7A  }
0x26: {  	[smem:$0x3F93] =	sst s1;
	(tag) =	ssettag s2;
	_ =	strace s9  }
0x27: {  	s1 =	sld [smem:$0x3FA3]  }
0x28: {  	s2 =	sld [smem:$0x3FA4]  }
0x29: {  	s4 =	sld [smem:$0x3FA6]  }
0x2a: {  	p0 =	seq.s32 s5, $0x0;
	s5 =	sld [smem:$0x3FA7]  }
0x2b: {  	s6 =	sld [smem:$0x3FA8]  }
0x2c: {  	s7 =	sld [smem:$0x3FA9]  }
0x2d: {  	s3 =	simm.s32 $0x108;
	s8 =	sld [smem:$0x3FAA]  }
0x2e: {  	s3 =	simm.s32 @!p0 $0x1082;
	s9 =	sld [smem:$0x3FAB]  }
0x2f: {  	lr =	sadd.s32 s0, s3;
	s0 =	sld [smem:$0x3FA2]  }
0x30: {  	s3 =	sld [smem:$0x3FA5]  }
0x31: {  	[smem:$0x3FAE] =	sst s10  }
0x32: {  	s10 =	sld [smem:$0x3FAC];
	_ =	sdelay $0x3  }
0x33: {  	p0 =	seq.s32 s10, $0x1;
	s10 =	sld [smem:$0x3FAE];
	_ =	sdelay $0x3  }
0x34: {  	[smem:$0x3FAE] =	sst s10  }
0x35: {  	s10 =	sld [smem:$0x3FAD];
	_ =	sdelay $0x3  }
0x36: {  	p1 =	seq.s32 s10, $0x1;
	s10 =	sld [smem:$0x3FAE];
	_ =	sdelay $0x3  }
0x37: {  	[smem:$0x3FAE] =	sst s10  }
0x38: {  	s10 =	sld [smem:$0x3FAF]  }
0x39: {  	_ = 	snop;
	(pc) =	sbr.ind lr, $3  }
0x3a: {  	_ = 	snop  }
0x3b: {  	_ = 	snop  }
0x3c: {  	p2 =	seq.s32 s10, $0x1;
	s10 =	sld [smem:$0x3FAE]  }
0x3d: {  	_ =	shalt  }
0x3e: {  	_ =	shalt  }
0x3f: {  	_ =	shalt  }
0x40: {  	_ =	shalt  }
0x41: {  	_ =	shalt  }
0x42: {  	_ =	shalt  }
0x43: {  	_ =	shalt  }
0x44: {  	_ =	shalt  }
0x45: {  	_ =	shalt  }
0x46: {  	_ =	shalt  }
0x47: {  	_ =	shalt  }
0x48: {  	_ =	shalt  }
0x49: {  	_ =	shalt  }
0x4a: {  	_ =	shalt  }
0x4b: {  	_ =	shalt  }
0x4c: {  	_ =	shalt  }
0x4d: {  	_ =	shalt  }
0x4e: {  	_ =	shalt  }
0x4f: {  	_ =	shalt  }
0x50: {  	_ =	shalt  }
0x51: {  	_ =	shalt  }
0x52: {  	_ =	shalt  }
0x53: {  	_ =	shalt  }
0x54: {  	_ =	shalt  }
0x55: {  	_ =	shalt  }
0x56: {  	_ =	shalt  }
0x57: {  	_ =	shalt  }
0x58: {  	_ =	shalt  }
0x59: {  	_ =	shalt  }
0x5a: {  	_ =	shalt  }
0x5b: {  	_ =	shalt  }
0x5c: {  	_ =	shalt  }
0x5d: {  	_ =	shalt  }
0x5e: {  	_ =	shalt  }
0x5f: {  	_ =	shalt  }
0x60: {  	_ =	shalt  }
0x61: {  	_ =	shalt  }
0x62: {  	_ =	shalt  }
0x63: {  	_ =	shalt  }
0x64: {  	_ =	shalt  }
0x65: {  	_ =	shalt  }
0x66: {  	_ =	shalt  }
0x67: {  	_ =	shalt  }
0x68: {  	_ =	shalt  }
0x69: {  	_ =	shalt  }
0x6a: {  	_ =	shalt  }
0x6b: {  	_ =	shalt  }
0x6c: {  	_ =	shalt  }
0x6d: {  	_ =	shalt  }
0x6e: {  	_ =	shalt  }
0x6f: {  	_ =	shalt  }
0x70: {  	_ =	shalt  }
0x71: {  	_ =	shalt  }
0x72: {  	_ =	shalt  }
0x73: {  	_ =	shalt  }
0x74: {  	_ =	shalt  }
0x75: {  	_ =	shalt  }
0x76: {  	_ =	shalt  }
0x77: {  	_ =	shalt  }
0x78: {  	_ =	shalt  }
0x79: {  	_ =	shalt  }
0x7a: {  	_ =	shalt  }
0x7b: {  	_ =	shalt  }
0x7c: {  	_ =	shalt  }
0x7d: {  	_ =	shalt  }
0x7e: {  	_ =	shalt  }
0x7f: {  	_ =	shalt  }
0x80: {  	_ =	shalt  }
0x81: {  	_ =	shalt  }
0x82: {  	_ =	shalt  }
0x83: {  	_ =	shalt  }
0x84: {  	_ =	shalt  }
0x85: {  	_ =	shalt  }
0x86: {  	_ =	shalt  }
0x87: {  	_ =	shalt  }
.Lfunc_end0:
.L_simem_size_0:
called_computation.2_lowered:
.L_overlay_start_0:
0x88: {  	s2 =	sld [smem:$0x3FD9]  }
0x89: {  	s3 =	sld [smem:$0x3FFE];
	_ =	sdelay $0x1  }
0x8a: {  	s1 =	srdreg.scid  }
0x8b: {  	s0 =	sand.u32 $0x1, s1  }
0x8c: {  	s17 =	sshll.u32 s0, $0xA;
	s2 =	sadd.s32 s3, s2  }
0x8d: {  	s2 =	sadd.s32 s2, s17  }
0x8e: {  	[smem:$0x3FBA] =	sst s2  }
0x8f: {  	_ = 	snop  }
0x90: {  	s2 =	sld [smem:$0x3FD0];
	(tm) =	ssettm $0x1  }
0x91: {  	s18 =	sld [smem:$0x3FFB];
	_ =	sdelay $0x3  }
0x92: {  	_ =	strace s18  }
0x93: {  	s3 =	sld [smem:$0x3FFC];
	_ =	sdelay $0x3  }
0x94: {  	_ =	strace s3  }
0x95: {  	s3 =	sld [smem:$0x3FFD];
	_ =	sdelay $0x3  }
0x96: {  	_ =	strace s3  }
0x97: {  	_ =	strace $0x8FFFFFFF  }
0x98: {  	s19 =	sld [smem:$0x3FDB];
	_ =	sdelay $0x1  }
0x99: {  	s4 =	simm.s32 $_scs_section_size  }
0x9a: {  	s5 =	simm.s32 $_size__tile_overlayer_lowered;
	s6 =	simm.s32 $_tile_overlayer_lowered  }
0x9b: {  	s22 =	simm.s32 $0x1BFF;
	s21 =	sshll.u32 s6, $0x1;
	s3 =	sadd.s32 s4, s19  }
0x9c: {  	s7 =	simm.s32 $0x0;
	s20 =	sshll.u32 s5, $0x1;
	s5 =	sadd.s32 s21, s3  }
0x9d: {  	[timem:s7], [sflag:s22] =	dma.local [hbm:s5], s20  }
0x9e: {  	_ =	swait.ge [sflag:s22], s20  }
0x9f: {  	s4 =	ssub.s32 $0x0, s20;
	[sflag:s22] =	ssyncset.done $0x0  }
0xa0: {  	[sflag:s22] =	ssyncadd.s32 s4;
	_ =	sdelay $0x1  }
0xa1: {  	s23 =	simm.s32 $0x1B8B  }
0xa2: {  	_ =	swait.ge [sflag:s23], $0x1  }
0xa3: {  	[sflag:s23] =	ssyncset.done $0x0  }
0xa4: {  	s25 =	simm.s32 $0x1B8E;
	s24 =	sld [smem:$0x3FFE];
	[sflag:s23] =	ssyncadd.s32 $0xFFFFFFFF  }
0xa5: {  	s26 =	simm.s32 $execute0_lowered;
	[smem:$0x3FD2] =	sst s25  }
0xa6: {  	s5 =	sshll.u32 s26, $0x1;
	_ =	strace $0x8000004C;
	[dreg:$0x1] =	wrdreg $0xFFFFFFFF  }
0xa7: {  	s28 =	simm.s32 $_size_execute0_lowered;
	s3 =	sadd.s32 s3, s5;
	[dreg:$0x0] =	wrdreg $0x0  }
0xa8: {  	s5 =	sshll.u32 s28, $0x1;
	[dreg:$0x2] =	wrdreg s3  }
0xa9: {  	[dreg:$0x3] =	wrdreg s5  }
0xaa: {  	[dreg:$0x4] =	wrdreg $0xC0  }
0xab: {  	_ =	task [dreg:s7], $0x5FFFF  }
0xac: {  	[dreg:$0x1] =	wrdreg $0xFFFFFFFF  }
0xad: {  	[dreg:$0x0] =	wrdreg $0x60  }
0xae: {  	[dreg:$0x2] =	wrdreg s2  }
0xaf: {  	[dreg:$0x3] =	wrdreg s24  }
0xb0: {  	[dreg:$0x4] =	wrdreg $0xA8000  }
0xb1: {  	[dreg:$0x5] =	wrdreg $0x9  }
0xb2: {  	_ =	task.clear_ibuf [dreg:s7], $0x6FFFF;
	_ =	strace $0x9000004C  }
0xb3: {  	s29 =	simm.s32 $0x9;
	_ =	strace $0x8000004E  }
0xb4: {  	_ =	swait.ge [sflag:s29], $0x1  }
0xb5: {  	[sflag:s29] =	ssyncadd.s32 $0xFFFFFFFF  }
0xb6: {  	_ =	strace $0x9000004E  }
0xb7: {  	_ =	sfence  }
0xb8: {  	s30 =	sld [smem:$0x0];
	_ =	sdelay $0x2  }
0xb9: {  	s31 =	sshll.u32 s1, $0xD;
	s1 =	sshrl.u32 s1, $0x2  }
0xba: {  	s3 =	sand.u32 $0x4000, s31;
	s1 =	sadd.s32 s1, s30  }
0xbb: {  	s0 =	sor.u32 s3, s0;
	s1 =	sshll.u32 s1, $0x11  }
0xbc: {  	s0 =	sor.u32 s1, s0  }
0xbd: {  	s0 =	sadd.s32 $0x8F2B, s0  }
0xbe: {  	[sflag:s0] =	ssyncadd.remote.s32 $0x1  }
0xbf: {  	_ =	sfence.sel $0xFFFF  }
0xc0: {  	[dreg:$0x0] =	wrdreg $0xFFFFFFFF;
	(pc) =	sbr.abs _section_cstart, $3  }
0xc1: {  	[dreg:$0x1] =	wrdreg $0xFFFFFFFF  }
0xc2: {  	_ =	task.clear_ibuf [dreg:s7], $0x2FFFF;
	_ =	strace $0x9FFFFFFF  }
0xc3: {  	(tm) =	ssettm $0x7FFFFFFF  }
tec
execute0_lowered:
.L_overlay_start_1:
0x0: {  	(tag) =	ssettag $0x1  }
0x1: {  	s1 =	rddreg [dreg:$0x0]  }
0x2: {  	s0 =	rddreg [dreg:$0x1]  }
0x3: {  	s2 =	rddreg [dreg:$0x2];
	s4 =	simm.s32 $0x0  }
0x4: {  	s3 =	srdreg.scid;
	s9 =	stileid.u32;
	s20 =	simm.s32 $0x2800  }
0x5: {  	s21 =	simm.s32 $0x1;
	s22 =	simm.s32 $0x3;
	s23 =	simm.s32 $0x1400  }
0x6: {  	s28 =	simm.s32 $0x1380;
	s29 =	simm.s32 $0x2700;
	s30 =	simm.s32 $0x2780  }
0x7: {  	s31 =	simm.s32 $0x0;
	[smem:$0x7FF] =	sst s4;
	s5 =	smul.u32 $0x50000, s9  }
0x8: {  	s3 =	sand.u32 $0x1, s3;
	s18 =	sadd.s32 $0xEE00, s0;
	s10 =	smul.u32 $0x14000, s9  }
0x9: {  	s19 =	sadd.s32 $0x4E00, s0;
	s0 =	sadd.s32 $0x40000, s0;
	s17 =	sshll.u32 s9, $0x1  }
0xa: {  	_ =	strace $0x8000004D;
	s6 =	ssub.s32 $0x2, s3;
	s14 =	smul.u32 $0x140000, s3  }
0xb: {  	s3 =	sor.u32 s3, s17;
	s7 =	sshrl.u32 s6, $0x1;
	s5 =	sshrl.u32 s5, $0x2  }
0xc: {  	s11 =	sadd.s32 $0x4000, s10;
	s12 =	sadd.s32 $0x8000, s10;
	s13 =	sadd.s32 $0xC000, s10  }
0xd: {  	s16 =	sadd.s32 $0x10000, s10;
	s3 =	smul.u32 $0x2800, s3;
	s15 =	ssub.s32 s6, s7  }
0xe: {  	s5 =	sadd.s32 s5, s2;
	s6 =	sadd.s32 s11, s2;
	s7 =	sadd.s32 s12, s2  }
0xf: {  	s8 =	sadd.s32 s13, s2;
	s9 =	sadd.s32 s16, s2;
	s10 =	sadd.s32 s10, s14  }
0x10: {  	s11 =	sadd.s32 s14, s11;
	s12 =	sadd.s32 s14, s12;
	s13 =	sadd.s32 s14, s13  }
0x11: {  	s14 =	sadd.s32 s14, s16;
	s10 =	sshrl.u32 s10, $0x3;
	s11 =	sshrl.u32 s11, $0x3  }
0x12: {  	s12 =	sshrl.u32 s12, $0x3;
	s13 =	sshrl.u32 s13, $0x3;
	s14 =	sshrl.u32 s14, $0x3  }
0x13: {  	s3 =	sshrl.u32 s3, $0x3;
	s15 =	smax.u32 s15, $0x1;
	s10 =	sadd.s32 s0, s10  }
0x14: {  	s24 =	sadd.s32 s0, s11;
	s25 =	sadd.s32 s0, s12;
	s13 =	sadd.s32 s0, s13  }
0x15: {  	s14 =	sadd.s32 s0, s14;
	s26 =	sadd.s32 $0x280, s3;
	[dreg:$0x4] =	wrdreg s10  }
0x16: {  	s16 =	sadd.s32 s18, s3;
	s17 =	sadd.s32 s19, s3;
	[dreg:$0x5] =	wrdreg s24  }
0x17: {  	[dreg:$0x6] =	wrdreg s25;
	s18 =	sadd.s32 s18, s26;
	s19 =	sadd.s32 s19, s26  }
0x18: {  	v0 =	vimm.f32 $0.0e+00;
	s24 =	simm.s32 $0x80;
	s25 =	simm.s32 $0x6800;
	s26 =	simm.s32 $0x2  }
.LBB2_1:
0x19: {  	s0 =	simm.s32 $0x0;
	s3 =	simm.s32 $0x200  }
.LBB2_2:
0x1a: {  	p0 =	sne.s32 s3, $0xFE00;
	[tilespmem:s0+$0x2870] =	vst v0  }
0x1b: {  	[tilespmem:s0+$0x2800] =	vst v0  }
0x1c: {  	[tilespmem:s0+$0x2810] =	vst v0  }
.Ltmp0:
0x1d: {  	[tilespmem:s0+$0x2820] =	vst v0;
	(pc) =	sbr.rel @p0 .LBB2_2-.Ltmp0, $4  }
0x1e: {  	[tilespmem:s0+$0x2830] =	vst v0  }
0x1f: {  	[tilespmem:s0+$0x2840] =	vst v0  }
0x20: {  	[tilespmem:s0+$0x2850] =	vst v0  }
0x21: {  	[tilespmem:s0+$0x2860] =	vst v0;
	s0 =	sshra.s32 s3, $0x2;
	s3 =	sadd.s32 $0x200, s3  }
0x22: {  	[tilespmem:s0+$0x2870] =	vst v0  }
0x23: {  	[tilespmem:s0+$0x2800] =	vst v0  }
0x24: {  	[tilespmem:s0+$0x2810] =	vst v0  }
0x25: {  	[tilespmem:s0+$0x2820] =	vst v0  }
0x26: {  	[tilespmem:s0+$0x2830] =	vst v0  }
0x27: {  	[tilespmem:s0+$0x2840] =	vst v0  }
0x28: {  	[tilespmem:s0+$0x2850] =	vst v0  }
0x29: {  	[tilespmem:s0+$0x2860] =	vst v0  }
0x2a: {  	[spmem:s5] =	stream.linear.scatter [tilespmem:s20], [sflag:$0x1], $0x4000, $0x38;
	[tilespmem:$0x1E800] =	vst v63  }
0x2b: {  	_ = 	snop  }
0x2c: {  	[spmem:s6] =	stream.linear.scatter [tilespmem:s20], [sflag:$0x1], $0x4000, $0x38;
	[tilespmem:$0x1E800] =	vst v63  }
0x2d: {  	_ = 	snop  }
0x2e: {  	[spmem:s7] =	stream.linear.scatter [tilespmem:s20], [sflag:$0x1], $0x4000, $0x38;
	[tilespmem:$0x1E800] =	vst v63  }
0x2f: {  	_ = 	snop  }
0x30: {  	[spmem:s8] =	stream.linear.scatter [tilespmem:s20], [sflag:$0x1], $0x4000, $0x38;
	[tilespmem:$0x1E800] =	vst v63  }
0x31: {  	_ = 	snop  }
0x32: {  	[spmem:s9] =	stream.linear.scatter [tilespmem:s20], [sflag:$0x1], $0x4000, $0x38;
	[tilespmem:$0x1E800] =	vst v63  }
0x33: {  	_ =	swait.ge [sflag:s21], $0x4000  }
0x34: {  	[sflag:s21] =	ssyncset.done $0x0  }
0x35: {  	[sflag:s21] =	ssyncadd.s32 $0xFFFFC000  }
0x36: {  	_ =	swait.ge [sflag:s21], $0x4000  }
0x37: {  	[sflag:s21] =	ssyncset.done $0x0  }
0x38: {  	[sflag:s21] =	ssyncadd.s32 $0xFFFFC000  }
0x39: {  	_ =	swait.ge [sflag:s21], $0x4000  }
0x3a: {  	[sflag:s21] =	ssyncset.done $0x0  }
0x3b: {  	[sflag:s21] =	ssyncadd.s32 $0xFFFFC000  }
0x3c: {  	_ =	swait.ge [sflag:s21], $0x4000  }
0x3d: {  	[sflag:s21] =	ssyncset.done $0x0  }
0x3e: {  	[sflag:s21] =	ssyncadd.s32 $0xFFFFC000  }
0x3f: {  	_ =	swait.ge [sflag:s21], $0x4000  }
0x40: {  	[sflag:s21] =	ssyncset.done $0x0  }
0x41: {  	[sflag:s21] =	ssyncadd.s32 $0xFFFFC000  }
0x42: {  	s12 =	simm.s32 $0x0;
	[bflag:$0x0] =	sbarrier.arrive $0xFFFF  }
0x43: {  	[tilespmem:s12], [sflag:$0x3] =	stream.linear.gather [hbm4b:s16+s12], $0x1400, $0x38;
	[tilespmem:$0x1E800] =	vst v63  }
0x44: {  	_ =	swait.ge [sflag:s22], $0x1400  }
0x45: {  	[sflag:s22] =	ssyncset.done $0x0  }
0x46: {  	[sflag:s22] =	ssyncadd.s32 $0xFFFFEC00  }
0x47: {  	[tilespmem:s23], [sflag:$0x3] =	stream.linear.gather [hbm4b:s17+s12], $0x1400, $0x38;
	[tilespmem:$0x1E800] =	vst v63  }
0x48: {  	_ =	swait.ge [sflag:s22], $0x1400  }
0x49: {  	[sflag:s22] =	ssyncset.done $0x0  }
0x4a: {  	[sflag:s22] =	ssyncadd.s32 $0xFFFFEC00  }
0x4b: {  	[tilespmem:s20], [sflag:$0x1] =	stream.indirect.gather [hbm4b:s1+s24], $0x80, s12, s24, $0xb8;
	[tilespmem:$0x1E800] =	vst v63  }
0x4c: {  	s3 =	simm.s32 $0x80  }
0x4d: {  	[tilespmem:s25], [sflag:$0x2] =	stream.indirect.gather [hbm4b:s1+s24], $0x80, s3, s24, $0xb8;
	[tilespmem:$0x1E800] =	vst v63  }
0x4e: {  	_ =	swait.ge [sflag:s21], $0x4000  }
0x4f: {  	[sflag:s21] =	ssyncset.done $0x0  }
0x50: {  	s10 =	simm.s32 $0x1400;
	[sflag:s21] =	ssyncadd.s32 $0xFFFFC000  }
0x51: {  	[spmem:s2] =	stream.indirect.scatter.add.f32 [tilespmem:s20], [sflag:$0x3], $0x80, s10, s24, $0xb8;
	[tilespmem:$0x1E800] =	vst v63  }
0x52: {  	_ =	swait.ge [sflag:s22], $0x4000  }
0x53: {  	[sflag:s22] =	ssyncset.done $0x0  }
0x54: {  	s11 =	simm.s32 $0x100;
	[sflag:s22] =	ssyncadd.s32 $0xFFFFC000  }
0x55: {  	[tilespmem:s20], [sflag:$0x1] =	stream.indirect.gather [hbm4b:s1+s24], $0x80, s11, s24, $0xb8;
	[tilespmem:$0x1E800] =	vst v63  }
0x56: {  	_ =	swait.ge [sflag:s26], $0x4000  }
0x57: {  	[sflag:s26] =	ssyncset.done $0x0  }
0x58: {  	s12 =	simm.s32 $0x1480;
	[sflag:s26] =	ssyncadd.s32 $0xFFFFC000  }
0x59: {  	[spmem:s2] =	stream.indirect.scatter.add.f32 [tilespmem:s25], [sflag:$0x3], $0x80, s12, s24, $0xb8;
	[tilespmem:$0x1E800] =	vst v63  }
0x5a: {  	_ =	swait.ge [sflag:s22], $0x4000  }
0x5b: {  	s0 =	simm.s32 $0x100;
	s3 =	simm.s32 $0x800;
	[sflag:s22] =	ssyncset.done $0x0  }
.LBB2_4:
0x5c: {  	s10 =	sadd.s32 $0x80, s0  }
0x5d: {  	[sflag:s22] =	ssyncadd.s32 $0xFFFFC000;
	s11 =	smov.u32 s3;
	s12 =	sadd.s32 $0x400, s3  }
0x5e: {  	[tilespmem:s25], [sflag:$0x2] =	stream.indirect.gather [hbm4b:s1+s24], $0x80, s10, s24, $0xb8;
	[tilespmem:$0x1E800] =	vst v63  }
0x5f: {  	p0 =	sne.s32 s3, $0x4800;
	_ =	swait.ge [sflag:s21], $0x4000  }
0x60: {  	[sflag:s21] =	ssyncset.done $0x0  }
0x61: {  	s3 =	sadd.s32 $0x1400, s0;
	[sflag:s21] =	ssyncadd.s32 $0xFFFFC000  }
0x62: {  	[spmem:s2] =	stream.indirect.scatter.add.f32 [tilespmem:s20], [sflag:$0x3], $0x80, s3, s24, $0xb8;
	[tilespmem:$0x1E800] =	vst v63  }
0x63: {  	_ =	swait.ge [sflag:s22], $0x4000  }
0x64: {  	[sflag:s22] =	ssyncset.done $0x0  }
0x65: {  	s3 =	sadd.s32 $0x100, s0;
	[sflag:s22] =	ssyncadd.s32 $0xFFFFC000  }
0x66: {  	[tilespmem:s20], [sflag:$0x1] =	stream.indirect.gather [hbm4b:s1+s24], $0x80, s3, s24, $0xb8;
	[tilespmem:$0x1E800] =	vst v63  }
0x67: {  	_ =	swait.ge [sflag:s26], $0x4000  }
.Ltmp1:
0x68: {  	[sflag:s26] =	ssyncset.done $0x0;
	(pc) =	sbr.rel @p0 .LBB2_4-.Ltmp1, $4  }
0x69: {  	s0 =	sadd.s32 $0x1480, s0;
	[sflag:s26] =	ssyncadd.s32 $0xFFFFC000  }
0x6a: {  	[spmem:s2] =	stream.indirect.scatter.add.f32 [tilespmem:s25], [sflag:$0x3], $0x80, s0, s24, $0xb8;
	[tilespmem:$0x1E800] =	vst v63  }
0x6b: {  	_ =	swait.ge [sflag:s22], $0x4000  }
0x6c: {  	s3 =	smov.u32 s12;
	s0 =	sshra.s32 s11, $0x2;
	[sflag:s22] =	ssyncset.done $0x0  }
0x6d: {  	s3 =	sadd.s32 $0x80, s0;
	[sflag:s22] =	ssyncadd.s32 $0xFFFFC000  }
0x6e: {  	[tilespmem:s25], [sflag:$0x2] =	stream.indirect.gather [hbm4b:s1+s24], $0x80, s3, s24, $0xb8;
	[tilespmem:$0x1E800] =	vst v63  }
0x6f: {  	_ =	swait.ge [sflag:s21], $0x4000  }
0x70: {  	[sflag:s21] =	ssyncset.done $0x0  }
0x71: {  	s12 =	sadd.s32 $0x1400, s0;
	[sflag:s21] =	ssyncadd.s32 $0xFFFFC000  }
0x72: {  	[spmem:s2] =	stream.indirect.scatter.add.f32 [tilespmem:s20], [sflag:$0x3], $0x80, s12, s24, $0xb8;
	[tilespmem:$0x1E800] =	vst v63  }
0x73: {  	_ =	swait.ge [sflag:s22], $0x4000  }
0x74: {  	[sflag:s22] =	ssyncset.done $0x0  }
0x75: {  	s10 =	sadd.s32 $0x100, s0;
	[sflag:s22] =	ssyncadd.s32 $0xFFFFC000  }
0x76: {  	[tilespmem:s20], [sflag:$0x1] =	stream.indirect.gather [hbm4b:s1+s24], $0x80, s10, s24, $0xb8;
	[tilespmem:$0x1E800] =	vst v63  }
0x77: {  	_ =	swait.ge [sflag:s26], $0x4000  }
0x78: {  	[sflag:s26] =	ssyncset.done $0x0  }
0x79: {  	s11 =	sadd.s32 $0x1480, s0;
	[sflag:s26] =	ssyncadd.s32 $0xFFFFC000  }
0x7a: {  	[spmem:s2] =	stream.indirect.scatter.add.f32 [tilespmem:s25], [sflag:$0x3], $0x80, s11, s24, $0xb8;
	[tilespmem:$0x1E800] =	vst v63  }
0x7b: {  	_ =	swait.ge [sflag:s22], $0x4000  }
0x7c: {  	[sflag:s22] =	ssyncset.done $0x0  }
0x7d: {  	[sflag:s22] =	ssyncadd.s32 $0xFFFFC000  }
0x7e: {  	[tilespmem:s25], [sflag:$0x2] =	stream.indirect.gather [hbm4b:s1+s24], $0x80, s28, s24, $0xb8;
	[tilespmem:$0x1E800] =	vst v63  }
0x7f: {  	_ =	swait.ge [sflag:s21], $0x4000  }
0x80: {  	[sflag:s21] =	ssyncset.done $0x0  }
0x81: {  	[sflag:s21] =	ssyncadd.s32 $0xFFFFC000  }
0x82: {  	[spmem:s2] =	stream.indirect.scatter.add.f32 [tilespmem:s20], [sflag:$0x3], $0x80, s29, s24, $0xb8;
	[tilespmem:$0x1E800] =	vst v63  }
0x83: {  	_ =	swait.ge [sflag:s22], $0x4000  }
0x84: {  	[sflag:s22] =	ssyncset.done $0x0  }
0x85: {  	[sflag:s22] =	ssyncadd.s32 $0xFFFFC000  }
0x86: {  	_ =	swait.ge [sflag:s26], $0x4000  }
0x87: {  	[sflag:s26] =	ssyncset.done $0x0  }
0x88: {  	[sflag:s26] =	ssyncadd.s32 $0xFFFFC000  }
0x89: {  	[spmem:s2] =	stream.indirect.scatter.add.f32 [tilespmem:s25], [sflag:$0x3], $0x80, s30, s24, $0xb8;
	[tilespmem:$0x1E800] =	vst v63  }
0x8a: {  	_ =	swait.ge [sflag:s22], $0x4000  }
0x8b: {  	[sflag:s22] =	ssyncset.done $0x0  }
0x8c: {  	s12 =	simm.s32 $0x0;
	[sflag:s22] =	ssyncadd.s32 $0xFFFFC000  }
0x8d: {  	[tilespmem:s12], [sflag:$0x3] =	stream.linear.gather [hbm4b:s18+s12], $0x1400, $0x38;
	[tilespmem:$0x1E800] =	vst v63  }
0x8e: {  	_ =	swait.ge [sflag:s22], $0x1400  }
0x8f: {  	[sflag:s22] =	ssyncset.done $0x0  }
0x90: {  	[sflag:s22] =	ssyncadd.s32 $0xFFFFEC00  }
0x91: {  	[tilespmem:s23], [sflag:$0x3] =	stream.linear.gather [hbm4b:s19+s12], $0x1400, $0x38;
	[tilespmem:$0x1E800] =	vst v63  }
0x92: {  	_ =	swait.ge [sflag:s22], $0x1400  }
0x93: {  	[sflag:s22] =	ssyncset.done $0x0  }
0x94: {  	[sflag:s22] =	ssyncadd.s32 $0xFFFFEC00  }
0x95: {  	[tilespmem:s20], [sflag:$0x1] =	stream.indirect.gather [hbm4b:s1+s24], $0x80, s12, s24, $0xb8;
	[tilespmem:$0x1E800] =	vst v63  }
0x96: {  	s3 =	simm.s32 $0x80  }
0x97: {  	[tilespmem:s25], [sflag:$0x2] =	stream.indirect.gather [hbm4b:s1+s24], $0x80, s3, s24, $0xb8;
	[tilespmem:$0x1E800] =	vst v63  }
0x98: {  	_ =	swait.ge [sflag:s21], $0x4000  }
0x99: {  	[sflag:s21] =	ssyncset.done $0x0  }
0x9a: {  	s10 =	simm.s32 $0x1400;
	[sflag:s21] =	ssyncadd.s32 $0xFFFFC000  }
0x9b: {  	[spmem:s2] =	stream.indirect.scatter.add.f32 [tilespmem:s20], [sflag:$0x3], $0x80, s10, s24, $0xb8;
	[tilespmem:$0x1E800] =	vst v63  }
0x9c: {  	_ =	swait.ge [sflag:s22], $0x4000  }
0x9d: {  	[sflag:s22] =	ssyncset.done $0x0  }
0x9e: {  	s11 =	simm.s32 $0x100;
	[sflag:s22] =	ssyncadd.s32 $0xFFFFC000  }
0x9f: {  	[tilespmem:s20], [sflag:$0x1] =	stream.indirect.gather [hbm4b:s1+s24], $0x80, s11, s24, $0xb8;
	[tilespmem:$0x1E800] =	vst v63  }
0xa0: {  	_ =	swait.ge [sflag:s26], $0x4000  }
0xa1: {  	[sflag:s26] =	ssyncset.done $0x0  }
0xa2: {  	s12 =	simm.s32 $0x1480;
	[sflag:s26] =	ssyncadd.s32 $0xFFFFC000  }
0xa3: {  	[spmem:s2] =	stream.indirect.scatter.add.f32 [tilespmem:s25], [sflag:$0x3], $0x80, s12, s24, $0xb8;
	[tilespmem:$0x1E800] =	vst v63  }
0xa4: {  	_ =	swait.ge [sflag:s22], $0x4000  }
0xa5: {  	s0 =	simm.s32 $0x100;
	s3 =	simm.s32 $0x800;
	[sflag:s22] =	ssyncset.done $0x0  }
.LBB2_6:
0xa6: {  	s10 =	sadd.s32 $0x80, s0  }
0xa7: {  	[sflag:s22] =	ssyncadd.s32 $0xFFFFC000;
	s11 =	smov.u32 s3;
	s12 =	sadd.s32 $0x400, s3  }
0xa8: {  	[tilespmem:s25], [sflag:$0x2] =	stream.indirect.gather [hbm4b:s1+s24], $0x80, s10, s24, $0xb8;
	[tilespmem:$0x1E800] =	vst v63  }
0xa9: {  	p0 =	sne.s32 s3, $0x4800;
	_ =	swait.ge [sflag:s21], $0x4000  }
0xaa: {  	[sflag:s21] =	ssyncset.done $0x0  }
0xab: {  	s3 =	sadd.s32 $0x1400, s0;
	[sflag:s21] =	ssyncadd.s32 $0xFFFFC000  }
0xac: {  	[spmem:s2] =	stream.indirect.scatter.add.f32 [tilespmem:s20], [sflag:$0x3], $0x80, s3, s24, $0xb8;
	[tilespmem:$0x1E800] =	vst v63  }
0xad: {  	_ =	swait.ge [sflag:s22], $0x4000  }
0xae: {  	[sflag:s22] =	ssyncset.done $0x0  }
0xaf: {  	s3 =	sadd.s32 $0x100, s0;
	[sflag:s22] =	ssyncadd.s32 $0xFFFFC000  }
0xb0: {  	[tilespmem:s20], [sflag:$0x1] =	stream.indirect.gather [hbm4b:s1+s24], $0x80, s3, s24, $0xb8;
	[tilespmem:$0x1E800] =	vst v63  }
0xb1: {  	_ =	swait.ge [sflag:s26], $0x4000  }
.Ltmp2:
0xb2: {  	[sflag:s26] =	ssyncset.done $0x0;
	(pc) =	sbr.rel @p0 .LBB2_6-.Ltmp2, $4  }
0xb3: {  	s0 =	sadd.s32 $0x1480, s0;
	[sflag:s26] =	ssyncadd.s32 $0xFFFFC000  }
0xb4: {  	[spmem:s2] =	stream.indirect.scatter.add.f32 [tilespmem:s25], [sflag:$0x3], $0x80, s0, s24, $0xb8;
	[tilespmem:$0x1E800] =	vst v63  }
0xb5: {  	_ =	swait.ge [sflag:s22], $0x4000  }
0xb6: {  	s3 =	smov.u32 s12;
	s0 =	sshra.s32 s11, $0x2;
	[sflag:s22] =	ssyncset.done $0x0  }
0xb7: {  	s3 =	sadd.s32 $0x80, s0;
	[sflag:s22] =	ssyncadd.s32 $0xFFFFC000  }
0xb8: {  	[tilespmem:s25], [sflag:$0x2] =	stream.indirect.gather [hbm4b:s1+s24], $0x80, s3, s24, $0xb8;
	[tilespmem:$0x1E800] =	vst v63  }
0xb9: {  	_ =	swait.ge [sflag:s21], $0x4000  }
0xba: {  	[sflag:s21] =	ssyncset.done $0x0  }
0xbb: {  	s11 =	sadd.s32 $0x1400, s0;
	[sflag:s21] =	ssyncadd.s32 $0xFFFFC000  }
0xbc: {  	[spmem:s2] =	stream.indirect.scatter.add.f32 [tilespmem:s20], [sflag:$0x3], $0x80, s11, s24, $0xb8;
	[tilespmem:$0x1E800] =	vst v63  }
0xbd: {  	_ =	swait.ge [sflag:s22], $0x4000  }
0xbe: {  	[sflag:s22] =	ssyncset.done $0x0  }
0xbf: {  	s12 =	sadd.s32 $0x100, s0;
	[sflag:s22] =	ssyncadd.s32 $0xFFFFC000  }
0xc0: {  	[tilespmem:s20], [sflag:$0x1] =	stream.indirect.gather [hbm4b:s1+s24], $0x80, s12, s24, $0xb8;
	[tilespmem:$0x1E800] =	vst v63  }
0xc1: {  	_ =	swait.ge [sflag:s26], $0x4000  }
0xc2: {  	[sflag:s26] =	ssyncset.done $0x0  }
0xc3: {  	s3 =	sadd.s32 $0x1480, s0;
	[sflag:s26] =	ssyncadd.s32 $0xFFFFC000  }
0xc4: {  	[spmem:s2] =	stream.indirect.scatter.add.f32 [tilespmem:s25], [sflag:$0x3], $0x80, s3, s24, $0xb8;
	[tilespmem:$0x1E800] =	vst v63  }
0xc5: {  	_ =	swait.ge [sflag:s22], $0x4000  }
0xc6: {  	[sflag:s22] =	ssyncset.done $0x0  }
0xc7: {  	[sflag:s22] =	ssyncadd.s32 $0xFFFFC000  }
0xc8: {  	[tilespmem:s25], [sflag:$0x2] =	stream.indirect.gather [hbm4b:s1+s24], $0x80, s28, s24, $0xb8;
	[tilespmem:$0x1E800] =	vst v63  }
0xc9: {  	_ =	swait.ge [sflag:s21], $0x4000  }
0xca: {  	[sflag:s21] =	ssyncset.done $0x0  }
0xcb: {  	[sflag:s21] =	ssyncadd.s32 $0xFFFFC000  }
0xcc: {  	[spmem:s2] =	stream.indirect.scatter.add.f32 [tilespmem:s20], [sflag:$0x3], $0x80, s29, s24, $0xb8;
	[tilespmem:$0x1E800] =	vst v63  }
0xcd: {  	_ =	swait.ge [sflag:s22], $0x4000  }
0xce: {  	[sflag:s22] =	ssyncset.done $0x0  }
0xcf: {  	[sflag:s22] =	ssyncadd.s32 $0xFFFFC000  }
0xd0: {  	_ =	swait.ge [sflag:s26], $0x4000  }
0xd1: {  	[sflag:s26] =	ssyncset.done $0x0  }
0xd2: {  	[sflag:s26] =	ssyncadd.s32 $0xFFFFC000  }
0xd3: {  	[spmem:s2] =	stream.indirect.scatter.add.f32 [tilespmem:s25], [sflag:$0x3], $0x80, s30, s24, $0xb8;
	[tilespmem:$0x1E800] =	vst v63  }
0xd4: {  	_ =	swait.ge [sflag:s22], $0x4000  }
0xd5: {  	[sflag:s22] =	ssyncset.done $0x0  }
0xd6: {  	[sflag:s22] =	ssyncadd.s32 $0xFFFFC000  }
0xd7: {  	[bflag:$0x0] =	sbarrier.arrive $0xFFFF  }
0xd8: {  	[tilespmem:s20], [sflag:$0x3] =	stream.linear.gather [spmem:s5], $0x4000, $0x38;
	[tilespmem:$0x1E800] =	vst v63  }
0xd9: {  	_ =	swait.ge [sflag:s22], $0x4000  }
0xda: {  	[sflag:s22] =	ssyncset.done $0x0  }
0xdb: {  	s10 =	rddreg [dreg:$0x4];
	[sflag:s22] =	ssyncadd.s32 $0xFFFFC000  }
0xdc: {  	[hbm4b:s10+s4] =	stream.linear.scatter [tilespmem:s20], [sflag:$0x1], $0x4000, $0x38;
	[tilespmem:$0x1E800] =	vst v63  }
0xdd: {  	_ = 	snop  }
0xde: {  	[tilespmem:s25], [sflag:$0x3] =	stream.linear.gather [spmem:s6], $0x4000, $0x38;
	[tilespmem:$0x1E800] =	vst v63  }
0xdf: {  	_ =	swait.ge [sflag:s22], $0x4000  }
0xe0: {  	[sflag:s22] =	ssyncset.done $0x0  }
0xe1: {  	s11 =	rddreg [dreg:$0x5];
	[sflag:s22] =	ssyncadd.s32 $0xFFFFC000  }
0xe2: {  	[hbm4b:s11+s4] =	stream.linear.scatter [tilespmem:s25], [sflag:$0x2], $0x4000, $0x38;
	[tilespmem:$0x1E800] =	vst v63  }
0xe3: {  	_ =	swait.ge [sflag:s21], $0x4000  }
0xe4: {  	[sflag:s21] =	ssyncset.done $0x0  }
0xe5: {  	[sflag:s21] =	ssyncadd.s32 $0xFFFFC000  }
0xe6: {  	[tilespmem:s20], [sflag:$0x3] =	stream.linear.gather [spmem:s7], $0x4000, $0x38;
	[tilespmem:$0x1E800] =	vst v63  }
0xe7: {  	_ =	swait.ge [sflag:s22], $0x4000  }
0xe8: {  	[sflag:s22] =	ssyncset.done $0x0  }
0xe9: {  	s12 =	rddreg [dreg:$0x6];
	[sflag:s22] =	ssyncadd.s32 $0xFFFFC000  }
0xea: {  	[hbm4b:s12+s4] =	stream.linear.scatter [tilespmem:s20], [sflag:$0x1], $0x4000, $0x38;
	[tilespmem:$0x1E800] =	vst v63  }
0xeb: {  	_ =	swait.ge [sflag:s26], $0x4000  }
0xec: {  	[sflag:s26] =	ssyncset.done $0x0  }
0xed: {  	[sflag:s26] =	ssyncadd.s32 $0xFFFFC000  }
0xee: {  	[tilespmem:s25], [sflag:$0x3] =	stream.linear.gather [spmem:s8], $0x4000, $0x38;
	[tilespmem:$0x1E800] =	vst v63  }
0xef: {  	_ =	swait.ge [sflag:s22], $0x4000  }
0xf0: {  	[sflag:s22] =	ssyncset.done $0x0  }
0xf1: {  	[sflag:s22] =	ssyncadd.s32 $0xFFFFC000  }
0xf2: {  	[hbm4b:s13+s4] =	stream.linear.scatter [tilespmem:s25], [sflag:$0x2], $0x4000, $0x38;
	[tilespmem:$0x1E800] =	vst v63  }
0xf3: {  	_ =	swait.ge [sflag:s21], $0x4000  }
0xf4: {  	[sflag:s21] =	ssyncset.done $0x0  }
0xf5: {  	[sflag:s21] =	ssyncadd.s32 $0xFFFFC000  }
0xf6: {  	[tilespmem:s20], [sflag:$0x3] =	stream.linear.gather [spmem:s9], $0x4000, $0x38;
	[tilespmem:$0x1E800] =	vst v63  }
0xf7: {  	_ =	swait.ge [sflag:s22], $0x4000  }
0xf8: {  	[sflag:s22] =	ssyncset.done $0x0  }
0xf9: {  	s31 =	sadd.s32 $0x1, s31;
	[sflag:s22] =	ssyncadd.s32 $0xFFFFC000  }
0xfa: {  	[hbm4b:s14+s4] =	stream.linear.scatter [tilespmem:s20], [sflag:$0x1], $0x4000, $0x38;
	[tilespmem:$0x1E800] =	vst v63  }
0xfb: {  	p0 =	sne.s32 s31, s15;
	_ =	swait.ge [sflag:s26], $0x4000  }
.Ltmp3:
0xfc: {  	[sflag:s26] =	ssyncset.done $0x0;
	(pc) =	sbr.rel @p0 .LBB2_1-.Ltmp3, $4  }
0xfd: {  	[sflag:s26] =	ssyncadd.s32 $0xFFFFC000  }
0xfe: {  	_ =	swait.ge [sflag:s21], $0x4000  }
0xff: {  	[sflag:s21] =	ssyncset.done $0x0  }
0x100: {  	[sflag:s21] =	ssyncadd.s32 $0xFFFFC000  }
0x101: {  	_ =	sfence.sel $0x180000  }
0x102: {  	[bflag:$0x0] =	sbarrier.arrive $0xFFFF  }
0x103: {  	_ =	strace $0x9000004D  }
0x104: {  	s0 =	stileid.u32;
	[bflag:$0x2] =	sbarrier.arrive $0xFFFF  }
0x105: {  	p0 =	sne.s32 s0, $0x0;
	s0 =	rddreg [dreg:$0x3]  }
0x106: {  	s0 =	sadd.s32 @!p0 $0x100000, s0  }
0x107: {  	[sflag:s0] =	ssyncadd.tile.s32 @!p0 $0x1;
	_ =	shalt  }
.Lfunc_end2:
_tile_overlayer_lowered:
.L_overlay_start_2:
0x108: {  	(tag) =	ssettag $0x2  }
0x109: {  	s0 =	rddreg [dreg:$0x0];
	s2 =	stileid.u32  }
0x10a: {  	s1 =	rddreg [dreg:$0x1];
	p0 =	sne.s32 s2, $0x0  }
0x10b: {  	s3 =	rddreg [dreg:$0x2];
	[bflag:$0x3] =	sbarrier.arrive $0xFFFF;
	s2 =	simm.s32 @!p0 $0x1C03  }
0x10c: {  	[timem:s3], [sflag:s2] =	dma.local @!p0 [hbm:s0], s1  }
0x10d: {  	s0 =	simm.s32 @!p0 $0x3  }
0x10e: {  	_ =	swait.ge @!p0 [sflag:s0], s1  }
0x10f: {  	s1 =	ssub.s32 @!p0 $0x0, s1;
	[sflag:s0] =	ssyncset.done @!p0 $0x0  }
0x110: {  	[sflag:s0] =	ssyncadd.s32 @!p0 s1  }
0x111: {  	[bflag:$0x3] =	sbarrier.arrive $0xFFFF  }
0x112: {  	_ =	shalt  }

// kernel: kernel.19.cloned.1.call-start
scs
__scs_entry_jumppad:
0x0: {  	(pc) =	sbr.rel $0x88, $3  }
0x1: {  	(tag) =	ssettag $0x0;
	lr =	simm.s32 $0x1  }
0x2: {  	[smem:$0x3F93] =	sst lr;
	_ =	strace $0xD0000000  }
0x3: {  	_ = 	snop  }
0x4: {  	_ = 	snop  }
0x5: {  	_ = 	snop  }
0x6: {  	_ = 	snop  }
0x7: {  	_ = 	snop  }
__scs_overlays_trampoline_lowered:
0x8: {  	[smem:$0x3FA2] =	sst s0  }
0x9: {  	[smem:$0x3FA3] =	sst s1  }
0xa: {  	[smem:$0x3FA4] =	sst s2  }
0xb: {  	[smem:$0x3FA5] =	sst s3  }
0xc: {  	[smem:$0x3FA6] =	sst s4  }
0xd: {  	[smem:$0x3FA7] =	sst s5  }
0xe: {  	[smem:$0x3FA8] =	sst s6  }
0xf: {  	[smem:$0x3FA9] =	sst s7  }
0x10: {  	[smem:$0x3FAA] =	sst s8  }
0x11: {  	[smem:$0x3FAB] =	sst s9;
	s0 =	simm.s32 @!p0 $0x0  }
0x12: {  	s1 =	sld [smem:$0x3F91];
	s0 =	simm.s32 @p0 $0x1  }
0x13: {  	[smem:$0x3FAC] =	sst s0;
	s0 =	simm.s32 @!p1 $0x0  }
0x14: {  	s2 =	sld [smem:$0x3F90];
	s0 =	simm.s32 @p1 $0x1  }
0x15: {  	[smem:$0x3FAD] =	sst s0;
	s0 =	simm.s32 @!p2 $0x0  }
0x16: {  	s3 =	sld [smem:$0x3FDB];
	s0 =	simm.s32 @p2 $0x1  }
0x17: {  	s4 =	simm.s32 $0x1BF5;
	[smem:$0x3FAF] =	sst s0  }
0x18: {  	s0 =	sld [smem:$0x3F92];
	_ =	swait.ge [sflag:s4], $0x0  }
0x19: {  	s7 =	sld [smem:$0x3F93]  }
0x1a: {  	s8 =	sadd.s32 $0xFFFFE003, lr  }
0x1b: {  	s9 =	sadd.s32 $0xFFFFFEF7, lr;
	s5 =	simm.s32 $0xFFFFFFFF;
	p2 =	slt.u32 s8, $0xFFFFF086  }
0x1c: {  	p1 =	slt.u32 s9, $0xF7A;
	s5 =	simm.s32 @!p2 $0x0  }
0x1d: {  	s5 =	simm.s32 @p1 $0x1;
	p0 =	seq.s32 s7, s2  }
0x1e: {  	s7 =	smul.u32 @!p0 $0xF7A, s2;
	p2 =	seq.s32 @!p0 s5, $0x0  }
0x1f: {  	s9 =	smul.u32 $0xF7A, s1;
	s8 =	simm.s32 @!p0 $0x1BF5;
	p2 =	por !p2, p0  }
0x20: {  	[sflag:s8] =	ssyncset.s32 @!p0 $0xFFFFF086;
	s6 =	sadd.s32 @!p0 s3, s7;
	s7 =	simm.s32 @!p0 $0x108  }
0x21: {  	s3 =	sadd.s32 s3, s9;
	s6 =	sadd.s32 @!p0 $0x88, s6;
	s7 =	simm.s32 @p2 $0x1082  }
0x22: {  	[simem:s7], [sflag:s8] =	dma.local @!p0 [hbm:s6], $0xF7A  }
0x23: {  	s9 =	sor.u32 $0xD0000000, s2;
	s6 =	simm.s32 $0x108;
	_ =	swait.ge @!p0 [sflag:s8], $0x0  }
0x24: {  	s3 =	sadd.s32 $0x88, s3;
	s6 =	simm.s32 @!p1 $0x1082;
	[sflag:s4] =	ssyncset.s32 $0xFFFFF086  }
0x25: {  	[simem:s6], [sflag:s4] =	dma.local [hbm:s3], $0xF7A  }
0x26: {  	[smem:$0x3F93] =	sst s1;
	(tag) =	ssettag s2;
	_ =	strace s9  }
0x27: {  	s1 =	sld [smem:$0x3FA3]  }
0x28: {  	s2 =	sld [smem:$0x3FA4]  }
0x29: {  	s4 =	sld [smem:$0x3FA6]  }
0x2a: {  	p0 =	seq.s32 s5, $0x0;
	s5 =	sld [smem:$0x3FA7]  }
0x2b: {  	s6 =	sld [smem:$0x3FA8]  }
0x2c: {  	s7 =	sld [smem:$0x3FA9]  }
0x2d: {  	s3 =	simm.s32 $0x108;
	s8 =	sld [smem:$0x3FAA]  }
0x2e: {  	s3 =	simm.s32 @!p0 $0x1082;
	s9 =	sld [smem:$0x3FAB]  }
0x2f: {  	lr =	sadd.s32 s0, s3;
	s0 =	sld [smem:$0x3FA2]  }
0x30: {  	s3 =	sld [smem:$0x3FA5]  }
0x31: {  	[smem:$0x3FAE] =	sst s10  }
0x32: {  	s10 =	sld [smem:$0x3FAC];
	_ =	sdelay $0x3  }
0x33: {  	p0 =	seq.s32 s10, $0x1;
	s10 =	sld [smem:$0x3FAE];
	_ =	sdelay $0x3  }
0x34: {  	[smem:$0x3FAE] =	sst s10  }
0x35: {  	s10 =	sld [smem:$0x3FAD];
	_ =	sdelay $0x3  }
0x36: {  	p1 =	seq.s32 s10, $0x1;
	s10 =	sld [smem:$0x3FAE];
	_ =	sdelay $0x3  }
0x37: {  	[smem:$0x3FAE] =	sst s10  }
0x38: {  	s10 =	sld [smem:$0x3FAF]  }
0x39: {  	_ = 	snop;
	(pc) =	sbr.ind lr, $3  }
0x3a: {  	_ = 	snop  }
0x3b: {  	_ = 	snop  }
0x3c: {  	p2 =	seq.s32 s10, $0x1;
	s10 =	sld [smem:$0x3FAE]  }
0x3d: {  	_ =	shalt  }
0x3e: {  	_ =	shalt  }
0x3f: {  	_ =	shalt  }
0x40: {  	_ =	shalt  }
0x41: {  	_ =	shalt  }
0x42: {  	_ =	shalt  }
0x43: {  	_ =	shalt  }
0x44: {  	_ =	shalt  }
0x45: {  	_ =	shalt  }
0x46: {  	_ =	shalt  }
0x47: {  	_ =	shalt  }
0x48: {  	_ =	shalt  }
0x49: {  	_ =	shalt  }
0x4a: {  	_ =	shalt  }
0x4b: {  	_ =	shalt  }
0x4c: {  	_ =	shalt  }
0x4d: {  	_ =	shalt  }
0x4e: {  	_ =	shalt  }
0x4f: {  	_ =	shalt  }
0x50: {  	_ =	shalt  }
0x51: {  	_ =	shalt  }
0x52: {  	_ =	shalt  }
0x53: {  	_ =	shalt  }
0x54: {  	_ =	shalt  }
0x55: {  	_ =	shalt  }
0x56: {  	_ =	shalt  }
0x57: {  	_ =	shalt  }
0x58: {  	_ =	shalt  }
0x59: {  	_ =	shalt  }
0x5a: {  	_ =	shalt  }
0x5b: {  	_ =	shalt  }
0x5c: {  	_ =	shalt  }
0x5d: {  	_ =	shalt  }
0x5e: {  	_ =	shalt  }
0x5f: {  	_ =	shalt  }
0x60: {  	_ =	shalt  }
0x61: {  	_ =	shalt  }
0x62: {  	_ =	shalt  }
0x63: {  	_ =	shalt  }
0x64: {  	_ =	shalt  }
0x65: {  	_ =	shalt  }
0x66: {  	_ =	shalt  }
0x67: {  	_ =	shalt  }
0x68: {  	_ =	shalt  }
0x69: {  	_ =	shalt  }
0x6a: {  	_ =	shalt  }
0x6b: {  	_ =	shalt  }
0x6c: {  	_ =	shalt  }
0x6d: {  	_ =	shalt  }
0x6e: {  	_ =	shalt  }
0x6f: {  	_ =	shalt  }
0x70: {  	_ =	shalt  }
0x71: {  	_ =	shalt  }
0x72: {  	_ =	shalt  }
0x73: {  	_ =	shalt  }
0x74: {  	_ =	shalt  }
0x75: {  	_ =	shalt  }
0x76: {  	_ =	shalt  }
0x77: {  	_ =	shalt  }
0x78: {  	_ =	shalt  }
0x79: {  	_ =	shalt  }
0x7a: {  	_ =	shalt  }
0x7b: {  	_ =	shalt  }
0x7c: {  	_ =	shalt  }
0x7d: {  	_ =	shalt  }
0x7e: {  	_ =	shalt  }
0x7f: {  	_ =	shalt  }
0x80: {  	_ =	shalt  }
0x81: {  	_ =	shalt  }
0x82: {  	_ =	shalt  }
0x83: {  	_ =	shalt  }
0x84: {  	_ =	shalt  }
0x85: {  	_ =	shalt  }
0x86: {  	_ =	shalt  }
0x87: {  	_ =	shalt  }
.Lfunc_end0:
.L_simem_size_0:
called_computation.3_lowered:
.L_overlay_start_0:
0x88: {  	s2 =	sld [smem:$0x3FD9]  }
0x89: {  	s3 =	sld [smem:$0x3FFE];
	_ =	sdelay $0x1  }
0x8a: {  	s1 =	srdreg.scid  }
0x8b: {  	s0 =	sand.u32 $0x1, s1  }
0x8c: {  	s17 =	sshll.u32 s0, $0xA;
	s2 =	sadd.s32 s3, s2  }
0x8d: {  	s2 =	sadd.s32 s2, s17  }
0x8e: {  	[smem:$0x3FBA] =	sst s2  }
0x8f: {  	_ = 	snop  }
0x90: {  	s2 =	sld [smem:$0x3FD0];
	(tm) =	ssettm $0x1  }
0x91: {  	s18 =	sld [smem:$0x3FFB];
	_ =	sdelay $0x3  }
0x92: {  	_ =	strace s18  }
0x93: {  	s3 =	sld [smem:$0x3FFC];
	_ =	sdelay $0x3  }
0x94: {  	_ =	strace s3  }
0x95: {  	s3 =	sld [smem:$0x3FFD];
	_ =	sdelay $0x3  }
0x96: {  	_ =	strace s3  }
0x97: {  	_ =	strace $0x8FFFFFFF  }
0x98: {  	s19 =	sld [smem:$0x3FDB];
	_ =	sdelay $0x1  }
0x99: {  	s4 =	simm.s32 $_scs_section_size  }
0x9a: {  	s5 =	simm.s32 $_size__tile_overlayer_lowered;
	s6 =	simm.s32 $_tile_overlayer_lowered  }
0x9b: {  	s22 =	simm.s32 $0x1BFF;
	s21 =	sshll.u32 s6, $0x1;
	s3 =	sadd.s32 s4, s19  }
0x9c: {  	s7 =	simm.s32 $0x0;
	s20 =	sshll.u32 s5, $0x1;
	s5 =	sadd.s32 s21, s3  }
0x9d: {  	[timem:s7], [sflag:s22] =	dma.local [hbm:s5], s20  }
0x9e: {  	_ =	swait.ge [sflag:s22], s20  }
0x9f: {  	s4 =	ssub.s32 $0x0, s20;
	[sflag:s22] =	ssyncset.done $0x0  }
0xa0: {  	[sflag:s22] =	ssyncadd.s32 s4;
	_ =	sdelay $0x1  }
0xa1: {  	s23 =	simm.s32 $0x1B8B  }
0xa2: {  	_ =	swait.ge [sflag:s23], $0x1  }
0xa3: {  	[sflag:s23] =	ssyncset.done $0x0  }
0xa4: {  	s25 =	simm.s32 $0x1B8E;
	s24 =	sld [smem:$0x3FFE];
	[sflag:s23] =	ssyncadd.s32 $0xFFFFFFFF  }
0xa5: {  	s26 =	simm.s32 $execute0_lowered;
	[smem:$0x3FD2] =	sst s25  }
0xa6: {  	s5 =	sshll.u32 s26, $0x1;
	_ =	strace $0x8000004F;
	[dreg:$0x1] =	wrdreg $0xFFFFFFFF  }
0xa7: {  	s28 =	simm.s32 $_size_execute0_lowered;
	s3 =	sadd.s32 s3, s5;
	[dreg:$0x0] =	wrdreg $0x0  }
0xa8: {  	s5 =	sshll.u32 s28, $0x1;
	[dreg:$0x2] =	wrdreg s3  }
0xa9: {  	[dreg:$0x3] =	wrdreg s5  }
0xaa: {  	[dreg:$0x4] =	wrdreg $0xC0  }
0xab: {  	_ =	task [dreg:s7], $0x5FFFF  }
0xac: {  	[dreg:$0x1] =	wrdreg $0xFFFFFFFF  }
0xad: {  	[dreg:$0x0] =	wrdreg $0x60  }
0xae: {  	[dreg:$0x2] =	wrdreg s2  }
0xaf: {  	[dreg:$0x3] =	wrdreg s24  }
0xb0: {  	[dreg:$0x4] =	wrdreg $0xA8000  }
0xb1: {  	[dreg:$0x5] =	wrdreg $0x9  }
0xb2: {  	_ =	task.clear_ibuf [dreg:s7], $0x6FFFF;
	_ =	strace $0x9000004F  }
0xb3: {  	s29 =	simm.s32 $0x9;
	_ =	strace $0x80000051  }
0xb4: {  	_ =	swait.ge [sflag:s29], $0x1  }
0xb5: {  	[sflag:s29] =	ssyncadd.s32 $0xFFFFFFFF  }
0xb6: {  	_ =	strace $0x90000051  }
0xb7: {  	_ =	sfence  }
0xb8: {  	s30 =	sld [smem:$0x0];
	_ =	sdelay $0x2  }
0xb9: {  	s31 =	sshll.u32 s1, $0xD;
	s1 =	sshrl.u32 s1, $0x2  }
0xba: {  	s3 =	sand.u32 $0x4000, s31;
	s1 =	sadd.s32 s1, s30  }
0xbb: {  	s0 =	sor.u32 s3, s0;
	s1 =	sshll.u32 s1, $0x11  }
0xbc: {  	s0 =	sor.u32 s1, s0  }
0xbd: {  	s0 =	sadd.s32 $0x8F2B, s0  }
0xbe: {  	[sflag:s0] =	ssyncadd.remote.s32 $0x1  }
0xbf: {  	_ =	sfence.sel $0xFFFF  }
0xc0: {  	[dreg:$0x0] =	wrdreg $0xFFFFFFFF;
	(pc) =	sbr.abs _section_cstart, $3  }
0xc1: {  	[dreg:$0x1] =	wrdreg $0xFFFFFFFF  }
0xc2: {  	_ =	task.clear_ibuf [dreg:s7], $0x2FFFF;
	_ =	strace $0x9FFFFFFF  }
0xc3: {  	(tm) =	ssettm $0x7FFFFFFF  }
tec
execute0_lowered:
.L_overlay_start_1:
0x0: {  	(tag) =	ssettag $0x1  }
0x1: {  	s1 =	rddreg [dreg:$0x0]  }
0x2: {  	s0 =	rddreg [dreg:$0x1]  }
0x3: {  	s2 =	rddreg [dreg:$0x2];
	s4 =	simm.s32 $0x0  }
0x4: {  	s3 =	srdreg.scid;
	s9 =	stileid.u32;
	s20 =	simm.s32 $0x2800  }
0x5: {  	s21 =	simm.s32 $0x1;
	s22 =	simm.s32 $0x3;
	s23 =	simm.s32 $0x1400  }
0x6: {  	s28 =	simm.s32 $0x1380;
	s29 =	simm.s32 $0x2700;
	s30 =	simm.s32 $0x2780  }
0x7: {  	s31 =	simm.s32 $0x0;
	[smem:$0x7FF] =	sst s4;
	s5 =	smul.u32 $0x50000, s9  }
0x8: {  	s3 =	sand.u32 $0x1, s3;
	s18 =	sadd.s32 $0xEE00, s0;
	s10 =	smul.u32 $0x14000, s9  }
0x9: {  	s19 =	sadd.s32 $0x4E00, s0;
	s0 =	sadd.s32 $0x18E00, s0;
	s17 =	sshll.u32 s9, $0x1  }
0xa: {  	_ =	strace $0x80000050;
	s6 =	ssub.s32 $0x2, s3;
	s14 =	smul.u32 $0x140000, s3  }
0xb: {  	s3 =	sor.u32 s3, s17;
	s7 =	sshrl.u32 s6, $0x1;
	s5 =	sshrl.u32 s5, $0x2  }
0xc: {  	s11 =	sadd.s32 $0x4000, s10;
	s12 =	sadd.s32 $0x8000, s10;
	s13 =	sadd.s32 $0xC000, s10  }
0xd: {  	s16 =	sadd.s32 $0x10000, s10;
	s3 =	smul.u32 $0x2800, s3;
	s15 =	ssub.s32 s6, s7  }
0xe: {  	s5 =	sadd.s32 s5, s2;
	s6 =	sadd.s32 s11, s2;
	s7 =	sadd.s32 s12, s2  }
0xf: {  	s8 =	sadd.s32 s13, s2;
	s9 =	sadd.s32 s16, s2;
	s10 =	sadd.s32 s10, s14  }
0x10: {  	s11 =	sadd.s32 s14, s11;
	s12 =	sadd.s32 s14, s12;
	s13 =	sadd.s32 s14, s13  }
0x11: {  	s14 =	sadd.s32 s14, s16;
	s10 =	sshrl.u32 s10, $0x3;
	s11 =	sshrl.u32 s11, $0x3  }
0x12: {  	s12 =	sshrl.u32 s12, $0x3;
	s13 =	sshrl.u32 s13, $0x3;
	s14 =	sshrl.u32 s14, $0x3  }
0x13: {  	s3 =	sshrl.u32 s3, $0x3;
	s15 =	smax.u32 s15, $0x1;
	s10 =	sadd.s32 s0, s10  }
0x14: {  	s24 =	sadd.s32 s0, s11;
	s25 =	sadd.s32 s0, s12;
	s13 =	sadd.s32 s0, s13  }
0x15: {  	s14 =	sadd.s32 s0, s14;
	s26 =	sadd.s32 $0x280, s3;
	[dreg:$0x4] =	wrdreg s10  }
0x16: {  	s16 =	sadd.s32 s18, s3;
	s17 =	sadd.s32 s19, s3;
	[dreg:$0x5] =	wrdreg s24  }
0x17: {  	[dreg:$0x6] =	wrdreg s25;
	s18 =	sadd.s32 s18, s26;
	s19 =	sadd.s32 s19, s26  }
0x18: {  	v0 =	vimm.f32 $0.0e+00;
	s24 =	simm.s32 $0x80;
	s25 =	simm.s32 $0x6800;
	s26 =	simm.s32 $0x2  }
.LBB2_1:
0x19: {  	s0 =	simm.s32 $0x0;
	s3 =	simm.s32 $0x200  }
.LBB2_2:
0x1a: {  	p0 =	sne.s32 s3, $0xFE00;
	[tilespmem:s0+$0x2870] =	vst v0  }
0x1b: {  	[tilespmem:s0+$0x2800] =	vst v0  }
0x1c: {  	[tilespmem:s0+$0x2810] =	vst v0  }
.Ltmp0:
0x1d: {  	[tilespmem:s0+$0x2820] =	vst v0;
	(pc) =	sbr.rel @p0 .LBB2_2-.Ltmp0, $4  }
0x1e: {  	[tilespmem:s0+$0x2830] =	vst v0  }
0x1f: {  	[tilespmem:s0+$0x2840] =	vst v0  }
0x20: {  	[tilespmem:s0+$0x2850] =	vst v0  }
0x21: {  	[tilespmem:s0+$0x2860] =	vst v0;
	s0 =	sshra.s32 s3, $0x2;
	s3 =	sadd.s32 $0x200, s3  }
0x22: {  	[tilespmem:s0+$0x2870] =	vst v0  }
0x23: {  	[tilespmem:s0+$0x2800] =	vst v0  }
0x24: {  	[tilespmem:s0+$0x2810] =	vst v0  }
0x25: {  	[tilespmem:s0+$0x2820] =	vst v0  }
0x26: {  	[tilespmem:s0+$0x2830] =	vst v0  }
0x27: {  	[tilespmem:s0+$0x2840] =	vst v0  }
0x28: {  	[tilespmem:s0+$0x2850] =	vst v0  }
0x29: {  	[tilespmem:s0+$0x2860] =	vst v0  }
0x2a: {  	[spmem:s5] =	stream.linear.scatter [tilespmem:s20], [sflag:$0x1], $0x4000, $0x38;
	[tilespmem:$0x1E800] =	vst v63  }
0x2b: {  	_ = 	snop  }
0x2c: {  	[spmem:s6] =	stream.linear.scatter [tilespmem:s20], [sflag:$0x1], $0x4000, $0x38;
	[tilespmem:$0x1E800] =	vst v63  }
0x2d: {  	_ = 	snop  }
0x2e: {  	[spmem:s7] =	stream.linear.scatter [tilespmem:s20], [sflag:$0x1], $0x4000, $0x38;
	[tilespmem:$0x1E800] =	vst v63  }
0x2f: {  	_ = 	snop  }
0x30: {  	[spmem:s8] =	stream.linear.scatter [tilespmem:s20], [sflag:$0x1], $0x4000, $0x38;
	[tilespmem:$0x1E800] =	vst v63  }
0x31: {  	_ = 	snop  }
0x32: {  	[spmem:s9] =	stream.linear.scatter [tilespmem:s20], [sflag:$0x1], $0x4000, $0x38;
	[tilespmem:$0x1E800] =	vst v63  }
0x33: {  	_ =	swait.ge [sflag:s21], $0x4000  }
0x34: {  	[sflag:s21] =	ssyncset.done $0x0  }
0x35: {  	[sflag:s21] =	ssyncadd.s32 $0xFFFFC000  }
0x36: {  	_ =	swait.ge [sflag:s21], $0x4000  }
0x37: {  	[sflag:s21] =	ssyncset.done $0x0  }
0x38: {  	[sflag:s21] =	ssyncadd.s32 $0xFFFFC000  }
0x39: {  	_ =	swait.ge [sflag:s21], $0x4000  }
0x3a: {  	[sflag:s21] =	ssyncset.done $0x0  }
0x3b: {  	[sflag:s21] =	ssyncadd.s32 $0xFFFFC000  }
0x3c: {  	_ =	swait.ge [sflag:s21], $0x4000  }
0x3d: {  	[sflag:s21] =	ssyncset.done $0x0  }
0x3e: {  	[sflag:s21] =	ssyncadd.s32 $0xFFFFC000  }
0x3f: {  	_ =	swait.ge [sflag:s21], $0x4000  }
0x40: {  	[sflag:s21] =	ssyncset.done $0x0  }
0x41: {  	[sflag:s21] =	ssyncadd.s32 $0xFFFFC000  }
0x42: {  	s12 =	simm.s32 $0x0;
	[bflag:$0x0] =	sbarrier.arrive $0xFFFF  }
0x43: {  	[tilespmem:s12], [sflag:$0x3] =	stream.linear.gather [hbm4b:s16+s12], $0x1400, $0x38;
	[tilespmem:$0x1E800] =	vst v63  }
0x44: {  	_ =	swait.ge [sflag:s22], $0x1400  }
0x45: {  	[sflag:s22] =	ssyncset.done $0x0  }
0x46: {  	[sflag:s22] =	ssyncadd.s32 $0xFFFFEC00  }
0x47: {  	[tilespmem:s23], [sflag:$0x3] =	stream.linear.gather [hbm4b:s17+s12], $0x1400, $0x38;
	[tilespmem:$0x1E800] =	vst v63  }
0x48: {  	_ =	swait.ge [sflag:s22], $0x1400  }
0x49: {  	[sflag:s22] =	ssyncset.done $0x0  }
0x4a: {  	[sflag:s22] =	ssyncadd.s32 $0xFFFFEC00  }
0x4b: {  	[tilespmem:s20], [sflag:$0x1] =	stream.indirect.gather [hbm4b:s1+s24], $0x80, s12, s24, $0xb8;
	[tilespmem:$0x1E800] =	vst v63  }
0x4c: {  	s3 =	simm.s32 $0x80  }
0x4d: {  	[tilespmem:s25], [sflag:$0x2] =	stream.indirect.gather [hbm4b:s1+s24], $0x80, s3, s24, $0xb8;
	[tilespmem:$0x1E800] =	vst v63  }
0x4e: {  	_ =	swait.ge [sflag:s21], $0x4000  }
0x4f: {  	[sflag:s21] =	ssyncset.done $0x0  }
0x50: {  	s10 =	simm.s32 $0x1400;
	[sflag:s21] =	ssyncadd.s32 $0xFFFFC000  }
0x51: {  	[spmem:s2] =	stream.indirect.scatter.add.f32 [tilespmem:s20], [sflag:$0x3], $0x80, s10, s24, $0xb8;
	[tilespmem:$0x1E800] =	vst v63  }
0x52: {  	_ =	swait.ge [sflag:s22], $0x4000  }
0x53: {  	[sflag:s22] =	ssyncset.done $0x0  }
0x54: {  	s11 =	simm.s32 $0x100;
	[sflag:s22] =	ssyncadd.s32 $0xFFFFC000  }
0x55: {  	[tilespmem:s20], [sflag:$0x1] =	stream.indirect.gather [hbm4b:s1+s24], $0x80, s11, s24, $0xb8;
	[tilespmem:$0x1E800] =	vst v63  }
0x56: {  	_ =	swait.ge [sflag:s26], $0x4000  }
0x57: {  	[sflag:s26] =	ssyncset.done $0x0  }
0x58: {  	s12 =	simm.s32 $0x1480;
	[sflag:s26] =	ssyncadd.s32 $0xFFFFC000  }
0x59: {  	[spmem:s2] =	stream.indirect.scatter.add.f32 [tilespmem:s25], [sflag:$0x3], $0x80, s12, s24, $0xb8;
	[tilespmem:$0x1E800] =	vst v63  }
0x5a: {  	_ =	swait.ge [sflag:s22], $0x4000  }
0x5b: {  	s0 =	simm.s32 $0x100;
	s3 =	simm.s32 $0x800;
	[sflag:s22] =	ssyncset.done $0x0  }
.LBB2_4:
0x5c: {  	s10 =	sadd.s32 $0x80, s0  }
0x5d: {  	[sflag:s22] =	ssyncadd.s32 $0xFFFFC000;
	s11 =	smov.u32 s3;
	s12 =	sadd.s32 $0x400, s3  }
0x5e: {  	[tilespmem:s25], [sflag:$0x2] =	stream.indirect.gather [hbm4b:s1+s24], $0x80, s10, s24, $0xb8;
	[tilespmem:$0x1E800] =	vst v63  }
0x5f: {  	p0 =	sne.s32 s3, $0x4800;
	_ =	swait.ge [sflag:s21], $0x4000  }
0x60: {  	[sflag:s21] =	ssyncset.done $0x0  }
0x61: {  	s3 =	sadd.s32 $0x1400, s0;
	[sflag:s21] =	ssyncadd.s32 $0xFFFFC000  }
0x62: {  	[spmem:s2] =	stream.indirect.scatter.add.f32 [tilespmem:s20], [sflag:$0x3], $0x80, s3, s24, $0xb8;
	[tilespmem:$0x1E800] =	vst v63  }
0x63: {  	_ =	swait.ge [sflag:s22], $0x4000  }
0x64: {  	[sflag:s22] =	ssyncset.done $0x0  }
0x65: {  	s3 =	sadd.s32 $0x100, s0;
	[sflag:s22] =	ssyncadd.s32 $0xFFFFC000  }
0x66: {  	[tilespmem:s20], [sflag:$0x1] =	stream.indirect.gather [hbm4b:s1+s24], $0x80, s3, s24, $0xb8;
	[tilespmem:$0x1E800] =	vst v63  }
0x67: {  	_ =	swait.ge [sflag:s26], $0x4000  }
.Ltmp1:
0x68: {  	[sflag:s26] =	ssyncset.done $0x0;
	(pc) =	sbr.rel @p0 .LBB2_4-.Ltmp1, $4  }
0x69: {  	s0 =	sadd.s32 $0x1480, s0;
	[sflag:s26] =	ssyncadd.s32 $0xFFFFC000  }
0x6a: {  	[spmem:s2] =	stream.indirect.scatter.add.f32 [tilespmem:s25], [sflag:$0x3], $0x80, s0, s24, $0xb8;
	[tilespmem:$0x1E800] =	vst v63  }
0x6b: {  	_ =	swait.ge [sflag:s22], $0x4000  }
0x6c: {  	s3 =	smov.u32 s12;
	s0 =	sshra.s32 s11, $0x2;
	[sflag:s22] =	ssyncset.done $0x0  }
0x6d: {  	s3 =	sadd.s32 $0x80, s0;
	[sflag:s22] =	ssyncadd.s32 $0xFFFFC000  }
0x6e: {  	[tilespmem:s25], [sflag:$0x2] =	stream.indirect.gather [hbm4b:s1+s24], $0x80, s3, s24, $0xb8;
	[tilespmem:$0x1E800] =	vst v63  }
0x6f: {  	_ =	swait.ge [sflag:s21], $0x4000  }
0x70: {  	[sflag:s21] =	ssyncset.done $0x0  }
0x71: {  	s12 =	sadd.s32 $0x1400, s0;
	[sflag:s21] =	ssyncadd.s32 $0xFFFFC000  }
0x72: {  	[spmem:s2] =	stream.indirect.scatter.add.f32 [tilespmem:s20], [sflag:$0x3], $0x80, s12, s24, $0xb8;
	[tilespmem:$0x1E800] =	vst v63  }
0x73: {  	_ =	swait.ge [sflag:s22], $0x4000  }
0x74: {  	[sflag:s22] =	ssyncset.done $0x0  }
0x75: {  	s10 =	sadd.s32 $0x100, s0;
	[sflag:s22] =	ssyncadd.s32 $0xFFFFC000  }
0x76: {  	[tilespmem:s20], [sflag:$0x1] =	stream.indirect.gather [hbm4b:s1+s24], $0x80, s10, s24, $0xb8;
	[tilespmem:$0x1E800] =	vst v63  }
0x77: {  	_ =	swait.ge [sflag:s26], $0x4000  }
0x78: {  	[sflag:s26] =	ssyncset.done $0x0  }
0x79: {  	s11 =	sadd.s32 $0x1480, s0;
	[sflag:s26] =	ssyncadd.s32 $0xFFFFC000  }
0x7a: {  	[spmem:s2] =	stream.indirect.scatter.add.f32 [tilespmem:s25], [sflag:$0x3], $0x80, s11, s24, $0xb8;
	[tilespmem:$0x1E800] =	vst v63  }
0x7b: {  	_ =	swait.ge [sflag:s22], $0x4000  }
0x7c: {  	[sflag:s22] =	ssyncset.done $0x0  }
0x7d: {  	[sflag:s22] =	ssyncadd.s32 $0xFFFFC000  }
0x7e: {  	[tilespmem:s25], [sflag:$0x2] =	stream.indirect.gather [hbm4b:s1+s24], $0x80, s28, s24, $0xb8;
	[tilespmem:$0x1E800] =	vst v63  }
0x7f: {  	_ =	swait.ge [sflag:s21], $0x4000  }
0x80: {  	[sflag:s21] =	ssyncset.done $0x0  }
0x81: {  	[sflag:s21] =	ssyncadd.s32 $0xFFFFC000  }
0x82: {  	[spmem:s2] =	stream.indirect.scatter.add.f32 [tilespmem:s20], [sflag:$0x3], $0x80, s29, s24, $0xb8;
	[tilespmem:$0x1E800] =	vst v63  }
0x83: {  	_ =	swait.ge [sflag:s22], $0x4000  }
0x84: {  	[sflag:s22] =	ssyncset.done $0x0  }
0x85: {  	[sflag:s22] =	ssyncadd.s32 $0xFFFFC000  }
0x86: {  	_ =	swait.ge [sflag:s26], $0x4000  }
0x87: {  	[sflag:s26] =	ssyncset.done $0x0  }
0x88: {  	[sflag:s26] =	ssyncadd.s32 $0xFFFFC000  }
0x89: {  	[spmem:s2] =	stream.indirect.scatter.add.f32 [tilespmem:s25], [sflag:$0x3], $0x80, s30, s24, $0xb8;
	[tilespmem:$0x1E800] =	vst v63  }
0x8a: {  	_ =	swait.ge [sflag:s22], $0x4000  }
0x8b: {  	[sflag:s22] =	ssyncset.done $0x0  }
0x8c: {  	s12 =	simm.s32 $0x0;
	[sflag:s22] =	ssyncadd.s32 $0xFFFFC000  }
0x8d: {  	[tilespmem:s12], [sflag:$0x3] =	stream.linear.gather [hbm4b:s18+s12], $0x1400, $0x38;
	[tilespmem:$0x1E800] =	vst v63  }
0x8e: {  	_ =	swait.ge [sflag:s22], $0x1400  }
0x8f: {  	[sflag:s22] =	ssyncset.done $0x0  }
0x90: {  	[sflag:s22] =	ssyncadd.s32 $0xFFFFEC00  }
0x91: {  	[tilespmem:s23], [sflag:$0x3] =	stream.linear.gather [hbm4b:s19+s12], $0x1400, $0x38;
	[tilespmem:$0x1E800] =	vst v63  }
0x92: {  	_ =	swait.ge [sflag:s22], $0x1400  }
0x93: {  	[sflag:s22] =	ssyncset.done $0x0  }
0x94: {  	[sflag:s22] =	ssyncadd.s32 $0xFFFFEC00  }
0x95: {  	[tilespmem:s20], [sflag:$0x1] =	stream.indirect.gather [hbm4b:s1+s24], $0x80, s12, s24, $0xb8;
	[tilespmem:$0x1E800] =	vst v63  }
0x96: {  	s3 =	simm.s32 $0x80  }
0x97: {  	[tilespmem:s25], [sflag:$0x2] =	stream.indirect.gather [hbm4b:s1+s24], $0x80, s3, s24, $0xb8;
	[tilespmem:$0x1E800] =	vst v63  }
0x98: {  	_ =	swait.ge [sflag:s21], $0x4000  }
0x99: {  	[sflag:s21] =	ssyncset.done $0x0  }
0x9a: {  	s10 =	simm.s32 $0x1400;
	[sflag:s21] =	ssyncadd.s32 $0xFFFFC000  }
0x9b: {  	[spmem:s2] =	stream.indirect.scatter.add.f32 [tilespmem:s20], [sflag:$0x3], $0x80, s10, s24, $0xb8;
	[tilespmem:$0x1E800] =	vst v63  }
0x9c: {  	_ =	swait.ge [sflag:s22], $0x4000  }
0x9d: {  	[sflag:s22] =	ssyncset.done $0x0  }
0x9e: {  	s11 =	simm.s32 $0x100;
	[sflag:s22] =	ssyncadd.s32 $0xFFFFC000  }
0x9f: {  	[tilespmem:s20], [sflag:$0x1] =	stream.indirect.gather [hbm4b:s1+s24], $0x80, s11, s24, $0xb8;
	[tilespmem:$0x1E800] =	vst v63  }
0xa0: {  	_ =	swait.ge [sflag:s26], $0x4000  }
0xa1: {  	[sflag:s26] =	ssyncset.done $0x0  }
0xa2: {  	s12 =	simm.s32 $0x1480;
	[sflag:s26] =	ssyncadd.s32 $0xFFFFC000  }
0xa3: {  	[spmem:s2] =	stream.indirect.scatter.add.f32 [tilespmem:s25], [sflag:$0x3], $0x80, s12, s24, $0xb8;
	[tilespmem:$0x1E800] =	vst v63  }
0xa4: {  	_ =	swait.ge [sflag:s22], $0x4000  }
0xa5: {  	s0 =	simm.s32 $0x100;
	s3 =	simm.s32 $0x800;
	[sflag:s22] =	ssyncset.done $0x0  }
.LBB2_6:
0xa6: {  	s10 =	sadd.s32 $0x80, s0  }
0xa7: {  	[sflag:s22] =	ssyncadd.s32 $0xFFFFC000;
	s11 =	smov.u32 s3;
	s12 =	sadd.s32 $0x400, s3  }
0xa8: {  	[tilespmem:s25], [sflag:$0x2] =	stream.indirect.gather [hbm4b:s1+s24], $0x80, s10, s24, $0xb8;
	[tilespmem:$0x1E800] =	vst v63  }
0xa9: {  	p0 =	sne.s32 s3, $0x4800;
	_ =	swait.ge [sflag:s21], $0x4000  }
0xaa: {  	[sflag:s21] =	ssyncset.done $0x0  }
0xab: {  	s3 =	sadd.s32 $0x1400, s0;
	[sflag:s21] =	ssyncadd.s32 $0xFFFFC000  }
0xac: {  	[spmem:s2] =	stream.indirect.scatter.add.f32 [tilespmem:s20], [sflag:$0x3], $0x80, s3, s24, $0xb8;
	[tilespmem:$0x1E800] =	vst v63  }
0xad: {  	_ =	swait.ge [sflag:s22], $0x4000  }
0xae: {  	[sflag:s22] =	ssyncset.done $0x0  }
0xaf: {  	s3 =	sadd.s32 $0x100, s0;
	[sflag:s22] =	ssyncadd.s32 $0xFFFFC000  }
0xb0: {  	[tilespmem:s20], [sflag:$0x1] =	stream.indirect.gather [hbm4b:s1+s24], $0x80, s3, s24, $0xb8;
	[tilespmem:$0x1E800] =	vst v63  }
0xb1: {  	_ =	swait.ge [sflag:s26], $0x4000  }
.Ltmp2:
0xb2: {  	[sflag:s26] =	ssyncset.done $0x0;
	(pc) =	sbr.rel @p0 .LBB2_6-.Ltmp2, $4  }
0xb3: {  	s0 =	sadd.s32 $0x1480, s0;
	[sflag:s26] =	ssyncadd.s32 $0xFFFFC000  }
0xb4: {  	[spmem:s2] =	stream.indirect.scatter.add.f32 [tilespmem:s25], [sflag:$0x3], $0x80, s0, s24, $0xb8;
	[tilespmem:$0x1E800] =	vst v63  }
0xb5: {  	_ =	swait.ge [sflag:s22], $0x4000  }
0xb6: {  	s3 =	smov.u32 s12;
	s0 =	sshra.s32 s11, $0x2;
	[sflag:s22] =	ssyncset.done $0x0  }
0xb7: {  	s3 =	sadd.s32 $0x80, s0;
	[sflag:s22] =	ssyncadd.s32 $0xFFFFC000  }
0xb8: {  	[tilespmem:s25], [sflag:$0x2] =	stream.indirect.gather [hbm4b:s1+s24], $0x80, s3, s24, $0xb8;
	[tilespmem:$0x1E800] =	vst v63  }
0xb9: {  	_ =	swait.ge [sflag:s21], $0x4000  }
0xba: {  	[sflag:s21] =	ssyncset.done $0x0  }
0xbb: {  	s11 =	sadd.s32 $0x1400, s0;
	[sflag:s21] =	ssyncadd.s32 $0xFFFFC000  }
0xbc: {  	[spmem:s2] =	stream.indirect.scatter.add.f32 [tilespmem:s20], [sflag:$0x3], $0x80, s11, s24, $0xb8;
	[tilespmem:$0x1E800] =	vst v63  }
0xbd: {  	_ =	swait.ge [sflag:s22], $0x4000  }
0xbe: {  	[sflag:s22] =	ssyncset.done $0x0  }
0xbf: {  	s12 =	sadd.s32 $0x100, s0;
	[sflag:s22] =	ssyncadd.s32 $0xFFFFC000  }
0xc0: {  	[tilespmem:s20], [sflag:$0x1] =	stream.indirect.gather [hbm4b:s1+s24], $0x80, s12, s24, $0xb8;
	[tilespmem:$0x1E800] =	vst v63  }
0xc1: {  	_ =	swait.ge [sflag:s26], $0x4000  }
0xc2: {  	[sflag:s26] =	ssyncset.done $0x0  }
0xc3: {  	s3 =	sadd.s32 $0x1480, s0;
	[sflag:s26] =	ssyncadd.s32 $0xFFFFC000  }
0xc4: {  	[spmem:s2] =	stream.indirect.scatter.add.f32 [tilespmem:s25], [sflag:$0x3], $0x80, s3, s24, $0xb8;
	[tilespmem:$0x1E800] =	vst v63  }
0xc5: {  	_ =	swait.ge [sflag:s22], $0x4000  }
0xc6: {  	[sflag:s22] =	ssyncset.done $0x0  }
0xc7: {  	[sflag:s22] =	ssyncadd.s32 $0xFFFFC000  }
0xc8: {  	[tilespmem:s25], [sflag:$0x2] =	stream.indirect.gather [hbm4b:s1+s24], $0x80, s28, s24, $0xb8;
	[tilespmem:$0x1E800] =	vst v63  }
0xc9: {  	_ =	swait.ge [sflag:s21], $0x4000  }
0xca: {  	[sflag:s21] =	ssyncset.done $0x0  }
0xcb: {  	[sflag:s21] =	ssyncadd.s32 $0xFFFFC000  }
0xcc: {  	[spmem:s2] =	stream.indirect.scatter.add.f32 [tilespmem:s20], [sflag:$0x3], $0x80, s29, s24, $0xb8;
	[tilespmem:$0x1E800] =	vst v63  }
0xcd: {  	_ =	swait.ge [sflag:s22], $0x4000  }
0xce: {  	[sflag:s22] =	ssyncset.done $0x0  }
0xcf: {  	[sflag:s22] =	ssyncadd.s32 $0xFFFFC000  }
0xd0: {  	_ =	swait.ge [sflag:s26], $0x4000  }
0xd1: {  	[sflag:s26] =	ssyncset.done $0x0  }
0xd2: {  	[sflag:s26] =	ssyncadd.s32 $0xFFFFC000  }
0xd3: {  	[spmem:s2] =	stream.indirect.scatter.add.f32 [tilespmem:s25], [sflag:$0x3], $0x80, s30, s24, $0xb8;
	[tilespmem:$0x1E800] =	vst v63  }
0xd4: {  	_ =	swait.ge [sflag:s22], $0x4000  }
0xd5: {  	[sflag:s22] =	ssyncset.done $0x0  }
0xd6: {  	[sflag:s22] =	ssyncadd.s32 $0xFFFFC000  }
0xd7: {  	[bflag:$0x0] =	sbarrier.arrive $0xFFFF  }
0xd8: {  	[tilespmem:s20], [sflag:$0x3] =	stream.linear.gather [spmem:s5], $0x4000, $0x38;
	[tilespmem:$0x1E800] =	vst v63  }
0xd9: {  	_ =	swait.ge [sflag:s22], $0x4000  }
0xda: {  	[sflag:s22] =	ssyncset.done $0x0  }
0xdb: {  	s10 =	rddreg [dreg:$0x4];
	[sflag:s22] =	ssyncadd.s32 $0xFFFFC000  }
0xdc: {  	[hbm4b:s10+s4] =	stream.linear.scatter [tilespmem:s20], [sflag:$0x1], $0x4000, $0x38;
	[tilespmem:$0x1E800] =	vst v63  }
0xdd: {  	_ = 	snop  }
0xde: {  	[tilespmem:s25], [sflag:$0x3] =	stream.linear.gather [spmem:s6], $0x4000, $0x38;
	[tilespmem:$0x1E800] =	vst v63  }
0xdf: {  	_ =	swait.ge [sflag:s22], $0x4000  }
0xe0: {  	[sflag:s22] =	ssyncset.done $0x0  }
0xe1: {  	s11 =	rddreg [dreg:$0x5];
	[sflag:s22] =	ssyncadd.s32 $0xFFFFC000  }
0xe2: {  	[hbm4b:s11+s4] =	stream.linear.scatter [tilespmem:s25], [sflag:$0x2], $0x4000, $0x38;
	[tilespmem:$0x1E800] =	vst v63  }
0xe3: {  	_ =	swait.ge [sflag:s21], $0x4000  }
0xe4: {  	[sflag:s21] =	ssyncset.done $0x0  }
0xe5: {  	[sflag:s21] =	ssyncadd.s32 $0xFFFFC000  }
0xe6: {  	[tilespmem:s20], [sflag:$0x3] =	stream.linear.gather [spmem:s7], $0x4000, $0x38;
	[tilespmem:$0x1E800] =	vst v63  }
0xe7: {  	_ =	swait.ge [sflag:s22], $0x4000  }
0xe8: {  	[sflag:s22] =	ssyncset.done $0x0  }
0xe9: {  	s12 =	rddreg [dreg:$0x6];
	[sflag:s22] =	ssyncadd.s32 $0xFFFFC000  }
0xea: {  	[hbm4b:s12+s4] =	stream.linear.scatter [tilespmem:s20], [sflag:$0x1], $0x4000, $0x38;
	[tilespmem:$0x1E800] =	vst v63  }
0xeb: {  	_ =	swait.ge [sflag:s26], $0x4000  }
0xec: {  	[sflag:s26] =	ssyncset.done $0x0  }
0xed: {  	[sflag:s26] =	ssyncadd.s32 $0xFFFFC000  }
0xee: {  	[tilespmem:s25], [sflag:$0x3] =	stream.linear.gather [spmem:s8], $0x4000, $0x38;
	[tilespmem:$0x1E800] =	vst v63  }
0xef: {  	_ =	swait.ge [sflag:s22], $0x4000  }
0xf0: {  	[sflag:s22] =	ssyncset.done $0x0  }
0xf1: {  	[sflag:s22] =	ssyncadd.s32 $0xFFFFC000  }
0xf2: {  	[hbm4b:s13+s4] =	stream.linear.scatter [tilespmem:s25], [sflag:$0x2], $0x4000, $0x38;
	[tilespmem:$0x1E800] =	vst v63  }
0xf3: {  	_ =	swait.ge [sflag:s21], $0x4000  }
0xf4: {  	[sflag:s21] =	ssyncset.done $0x0  }
0xf5: {  	[sflag:s21] =	ssyncadd.s32 $0xFFFFC000  }
0xf6: {  	[tilespmem:s20], [sflag:$0x3] =	stream.linear.gather [spmem:s9], $0x4000, $0x38;
	[tilespmem:$0x1E800] =	vst v63  }
0xf7: {  	_ =	swait.ge [sflag:s22], $0x4000  }
0xf8: {  	[sflag:s22] =	ssyncset.done $0x0  }
0xf9: {  	s31 =	sadd.s32 $0x1, s31;
	[sflag:s22] =	ssyncadd.s32 $0xFFFFC000  }
0xfa: {  	[hbm4b:s14+s4] =	stream.linear.scatter [tilespmem:s20], [sflag:$0x1], $0x4000, $0x38;
	[tilespmem:$0x1E800] =	vst v63  }
0xfb: {  	p0 =	sne.s32 s31, s15;
	_ =	swait.ge [sflag:s26], $0x4000  }
.Ltmp3:
0xfc: {  	[sflag:s26] =	ssyncset.done $0x0;
	(pc) =	sbr.rel @p0 .LBB2_1-.Ltmp3, $4  }
0xfd: {  	[sflag:s26] =	ssyncadd.s32 $0xFFFFC000  }
0xfe: {  	_ =	swait.ge [sflag:s21], $0x4000  }
0xff: {  	[sflag:s21] =	ssyncset.done $0x0  }
0x100: {  	[sflag:s21] =	ssyncadd.s32 $0xFFFFC000  }
0x101: {  	_ =	sfence.sel $0x180000  }
0x102: {  	[bflag:$0x0] =	sbarrier.arrive $0xFFFF  }
0x103: {  	_ =	strace $0x90000050  }
0x104: {  	s0 =	stileid.u32;
	[bflag:$0x2] =	sbarrier.arrive $0xFFFF  }
0x105: {  	p0 =	sne.s32 s0, $0x0;
	s0 =	rddreg [dreg:$0x3]  }
0x106: {  	s0 =	sadd.s32 @!p0 $0x100000, s0  }
0x107: {  	[sflag:s0] =	ssyncadd.tile.s32 @!p0 $0x1;
	_ =	shalt  }
.Lfunc_end2:
_tile_overlayer_lowered:
.L_overlay_start_2:
0x108: {  	(tag) =	ssettag $0x2  }
0x109: {  	s0 =	rddreg [dreg:$0x0];
	s2 =	stileid.u32  }
0x10a: {  	s1 =	rddreg [dreg:$0x1];
	p0 =	sne.s32 s2, $0x0  }
0x10b: {  	s3 =	rddreg [dreg:$0x2];
	[bflag:$0x3] =	sbarrier.arrive $0xFFFF;
	s2 =	simm.s32 @!p0 $0x1C03  }
0x10c: {  	[timem:s3], [sflag:s2] =	dma.local @!p0 [hbm:s0], s1  }
0x10d: {  	s0 =	simm.s32 @!p0 $0x3  }
0x10e: {  	_ =	swait.ge @!p0 [sflag:s0], s1  }
0x10f: {  	s1 =	ssub.s32 @!p0 $0x0, s1;
	[sflag:s0] =	ssyncset.done @!p0 $0x0  }
0x110: {  	[sflag:s0] =	ssyncadd.s32 @!p0 s1  }
0x111: {  	[bflag:$0x3] =	sbarrier.arrive $0xFFFF  }
0x112: {  	_ =	shalt  }

</sc_bundles>
